<compile_context>
chip_gen: v7x
topology: tpu7x:2x2x1
jax: 0.10.2.dev20260603
libtpu: 0.0.44.dev20260713+nightly
codegen_flags: <defaults>
</compile_context>

<pallas_src>
import functools

import jax
import jax.numpy as jnp
from jax import lax
from jax.experimental import pallas as pl
from jax.experimental.pallas import tpu as pltpu
from jax.experimental.pallas import tpu_sc as plsc

N = 10000
E = 320000
D = 128
G = 64
NL = 5

NC = 2
NS = 16
NW = NC * NS
C = 80
EPW = E // NW
NCHUNK = EPW // C
NPAD = 10240
RPS = NPAD // NS

_MESH = plsc.VectorSubcoreMesh(core_axis_name="c", subcore_axis_name="s",
                               num_cores=NC, num_subcores=NS)



def _scat_body(g_hbm, src_hbm, dst_hbm, zero_hbm, out_hbm,
               acc, sidx0, sidx1, didx0, didx1, rows0, rows1,
               semI0, semI1, semG0, semG1):
    cid = lax.axis_index("c")
    sid = lax.axis_index("s")
    wid = sid * NC + cid
    base0 = wid * EPW
    pltpu.sync_copy(zero_hbm.at[pl.ds(sid * RPS, RPS)],
                    acc.at[pl.ds(sid * RPS, RPS)])
    plsc.subcore_barrier()

    pltpu.sync_copy(src_hbm.at[pl.ds(base0, C)], sidx0)
    pltpu.sync_copy(dst_hbm.at[pl.ds(base0, C)], didx0)
    pltpu.async_copy(g_hbm.at[sidx0], rows0, semG0)
    pltpu.async_copy(src_hbm.at[pl.ds(base0 + C, C)], sidx1, semI1)
    pltpu.async_copy(dst_hbm.at[pl.ds(base0 + C, C)], didx1, semI1)

    def body(j, carry):
        k0 = 2 * j
        b1 = base0 + (k0 + 1) * C
        b2 = base0 + (k0 + 2) * C
        pltpu.make_async_copy(src_hbm.at[pl.ds(b1, C)], sidx1, semI1).wait()
        pltpu.make_async_copy(dst_hbm.at[pl.ds(b1, C)], didx1, semI1).wait()
        pltpu.async_copy(g_hbm.at[sidx1], rows1, semG1)
        pltpu.make_async_copy(g_hbm.at[sidx0], rows0, semG0).wait()
        pltpu.sync_copy(rows0, acc.at[didx0], add=True)
        pltpu.async_copy(src_hbm.at[pl.ds(b2, C)], sidx0, semI0)
        pltpu.async_copy(dst_hbm.at[pl.ds(b2, C)], didx0, semI0)
        pltpu.make_async_copy(src_hbm.at[pl.ds(b2, C)], sidx0, semI0).wait()
        pltpu.make_async_copy(dst_hbm.at[pl.ds(b2, C)], didx0, semI0).wait()
        pltpu.async_copy(g_hbm.at[sidx0], rows0, semG0)
        pltpu.make_async_copy(g_hbm.at[sidx1], rows1, semG1).wait()
        pltpu.sync_copy(rows1, acc.at[didx1], add=True)

        @pl.when(k0 + 3 < NCHUNK)
        def _():
            b3 = base0 + (k0 + 3) * C
            pltpu.async_copy(src_hbm.at[pl.ds(b3, C)], sidx1, semI1)
            pltpu.async_copy(dst_hbm.at[pl.ds(b3, C)], didx1, semI1)

        return carry

    lax.fori_loop(0, NCHUNK // 2, body, 0)
    pltpu.make_async_copy(g_hbm.at[sidx0], rows0, semG0).wait()
    pltpu.sync_copy(rows0, acc.at[didx0], add=True)
    plsc.subcore_barrier()
    pltpu.sync_copy(acc.at[pl.ds(sid * RPS, RPS)],
                    out_hbm.at[cid, pl.ds(sid * RPS, RPS)])


_scat_call = functools.partial(
    pl.kernel,
    out_type=jax.ShapeDtypeStruct((NC, NPAD, D), jnp.float32),
    mesh=_MESH,
    scratch_types=[
        pltpu.VMEM_SHARED((NPAD, D), jnp.float32),
        pltpu.VMEM((C,), jnp.int32),
        pltpu.VMEM((C,), jnp.int32),
        pltpu.VMEM((C,), jnp.int32),
        pltpu.VMEM((C,), jnp.int32),
        pltpu.VMEM((C, D), jnp.float32),
        pltpu.VMEM((C, D), jnp.float32),
        pltpu.SemaphoreType.DMA,
        pltpu.SemaphoreType.DMA,
        pltpu.SemaphoreType.DMA,
        pltpu.SemaphoreType.DMA,
    ],
)(_scat_body)



BM = 2000


def _dinv_body(dp_ref, o_ref):
    deg = dp_ref[0, :N, 0:1] + dp_ref[1, :N, 0:1] + 1.0
    o_ref[...] = jnp.broadcast_to(lax.rsqrt(deg), (N, D))


def _dinv_call(degp):
    return pl.pallas_call(
        _dinv_body,
        out_shape=jax.ShapeDtypeStruct((N, D), jnp.float32),
    )(degp)


def _mm_body(x_ref, w_ref, dv_ref, o_ref):
    o_ref[...] = jnp.dot(x_ref[...], w_ref[...],
                         preferred_element_type=jnp.float32,
                         precision=jax.lax.Precision.HIGHEST) * dv_ref[...]


def _matmul_g(x, W, dinv_b):
    return pl.pallas_call(
        _mm_body,
        grid=(N // BM,),
        in_specs=[pl.BlockSpec((BM, D), lambda i: (i, 0)),
                  pl.BlockSpec((D, D), lambda i: (0, 0)),
                  pl.BlockSpec((BM, D), lambda i: (i, 0))],
        out_specs=pl.BlockSpec((BM, D), lambda i: (i, 0)),
        out_shape=jax.ShapeDtypeStruct((N, D), jnp.float32),
    )(x, W, dinv_b)


def _layer_post(sp_ref, g_ref, xr_ref, dv_ref, b_ref, gm_ref, be_ref, use_res):
    dinv = dv_ref[...]
    agg = (sp_ref[0, :N] + sp_ref[1, :N] + g_ref[...]) * dinv + b_ref[...]
    mu = jnp.mean(agg, axis=0, keepdims=True)
    var = jnp.mean((agg - mu) ** 2, axis=0, keepdims=True)
    xn = (agg - mu) * lax.rsqrt(var + 1e-5) * gm_ref[...] + be_ref[...]
    xn = jnp.maximum(xn, 0.0)
    if use_res:
        xn = xn + xr_ref[...]
    return xn


def _bn_body(use_res, sp_ref, g_ref, xr_ref, dv_ref, b_ref, gm_ref, be_ref,
             xo_ref):
    xo_ref[...] = _layer_post(sp_ref, g_ref, xr_ref, dv_ref, b_ref, gm_ref,
                              be_ref, use_res)


def _tc_bn(scatp, g, xres, dinv_b, b, gm, be, use_res):
    return pl.pallas_call(
        functools.partial(_bn_body, use_res),
        out_shape=jax.ShapeDtypeStruct((N, D), jnp.float32),
    )(scatp, g, xres, dinv_b, b, gm, be)


def _last_body(sp_ref, g_ref, xr_ref, dv_ref, b_ref, gm_ref, be_ref, bt_ref,
               lw1_ref, lb1_ref, lw2_ref, lb2_ref, o_ref):
    xn = _layer_post(sp_ref, g_ref, xr_ref, dv_ref, b_ref, gm_ref,
                     be_ref, True)
    gid = lax.broadcasted_iota(jnp.int32, (G, N), 0)
    onehot = (bt_ref[...] == gid).astype(jnp.float32)
    sums = jnp.dot(onehot, xn, preferred_element_type=jnp.float32)
    cnt = jnp.sum(onehot, axis=1, keepdims=True)
    pooled = sums / jnp.maximum(cnt, 1.0)
    h1 = jnp.dot(pooled, lw1_ref[...], preferred_element_type=jnp.float32)
    h1 = jnp.maximum(h1 + lb1_ref[...], 0.0)
    o_ref[...] = jnp.dot(h1, lw2_ref[...],
                         preferred_element_type=jnp.float32) + lb2_ref[...]


def _tc_last(scatp, g, xres, dinv_b, b, gm, be, batch2, lw1, lb1, lw2, lb2):
    return pl.pallas_call(
        _last_body,
        out_shape=jax.ShapeDtypeStruct((G, 1), jnp.float32),
    )(scatp, g, xres, dinv_b, b, gm, be, batch2, lw1, lb1, lw2, lb2)



def kernel(x, edge_index, batch, W0, b0, g0, be0, W1, b1, g1, be1,
           W2, b2, g2, be2, W3, b3, g3, be3, W4, b4, g4, be4,
           lw1, lb1, lw2, lb2):
    Ws = [W0, W1, W2, W3, W4]
    bs = [b0.reshape(1, D), b1.reshape(1, D), b2.reshape(1, D),
          b3.reshape(1, D), b4.reshape(1, D)]
    gms = [g0.reshape(1, D), g1.reshape(1, D), g2.reshape(1, D),
           g3.reshape(1, D), g4.reshape(1, D)]
    bes = [be0.reshape(1, D), be1.reshape(1, D), be2.reshape(1, D),
           be3.reshape(1, D), be4.reshape(1, D)]
    src = edge_index[0]
    dst = edge_index[1]
    zeros_nd = jnp.zeros((NPAD, D), jnp.float32)
    batch2 = batch.reshape(1, N)

    ones_nd = jnp.ones((N, D), jnp.float32)
    degp = _scat_call(ones_nd, src, dst, zeros_nd)
    dinv_b = _dinv_call(degp)
    g = _matmul_g(x, Ws[0], dinv_b)
    xcur = x
    for i in range(NL):
        scatp = _scat_call(g, src, dst, zeros_nd)
        if i < NL - 1:
            xcur = _tc_bn(scatp, g, xcur, dinv_b, bs[i], gms[i], bes[i],
                          use_res=(i > 0))
            g = _matmul_g(xcur, Ws[i + 1], dinv_b)
        else:
            out = _tc_last(scatp, g, xcur, dinv_b, bs[i], gms[i], bes[i],
                           batch2, lw1, lb1, lw2.reshape(D // 2, 1),
                           lb2.reshape(1, 1))
    return out

# --- scband reference (transcript-rebuilt; emitter-appended) ---
"""Pipeline reference for scband-improved-gcn-13202729468404 (READ-ONLY COPY).

The authoritative reference and input builder live on the scoring server;
editing this copy changes nothing except your own understanding.
"""

import jax, jax.numpy as jnp
import numpy as np

N_NODES = 10000
N_EDGES = 320000
D_IN = 128
HID = 128
N_GRAPHS = 64
N_LAYERS = 5


def gcn_conv(x, edge_index, W, b):
    N = x.shape[0]
    loop = jnp.arange(N, dtype=edge_index.dtype)
    src = jnp.concatenate([edge_index[0], loop])
    dst = jnp.concatenate([edge_index[1], loop])
    deg = jax.ops.segment_sum(jnp.ones(src.shape, x.dtype), dst, num_segments=N)
    dinv = jnp.where(deg > 0, deg ** -0.5, 0.0)
    norm = dinv[src] * dinv[dst]
    h = x @ W
    msg = h[src] * norm[:, None]
    return jax.ops.segment_sum(msg, dst, num_segments=N) + b


def batch_norm(x, g, be):
    mu = jnp.mean(x, axis=0)
    var = jnp.var(x, axis=0)
    return (x - mu) / jnp.sqrt(var + 1e-5) * g + be


def setup_inputs(seed: int = 0):
    key = jax.random.key(seed)
    ks = jax.random.split(key, 40)
    inp = {}
    inp['x'] = jax.random.normal(ks[0], (N_NODES, D_IN), dtype=jnp.float32)
    inp['edge_index'] = jax.random.randint(ks[1], (2, N_EDGES), 0, N_NODES, dtype=jnp.int32)
    inp['batch'] = jnp.sort(jax.random.randint(ks[2], (N_NODES,), 0, N_GRAPHS, dtype=jnp.int32))
    for i in range(N_LAYERS):
        fin = D_IN if i == 0 else HID
        inp['W%d' % i] = jax.random.normal(ks[3 + i], (fin, HID), dtype=jnp.float32) * (fin ** -0.5)
        inp['b%d' % i] = jnp.zeros((HID,), jnp.float32)
        inp['g%d' % i] = jnp.ones((HID,), jnp.float32)
        inp['be%d' % i] = jnp.zeros((HID,), jnp.float32)
    inp['lw1'] = jax.random.normal(ks[20], (HID, HID // 2), dtype=jnp.float32) * (HID ** -0.5)
    inp['lb1'] = jnp.zeros((HID // 2,), jnp.float32)
    inp['lw2'] = jax.random.normal(ks[21], (HID // 2, 1), dtype=jnp.float32) * ((HID // 2) ** -0.5)
    inp['lb2'] = jnp.zeros((1,), jnp.float32)
    return inp


def reference(x, edge_index, batch, W0, b0, g0, be0, W1, b1, g1, be1, W2, b2, g2, be2, W3, b3, g3, be3, W4, b4, g4, be4, lw1, lb1, lw2, lb2):
    Ws = [W0, W1, W2, W3, W4]
    bs = [b0, b1, b2, b3, b4]
    gs = [g0, g1, g2, g3, g4]
    bes = [be0, be1, be2, be3, be4]
    for i in range(N_LAYERS):
        xn = gcn_conv(x, edge_index, Ws[i], bs[i])
        xn = batch_norm(xn, gs[i], bes[i])
        xn = jax.nn.relu(xn)
        if i > 0 and x.shape[-1] == xn.shape[-1]:
            x = x + xn
        else:
            x = xn
    sums = jax.ops.segment_sum(x, batch, num_segments=N_GRAPHS)
    cnt = jax.ops.segment_sum(jnp.ones((x.shape[0],), x.dtype), batch, num_segments=N_GRAPHS)
    pooled = sums / jnp.clip(cnt, 1.0, None)[:, None]
    h = jax.nn.relu(pooled @ lw1 + lb1)
    return h @ lw2 + lb2

if __name__ == "__main__":
    import jax
    _d = setup_inputs()
    print(jax.jit(kernel)(*tuple(_d.values())))

</pallas_src>

<mosaic_0001>
#map = affine_map<(d0, d1) -> (0, 0)>
#map1 = affine_map<(d0, d1) -> (0)>
#map2 = affine_map<(d0, d1) -> (0, 0, 0)>
module attributes {stable_mosaic.version = 14 : i64} {
  func.func @_scat_body(%arg0: i32, %arg1: i32, %arg2: memref<10000x128xf32, #tpu.memory_space<hbm>>, %arg3: memref<320000xi32, #tpu.memory_space<hbm>>, %arg4: memref<320000xi32, #tpu.memory_space<hbm>>, %arg5: memref<10240x128xf32, #tpu.memory_space<hbm>>, %arg6: memref<2x10240x128xf32, #tpu.memory_space<hbm>>, %arg7: memref<10240x128xf32, #tpu.memory_space<vmem_shared>>, %arg8: memref<80xi32, #tpu.memory_space<vmem>>, %arg9: memref<80xi32, #tpu.memory_space<vmem>>, %arg10: memref<80xi32, #tpu.memory_space<vmem>>, %arg11: memref<80xi32, #tpu.memory_space<vmem>>, %arg12: memref<80x128xf32, #tpu.memory_space<vmem>>, %arg13: memref<80x128xf32, #tpu.memory_space<vmem>>, %arg14: memref<!tpu.dma_semaphore, #tpu.memory_space<semaphore_mem>>, %arg15: memref<!tpu.dma_semaphore, #tpu.memory_space<semaphore_mem>>, %arg16: memref<!tpu.dma_semaphore, #tpu.memory_space<semaphore_mem>>, %arg17: memref<!tpu.dma_semaphore, #tpu.memory_space<semaphore_mem>>) attributes {dimension_semantics = [#tpu.dimension_semantics<core_parallel>, #tpu.dimension_semantics<subcore_parallel>], iteration_bounds = array<i64: 2, 16>, scalar_prefetch = 0 : i64, scratch_operands = 11 : i64, tpu.core_type = #tpu.core_type<sc_vector_subcore>, window_params = [{transform_indices = #map}, {transform_indices = #map1}, {transform_indices = #map1}, {transform_indices = #map}, {transform_indices = #map2}]} {
    %mul3A = arith.constant 2 : i32
    %mul3A_0 = arith.muli %arg1, %mul3A : i32
    %add3A = arith.addi %mul3A_0, %arg0 : i32
    %mul3A_1 = arith.constant 10000 : i32
    %mul3A_2 = arith.muli %add3A, %mul3A_1 : i32
    %mul3A_3 = arith.constant 640 : i32
    %mul3A_4 = arith.muli %arg1, %mul3A_3 : i32
    %mul3A_5 = arith.constant 640 : i32
    %mul3A_6 = arith.muli %arg1, %mul3A_5 : i32
    "tpu.region"() ({
      %run_scoped3A = tpu.sem_alloc : memref<!tpu.dma_semaphore, #tpu.memory_space<semaphore_mem>>
      %dma_start3A_29 = arith.constant 0 : i32
      %dma_start3A_30 = tpu.memref_slice %arg7[%mul3A_6, %dma_start3A_29] : memref<10240x128xf32, #tpu.memory_space<vmem_shared>> -> memref<640x128xf32, #tpu.memory_space<vmem_shared>>
      %dma_start3A_31 = arith.constant 0 : i32
      %dma_start3A_32 = tpu.memref_slice %arg5[%mul3A_4, %dma_start3A_31] : memref<10240x128xf32, #tpu.memory_space<hbm>> -> memref<640x128xf32, #tpu.memory_space<hbm>>
      tpu.enqueue_dma source(%dma_start3A_32 : memref<640x128xf32, #tpu.memory_space<hbm>>) target(%dma_start3A_30 : memref<640x128xf32, #tpu.memory_space<vmem_shared>>) target_semaphore(%run_scoped3A : memref<!tpu.dma_semaphore, #tpu.memory_space<semaphore_mem>>)
      %dma_wait3A_33 = arith.constant 0 : i32
      %dma_wait3A_34 = tpu.memref_slice %arg7[%mul3A_6, %dma_wait3A_33] : memref<10240x128xf32, #tpu.memory_space<vmem_shared>> -> memref<640x128xf32, #tpu.memory_space<vmem_shared>>
      %dma_wait3A_35 = arith.constant 0 : i32
      %dma_wait3A_36 = tpu.memref_slice %arg5[%mul3A_4, %dma_wait3A_35] : memref<10240x128xf32, #tpu.memory_space<hbm>> -> memref<640x128xf32, #tpu.memory_space<hbm>>
      tpu.wait_dma2 semaphore(%run_scoped3A : memref<!tpu.dma_semaphore, #tpu.memory_space<semaphore_mem>>) src(%dma_wait3A_36 : memref<640x128xf32, #tpu.memory_space<hbm>>) dst(%dma_wait3A_34 : memref<640x128xf32, #tpu.memory_space<vmem_shared>>)
      tpu.yield
    }) : () -> ()
    %barrier3A = arith.constant 0 : index
    tpu.barrier barrier_id(%barrier3A)
    "tpu.region"() ({
      %run_scoped3A = tpu.sem_alloc : memref<!tpu.dma_semaphore, #tpu.memory_space<semaphore_mem>>
      %dma_start3A_29 = tpu.memref_slice %arg3[%mul3A_2] : memref<320000xi32, #tpu.memory_space<hbm>> -> memref<80xi32, #tpu.memory_space<hbm>>
      %dma_start3A_30 = tpu.memref_slice %arg3[%mul3A_2] : memref<320000xi32, #tpu.memory_space<hbm>> -> memref<80xi32, #tpu.memory_space<hbm>>
      tpu.enqueue_dma source(%dma_start3A_30 : memref<80xi32, #tpu.memory_space<hbm>>) target(%arg8 : memref<80xi32, #tpu.memory_space<vmem>>) target_semaphore(%run_scoped3A : memref<!tpu.dma_semaphore, #tpu.memory_space<semaphore_mem>>)
      %dma_wait3A_31 = tpu.memref_slice %arg3[%mul3A_2] : memref<320000xi32, #tpu.memory_space<hbm>> -> memref<80xi32, #tpu.memory_space<hbm>>
      %dma_wait3A_32 = tpu.memref_slice %arg3[%mul3A_2] : memref<320000xi32, #tpu.memory_space<hbm>> -> memref<80xi32, #tpu.memory_space<hbm>>
      tpu.wait_dma2 semaphore(%run_scoped3A : memref<!tpu.dma_semaphore, #tpu.memory_space<semaphore_mem>>) src(%dma_wait3A_32 : memref<80xi32, #tpu.memory_space<hbm>>) dst(%arg8 : memref<80xi32, #tpu.memory_space<vmem>>)
      tpu.yield
    }) : () -> ()
    "tpu.region"() ({
      %run_scoped3A = tpu.sem_alloc : memref<!tpu.dma_semaphore, #tpu.memory_space<semaphore_mem>>
      %dma_start3A_29 = tpu.memref_slice %arg4[%mul3A_2] : memref<320000xi32, #tpu.memory_space<hbm>> -> memref<80xi32, #tpu.memory_space<hbm>>
      %dma_start3A_30 = tpu.memref_slice %arg4[%mul3A_2] : memref<320000xi32, #tpu.memory_space<hbm>> -> memref<80xi32, #tpu.memory_space<hbm>>
      tpu.enqueue_dma source(%dma_start3A_30 : memref<80xi32, #tpu.memory_space<hbm>>) target(%arg10 : memref<80xi32, #tpu.memory_space<vmem>>) target_semaphore(%run_scoped3A : memref<!tpu.dma_semaphore, #tpu.memory_space<semaphore_mem>>)
      %dma_wait3A_31 = tpu.memref_slice %arg4[%mul3A_2] : memref<320000xi32, #tpu.memory_space<hbm>> -> memref<80xi32, #tpu.memory_space<hbm>>
      %dma_wait3A_32 = tpu.memref_slice %arg4[%mul3A_2] : memref<320000xi32, #tpu.memory_space<hbm>> -> memref<80xi32, #tpu.memory_space<hbm>>
      tpu.wait_dma2 semaphore(%run_scoped3A : memref<!tpu.dma_semaphore, #tpu.memory_space<semaphore_mem>>) src(%dma_wait3A_32 : memref<80xi32, #tpu.memory_space<hbm>>) dst(%arg10 : memref<80xi32, #tpu.memory_space<vmem>>)
      tpu.yield
    }) : () -> ()
    %dma_start3A = arith.constant 0 : i32
    %dma_start3A_7 = arith.constant 0 : i32
    %dma_start3A_8 = tpu.memref_slice %arg2[%dma_start3A, %dma_start3A_7] : memref<10000x128xf32, #tpu.memory_space<hbm>> -> memref<10000x128xf32, #tpu.memory_space<hbm>>
    tpu.enqueue_indirect_dma source(%dma_start3A_8 : memref<10000x128xf32, #tpu.memory_space<hbm>>) target(%arg12 : memref<80x128xf32, #tpu.memory_space<vmem>>) offsets(%arg8 : memref<80xi32, #tpu.memory_space<vmem>>) semaphore(%arg16 : memref<!tpu.dma_semaphore, #tpu.memory_space<semaphore_mem>>)
    %add3A_9 = arith.constant 80 : i32
    %add3A_10 = arith.addi %mul3A_2, %add3A_9 : i32
    %dma_start3A_11 = tpu.memref_slice %arg3[%add3A_10] : memref<320000xi32, #tpu.memory_space<hbm>> -> memref<80xi32, #tpu.memory_space<hbm>>
    %dma_start3A_12 = tpu.memref_slice %arg3[%add3A_10] : memref<320000xi32, #tpu.memory_space<hbm>> -> memref<80xi32, #tpu.memory_space<hbm>>
    tpu.enqueue_dma source(%dma_start3A_12 : memref<80xi32, #tpu.memory_space<hbm>>) target(%arg9 : memref<80xi32, #tpu.memory_space<vmem>>) target_semaphore(%arg15 : memref<!tpu.dma_semaphore, #tpu.memory_space<semaphore_mem>>)
    %add3A_13 = arith.constant 80 : i32
    %add3A_14 = arith.addi %mul3A_2, %add3A_13 : i32
    %dma_start3A_15 = tpu.memref_slice %arg4[%add3A_14] : memref<320000xi32, #tpu.memory_space<hbm>> -> memref<80xi32, #tpu.memory_space<hbm>>
    %dma_start3A_16 = tpu.memref_slice %arg4[%add3A_14] : memref<320000xi32, #tpu.memory_space<hbm>> -> memref<80xi32, #tpu.memory_space<hbm>>
    tpu.enqueue_dma source(%dma_start3A_16 : memref<80xi32, #tpu.memory_space<hbm>>) target(%arg11 : memref<80xi32, #tpu.memory_space<vmem>>) target_semaphore(%arg15 : memref<!tpu.dma_semaphore, #tpu.memory_space<semaphore_mem>>)
    %scan3A = arith.constant 0 : i32
    %scan3A_17 = arith.constant 0 : i32
    %scan3A_18 = arith.constant 62 : i32
    %scan3A_19 = arith.addi %scan3A_17, %scan3A_18 : i32
    %scan3A_20 = arith.constant 1 : i32
    scf.for %scan3A_29 = %scan3A_17 to %scan3A_19 step %scan3A_20  : i32 {
      %mul3A_30 = arith.constant 2 : i32
      %mul3A_31 = arith.muli %mul3A_30, %scan3A_29 : i32
      %add3A_32 = arith.constant 1 : i32
      %add3A_33 = arith.addi %mul3A_31, %add3A_32 : i32
      %mul3A_34 = arith.constant 80 : i32
      %mul3A_35 = arith.muli %add3A_33, %mul3A_34 : i32
      %add3A_36 = arith.addi %mul3A_2, %mul3A_35 : i32
      %add3A_37 = arith.constant 2 : i32
      %add3A_38 = arith.addi %mul3A_31, %add3A_37 : i32
      %mul3A_39 = arith.constant 80 : i32
      %mul3A_40 = arith.muli %add3A_38, %mul3A_39 : i32
      %add3A_41 = arith.addi %mul3A_2, %mul3A_40 : i32
      %dma_wait3A_42 = tpu.memref_slice %arg3[%add3A_36] : memref<320000xi32, #tpu.memory_space<hbm>> -> memref<80xi32, #tpu.memory_space<hbm>>
      %dma_wait3A_43 = tpu.memref_slice %arg3[%add3A_36] : memref<320000xi32, #tpu.memory_space<hbm>> -> memref<80xi32, #tpu.memory_space<hbm>>
      tpu.wait_dma2 semaphore(%arg15 : memref<!tpu.dma_semaphore, #tpu.memory_space<semaphore_mem>>) src(%dma_wait3A_43 : memref<80xi32, #tpu.memory_space<hbm>>) dst(%arg9 : memref<80xi32, #tpu.memory_space<vmem>>)
      %dma_wait3A_44 = tpu.memref_slice %arg4[%add3A_36] : memref<320000xi32, #tpu.memory_space<hbm>> -> memref<80xi32, #tpu.memory_space<hbm>>
      %dma_wait3A_45 = tpu.memref_slice %arg4[%add3A_36] : memref<320000xi32, #tpu.memory_space<hbm>> -> memref<80xi32, #tpu.memory_space<hbm>>
      tpu.wait_dma2 semaphore(%arg15 : memref<!tpu.dma_semaphore, #tpu.memory_space<semaphore_mem>>) src(%dma_wait3A_45 : memref<80xi32, #tpu.memory_space<hbm>>) dst(%arg11 : memref<80xi32, #tpu.memory_space<vmem>>)
      %dma_start3A_46 = arith.constant 0 : i32
      %dma_start3A_47 = arith.constant 0 : i32
      %dma_start3A_48 = tpu.memref_slice %arg2[%dma_start3A_46, %dma_start3A_47] : memref<10000x128xf32, #tpu.memory_space<hbm>> -> memref<10000x128xf32, #tpu.memory_space<hbm>>
      tpu.enqueue_indirect_dma source(%dma_start3A_48 : memref<10000x128xf32, #tpu.memory_space<hbm>>) target(%arg13 : memref<80x128xf32, #tpu.memory_space<vmem>>) offsets(%arg9 : memref<80xi32, #tpu.memory_space<vmem>>) semaphore(%arg17 : memref<!tpu.dma_semaphore, #tpu.memory_space<semaphore_mem>>)
      %dma_wait3A_49 = arith.constant 0 : i32
      %dma_wait3A_50 = arith.constant 0 : i32
      %dma_wait3A_51 = tpu.memref_slice %arg2[%dma_wait3A_49, %dma_wait3A_50] : memref<10000x128xf32, #tpu.memory_space<hbm>> -> memref<10000x128xf32, #tpu.memory_space<hbm>>
      tpu.wait_indirect_dma semaphore(%arg16 : memref<!tpu.dma_semaphore, #tpu.memory_space<semaphore_mem>>) src(%dma_wait3A_51 : memref<10000x128xf32, #tpu.memory_space<hbm>>) dst(%arg12 : memref<80x128xf32, #tpu.memory_space<vmem>>)
      "tpu.region"() ({
        %run_scoped3A = tpu.sem_alloc : memref<!tpu.dma_semaphore, #tpu.memory_space<semaphore_mem>>
        %dma_start3A_70 = arith.constant 0 : i32
        %dma_start3A_71 = arith.constant 0 : i32
        %dma_start3A_72 = tpu.memref_slice %arg7[%dma_start3A_70, %dma_start3A_71] : memref<10240x128xf32, #tpu.memory_space<vmem_shared>> -> memref<10240x128xf32, #tpu.memory_space<vmem_shared>>
        tpu.enqueue_indirect_dma source(%arg12 : memref<80x128xf32, #tpu.memory_space<vmem>>) target(%dma_start3A_72 : memref<10240x128xf32, #tpu.memory_space<vmem_shared>>) offsets(%arg10 : memref<80xi32, #tpu.memory_space<vmem>>) semaphore(%run_scoped3A : memref<!tpu.dma_semaphore, #tpu.memory_space<semaphore_mem>>) {add = true}
        %dma_wait3A_73 = arith.constant 0 : i32
        %dma_wait3A_74 = arith.constant 0 : i32
        %dma_wait3A_75 = tpu.memref_slice %arg7[%dma_wait3A_73, %dma_wait3A_74] : memref<10240x128xf32, #tpu.memory_space<vmem_shared>> -> memref<10240x128xf32, #tpu.memory_space<vmem_shared>>
        tpu.wait_indirect_dma semaphore(%run_scoped3A : memref<!tpu.dma_semaphore, #tpu.memory_space<semaphore_mem>>) src(%arg12 : memref<80x128xf32, #tpu.memory_space<vmem>>) dst(%dma_wait3A_75 : memref<10240x128xf32, #tpu.memory_space<vmem_shared>>)
        tpu.yield
      }) : () -> ()
      %dma_start3A_52 = tpu.memref_slice %arg3[%add3A_41] : memref<320000xi32, #tpu.memory_space<hbm>> -> memref<80xi32, #tpu.memory_space<hbm>>
      %dma_start3A_53 = tpu.memref_slice %arg3[%add3A_41] : memref<320000xi32, #tpu.memory_space<hbm>> -> memref<80xi32, #tpu.memory_space<hbm>>
      tpu.enqueue_dma source(%dma_start3A_53 : memref<80xi32, #tpu.memory_space<hbm>>) target(%arg8 : memref<80xi32, #tpu.memory_space<vmem>>) target_semaphore(%arg14 : memref<!tpu.dma_semaphore, #tpu.memory_space<semaphore_mem>>)
      %dma_start3A_54 = tpu.memref_slice %arg4[%add3A_41] : memref<320000xi32, #tpu.memory_space<hbm>> -> memref<80xi32, #tpu.memory_space<hbm>>
      %dma_start3A_55 = tpu.memref_slice %arg4[%add3A_41] : memref<320000xi32, #tpu.memory_space<hbm>> -> memref<80xi32, #tpu.memory_space<hbm>>
      tpu.enqueue_dma source(%dma_start3A_55 : memref<80xi32, #tpu.memory_space<hbm>>) target(%arg10 : memref<80xi32, #tpu.memory_space<vmem>>) target_semaphore(%arg14 : memref<!tpu.dma_semaphore, #tpu.memory_space<semaphore_mem>>)
      %dma_wait3A_56 = tpu.memref_slice %arg3[%add3A_41] : memref<320000xi32, #tpu.memory_space<hbm>> -> memref<80xi32, #tpu.memory_space<hbm>>
      %dma_wait3A_57 = tpu.memref_slice %arg3[%add3A_41] : memref<320000xi32, #tpu.memory_space<hbm>> -> memref<80xi32, #tpu.memory_space<hbm>>
      tpu.wait_dma2 semaphore(%arg14 : memref<!tpu.dma_semaphore, #tpu.memory_space<semaphore_mem>>) src(%dma_wait3A_57 : memref<80xi32, #tpu.memory_space<hbm>>) dst(%arg8 : memref<80xi32, #tpu.memory_space<vmem>>)
      %dma_wait3A_58 = tpu.memref_slice %arg4[%add3A_41] : memref<320000xi32, #tpu.memory_space<hbm>> -> memref<80xi32, #tpu.memory_space<hbm>>
      %dma_wait3A_59 = tpu.memref_slice %arg4[%add3A_41] : memref<320000xi32, #tpu.memory_space<hbm>> -> memref<80xi32, #tpu.memory_space<hbm>>
      tpu.wait_dma2 semaphore(%arg14 : memref<!tpu.dma_semaphore, #tpu.memory_space<semaphore_mem>>) src(%dma_wait3A_59 : memref<80xi32, #tpu.memory_space<hbm>>) dst(%arg10 : memref<80xi32, #tpu.memory_space<vmem>>)
      %dma_start3A_60 = arith.constant 0 : i32
      %dma_start3A_61 = arith.constant 0 : i32
      %dma_start3A_62 = tpu.memref_slice %arg2[%dma_start3A_60, %dma_start3A_61] : memref<10000x128xf32, #tpu.memory_space<hbm>> -> memref<10000x128xf32, #tpu.memory_space<hbm>>
      tpu.enqueue_indirect_dma source(%dma_start3A_62 : memref<10000x128xf32, #tpu.memory_space<hbm>>) target(%arg12 : memref<80x128xf32, #tpu.memory_space<vmem>>) offsets(%arg8 : memref<80xi32, #tpu.memory_space<vmem>>) semaphore(%arg16 : memref<!tpu.dma_semaphore, #tpu.memory_space<semaphore_mem>>)
      %dma_wait3A_63 = arith.constant 0 : i32
      %dma_wait3A_64 = arith.constant 0 : i32
      %dma_wait3A_65 = tpu.memref_slice %arg2[%dma_wait3A_63, %dma_wait3A_64] : memref<10000x128xf32, #tpu.memory_space<hbm>> -> memref<10000x128xf32, #tpu.memory_space<hbm>>
      tpu.wait_indirect_dma semaphore(%arg17 : memref<!tpu.dma_semaphore, #tpu.memory_space<semaphore_mem>>) src(%dma_wait3A_65 : memref<10000x128xf32, #tpu.memory_space<hbm>>) dst(%arg13 : memref<80x128xf32, #tpu.memory_space<vmem>>)
      "tpu.region"() ({
        %run_scoped3A = tpu.sem_alloc : memref<!tpu.dma_semaphore, #tpu.memory_space<semaphore_mem>>
        %dma_start3A_70 = arith.constant 0 : i32
        %dma_start3A_71 = arith.constant 0 : i32
        %dma_start3A_72 = tpu.memref_slice %arg7[%dma_start3A_70, %dma_start3A_71] : memref<10240x128xf32, #tpu.memory_space<vmem_shared>> -> memref<10240x128xf32, #tpu.memory_space<vmem_shared>>
        tpu.enqueue_indirect_dma source(%arg13 : memref<80x128xf32, #tpu.memory_space<vmem>>) target(%dma_start3A_72 : memref<10240x128xf32, #tpu.memory_space<vmem_shared>>) offsets(%arg11 : memref<80xi32, #tpu.memory_space<vmem>>) semaphore(%run_scoped3A : memref<!tpu.dma_semaphore, #tpu.memory_space<semaphore_mem>>) {add = true}
        %dma_wait3A_73 = arith.constant 0 : i32
        %dma_wait3A_74 = arith.constant 0 : i32
        %dma_wait3A_75 = tpu.memref_slice %arg7[%dma_wait3A_73, %dma_wait3A_74] : memref<10240x128xf32, #tpu.memory_space<vmem_shared>> -> memref<10240x128xf32, #tpu.memory_space<vmem_shared>>
        tpu.wait_indirect_dma semaphore(%run_scoped3A : memref<!tpu.dma_semaphore, #tpu.memory_space<semaphore_mem>>) src(%arg13 : memref<80x128xf32, #tpu.memory_space<vmem>>) dst(%dma_wait3A_75 : memref<10240x128xf32, #tpu.memory_space<vmem_shared>>)
        tpu.yield
      }) : () -> ()
      %add3A_66 = arith.constant 3 : i32
      %add3A_67 = arith.addi %mul3A_31, %add3A_66 : i32
      %lt3A = arith.constant 125 : i32
      %lt3A_68 = arith.cmpi slt, %add3A_67, %lt3A : i32
      %convert_element_type3A = arith.extui %lt3A_68 : i1 to i32
      %cond3A = arith.constant 0 : i32
      %cond3A_69 = arith.cmpi ne, %convert_element_type3A, %cond3A : i32
      scf.if %cond3A_69 {
        %add3A_70 = arith.constant 3 : i32
        %add3A_71 = arith.addi %mul3A_31, %add3A_70 : i32
        %mul3A_72 = arith.constant 80 : i32
        %mul3A_73 = arith.muli %add3A_71, %mul3A_72 : i32
        %add3A_74 = arith.addi %mul3A_2, %mul3A_73 : i32
        %dma_start3A_75 = tpu.memref_slice %arg3[%add3A_74] : memref<320000xi32, #tpu.memory_space<hbm>> -> memref<80xi32, #tpu.memory_space<hbm>>
        %dma_start3A_76 = tpu.memref_slice %arg3[%add3A_74] : memref<320000xi32, #tpu.memory_space<hbm>> -> memref<80xi32, #tpu.memory_space<hbm>>
        tpu.enqueue_dma source(%dma_start3A_76 : memref<80xi32, #tpu.memory_space<hbm>>) target(%arg9 : memref<80xi32, #tpu.memory_space<vmem>>) target_semaphore(%arg15 : memref<!tpu.dma_semaphore, #tpu.memory_space<semaphore_mem>>)
        %dma_start3A_77 = tpu.memref_slice %arg4[%add3A_74] : memref<320000xi32, #tpu.memory_space<hbm>> -> memref<80xi32, #tpu.memory_space<hbm>>
        %dma_start3A_78 = tpu.memref_slice %arg4[%add3A_74] : memref<320000xi32, #tpu.memory_space<hbm>> -> memref<80xi32, #tpu.memory_space<hbm>>
        tpu.enqueue_dma source(%dma_start3A_78 : memref<80xi32, #tpu.memory_space<hbm>>) target(%arg11 : memref<80xi32, #tpu.memory_space<vmem>>) target_semaphore(%arg15 : memref<!tpu.dma_semaphore, #tpu.memory_space<semaphore_mem>>)
      } else {
      }
    }
    %scan3A_21 = arith.constant 62 : i32
    %dma_wait3A = arith.constant 0 : i32
    %dma_wait3A_22 = arith.constant 0 : i32
    %dma_wait3A_23 = tpu.memref_slice %arg2[%dma_wait3A, %dma_wait3A_22] : memref<10000x128xf32, #tpu.memory_space<hbm>> -> memref<10000x128xf32, #tpu.memory_space<hbm>>
    tpu.wait_indirect_dma semaphore(%arg16 : memref<!tpu.dma_semaphore, #tpu.memory_space<semaphore_mem>>) src(%dma_wait3A_23 : memref<10000x128xf32, #tpu.memory_space<hbm>>) dst(%arg12 : memref<80x128xf32, #tpu.memory_space<vmem>>)
    "tpu.region"() ({
      %run_scoped3A = tpu.sem_alloc : memref<!tpu.dma_semaphore, #tpu.memory_space<semaphore_mem>>
      %dma_start3A_29 = arith.constant 0 : i32
      %dma_start3A_30 = arith.constant 0 : i32
      %dma_start3A_31 = tpu.memref_slice %arg7[%dma_start3A_29, %dma_start3A_30] : memref<10240x128xf32, #tpu.memory_space<vmem_shared>> -> memref<10240x128xf32, #tpu.memory_space<vmem_shared>>
      tpu.enqueue_indirect_dma source(%arg12 : memref<80x128xf32, #tpu.memory_space<vmem>>) target(%dma_start3A_31 : memref<10240x128xf32, #tpu.memory_space<vmem_shared>>) offsets(%arg10 : memref<80xi32, #tpu.memory_space<vmem>>) semaphore(%run_scoped3A : memref<!tpu.dma_semaphore, #tpu.memory_space<semaphore_mem>>) {add = true}
      %dma_wait3A_32 = arith.constant 0 : i32
      %dma_wait3A_33 = arith.constant 0 : i32
      %dma_wait3A_34 = tpu.memref_slice %arg7[%dma_wait3A_32, %dma_wait3A_33] : memref<10240x128xf32, #tpu.memory_space<vmem_shared>> -> memref<10240x128xf32, #tpu.memory_space<vmem_shared>>
      tpu.wait_indirect_dma semaphore(%run_scoped3A : memref<!tpu.dma_semaphore, #tpu.memory_space<semaphore_mem>>) src(%arg12 : memref<80x128xf32, #tpu.memory_space<vmem>>) dst(%dma_wait3A_34 : memref<10240x128xf32, #tpu.memory_space<vmem_shared>>)
      tpu.yield
    }) : () -> ()
    %barrier3A_24 = arith.constant 0 : index
    tpu.barrier barrier_id(%barrier3A_24)
    %mul3A_25 = arith.constant 640 : i32
    %mul3A_26 = arith.muli %arg1, %mul3A_25 : i32
    %mul3A_27 = arith.constant 640 : i32
    %mul3A_28 = arith.muli %arg1, %mul3A_27 : i32
    "tpu.region"() ({
      %run_scoped3A = tpu.sem_alloc : memref<!tpu.dma_semaphore, #tpu.memory_space<semaphore_mem>>
      %dma_start3A_29 = arith.constant 0 : i32
      %dma_start3A_30 = tpu.memref_slice %arg6[%arg0, %mul3A_28, %dma_start3A_29] : memref<2x10240x128xf32, #tpu.memory_space<hbm>> -> memref<1x640x128xf32, #tpu.memory_space<hbm>>
      %dma_start3A_31 = tpu.memref_squeeze %dma_start3A_30 : memref<1x640x128xf32, #tpu.memory_space<hbm>> -> memref<640x128xf32, #tpu.memory_space<hbm>>
      %dma_start3A_32 = arith.constant 0 : i32
      %dma_start3A_33 = tpu.memref_slice %arg7[%mul3A_26, %dma_start3A_32] : memref<10240x128xf32, #tpu.memory_space<vmem_shared>> -> memref<640x128xf32, #tpu.memory_space<vmem_shared>>
      tpu.enqueue_dma source(%dma_start3A_33 : memref<640x128xf32, #tpu.memory_space<vmem_shared>>) target(%dma_start3A_31 : memref<640x128xf32, #tpu.memory_space<hbm>>) target_semaphore(%run_scoped3A : memref<!tpu.dma_semaphore, #tpu.memory_space<semaphore_mem>>)
      %dma_wait3A_34 = arith.constant 0 : i32
      %dma_wait3A_35 = tpu.memref_slice %arg6[%arg0, %mul3A_28, %dma_wait3A_34] : memref<2x10240x128xf32, #tpu.memory_space<hbm>> -> memref<1x640x128xf32, #tpu.memory_space<hbm>>
      %dma_wait3A_36 = tpu.memref_squeeze %dma_wait3A_35 : memref<1x640x128xf32, #tpu.memory_space<hbm>> -> memref<640x128xf32, #tpu.memory_space<hbm>>
      %dma_wait3A_37 = arith.constant 0 : i32
      %dma_wait3A_38 = tpu.memref_slice %arg7[%mul3A_26, %dma_wait3A_37] : memref<10240x128xf32, #tpu.memory_space<vmem_shared>> -> memref<640x128xf32, #tpu.memory_space<vmem_shared>>
      tpu.wait_dma2 semaphore(%run_scoped3A : memref<!tpu.dma_semaphore, #tpu.memory_space<semaphore_mem>>) src(%dma_wait3A_38 : memref<640x128xf32, #tpu.memory_space<vmem_shared>>) dst(%dma_wait3A_36 : memref<640x128xf32, #tpu.memory_space<hbm>>)
      tpu.yield
    }) : () -> ()
    return
  }
}

#map = affine_map<(d0, d1) -> (0, 0)>
#map1 = affine_map<(d0, d1) -> (0)>
#map2 = affine_map<(d0, d1) -> (0, 0, 0)>
module attributes {stable_mosaic.version = 14 : i64} {
  func.func @_scat_body(%arg0: i32, %arg1: i32, %arg2: memref<10000x128xf32, #tpu.memory_space<hbm>>, %arg3: memref<320000xi32, #tpu.memory_space<hbm>>, %arg4: memref<320000xi32, #tpu.memory_space<hbm>>, %arg5: memref<10240x128xf32, #tpu.memory_space<hbm>>, %arg6: memref<2x10240x128xf32, #tpu.memory_space<hbm>>, %arg7: memref<10240x128xf32, #tpu.memory_space<vmem_shared>>, %arg8: memref<80xi32, #tpu.memory_space<vmem>>, %arg9: memref<80xi32, #tpu.memory_space<vmem>>, %arg10: memref<80xi32, #tpu.memory_space<vmem>>, %arg11: memref<80xi32, #tpu.memory_space<vmem>>, %arg12: memref<80x128xf32, #tpu.memory_space<vmem>>, %arg13: memref<80x128xf32, #tpu.memory_space<vmem>>, %arg14: memref<!tpu.dma_semaphore, #tpu.memory_space<semaphore_mem>>, %arg15: memref<!tpu.dma_semaphore, #tpu.memory_space<semaphore_mem>>, %arg16: memref<!tpu.dma_semaphore, #tpu.memory_space<semaphore_mem>>, %arg17: memref<!tpu.dma_semaphore, #tpu.memory_space<semaphore_mem>>) attributes {dimension_semantics = [#tpu.dimension_semantics<core_parallel>, #tpu.dimension_semantics<subcore_parallel>], iteration_bounds = array<i64: 2, 16>, scalar_prefetch = 0 : i64, scratch_operands = 11 : i64, tpu.core_type = #tpu.core_type<sc_vector_subcore>, window_params = [{transform_indices = #map}, {transform_indices = #map1}, {transform_indices = #map1}, {transform_indices = #map}, {transform_indices = #map2}]} {
    %mul3A = arith.constant 2 : i32
    %mul3A_0 = arith.muli %arg1, %mul3A : i32
    %add3A = arith.addi %mul3A_0, %arg0 : i32
    %mul3A_1 = arith.constant 10000 : i32
    %mul3A_2 = arith.muli %add3A, %mul3A_1 : i32
    %mul3A_3 = arith.constant 640 : i32
    %mul3A_4 = arith.muli %arg1, %mul3A_3 : i32
    %mul3A_5 = arith.constant 640 : i32
    %mul3A_6 = arith.muli %arg1, %mul3A_5 : i32
    "tpu.region"() ({
      %run_scoped3A = tpu.sem_alloc : memref<!tpu.dma_semaphore, #tpu.memory_space<semaphore_mem>>
      %dma_start3A_29 = arith.constant 0 : i32
      %dma_start3A_30 = tpu.memref_slice %arg7[%mul3A_6, %dma_start3A_29] : memref<10240x128xf32, #tpu.memory_space<vmem_shared>> -> memref<640x128xf32, #tpu.memory_space<vmem_shared>>
      %dma_start3A_31 = arith.constant 0 : i32
      %dma_start3A_32 = tpu.memref_slice %arg5[%mul3A_4, %dma_start3A_31] : memref<10240x128xf32, #tpu.memory_space<hbm>> -> memref<640x128xf32, #tpu.memory_space<hbm>>
      tpu.enqueue_dma source(%dma_start3A_32 : memref<640x128xf32, #tpu.memory_space<hbm>>) target(%dma_start3A_30 : memref<640x128xf32, #tpu.memory_space<vmem_shared>>) target_semaphore(%run_scoped3A : memref<!tpu.dma_semaphore, #tpu.memory_space<semaphore_mem>>)
      %dma_wait3A_33 = arith.constant 0 : i32
      %dma_wait3A_34 = tpu.memref_slice %arg7[%mul3A_6, %dma_wait3A_33] : memref<10240x128xf32, #tpu.memory_space<vmem_shared>> -> memref<640x128xf32, #tpu.memory_space<vmem_shared>>
      %dma_wait3A_35 = arith.constant 0 : i32
      %dma_wait3A_36 = tpu.memref_slice %arg5[%mul3A_4, %dma_wait3A_35] : memref<10240x128xf32, #tpu.memory_space<hbm>> -> memref<640x128xf32, #tpu.memory_space<hbm>>
      tpu.wait_dma2 semaphore(%run_scoped3A : memref<!tpu.dma_semaphore, #tpu.memory_space<semaphore_mem>>) src(%dma_wait3A_36 : memref<640x128xf32, #tpu.memory_space<hbm>>) dst(%dma_wait3A_34 : memref<640x128xf32, #tpu.memory_space<vmem_shared>>)
      tpu.yield
    }) : () -> ()
    %barrier3A = arith.constant 0 : index
    tpu.barrier barrier_id(%barrier3A)
    "tpu.region"() ({
      %run_scoped3A = tpu.sem_alloc : memref<!tpu.dma_semaphore, #tpu.memory_space<semaphore_mem>>
      %dma_start3A_29 = tpu.memref_slice %arg3[%mul3A_2] : memref<320000xi32, #tpu.memory_space<hbm>> -> memref<80xi32, #tpu.memory_space<hbm>>
      %dma_start3A_30 = tpu.memref_slice %arg3[%mul3A_2] : memref<320000xi32, #tpu.memory_space<hbm>> -> memref<80xi32, #tpu.memory_space<hbm>>
      tpu.enqueue_dma source(%dma_start3A_30 : memref<80xi32, #tpu.memory_space<hbm>>) target(%arg8 : memref<80xi32, #tpu.memory_space<vmem>>) target_semaphore(%run_scoped3A : memref<!tpu.dma_semaphore, #tpu.memory_space<semaphore_mem>>)
      %dma_wait3A_31 = tpu.memref_slice %arg3[%mul3A_2] : memref<320000xi32, #tpu.memory_space<hbm>> -> memref<80xi32, #tpu.memory_space<hbm>>
      %dma_wait3A_32 = tpu.memref_slice %arg3[%mul3A_2] : memref<320000xi32, #tpu.memory_space<hbm>> -> memref<80xi32, #tpu.memory_space<hbm>>
      tpu.wait_dma2 semaphore(%run_scoped3A : memref<!tpu.dma_semaphore, #tpu.memory_space<semaphore_mem>>) src(%dma_wait3A_32 : memref<80xi32, #tpu.memory_space<hbm>>) dst(%arg8 : memref<80xi32, #tpu.memory_space<vmem>>)
      tpu.yield
    }) : () -> ()
    "tpu.region"() ({
      %run_scoped3A = tpu.sem_alloc : memref<!tpu.dma_semaphore, #tpu.memory_space<semaphore_mem>>
      %dma_start3A_29 = tpu.memref_slice %arg4[%mul3A_2] : memref<320000xi32, #tpu.memory_space<hbm>> -> memref<80xi32, #tpu.memory_space<hbm>>
      %dma_start3A_30 = tpu.memref_slice %arg4[%mul3A_2] : memref<320000xi32, #tpu.memory_space<hbm>> -> memref<80xi32, #tpu.memory_space<hbm>>
      tpu.enqueue_dma source(%dma_start3A_30 : memref<80xi32, #tpu.memory_space<hbm>>) target(%arg10 : memref<80xi32, #tpu.memory_space<vmem>>) target_semaphore(%run_scoped3A : memref<!tpu.dma_semaphore, #tpu.memory_space<semaphore_mem>>)
      %dma_wait3A_31 = tpu.memref_slice %arg4[%mul3A_2] : memref<320000xi32, #tpu.memory_space<hbm>> -> memref<80xi32, #tpu.memory_space<hbm>>
      %dma_wait3A_32 = tpu.memref_slice %arg4[%mul3A_2] : memref<320000xi32, #tpu.memory_space<hbm>> -> memref<80xi32, #tpu.memory_space<hbm>>
      tpu.wait_dma2 semaphore(%run_scoped3A : memref<!tpu.dma_semaphore, #tpu.memory_space<semaphore_mem>>) src(%dma_wait3A_32 : memref<80xi32, #tpu.memory_space<hbm>>) dst(%arg10 : memref<80xi32, #tpu.memory_space<vmem>>)
      tpu.yield
    }) : () -> ()
    %dma_start3A = arith.constant 0 : i32
    %dma_start3A_7 = arith.constant 0 : i32
    %dma_start3A_8 = tpu.memref_slice %arg2[%dma_start3A, %dma_start3A_7] : memref<10000x128xf32, #tpu.memory_space<hbm>> -> memref<10000x128xf32, #tpu.memory_space<hbm>>
    tpu.enqueue_indirect_dma source(%dma_start3A_8 : memref<10000x128xf32, #tpu.memory_space<hbm>>) target(%arg12 : memref<80x128xf32, #tpu.memory_space<vmem>>) offsets(%arg8 : memref<80xi32, #tpu.memory_space<vmem>>) semaphore(%arg16 : memref<!tpu.dma_semaphore, #tpu.memory_space<semaphore_mem>>)
    %add3A_9 = arith.constant 80 : i32
    %add3A_10 = arith.addi %mul3A_2, %add3A_9 : i32
    %dma_start3A_11 = tpu.memref_slice %arg3[%add3A_10] : memref<320000xi32, #tpu.memory_space<hbm>> -> memref<80xi32, #tpu.memory_space<hbm>>
    %dma_start3A_12 = tpu.memref_slice %arg3[%add3A_10] : memref<320000xi32, #tpu.memory_space<hbm>> -> memref<80xi32, #tpu.memory_space<hbm>>
    tpu.enqueue_dma source(%dma_start3A_12 : memref<80xi32, #tpu.memory_space<hbm>>) target(%arg9 : memref<80xi32, #tpu.memory_space<vmem>>) target_semaphore(%arg15 : memref<!tpu.dma_semaphore, #tpu.memory_space<semaphore_mem>>)
    %add3A_13 = arith.constant 80 : i32
    %add3A_14 = arith.addi %mul3A_2, %add3A_13 : i32
    %dma_start3A_15 = tpu.memref_slice %arg4[%add3A_14] : memref<320000xi32, #tpu.memory_space<hbm>> -> memref<80xi32, #tpu.memory_space<hbm>>
    %dma_start3A_16 = tpu.memref_slice %arg4[%add3A_14] : memref<320000xi32, #tpu.memory_space<hbm>> -> memref<80xi32, #tpu.memory_space<hbm>>
    tpu.enqueue_dma source(%dma_start3A_16 : memref<80xi32, #tpu.memory_space<hbm>>) target(%arg11 : memref<80xi32, #tpu.memory_space<vmem>>) target_semaphore(%arg15 : memref<!tpu.dma_semaphore, #tpu.memory_space<semaphore_mem>>)
    %scan3A = arith.constant 0 : i32
    %scan3A_17 = arith.constant 0 : i32
    %scan3A_18 = arith.constant 62 : i32
    %scan3A_19 = arith.addi %scan3A_17, %scan3A_18 : i32
    %scan3A_20 = arith.constant 1 : i32
    scf.for %scan3A_29 = %scan3A_17 to %scan3A_19 step %scan3A_20  : i32 {
      %mul3A_30 = arith.constant 2 : i32
      %mul3A_31 = arith.muli %mul3A_30, %scan3A_29 : i32
      %add3A_32 = arith.constant 1 : i32
      %add3A_33 = arith.addi %mul3A_31, %add3A_32 : i32
      %mul3A_34 = arith.constant 80 : i32
      %mul3A_35 = arith.muli %add3A_33, %mul3A_34 : i32
      %add3A_36 = arith.addi %mul3A_2, %mul3A_35 : i32
      %add3A_37 = arith.constant 2 : i32
      %add3A_38 = arith.addi %mul3A_31, %add3A_37 : i32
      %mul3A_39 = arith.constant 80 : i32
      %mul3A_40 = arith.muli %add3A_38, %mul3A_39 : i32
      %add3A_41 = arith.addi %mul3A_2, %mul3A_40 : i32
      %dma_wait3A_42 = tpu.memref_slice %arg3[%add3A_36] : memref<320000xi32, #tpu.memory_space<hbm>> -> memref<80xi32, #tpu.memory_space<hbm>>
      %dma_wait3A_43 = tpu.memref_slice %arg3[%add3A_36] : memref<320000xi32, #tpu.memory_space<hbm>> -> memref<80xi32, #tpu.memory_space<hbm>>
      tpu.wait_dma2 semaphore(%arg15 : memref<!tpu.dma_semaphore, #tpu.memory_space<semaphore_mem>>) src(%dma_wait3A_43 : memref<80xi32, #tpu.memory_space<hbm>>) dst(%arg9 : memref<80xi32, #tpu.memory_space<vmem>>)
      %dma_wait3A_44 = tpu.memref_slice %arg4[%add3A_36] : memref<320000xi32, #tpu.memory_space<hbm>> -> memref<80xi32, #tpu.memory_space<hbm>>
      %dma_wait3A_45 = tpu.memref_slice %arg4[%add3A_36] : memref<320000xi32, #tpu.memory_space<hbm>> -> memref<80xi32, #tpu.memory_space<hbm>>
      tpu.wait_dma2 semaphore(%arg15 : memref<!tpu.dma_semaphore, #tpu.memory_space<semaphore_mem>>) src(%dma_wait3A_45 : memref<80xi32, #tpu.memory_space<hbm>>) dst(%arg11 : memref<80xi32, #tpu.memory_space<vmem>>)
      %dma_start3A_46 = arith.constant 0 : i32
      %dma_start3A_47 = arith.constant 0 : i32
      %dma_start3A_48 = tpu.memref_slice %arg2[%dma_start3A_46, %dma_start3A_47] : memref<10000x128xf32, #tpu.memory_space<hbm>> -> memref<10000x128xf32, #tpu.memory_space<hbm>>
      tpu.enqueue_indirect_dma source(%dma_start3A_48 : memref<10000x128xf32, #tpu.memory_space<hbm>>) target(%arg13 : memref<80x128xf32, #tpu.memory_space<vmem>>) offsets(%arg9 : memref<80xi32, #tpu.memory_space<vmem>>) semaphore(%arg17 : memref<!tpu.dma_semaphore, #tpu.memory_space<semaphore_mem>>)
      %dma_wait3A_49 = arith.constant 0 : i32
      %dma_wait3A_50 = arith.constant 0 : i32
      %dma_wait3A_51 = tpu.memref_slice %arg2[%dma_wait3A_49, %dma_wait3A_50] : memref<10000x128xf32, #tpu.memory_space<hbm>> -> memref<10000x128xf32, #tpu.memory_space<hbm>>
      tpu.wait_indirect_dma semaphore(%arg16 : memref<!tpu.dma_semaphore, #tpu.memory_space<semaphore_mem>>) src(%dma_wait3A_51 : memref<10000x128xf32, #tpu.memory_space<hbm>>) dst(%arg12 : memref<80x128xf32, #tpu.memory_space<vmem>>)
      "tpu.region"() ({
        %run_scoped3A = tpu.sem_alloc : memref<!tpu.dma_semaphore, #tpu.memory_space<semaphore_mem>>
        %dma_start3A_70 = arith.constant 0 : i32
        %dma_start3A_71 = arith.constant 0 : i32
        %dma_start3A_72 = tpu.memref_slice %arg7[%dma_start3A_70, %dma_start3A_71] : memref<10240x128xf32, #tpu.memory_space<vmem_shared>> -> memref<10240x128xf32, #tpu.memory_space<vmem_shared>>
        tpu.enqueue_indirect_dma source(%arg12 : memref<80x128xf32, #tpu.memory_space<vmem>>) target(%dma_start3A_72 : memref<10240x128xf32, #tpu.memory_space<vmem_shared>>) offsets(%arg10 : memref<80xi32, #tpu.memory_space<vmem>>) semaphore(%run_scoped3A : memref<!tpu.dma_semaphore, #tpu.memory_space<semaphore_mem>>) {add = true}
        %dma_wait3A_73 = arith.constant 0 : i32
        %dma_wait3A_74 = arith.constant 0 : i32
        %dma_wait3A_75 = tpu.memref_slice %arg7[%dma_wait3A_73, %dma_wait3A_74] : memref<10240x128xf32, #tpu.memory_space<vmem_shared>> -> memref<10240x128xf32, #tpu.memory_space<vmem_shared>>
        tpu.wait_indirect_dma semaphore(%run_scoped3A : memref<!tpu.dma_semaphore, #tpu.memory_space<semaphore_mem>>) src(%arg12 : memref<80x128xf32, #tpu.memory_space<vmem>>) dst(%dma_wait3A_75 : memref<10240x128xf32, #tpu.memory_space<vmem_shared>>)
        tpu.yield
      }) : () -> ()
      %dma_start3A_52 = tpu.memref_slice %arg3[%add3A_41] : memref<320000xi32, #tpu.memory_space<hbm>> -> memref<80xi32, #tpu.memory_space<hbm>>
      %dma_start3A_53 = tpu.memref_slice %arg3[%add3A_41] : memref<320000xi32, #tpu.memory_space<hbm>> -> memref<80xi32, #tpu.memory_space<hbm>>
      tpu.enqueue_dma source(%dma_start3A_53 : memref<80xi32, #tpu.memory_space<hbm>>) target(%arg8 : memref<80xi32, #tpu.memory_space<vmem>>) target_semaphore(%arg14 : memref<!tpu.dma_semaphore, #tpu.memory_space<semaphore_mem>>)
      %dma_start3A_54 = tpu.memref_slice %arg4[%add3A_41] : memref<320000xi32, #tpu.memory_space<hbm>> -> memref<80xi32, #tpu.memory_space<hbm>>
      %dma_start3A_55 = tpu.memref_slice %arg4[%add3A_41] : memref<320000xi32, #tpu.memory_space<hbm>> -> memref<80xi32, #tpu.memory_space<hbm>>
      tpu.enqueue_dma source(%dma_start3A_55 : memref<80xi32, #tpu.memory_space<hbm>>) target(%arg10 : memref<80xi32, #tpu.memory_space<vmem>>) target_semaphore(%arg14 : memref<!tpu.dma_semaphore, #tpu.memory_space<semaphore_mem>>)
      %dma_wait3A_56 = tpu.memref_slice %arg3[%add3A_41] : memref<320000xi32, #tpu.memory_space<hbm>> -> memref<80xi32, #tpu.memory_space<hbm>>
      %dma_wait3A_57 = tpu.memref_slice %arg3[%add3A_41] : memref<320000xi32, #tpu.memory_space<hbm>> -> memref<80xi32, #tpu.memory_space<hbm>>
      tpu.wait_dma2 semaphore(%arg14 : memref<!tpu.dma_semaphore, #tpu.memory_space<semaphore_mem>>) src(%dma_wait3A_57 : memref<80xi32, #tpu.memory_space<hbm>>) dst(%arg8 : memref<80xi32, #tpu.memory_space<vmem>>)
      %dma_wait3A_58 = tpu.memref_slice %arg4[%add3A_41] : memref<320000xi32, #tpu.memory_space<hbm>> -> memref<80xi32, #tpu.memory_space<hbm>>
      %dma_wait3A_59 = tpu.memref_slice %arg4[%add3A_41] : memref<320000xi32, #tpu.memory_space<hbm>> -> memref<80xi32, #tpu.memory_space<hbm>>
      tpu.wait_dma2 semaphore(%arg14 : memref<!tpu.dma_semaphore, #tpu.memory_space<semaphore_mem>>) src(%dma_wait3A_59 : memref<80xi32, #tpu.memory_space<hbm>>) dst(%arg10 : memref<80xi32, #tpu.memory_space<vmem>>)
      %dma_start3A_60 = arith.constant 0 : i32
      %dma_start3A_61 = arith.constant 0 : i32
      %dma_start3A_62 = tpu.memref_slice %arg2[%dma_start3A_60, %dma_start3A_61] : memref<10000x128xf32, #tpu.memory_space<hbm>> -> memref<10000x128xf32, #tpu.memory_space<hbm>>
      tpu.enqueue_indirect_dma source(%dma_start3A_62 : memref<10000x128xf32, #tpu.memory_space<hbm>>) target(%arg12 : memref<80x128xf32, #tpu.memory_space<vmem>>) offsets(%arg8 : memref<80xi32, #tpu.memory_space<vmem>>) semaphore(%arg16 : memref<!tpu.dma_semaphore, #tpu.memory_space<semaphore_mem>>)
      %dma_wait3A_63 = arith.constant 0 : i32
      %dma_wait3A_64 = arith.constant 0 : i32
      %dma_wait3A_65 = tpu.memref_slice %arg2[%dma_wait3A_63, %dma_wait3A_64] : memref<10000x128xf32, #tpu.memory_space<hbm>> -> memref<10000x128xf32, #tpu.memory_space<hbm>>
      tpu.wait_indirect_dma semaphore(%arg17 : memref<!tpu.dma_semaphore, #tpu.memory_space<semaphore_mem>>) src(%dma_wait3A_65 : memref<10000x128xf32, #tpu.memory_space<hbm>>) dst(%arg13 : memref<80x128xf32, #tpu.memory_space<vmem>>)
      "tpu.region"() ({
        %run_scoped3A = tpu.sem_alloc : memref<!tpu.dma_semaphore, #tpu.memory_space<semaphore_mem>>
        %dma_start3A_70 = arith.constant 0 : i32
        %dma_start3A_71 = arith.constant 0 : i32
        %dma_start3A_72 = tpu.memref_slice %arg7[%dma_start3A_70, %dma_start3A_71] : memref<10240x128xf32, #tpu.memory_space<vmem_shared>> -> memref<10240x128xf32, #tpu.memory_space<vmem_shared>>
        tpu.enqueue_indirect_dma source(%arg13 : memref<80x128xf32, #tpu.memory_space<vmem>>) target(%dma_start3A_72 : memref<10240x128xf32, #tpu.memory_space<vmem_shared>>) offsets(%arg11 : memref<80xi32, #tpu.memory_space<vmem>>) semaphore(%run_scoped3A : memref<!tpu.dma_semaphore, #tpu.memory_space<semaphore_mem>>) {add = true}
        %dma_wait3A_73 = arith.constant 0 : i32
        %dma_wait3A_74 = arith.constant 0 : i32
        %dma_wait3A_75 = tpu.memref_slice %arg7[%dma_wait3A_73, %dma_wait3A_74] : memref<10240x128xf32, #tpu.memory_space<vmem_shared>> -> memref<10240x128xf32, #tpu.memory_space<vmem_shared>>
        tpu.wait_indirect_dma semaphore(%run_scoped3A : memref<!tpu.dma_semaphore, #tpu.memory_space<semaphore_mem>>) src(%arg13 : memref<80x128xf32, #tpu.memory_space<vmem>>) dst(%dma_wait3A_75 : memref<10240x128xf32, #tpu.memory_space<vmem_shared>>)
        tpu.yield
      }) : () -> ()
      %add3A_66 = arith.constant 3 : i32
      %add3A_67 = arith.addi %mul3A_31, %add3A_66 : i32
      %lt3A = arith.constant 125 : i32
      %lt3A_68 = arith.cmpi slt, %add3A_67, %lt3A : i32
      %convert_element_type3A = arith.extui %lt3A_68 : i1 to i32
      %cond3A = arith.constant 0 : i32
      %cond3A_69 = arith.cmpi ne, %convert_element_type3A, %cond3A : i32
      scf.if %cond3A_69 {
        %add3A_70 = arith.constant 3 : i32
        %add3A_71 = arith.addi %mul3A_31, %add3A_70 : i32
        %mul3A_72 = arith.constant 80 : i32
        %mul3A_73 = arith.muli %add3A_71, %mul3A_72 : i32
        %add3A_74 = arith.addi %mul3A_2, %mul3A_73 : i32
        %dma_start3A_75 = tpu.memref_slice %arg3[%add3A_74] : memref<320000xi32, #tpu.memory_space<hbm>> -> memref<80xi32, #tpu.memory_space<hbm>>
        %dma_start3A_76 = tpu.memref_slice %arg3[%add3A_74] : memref<320000xi32, #tpu.memory_space<hbm>> -> memref<80xi32, #tpu.memory_space<hbm>>
        tpu.enqueue_dma source(%dma_start3A_76 : memref<80xi32, #tpu.memory_space<hbm>>) target(%arg9 : memref<80xi32, #tpu.memory_space<vmem>>) target_semaphore(%arg15 : memref<!tpu.dma_semaphore, #tpu.memory_space<semaphore_mem>>)
        %dma_start3A_77 = tpu.memref_slice %arg4[%add3A_74] : memref<320000xi32, #tpu.memory_space<hbm>> -> memref<80xi32, #tpu.memory_space<hbm>>
        %dma_start3A_78 = tpu.memref_slice %arg4[%add3A_74] : memref<320000xi32, #tpu.memory_space<hbm>> -> memref<80xi32, #tpu.memory_space<hbm>>
        tpu.enqueue_dma source(%dma_start3A_78 : memref<80xi32, #tpu.memory_space<hbm>>) target(%arg11 : memref<80xi32, #tpu.memory_space<vmem>>) target_semaphore(%arg15 : memref<!tpu.dma_semaphore, #tpu.memory_space<semaphore_mem>>)
      } else {
      }
    }
    %scan3A_21 = arith.constant 62 : i32
    %dma_wait3A = arith.constant 0 : i32
    %dma_wait3A_22 = arith.constant 0 : i32
    %dma_wait3A_23 = tpu.memref_slice %arg2[%dma_wait3A, %dma_wait3A_22] : memref<10000x128xf32, #tpu.memory_space<hbm>> -> memref<10000x128xf32, #tpu.memory_space<hbm>>
    tpu.wait_indirect_dma semaphore(%arg16 : memref<!tpu.dma_semaphore, #tpu.memory_space<semaphore_mem>>) src(%dma_wait3A_23 : memref<10000x128xf32, #tpu.memory_space<hbm>>) dst(%arg12 : memref<80x128xf32, #tpu.memory_space<vmem>>)
    "tpu.region"() ({
      %run_scoped3A = tpu.sem_alloc : memref<!tpu.dma_semaphore, #tpu.memory_space<semaphore_mem>>
      %dma_start3A_29 = arith.constant 0 : i32
      %dma_start3A_30 = arith.constant 0 : i32
      %dma_start3A_31 = tpu.memref_slice %arg7[%dma_start3A_29, %dma_start3A_30] : memref<10240x128xf32, #tpu.memory_space<vmem_shared>> -> memref<10240x128xf32, #tpu.memory_space<vmem_shared>>
      tpu.enqueue_indirect_dma source(%arg12 : memref<80x128xf32, #tpu.memory_space<vmem>>) target(%dma_start3A_31 : memref<10240x128xf32, #tpu.memory_space<vmem_shared>>) offsets(%arg10 : memref<80xi32, #tpu.memory_space<vmem>>) semaphore(%run_scoped3A : memref<!tpu.dma_semaphore, #tpu.memory_space<semaphore_mem>>) {add = true}
      %dma_wait3A_32 = arith.constant 0 : i32
      %dma_wait3A_33 = arith.constant 0 : i32
      %dma_wait3A_34 = tpu.memref_slice %arg7[%dma_wait3A_32, %dma_wait3A_33] : memref<10240x128xf32, #tpu.memory_space<vmem_shared>> -> memref<10240x128xf32, #tpu.memory_space<vmem_shared>>
      tpu.wait_indirect_dma semaphore(%run_scoped3A : memref<!tpu.dma_semaphore, #tpu.memory_space<semaphore_mem>>) src(%arg12 : memref<80x128xf32, #tpu.memory_space<vmem>>) dst(%dma_wait3A_34 : memref<10240x128xf32, #tpu.memory_space<vmem_shared>>)
      tpu.yield
    }) : () -> ()
    %barrier3A_24 = arith.constant 0 : index
    tpu.barrier barrier_id(%barrier3A_24)
    %mul3A_25 = arith.constant 640 : i32
    %mul3A_26 = arith.muli %arg1, %mul3A_25 : i32
    %mul3A_27 = arith.constant 640 : i32
    %mul3A_28 = arith.muli %arg1, %mul3A_27 : i32
    "tpu.region"() ({
      %run_scoped3A = tpu.sem_alloc : memref<!tpu.dma_semaphore, #tpu.memory_space<semaphore_mem>>
      %dma_start3A_29 = arith.constant 0 : i32
      %dma_start3A_30 = tpu.memref_slice %arg6[%arg0, %mul3A_28, %dma_start3A_29] : memref<2x10240x128xf32, #tpu.memory_space<hbm>> -> memref<1x640x128xf32, #tpu.memory_space<hbm>>
      %dma_start3A_31 = tpu.memref_squeeze %dma_start3A_30 : memref<1x640x128xf32, #tpu.memory_space<hbm>> -> memref<640x128xf32, #tpu.memory_space<hbm>>
      %dma_start3A_32 = arith.constant 0 : i32
      %dma_start3A_33 = tpu.memref_slice %arg7[%mul3A_26, %dma_start3A_32] : memref<10240x128xf32, #tpu.memory_space<vmem_shared>> -> memref<640x128xf32, #tpu.memory_space<vmem_shared>>
      tpu.enqueue_dma source(%dma_start3A_33 : memref<640x128xf32, #tpu.memory_space<vmem_shared>>) target(%dma_start3A_31 : memref<640x128xf32, #tpu.memory_space<hbm>>) target_semaphore(%run_scoped3A : memref<!tpu.dma_semaphore, #tpu.memory_space<semaphore_mem>>)
      %dma_wait3A_34 = arith.constant 0 : i32
      %dma_wait3A_35 = tpu.memref_slice %arg6[%arg0, %mul3A_28, %dma_wait3A_34] : memref<2x10240x128xf32, #tpu.memory_space<hbm>> -> memref<1x640x128xf32, #tpu.memory_space<hbm>>
      %dma_wait3A_36 = tpu.memref_squeeze %dma_wait3A_35 : memref<1x640x128xf32, #tpu.memory_space<hbm>> -> memref<640x128xf32, #tpu.memory_space<hbm>>
      %dma_wait3A_37 = arith.constant 0 : i32
      %dma_wait3A_38 = tpu.memref_slice %arg7[%mul3A_26, %dma_wait3A_37] : memref<10240x128xf32, #tpu.memory_space<vmem_shared>> -> memref<640x128xf32, #tpu.memory_space<vmem_shared>>
      tpu.wait_dma2 semaphore(%run_scoped3A : memref<!tpu.dma_semaphore, #tpu.memory_space<semaphore_mem>>) src(%dma_wait3A_38 : memref<640x128xf32, #tpu.memory_space<vmem_shared>>) dst(%dma_wait3A_36 : memref<640x128xf32, #tpu.memory_space<hbm>>)
      tpu.yield
    }) : () -> ()
    return
  }
}

#map = affine_map<(d0, d1) -> (0, 0)>
#map1 = affine_map<(d0, d1) -> (0)>
#map2 = affine_map<(d0, d1) -> (0, 0, 0)>
module attributes {stable_mosaic.version = 14 : i64} {
  func.func @_scat_body(%arg0: i32, %arg1: i32, %arg2: memref<10000x128xf32, #tpu.memory_space<hbm>>, %arg3: memref<320000xi32, #tpu.memory_space<hbm>>, %arg4: memref<320000xi32, #tpu.memory_space<hbm>>, %arg5: memref<10240x128xf32, #tpu.memory_space<hbm>>, %arg6: memref<2x10240x128xf32, #tpu.memory_space<hbm>>, %arg7: memref<10240x128xf32, #tpu.memory_space<vmem_shared>>, %arg8: memref<80xi32, #tpu.memory_space<vmem>>, %arg9: memref<80xi32, #tpu.memory_space<vmem>>, %arg10: memref<80xi32, #tpu.memory_space<vmem>>, %arg11: memref<80xi32, #tpu.memory_space<vmem>>, %arg12: memref<80x128xf32, #tpu.memory_space<vmem>>, %arg13: memref<80x128xf32, #tpu.memory_space<vmem>>, %arg14: memref<!tpu.dma_semaphore, #tpu.memory_space<semaphore_mem>>, %arg15: memref<!tpu.dma_semaphore, #tpu.memory_space<semaphore_mem>>, %arg16: memref<!tpu.dma_semaphore, #tpu.memory_space<semaphore_mem>>, %arg17: memref<!tpu.dma_semaphore, #tpu.memory_space<semaphore_mem>>) attributes {dimension_semantics = [#tpu.dimension_semantics<core_parallel>, #tpu.dimension_semantics<subcore_parallel>], iteration_bounds = array<i64: 2, 16>, scalar_prefetch = 0 : i64, scratch_operands = 11 : i64, tpu.core_type = #tpu.core_type<sc_vector_subcore>, window_params = [{transform_indices = #map}, {transform_indices = #map1}, {transform_indices = #map1}, {transform_indices = #map}, {transform_indices = #map2}]} {
    %mul3A = arith.constant 2 : i32
    %mul3A_0 = arith.muli %arg1, %mul3A : i32
    %add3A = arith.addi %mul3A_0, %arg0 : i32
    %mul3A_1 = arith.constant 10000 : i32
    %mul3A_2 = arith.muli %add3A, %mul3A_1 : i32
    %mul3A_3 = arith.constant 640 : i32
    %mul3A_4 = arith.muli %arg1, %mul3A_3 : i32
    %mul3A_5 = arith.constant 640 : i32
    %mul3A_6 = arith.muli %arg1, %mul3A_5 : i32
    "tpu.region"() ({
      %run_scoped3A = tpu.sem_alloc : memref<!tpu.dma_semaphore, #tpu.memory_space<semaphore_mem>>
      %dma_start3A_29 = arith.constant 0 : i32
      %dma_start3A_30 = tpu.memref_slice %arg7[%mul3A_6, %dma_start3A_29] : memref<10240x128xf32, #tpu.memory_space<vmem_shared>> -> memref<640x128xf32, #tpu.memory_space<vmem_shared>>
      %dma_start3A_31 = arith.constant 0 : i32
      %dma_start3A_32 = tpu.memref_slice %arg5[%mul3A_4, %dma_start3A_31] : memref<10240x128xf32, #tpu.memory_space<hbm>> -> memref<640x128xf32, #tpu.memory_space<hbm>>
      tpu.enqueue_dma source(%dma_start3A_32 : memref<640x128xf32, #tpu.memory_space<hbm>>) target(%dma_start3A_30 : memref<640x128xf32, #tpu.memory_space<vmem_shared>>) target_semaphore(%run_scoped3A : memref<!tpu.dma_semaphore, #tpu.memory_space<semaphore_mem>>)
      %dma_wait3A_33 = arith.constant 0 : i32
      %dma_wait3A_34 = tpu.memref_slice %arg7[%mul3A_6, %dma_wait3A_33] : memref<10240x128xf32, #tpu.memory_space<vmem_shared>> -> memref<640x128xf32, #tpu.memory_space<vmem_shared>>
      %dma_wait3A_35 = arith.constant 0 : i32
      %dma_wait3A_36 = tpu.memref_slice %arg5[%mul3A_4, %dma_wait3A_35] : memref<10240x128xf32, #tpu.memory_space<hbm>> -> memref<640x128xf32, #tpu.memory_space<hbm>>
      tpu.wait_dma2 semaphore(%run_scoped3A : memref<!tpu.dma_semaphore, #tpu.memory_space<semaphore_mem>>) src(%dma_wait3A_36 : memref<640x128xf32, #tpu.memory_space<hbm>>) dst(%dma_wait3A_34 : memref<640x128xf32, #tpu.memory_space<vmem_shared>>)
      tpu.yield
    }) : () -> ()
    %barrier3A = arith.constant 0 : index
    tpu.barrier barrier_id(%barrier3A)
    "tpu.region"() ({
      %run_scoped3A = tpu.sem_alloc : memref<!tpu.dma_semaphore, #tpu.memory_space<semaphore_mem>>
      %dma_start3A_29 = tpu.memref_slice %arg3[%mul3A_2] : memref<320000xi32, #tpu.memory_space<hbm>> -> memref<80xi32, #tpu.memory_space<hbm>>
      %dma_start3A_30 = tpu.memref_slice %arg3[%mul3A_2] : memref<320000xi32, #tpu.memory_space<hbm>> -> memref<80xi32, #tpu.memory_space<hbm>>
      tpu.enqueue_dma source(%dma_start3A_30 : memref<80xi32, #tpu.memory_space<hbm>>) target(%arg8 : memref<80xi32, #tpu.memory_space<vmem>>) target_semaphore(%run_scoped3A : memref<!tpu.dma_semaphore, #tpu.memory_space<semaphore_mem>>)
      %dma_wait3A_31 = tpu.memref_slice %arg3[%mul3A_2] : memref<320000xi32, #tpu.memory_space<hbm>> -> memref<80xi32, #tpu.memory_space<hbm>>
      %dma_wait3A_32 = tpu.memref_slice %arg3[%mul3A_2] : memref<320000xi32, #tpu.memory_space<hbm>> -> memref<80xi32, #tpu.memory_space<hbm>>
      tpu.wait_dma2 semaphore(%run_scoped3A : memref<!tpu.dma_semaphore, #tpu.memory_space<semaphore_mem>>) src(%dma_wait3A_32 : memref<80xi32, #tpu.memory_space<hbm>>) dst(%arg8 : memref<80xi32, #tpu.memory_space<vmem>>)
      tpu.yield
    }) : () -> ()
    "tpu.region"() ({
      %run_scoped3A = tpu.sem_alloc : memref<!tpu.dma_semaphore, #tpu.memory_space<semaphore_mem>>
      %dma_start3A_29 = tpu.memref_slice %arg4[%mul3A_2] : memref<320000xi32, #tpu.memory_space<hbm>> -> memref<80xi32, #tpu.memory_space<hbm>>
      %dma_start3A_30 = tpu.memref_slice %arg4[%mul3A_2] : memref<320000xi32, #tpu.memory_space<hbm>> -> memref<80xi32, #tpu.memory_space<hbm>>
      tpu.enqueue_dma source(%dma_start3A_30 : memref<80xi32, #tpu.memory_space<hbm>>) target(%arg10 : memref<80xi32, #tpu.memory_space<vmem>>) target_semaphore(%run_scoped3A : memref<!tpu.dma_semaphore, #tpu.memory_space<semaphore_mem>>)
      %dma_wait3A_31 = tpu.memref_slice %arg4[%mul3A_2] : memref<320000xi32, #tpu.memory_space<hbm>> -> memref<80xi32, #tpu.memory_space<hbm>>
      %dma_wait3A_32 = tpu.memref_slice %arg4[%mul3A_2] : memref<320000xi32, #tpu.memory_space<hbm>> -> memref<80xi32, #tpu.memory_space<hbm>>
      tpu.wait_dma2 semaphore(%run_scoped3A : memref<!tpu.dma_semaphore, #tpu.memory_space<semaphore_mem>>) src(%dma_wait3A_32 : memref<80xi32, #tpu.memory_space<hbm>>) dst(%arg10 : memref<80xi32, #tpu.memory_space<vmem>>)
      tpu.yield
    }) : () -> ()
    %dma_start3A = arith.constant 0 : i32
    %dma_start3A_7 = arith.constant 0 : i32
    %dma_start3A_8 = tpu.memref_slice %arg2[%dma_start3A, %dma_start3A_7] : memref<10000x128xf32, #tpu.memory_space<hbm>> -> memref<10000x128xf32, #tpu.memory_space<hbm>>
    tpu.enqueue_indirect_dma source(%dma_start3A_8 : memref<10000x128xf32, #tpu.memory_space<hbm>>) target(%arg12 : memref<80x128xf32, #tpu.memory_space<vmem>>) offsets(%arg8 : memref<80xi32, #tpu.memory_space<vmem>>) semaphore(%arg16 : memref<!tpu.dma_semaphore, #tpu.memory_space<semaphore_mem>>)
    %add3A_9 = arith.constant 80 : i32
    %add3A_10 = arith.addi %mul3A_2, %add3A_9 : i32
    %dma_start3A_11 = tpu.memref_slice %arg3[%add3A_10] : memref<320000xi32, #tpu.memory_space<hbm>> -> memref<80xi32, #tpu.memory_space<hbm>>
    %dma_start3A_12 = tpu.memref_slice %arg3[%add3A_10] : memref<320000xi32, #tpu.memory_space<hbm>> -> memref<80xi32, #tpu.memory_space<hbm>>
    tpu.enqueue_dma source(%dma_start3A_12 : memref<80xi32, #tpu.memory_space<hbm>>) target(%arg9 : memref<80xi32, #tpu.memory_space<vmem>>) target_semaphore(%arg15 : memref<!tpu.dma_semaphore, #tpu.memory_space<semaphore_mem>>)
    %add3A_13 = arith.constant 80 : i32
    %add3A_14 = arith.addi %mul3A_2, %add3A_13 : i32
    %dma_start3A_15 = tpu.memref_slice %arg4[%add3A_14] : memref<320000xi32, #tpu.memory_space<hbm>> -> memref<80xi32, #tpu.memory_space<hbm>>
    %dma_start3A_16 = tpu.memref_slice %arg4[%add3A_14] : memref<320000xi32, #tpu.memory_space<hbm>> -> memref<80xi32, #tpu.memory_space<hbm>>
    tpu.enqueue_dma source(%dma_start3A_16 : memref<80xi32, #tpu.memory_space<hbm>>) target(%arg11 : memref<80xi32, #tpu.memory_space<vmem>>) target_semaphore(%arg15 : memref<!tpu.dma_semaphore, #tpu.memory_space<semaphore_mem>>)
    %scan3A = arith.constant 0 : i32
    %scan3A_17 = arith.constant 0 : i32
    %scan3A_18 = arith.constant 62 : i32
    %scan3A_19 = arith.addi %scan3A_17, %scan3A_18 : i32
    %scan3A_20 = arith.constant 1 : i32
    scf.for %scan3A_29 = %scan3A_17 to %scan3A_19 step %scan3A_20  : i32 {
      %mul3A_30 = arith.constant 2 : i32
      %mul3A_31 = arith.muli %mul3A_30, %scan3A_29 : i32
      %add3A_32 = arith.constant 1 : i32
      %add3A_33 = arith.addi %mul3A_31, %add3A_32 : i32
      %mul3A_34 = arith.constant 80 : i32
      %mul3A_35 = arith.muli %add3A_33, %mul3A_34 : i32
      %add3A_36 = arith.addi %mul3A_2, %mul3A_35 : i32
      %add3A_37 = arith.constant 2 : i32
      %add3A_38 = arith.addi %mul3A_31, %add3A_37 : i32
      %mul3A_39 = arith.constant 80 : i32
      %mul3A_40 = arith.muli %add3A_38, %mul3A_39 : i32
      %add3A_41 = arith.addi %mul3A_2, %mul3A_40 : i32
      %dma_wait3A_42 = tpu.memref_slice %arg3[%add3A_36] : memref<320000xi32, #tpu.memory_space<hbm>> -> memref<80xi32, #tpu.memory_space<hbm>>
      %dma_wait3A_43 = tpu.memref_slice %arg3[%add3A_36] : memref<320000xi32, #tpu.memory_space<hbm>> -> memref<80xi32, #tpu.memory_space<hbm>>
      tpu.wait_dma2 semaphore(%arg15 : memref<!tpu.dma_semaphore, #tpu.memory_space<semaphore_mem>>) src(%dma_wait3A_43 : memref<80xi32, #tpu.memory_space<hbm>>) dst(%arg9 : memref<80xi32, #tpu.memory_space<vmem>>)
      %dma_wait3A_44 = tpu.memref_slice %arg4[%add3A_36] : memref<320000xi32, #tpu.memory_space<hbm>> -> memref<80xi32, #tpu.memory_space<hbm>>
      %dma_wait3A_45 = tpu.memref_slice %arg4[%add3A_36] : memref<320000xi32, #tpu.memory_space<hbm>> -> memref<80xi32, #tpu.memory_space<hbm>>
      tpu.wait_dma2 semaphore(%arg15 : memref<!tpu.dma_semaphore, #tpu.memory_space<semaphore_mem>>) src(%dma_wait3A_45 : memref<80xi32, #tpu.memory_space<hbm>>) dst(%arg11 : memref<80xi32, #tpu.memory_space<vmem>>)
      %dma_start3A_46 = arith.constant 0 : i32
      %dma_start3A_47 = arith.constant 0 : i32
      %dma_start3A_48 = tpu.memref_slice %arg2[%dma_start3A_46, %dma_start3A_47] : memref<10000x128xf32, #tpu.memory_space<hbm>> -> memref<10000x128xf32, #tpu.memory_space<hbm>>
      tpu.enqueue_indirect_dma source(%dma_start3A_48 : memref<10000x128xf32, #tpu.memory_space<hbm>>) target(%arg13 : memref<80x128xf32, #tpu.memory_space<vmem>>) offsets(%arg9 : memref<80xi32, #tpu.memory_space<vmem>>) semaphore(%arg17 : memref<!tpu.dma_semaphore, #tpu.memory_space<semaphore_mem>>)
      %dma_wait3A_49 = arith.constant 0 : i32
      %dma_wait3A_50 = arith.constant 0 : i32
      %dma_wait3A_51 = tpu.memref_slice %arg2[%dma_wait3A_49, %dma_wait3A_50] : memref<10000x128xf32, #tpu.memory_space<hbm>> -> memref<10000x128xf32, #tpu.memory_space<hbm>>
      tpu.wait_indirect_dma semaphore(%arg16 : memref<!tpu.dma_semaphore, #tpu.memory_space<semaphore_mem>>) src(%dma_wait3A_51 : memref<10000x128xf32, #tpu.memory_space<hbm>>) dst(%arg12 : memref<80x128xf32, #tpu.memory_space<vmem>>)
      "tpu.region"() ({
        %run_scoped3A = tpu.sem_alloc : memref<!tpu.dma_semaphore, #tpu.memory_space<semaphore_mem>>
        %dma_start3A_70 = arith.constant 0 : i32
        %dma_start3A_71 = arith.constant 0 : i32
        %dma_start3A_72 = tpu.memref_slice %arg7[%dma_start3A_70, %dma_start3A_71] : memref<10240x128xf32, #tpu.memory_space<vmem_shared>> -> memref<10240x128xf32, #tpu.memory_space<vmem_shared>>
        tpu.enqueue_indirect_dma source(%arg12 : memref<80x128xf32, #tpu.memory_space<vmem>>) target(%dma_start3A_72 : memref<10240x128xf32, #tpu.memory_space<vmem_shared>>) offsets(%arg10 : memref<80xi32, #tpu.memory_space<vmem>>) semaphore(%run_scoped3A : memref<!tpu.dma_semaphore, #tpu.memory_space<semaphore_mem>>) {add = true}
        %dma_wait3A_73 = arith.constant 0 : i32
        %dma_wait3A_74 = arith.constant 0 : i32
        %dma_wait3A_75 = tpu.memref_slice %arg7[%dma_wait3A_73, %dma_wait3A_74] : memref<10240x128xf32, #tpu.memory_space<vmem_shared>> -> memref<10240x128xf32, #tpu.memory_space<vmem_shared>>
        tpu.wait_indirect_dma semaphore(%run_scoped3A : memref<!tpu.dma_semaphore, #tpu.memory_space<semaphore_mem>>) src(%arg12 : memref<80x128xf32, #tpu.memory_space<vmem>>) dst(%dma_wait3A_75 : memref<10240x128xf32, #tpu.memory_space<vmem_shared>>)
        tpu.yield
      }) : () -> ()
      %dma_start3A_52 = tpu.memref_slice %arg3[%add3A_41] : memref<320000xi32, #tpu.memory_space<hbm>> -> memref<80xi32, #tpu.memory_space<hbm>>
      %dma_start3A_53 = tpu.memref_slice %arg3[%add3A_41] : memref<320000xi32, #tpu.memory_space<hbm>> -> memref<80xi32, #tpu.memory_space<hbm>>
      tpu.enqueue_dma source(%dma_start3A_53 : memref<80xi32, #tpu.memory_space<hbm>>) target(%arg8 : memref<80xi32, #tpu.memory_space<vmem>>) target_semaphore(%arg14 : memref<!tpu.dma_semaphore, #tpu.memory_space<semaphore_mem>>)
      %dma_start3A_54 = tpu.memref_slice %arg4[%add3A_41] : memref<320000xi32, #tpu.memory_space<hbm>> -> memref<80xi32, #tpu.memory_space<hbm>>
      %dma_start3A_55 = tpu.memref_slice %arg4[%add3A_41] : memref<320000xi32, #tpu.memory_space<hbm>> -> memref<80xi32, #tpu.memory_space<hbm>>
      tpu.enqueue_dma source(%dma_start3A_55 : memref<80xi32, #tpu.memory_space<hbm>>) target(%arg10 : memref<80xi32, #tpu.memory_space<vmem>>) target_semaphore(%arg14 : memref<!tpu.dma_semaphore, #tpu.memory_space<semaphore_mem>>)
      %dma_wait3A_56 = tpu.memref_slice %arg3[%add3A_41] : memref<320000xi32, #tpu.memory_space<hbm>> -> memref<80xi32, #tpu.memory_space<hbm>>
      %dma_wait3A_57 = tpu.memref_slice %arg3[%add3A_41] : memref<320000xi32, #tpu.memory_space<hbm>> -> memref<80xi32, #tpu.memory_space<hbm>>
      tpu.wait_dma2 semaphore(%arg14 : memref<!tpu.dma_semaphore, #tpu.memory_space<semaphore_mem>>) src(%dma_wait3A_57 : memref<80xi32, #tpu.memory_space<hbm>>) dst(%arg8 : memref<80xi32, #tpu.memory_space<vmem>>)
      %dma_wait3A_58 = tpu.memref_slice %arg4[%add3A_41] : memref<320000xi32, #tpu.memory_space<hbm>> -> memref<80xi32, #tpu.memory_space<hbm>>
      %dma_wait3A_59 = tpu.memref_slice %arg4[%add3A_41] : memref<320000xi32, #tpu.memory_space<hbm>> -> memref<80xi32, #tpu.memory_space<hbm>>
      tpu.wait_dma2 semaphore(%arg14 : memref<!tpu.dma_semaphore, #tpu.memory_space<semaphore_mem>>) src(%dma_wait3A_59 : memref<80xi32, #tpu.memory_space<hbm>>) dst(%arg10 : memref<80xi32, #tpu.memory_space<vmem>>)
      %dma_start3A_60 = arith.constant 0 : i32
      %dma_start3A_61 = arith.constant 0 : i32
      %dma_start3A_62 = tpu.memref_slice %arg2[%dma_start3A_60, %dma_start3A_61] : memref<10000x128xf32, #tpu.memory_space<hbm>> -> memref<10000x128xf32, #tpu.memory_space<hbm>>
      tpu.enqueue_indirect_dma source(%dma_start3A_62 : memref<10000x128xf32, #tpu.memory_space<hbm>>) target(%arg12 : memref<80x128xf32, #tpu.memory_space<vmem>>) offsets(%arg8 : memref<80xi32, #tpu.memory_space<vmem>>) semaphore(%arg16 : memref<!tpu.dma_semaphore, #tpu.memory_space<semaphore_mem>>)
      %dma_wait3A_63 = arith.constant 0 : i32
      %dma_wait3A_64 = arith.constant 0 : i32
      %dma_wait3A_65 = tpu.memref_slice %arg2[%dma_wait3A_63, %dma_wait3A_64] : memref<10000x128xf32, #tpu.memory_space<hbm>> -> memref<10000x128xf32, #tpu.memory_space<hbm>>
      tpu.wait_indirect_dma semaphore(%arg17 : memref<!tpu.dma_semaphore, #tpu.memory_space<semaphore_mem>>) src(%dma_wait3A_65 : memref<10000x128xf32, #tpu.memory_space<hbm>>) dst(%arg13 : memref<80x128xf32, #tpu.memory_space<vmem>>)
      "tpu.region"() ({
        %run_scoped3A = tpu.sem_alloc : memref<!tpu.dma_semaphore, #tpu.memory_space<semaphore_mem>>
        %dma_start3A_70 = arith.constant 0 : i32
        %dma_start3A_71 = arith.constant 0 : i32
        %dma_start3A_72 = tpu.memref_slice %arg7[%dma_start3A_70, %dma_start3A_71] : memref<10240x128xf32, #tpu.memory_space<vmem_shared>> -> memref<10240x128xf32, #tpu.memory_space<vmem_shared>>
        tpu.enqueue_indirect_dma source(%arg13 : memref<80x128xf32, #tpu.memory_space<vmem>>) target(%dma_start3A_72 : memref<10240x128xf32, #tpu.memory_space<vmem_shared>>) offsets(%arg11 : memref<80xi32, #tpu.memory_space<vmem>>) semaphore(%run_scoped3A : memref<!tpu.dma_semaphore, #tpu.memory_space<semaphore_mem>>) {add = true}
        %dma_wait3A_73 = arith.constant 0 : i32
        %dma_wait3A_74 = arith.constant 0 : i32
        %dma_wait3A_75 = tpu.memref_slice %arg7[%dma_wait3A_73, %dma_wait3A_74] : memref<10240x128xf32, #tpu.memory_space<vmem_shared>> -> memref<10240x128xf32, #tpu.memory_space<vmem_shared>>
        tpu.wait_indirect_dma semaphore(%run_scoped3A : memref<!tpu.dma_semaphore, #tpu.memory_space<semaphore_mem>>) src(%arg13 : memref<80x128xf32, #tpu.memory_space<vmem>>) dst(%dma_wait3A_75 : memref<10240x128xf32, #tpu.memory_space<vmem_shared>>)
        tpu.yield
      }) : () -> ()
      %add3A_66 = arith.constant 3 : i32
      %add3A_67 = arith.addi %mul3A_31, %add3A_66 : i32
      %lt3A = arith.constant 125 : i32
      %lt3A_68 = arith.cmpi slt, %add3A_67, %lt3A : i32
      %convert_element_type3A = arith.extui %lt3A_68 : i1 to i32
      %cond3A = arith.constant 0 : i32
      %cond3A_69 = arith.cmpi ne, %convert_element_type3A, %cond3A : i32
      scf.if %cond3A_69 {
        %add3A_70 = arith.constant 3 : i32
        %add3A_71 = arith.addi %mul3A_31, %add3A_70 : i32
        %mul3A_72 = arith.constant 80 : i32
        %mul3A_73 = arith.muli %add3A_71, %mul3A_72 : i32
        %add3A_74 = arith.addi %mul3A_2, %mul3A_73 : i32
        %dma_start3A_75 = tpu.memref_slice %arg3[%add3A_74] : memref<320000xi32, #tpu.memory_space<hbm>> -> memref<80xi32, #tpu.memory_space<hbm>>
        %dma_start3A_76 = tpu.memref_slice %arg3[%add3A_74] : memref<320000xi32, #tpu.memory_space<hbm>> -> memref<80xi32, #tpu.memory_space<hbm>>
        tpu.enqueue_dma source(%dma_start3A_76 : memref<80xi32, #tpu.memory_space<hbm>>) target(%arg9 : memref<80xi32, #tpu.memory_space<vmem>>) target_semaphore(%arg15 : memref<!tpu.dma_semaphore, #tpu.memory_space<semaphore_mem>>)
        %dma_start3A_77 = tpu.memref_slice %arg4[%add3A_74] : memref<320000xi32, #tpu.memory_space<hbm>> -> memref<80xi32, #tpu.memory_space<hbm>>
        %dma_start3A_78 = tpu.memref_slice %arg4[%add3A_74] : memref<320000xi32, #tpu.memory_space<hbm>> -> memref<80xi32, #tpu.memory_space<hbm>>
        tpu.enqueue_dma source(%dma_start3A_78 : memref<80xi32, #tpu.memory_space<hbm>>) target(%arg11 : memref<80xi32, #tpu.memory_space<vmem>>) target_semaphore(%arg15 : memref<!tpu.dma_semaphore, #tpu.memory_space<semaphore_mem>>)
      } else {
      }
    }
    %scan3A_21 = arith.constant 62 : i32
    %dma_wait3A = arith.constant 0 : i32
    %dma_wait3A_22 = arith.constant 0 : i32
    %dma_wait3A_23 = tpu.memref_slice %arg2[%dma_wait3A, %dma_wait3A_22] : memref<10000x128xf32, #tpu.memory_space<hbm>> -> memref<10000x128xf32, #tpu.memory_space<hbm>>
    tpu.wait_indirect_dma semaphore(%arg16 : memref<!tpu.dma_semaphore, #tpu.memory_space<semaphore_mem>>) src(%dma_wait3A_23 : memref<10000x128xf32, #tpu.memory_space<hbm>>) dst(%arg12 : memref<80x128xf32, #tpu.memory_space<vmem>>)
    "tpu.region"() ({
      %run_scoped3A = tpu.sem_alloc : memref<!tpu.dma_semaphore, #tpu.memory_space<semaphore_mem>>
      %dma_start3A_29 = arith.constant 0 : i32
      %dma_start3A_30 = arith.constant 0 : i32
      %dma_start3A_31 = tpu.memref_slice %arg7[%dma_start3A_29, %dma_start3A_30] : memref<10240x128xf32, #tpu.memory_space<vmem_shared>> -> memref<10240x128xf32, #tpu.memory_space<vmem_shared>>
      tpu.enqueue_indirect_dma source(%arg12 : memref<80x128xf32, #tpu.memory_space<vmem>>) target(%dma_start3A_31 : memref<10240x128xf32, #tpu.memory_space<vmem_shared>>) offsets(%arg10 : memref<80xi32, #tpu.memory_space<vmem>>) semaphore(%run_scoped3A : memref<!tpu.dma_semaphore, #tpu.memory_space<semaphore_mem>>) {add = true}
      %dma_wait3A_32 = arith.constant 0 : i32
      %dma_wait3A_33 = arith.constant 0 : i32
      %dma_wait3A_34 = tpu.memref_slice %arg7[%dma_wait3A_32, %dma_wait3A_33] : memref<10240x128xf32, #tpu.memory_space<vmem_shared>> -> memref<10240x128xf32, #tpu.memory_space<vmem_shared>>
      tpu.wait_indirect_dma semaphore(%run_scoped3A : memref<!tpu.dma_semaphore, #tpu.memory_space<semaphore_mem>>) src(%arg12 : memref<80x128xf32, #tpu.memory_space<vmem>>) dst(%dma_wait3A_34 : memref<10240x128xf32, #tpu.memory_space<vmem_shared>>)
      tpu.yield
    }) : () -> ()
    %barrier3A_24 = arith.constant 0 : index
    tpu.barrier barrier_id(%barrier3A_24)
    %mul3A_25 = arith.constant 640 : i32
    %mul3A_26 = arith.muli %arg1, %mul3A_25 : i32
    %mul3A_27 = arith.constant 640 : i32
    %mul3A_28 = arith.muli %arg1, %mul3A_27 : i32
    "tpu.region"() ({
      %run_scoped3A = tpu.sem_alloc : memref<!tpu.dma_semaphore, #tpu.memory_space<semaphore_mem>>
      %dma_start3A_29 = arith.constant 0 : i32
      %dma_start3A_30 = tpu.memref_slice %arg6[%arg0, %mul3A_28, %dma_start3A_29] : memref<2x10240x128xf32, #tpu.memory_space<hbm>> -> memref<1x640x128xf32, #tpu.memory_space<hbm>>
      %dma_start3A_31 = tpu.memref_squeeze %dma_start3A_30 : memref<1x640x128xf32, #tpu.memory_space<hbm>> -> memref<640x128xf32, #tpu.memory_space<hbm>>
      %dma_start3A_32 = arith.constant 0 : i32
      %dma_start3A_33 = tpu.memref_slice %arg7[%mul3A_26, %dma_start3A_32] : memref<10240x128xf32, #tpu.memory_space<vmem_shared>> -> memref<640x128xf32, #tpu.memory_space<vmem_shared>>
      tpu.enqueue_dma source(%dma_start3A_33 : memref<640x128xf32, #tpu.memory_space<vmem_shared>>) target(%dma_start3A_31 : memref<640x128xf32, #tpu.memory_space<hbm>>) target_semaphore(%run_scoped3A : memref<!tpu.dma_semaphore, #tpu.memory_space<semaphore_mem>>)
      %dma_wait3A_34 = arith.constant 0 : i32
      %dma_wait3A_35 = tpu.memref_slice %arg6[%arg0, %mul3A_28, %dma_wait3A_34] : memref<2x10240x128xf32, #tpu.memory_space<hbm>> -> memref<1x640x128xf32, #tpu.memory_space<hbm>>
      %dma_wait3A_36 = tpu.memref_squeeze %dma_wait3A_35 : memref<1x640x128xf32, #tpu.memory_space<hbm>> -> memref<640x128xf32, #tpu.memory_space<hbm>>
      %dma_wait3A_37 = arith.constant 0 : i32
      %dma_wait3A_38 = tpu.memref_slice %arg7[%mul3A_26, %dma_wait3A_37] : memref<10240x128xf32, #tpu.memory_space<vmem_shared>> -> memref<640x128xf32, #tpu.memory_space<vmem_shared>>
      tpu.wait_dma2 semaphore(%run_scoped3A : memref<!tpu.dma_semaphore, #tpu.memory_space<semaphore_mem>>) src(%dma_wait3A_38 : memref<640x128xf32, #tpu.memory_space<vmem_shared>>) dst(%dma_wait3A_36 : memref<640x128xf32, #tpu.memory_space<hbm>>)
      tpu.yield
    }) : () -> ()
    return
  }
}

#map = affine_map<(d0, d1) -> (0, 0)>
#map1 = affine_map<(d0, d1) -> (0)>
#map2 = affine_map<(d0, d1) -> (0, 0, 0)>
module attributes {stable_mosaic.version = 14 : i64} {
  func.func @_scat_body(%arg0: i32, %arg1: i32, %arg2: memref<10000x128xf32, #tpu.memory_space<hbm>>, %arg3: memref<320000xi32, #tpu.memory_space<hbm>>, %arg4: memref<320000xi32, #tpu.memory_space<hbm>>, %arg5: memref<10240x128xf32, #tpu.memory_space<hbm>>, %arg6: memref<2x10240x128xf32, #tpu.memory_space<hbm>>, %arg7: memref<10240x128xf32, #tpu.memory_space<vmem_shared>>, %arg8: memref<80xi32, #tpu.memory_space<vmem>>, %arg9: memref<80xi32, #tpu.memory_space<vmem>>, %arg10: memref<80xi32, #tpu.memory_space<vmem>>, %arg11: memref<80xi32, #tpu.memory_space<vmem>>, %arg12: memref<80x128xf32, #tpu.memory_space<vmem>>, %arg13: memref<80x128xf32, #tpu.memory_space<vmem>>, %arg14: memref<!tpu.dma_semaphore, #tpu.memory_space<semaphore_mem>>, %arg15: memref<!tpu.dma_semaphore, #tpu.memory_space<semaphore_mem>>, %arg16: memref<!tpu.dma_semaphore, #tpu.memory_space<semaphore_mem>>, %arg17: memref<!tpu.dma_semaphore, #tpu.memory_space<semaphore_mem>>) attributes {dimension_semantics = [#tpu.dimension_semantics<core_parallel>, #tpu.dimension_semantics<subcore_parallel>], iteration_bounds = array<i64: 2, 16>, scalar_prefetch = 0 : i64, scratch_operands = 11 : i64, tpu.core_type = #tpu.core_type<sc_vector_subcore>, window_params = [{transform_indices = #map}, {transform_indices = #map1}, {transform_indices = #map1}, {transform_indices = #map}, {transform_indices = #map2}]} {
    %mul3A = arith.constant 2 : i32
    %mul3A_0 = arith.muli %arg1, %mul3A : i32
    %add3A = arith.addi %mul3A_0, %arg0 : i32
    %mul3A_1 = arith.constant 10000 : i32
    %mul3A_2 = arith.muli %add3A, %mul3A_1 : i32
    %mul3A_3 = arith.constant 640 : i32
    %mul3A_4 = arith.muli %arg1, %mul3A_3 : i32
    %mul3A_5 = arith.constant 640 : i32
    %mul3A_6 = arith.muli %arg1, %mul3A_5 : i32
    "tpu.region"() ({
      %run_scoped3A = tpu.sem_alloc : memref<!tpu.dma_semaphore, #tpu.memory_space<semaphore_mem>>
      %dma_start3A_29 = arith.constant 0 : i32
      %dma_start3A_30 = tpu.memref_slice %arg7[%mul3A_6, %dma_start3A_29] : memref<10240x128xf32, #tpu.memory_space<vmem_shared>> -> memref<640x128xf32, #tpu.memory_space<vmem_shared>>
      %dma_start3A_31 = arith.constant 0 : i32
      %dma_start3A_32 = tpu.memref_slice %arg5[%mul3A_4, %dma_start3A_31] : memref<10240x128xf32, #tpu.memory_space<hbm>> -> memref<640x128xf32, #tpu.memory_space<hbm>>
      tpu.enqueue_dma source(%dma_start3A_32 : memref<640x128xf32, #tpu.memory_space<hbm>>) target(%dma_start3A_30 : memref<640x128xf32, #tpu.memory_space<vmem_shared>>) target_semaphore(%run_scoped3A : memref<!tpu.dma_semaphore, #tpu.memory_space<semaphore_mem>>)
      %dma_wait3A_33 = arith.constant 0 : i32
      %dma_wait3A_34 = tpu.memref_slice %arg7[%mul3A_6, %dma_wait3A_33] : memref<10240x128xf32, #tpu.memory_space<vmem_shared>> -> memref<640x128xf32, #tpu.memory_space<vmem_shared>>
      %dma_wait3A_35 = arith.constant 0 : i32
      %dma_wait3A_36 = tpu.memref_slice %arg5[%mul3A_4, %dma_wait3A_35] : memref<10240x128xf32, #tpu.memory_space<hbm>> -> memref<640x128xf32, #tpu.memory_space<hbm>>
      tpu.wait_dma2 semaphore(%run_scoped3A : memref<!tpu.dma_semaphore, #tpu.memory_space<semaphore_mem>>) src(%dma_wait3A_36 : memref<640x128xf32, #tpu.memory_space<hbm>>) dst(%dma_wait3A_34 : memref<640x128xf32, #tpu.memory_space<vmem_shared>>)
      tpu.yield
    }) : () -> ()
    %barrier3A = arith.constant 0 : index
    tpu.barrier barrier_id(%barrier3A)
    "tpu.region"() ({
      %run_scoped3A = tpu.sem_alloc : memref<!tpu.dma_semaphore, #tpu.memory_space<semaphore_mem>>
      %dma_start3A_29 = tpu.memref_slice %arg3[%mul3A_2] : memref<320000xi32, #tpu.memory_space<hbm>> -> memref<80xi32, #tpu.memory_space<hbm>>
      %dma_start3A_30 = tpu.memref_slice %arg3[%mul3A_2] : memref<320000xi32, #tpu.memory_space<hbm>> -> memref<80xi32, #tpu.memory_space<hbm>>
      tpu.enqueue_dma source(%dma_start3A_30 : memref<80xi32, #tpu.memory_space<hbm>>) target(%arg8 : memref<80xi32, #tpu.memory_space<vmem>>) target_semaphore(%run_scoped3A : memref<!tpu.dma_semaphore, #tpu.memory_space<semaphore_mem>>)
      %dma_wait3A_31 = tpu.memref_slice %arg3[%mul3A_2] : memref<320000xi32, #tpu.memory_space<hbm>> -> memref<80xi32, #tpu.memory_space<hbm>>
      %dma_wait3A_32 = tpu.memref_slice %arg3[%mul3A_2] : memref<320000xi32, #tpu.memory_space<hbm>> -> memref<80xi32, #tpu.memory_space<hbm>>
      tpu.wait_dma2 semaphore(%run_scoped3A : memref<!tpu.dma_semaphore, #tpu.memory_space<semaphore_mem>>) src(%dma_wait3A_32 : memref<80xi32, #tpu.memory_space<hbm>>) dst(%arg8 : memref<80xi32, #tpu.memory_space<vmem>>)
      tpu.yield
    }) : () -> ()
    "tpu.region"() ({
      %run_scoped3A = tpu.sem_alloc : memref<!tpu.dma_semaphore, #tpu.memory_space<semaphore_mem>>
      %dma_start3A_29 = tpu.memref_slice %arg4[%mul3A_2] : memref<320000xi32, #tpu.memory_space<hbm>> -> memref<80xi32, #tpu.memory_space<hbm>>
      %dma_start3A_30 = tpu.memref_slice %arg4[%mul3A_2] : memref<320000xi32, #tpu.memory_space<hbm>> -> memref<80xi32, #tpu.memory_space<hbm>>
      tpu.enqueue_dma source(%dma_start3A_30 : memref<80xi32, #tpu.memory_space<hbm>>) target(%arg10 : memref<80xi32, #tpu.memory_space<vmem>>) target_semaphore(%run_scoped3A : memref<!tpu.dma_semaphore, #tpu.memory_space<semaphore_mem>>)
      %dma_wait3A_31 = tpu.memref_slice %arg4[%mul3A_2] : memref<320000xi32, #tpu.memory_space<hbm>> -> memref<80xi32, #tpu.memory_space<hbm>>
      %dma_wait3A_32 = tpu.memref_slice %arg4[%mul3A_2] : memref<320000xi32, #tpu.memory_space<hbm>> -> memref<80xi32, #tpu.memory_space<hbm>>
      tpu.wait_dma2 semaphore(%run_scoped3A : memref<!tpu.dma_semaphore, #tpu.memory_space<semaphore_mem>>) src(%dma_wait3A_32 : memref<80xi32, #tpu.memory_space<hbm>>) dst(%arg10 : memref<80xi32, #tpu.memory_space<vmem>>)
      tpu.yield
    }) : () -> ()
    %dma_start3A = arith.constant 0 : i32
    %dma_start3A_7 = arith.constant 0 : i32
    %dma_start3A_8 = tpu.memref_slice %arg2[%dma_start3A, %dma_start3A_7] : memref<10000x128xf32, #tpu.memory_space<hbm>> -> memref<10000x128xf32, #tpu.memory_space<hbm>>
    tpu.enqueue_indirect_dma source(%dma_start3A_8 : memref<10000x128xf32, #tpu.memory_space<hbm>>) target(%arg12 : memref<80x128xf32, #tpu.memory_space<vmem>>) offsets(%arg8 : memref<80xi32, #tpu.memory_space<vmem>>) semaphore(%arg16 : memref<!tpu.dma_semaphore, #tpu.memory_space<semaphore_mem>>)
    %add3A_9 = arith.constant 80 : i32
    %add3A_10 = arith.addi %mul3A_2, %add3A_9 : i32
    %dma_start3A_11 = tpu.memref_slice %arg3[%add3A_10] : memref<320000xi32, #tpu.memory_space<hbm>> -> memref<80xi32, #tpu.memory_space<hbm>>
    %dma_start3A_12 = tpu.memref_slice %arg3[%add3A_10] : memref<320000xi32, #tpu.memory_space<hbm>> -> memref<80xi32, #tpu.memory_space<hbm>>
    tpu.enqueue_dma source(%dma_start3A_12 : memref<80xi32, #tpu.memory_space<hbm>>) target(%arg9 : memref<80xi32, #tpu.memory_space<vmem>>) target_semaphore(%arg15 : memref<!tpu.dma_semaphore, #tpu.memory_space<semaphore_mem>>)
    %add3A_13 = arith.constant 80 : i32
    %add3A_14 = arith.addi %mul3A_2, %add3A_13 : i32
    %dma_start3A_15 = tpu.memref_slice %arg4[%add3A_14] : memref<320000xi32, #tpu.memory_space<hbm>> -> memref<80xi32, #tpu.memory_space<hbm>>
    %dma_start3A_16 = tpu.memref_slice %arg4[%add3A_14] : memref<320000xi32, #tpu.memory_space<hbm>> -> memref<80xi32, #tpu.memory_space<hbm>>
    tpu.enqueue_dma source(%dma_start3A_16 : memref<80xi32, #tpu.memory_space<hbm>>) target(%arg11 : memref<80xi32, #tpu.memory_space<vmem>>) target_semaphore(%arg15 : memref<!tpu.dma_semaphore, #tpu.memory_space<semaphore_mem>>)
    %scan3A = arith.constant 0 : i32
    %scan3A_17 = arith.constant 0 : i32
    %scan3A_18 = arith.constant 62 : i32
    %scan3A_19 = arith.addi %scan3A_17, %scan3A_18 : i32
    %scan3A_20 = arith.constant 1 : i32
    scf.for %scan3A_29 = %scan3A_17 to %scan3A_19 step %scan3A_20  : i32 {
      %mul3A_30 = arith.constant 2 : i32
      %mul3A_31 = arith.muli %mul3A_30, %scan3A_29 : i32
      %add3A_32 = arith.constant 1 : i32
      %add3A_33 = arith.addi %mul3A_31, %add3A_32 : i32
      %mul3A_34 = arith.constant 80 : i32
      %mul3A_35 = arith.muli %add3A_33, %mul3A_34 : i32
      %add3A_36 = arith.addi %mul3A_2, %mul3A_35 : i32
      %add3A_37 = arith.constant 2 : i32
      %add3A_38 = arith.addi %mul3A_31, %add3A_37 : i32
      %mul3A_39 = arith.constant 80 : i32
      %mul3A_40 = arith.muli %add3A_38, %mul3A_39 : i32
      %add3A_41 = arith.addi %mul3A_2, %mul3A_40 : i32
      %dma_wait3A_42 = tpu.memref_slice %arg3[%add3A_36] : memref<320000xi32, #tpu.memory_space<hbm>> -> memref<80xi32, #tpu.memory_space<hbm>>
      %dma_wait3A_43 = tpu.memref_slice %arg3[%add3A_36] : memref<320000xi32, #tpu.memory_space<hbm>> -> memref<80xi32, #tpu.memory_space<hbm>>
      tpu.wait_dma2 semaphore(%arg15 : memref<!tpu.dma_semaphore, #tpu.memory_space<semaphore_mem>>) src(%dma_wait3A_43 : memref<80xi32, #tpu.memory_space<hbm>>) dst(%arg9 : memref<80xi32, #tpu.memory_space<vmem>>)
      %dma_wait3A_44 = tpu.memref_slice %arg4[%add3A_36] : memref<320000xi32, #tpu.memory_space<hbm>> -> memref<80xi32, #tpu.memory_space<hbm>>
      %dma_wait3A_45 = tpu.memref_slice %arg4[%add3A_36] : memref<320000xi32, #tpu.memory_space<hbm>> -> memref<80xi32, #tpu.memory_space<hbm>>
      tpu.wait_dma2 semaphore(%arg15 : memref<!tpu.dma_semaphore, #tpu.memory_space<semaphore_mem>>) src(%dma_wait3A_45 : memref<80xi32, #tpu.memory_space<hbm>>) dst(%arg11 : memref<80xi32, #tpu.memory_space<vmem>>)
      %dma_start3A_46 = arith.constant 0 : i32
      %dma_start3A_47 = arith.constant 0 : i32
      %dma_start3A_48 = tpu.memref_slice %arg2[%dma_start3A_46, %dma_start3A_47] : memref<10000x128xf32, #tpu.memory_space<hbm>> -> memref<10000x128xf32, #tpu.memory_space<hbm>>
      tpu.enqueue_indirect_dma source(%dma_start3A_48 : memref<10000x128xf32, #tpu.memory_space<hbm>>) target(%arg13 : memref<80x128xf32, #tpu.memory_space<vmem>>) offsets(%arg9 : memref<80xi32, #tpu.memory_space<vmem>>) semaphore(%arg17 : memref<!tpu.dma_semaphore, #tpu.memory_space<semaphore_mem>>)
      %dma_wait3A_49 = arith.constant 0 : i32
      %dma_wait3A_50 = arith.constant 0 : i32
      %dma_wait3A_51 = tpu.memref_slice %arg2[%dma_wait3A_49, %dma_wait3A_50] : memref<10000x128xf32, #tpu.memory_space<hbm>> -> memref<10000x128xf32, #tpu.memory_space<hbm>>
      tpu.wait_indirect_dma semaphore(%arg16 : memref<!tpu.dma_semaphore, #tpu.memory_space<semaphore_mem>>) src(%dma_wait3A_51 : memref<10000x128xf32, #tpu.memory_space<hbm>>) dst(%arg12 : memref<80x128xf32, #tpu.memory_space<vmem>>)
      "tpu.region"() ({
        %run_scoped3A = tpu.sem_alloc : memref<!tpu.dma_semaphore, #tpu.memory_space<semaphore_mem>>
        %dma_start3A_70 = arith.constant 0 : i32
        %dma_start3A_71 = arith.constant 0 : i32
        %dma_start3A_72 = tpu.memref_slice %arg7[%dma_start3A_70, %dma_start3A_71] : memref<10240x128xf32, #tpu.memory_space<vmem_shared>> -> memref<10240x128xf32, #tpu.memory_space<vmem_shared>>
        tpu.enqueue_indirect_dma source(%arg12 : memref<80x128xf32, #tpu.memory_space<vmem>>) target(%dma_start3A_72 : memref<10240x128xf32, #tpu.memory_space<vmem_shared>>) offsets(%arg10 : memref<80xi32, #tpu.memory_space<vmem>>) semaphore(%run_scoped3A : memref<!tpu.dma_semaphore, #tpu.memory_space<semaphore_mem>>) {add = true}
        %dma_wait3A_73 = arith.constant 0 : i32
        %dma_wait3A_74 = arith.constant 0 : i32
        %dma_wait3A_75 = tpu.memref_slice %arg7[%dma_wait3A_73, %dma_wait3A_74] : memref<10240x128xf32, #tpu.memory_space<vmem_shared>> -> memref<10240x128xf32, #tpu.memory_space<vmem_shared>>
        tpu.wait_indirect_dma semaphore(%run_scoped3A : memref<!tpu.dma_semaphore, #tpu.memory_space<semaphore_mem>>) src(%arg12 : memref<80x128xf32, #tpu.memory_space<vmem>>) dst(%dma_wait3A_75 : memref<10240x128xf32, #tpu.memory_space<vmem_shared>>)
        tpu.yield
      }) : () -> ()
      %dma_start3A_52 = tpu.memref_slice %arg3[%add3A_41] : memref<320000xi32, #tpu.memory_space<hbm>> -> memref<80xi32, #tpu.memory_space<hbm>>
      %dma_start3A_53 = tpu.memref_slice %arg3[%add3A_41] : memref<320000xi32, #tpu.memory_space<hbm>> -> memref<80xi32, #tpu.memory_space<hbm>>
      tpu.enqueue_dma source(%dma_start3A_53 : memref<80xi32, #tpu.memory_space<hbm>>) target(%arg8 : memref<80xi32, #tpu.memory_space<vmem>>) target_semaphore(%arg14 : memref<!tpu.dma_semaphore, #tpu.memory_space<semaphore_mem>>)
      %dma_start3A_54 = tpu.memref_slice %arg4[%add3A_41] : memref<320000xi32, #tpu.memory_space<hbm>> -> memref<80xi32, #tpu.memory_space<hbm>>
      %dma_start3A_55 = tpu.memref_slice %arg4[%add3A_41] : memref<320000xi32, #tpu.memory_space<hbm>> -> memref<80xi32, #tpu.memory_space<hbm>>
      tpu.enqueue_dma source(%dma_start3A_55 : memref<80xi32, #tpu.memory_space<hbm>>) target(%arg10 : memref<80xi32, #tpu.memory_space<vmem>>) target_semaphore(%arg14 : memref<!tpu.dma_semaphore, #tpu.memory_space<semaphore_mem>>)
      %dma_wait3A_56 = tpu.memref_slice %arg3[%add3A_41] : memref<320000xi32, #tpu.memory_space<hbm>> -> memref<80xi32, #tpu.memory_space<hbm>>
      %dma_wait3A_57 = tpu.memref_slice %arg3[%add3A_41] : memref<320000xi32, #tpu.memory_space<hbm>> -> memref<80xi32, #tpu.memory_space<hbm>>
      tpu.wait_dma2 semaphore(%arg14 : memref<!tpu.dma_semaphore, #tpu.memory_space<semaphore_mem>>) src(%dma_wait3A_57 : memref<80xi32, #tpu.memory_space<hbm>>) dst(%arg8 : memref<80xi32, #tpu.memory_space<vmem>>)
      %dma_wait3A_58 = tpu.memref_slice %arg4[%add3A_41] : memref<320000xi32, #tpu.memory_space<hbm>> -> memref<80xi32, #tpu.memory_space<hbm>>
      %dma_wait3A_59 = tpu.memref_slice %arg4[%add3A_41] : memref<320000xi32, #tpu.memory_space<hbm>> -> memref<80xi32, #tpu.memory_space<hbm>>
      tpu.wait_dma2 semaphore(%arg14 : memref<!tpu.dma_semaphore, #tpu.memory_space<semaphore_mem>>) src(%dma_wait3A_59 : memref<80xi32, #tpu.memory_space<hbm>>) dst(%arg10 : memref<80xi32, #tpu.memory_space<vmem>>)
      %dma_start3A_60 = arith.constant 0 : i32
      %dma_start3A_61 = arith.constant 0 : i32
      %dma_start3A_62 = tpu.memref_slice %arg2[%dma_start3A_60, %dma_start3A_61] : memref<10000x128xf32, #tpu.memory_space<hbm>> -> memref<10000x128xf32, #tpu.memory_space<hbm>>
      tpu.enqueue_indirect_dma source(%dma_start3A_62 : memref<10000x128xf32, #tpu.memory_space<hbm>>) target(%arg12 : memref<80x128xf32, #tpu.memory_space<vmem>>) offsets(%arg8 : memref<80xi32, #tpu.memory_space<vmem>>) semaphore(%arg16 : memref<!tpu.dma_semaphore, #tpu.memory_space<semaphore_mem>>)
      %dma_wait3A_63 = arith.constant 0 : i32
      %dma_wait3A_64 = arith.constant 0 : i32
      %dma_wait3A_65 = tpu.memref_slice %arg2[%dma_wait3A_63, %dma_wait3A_64] : memref<10000x128xf32, #tpu.memory_space<hbm>> -> memref<10000x128xf32, #tpu.memory_space<hbm>>
      tpu.wait_indirect_dma semaphore(%arg17 : memref<!tpu.dma_semaphore, #tpu.memory_space<semaphore_mem>>) src(%dma_wait3A_65 : memref<10000x128xf32, #tpu.memory_space<hbm>>) dst(%arg13 : memref<80x128xf32, #tpu.memory_space<vmem>>)
      "tpu.region"() ({
        %run_scoped3A = tpu.sem_alloc : memref<!tpu.dma_semaphore, #tpu.memory_space<semaphore_mem>>
        %dma_start3A_70 = arith.constant 0 : i32
        %dma_start3A_71 = arith.constant 0 : i32
        %dma_start3A_72 = tpu.memref_slice %arg7[%dma_start3A_70, %dma_start3A_71] : memref<10240x128xf32, #tpu.memory_space<vmem_shared>> -> memref<10240x128xf32, #tpu.memory_space<vmem_shared>>
        tpu.enqueue_indirect_dma source(%arg13 : memref<80x128xf32, #tpu.memory_space<vmem>>) target(%dma_start3A_72 : memref<10240x128xf32, #tpu.memory_space<vmem_shared>>) offsets(%arg11 : memref<80xi32, #tpu.memory_space<vmem>>) semaphore(%run_scoped3A : memref<!tpu.dma_semaphore, #tpu.memory_space<semaphore_mem>>) {add = true}
        %dma_wait3A_73 = arith.constant 0 : i32
        %dma_wait3A_74 = arith.constant 0 : i32
        %dma_wait3A_75 = tpu.memref_slice %arg7[%dma_wait3A_73, %dma_wait3A_74] : memref<10240x128xf32, #tpu.memory_space<vmem_shared>> -> memref<10240x128xf32, #tpu.memory_space<vmem_shared>>
        tpu.wait_indirect_dma semaphore(%run_scoped3A : memref<!tpu.dma_semaphore, #tpu.memory_space<semaphore_mem>>) src(%arg13 : memref<80x128xf32, #tpu.memory_space<vmem>>) dst(%dma_wait3A_75 : memref<10240x128xf32, #tpu.memory_space<vmem_shared>>)
        tpu.yield
      }) : () -> ()
      %add3A_66 = arith.constant 3 : i32
      %add3A_67 = arith.addi %mul3A_31, %add3A_66 : i32
      %lt3A = arith.constant 125 : i32
      %lt3A_68 = arith.cmpi slt, %add3A_67, %lt3A : i32
      %convert_element_type3A = arith.extui %lt3A_68 : i1 to i32
      %cond3A = arith.constant 0 : i32
      %cond3A_69 = arith.cmpi ne, %convert_element_type3A, %cond3A : i32
      scf.if %cond3A_69 {
        %add3A_70 = arith.constant 3 : i32
        %add3A_71 = arith.addi %mul3A_31, %add3A_70 : i32
        %mul3A_72 = arith.constant 80 : i32
        %mul3A_73 = arith.muli %add3A_71, %mul3A_72 : i32
        %add3A_74 = arith.addi %mul3A_2, %mul3A_73 : i32
        %dma_start3A_75 = tpu.memref_slice %arg3[%add3A_74] : memref<320000xi32, #tpu.memory_space<hbm>> -> memref<80xi32, #tpu.memory_space<hbm>>
        %dma_start3A_76 = tpu.memref_slice %arg3[%add3A_74] : memref<320000xi32, #tpu.memory_space<hbm>> -> memref<80xi32, #tpu.memory_space<hbm>>
        tpu.enqueue_dma source(%dma_start3A_76 : memref<80xi32, #tpu.memory_space<hbm>>) target(%arg9 : memref<80xi32, #tpu.memory_space<vmem>>) target_semaphore(%arg15 : memref<!tpu.dma_semaphore, #tpu.memory_space<semaphore_mem>>)
        %dma_start3A_77 = tpu.memref_slice %arg4[%add3A_74] : memref<320000xi32, #tpu.memory_space<hbm>> -> memref<80xi32, #tpu.memory_space<hbm>>
        %dma_start3A_78 = tpu.memref_slice %arg4[%add3A_74] : memref<320000xi32, #tpu.memory_space<hbm>> -> memref<80xi32, #tpu.memory_space<hbm>>
        tpu.enqueue_dma source(%dma_start3A_78 : memref<80xi32, #tpu.memory_space<hbm>>) target(%arg11 : memref<80xi32, #tpu.memory_space<vmem>>) target_semaphore(%arg15 : memref<!tpu.dma_semaphore, #tpu.memory_space<semaphore_mem>>)
      } else {
      }
    }
    %scan3A_21 = arith.constant 62 : i32
    %dma_wait3A = arith.constant 0 : i32
    %dma_wait3A_22 = arith.constant 0 : i32
    %dma_wait3A_23 = tpu.memref_slice %arg2[%dma_wait3A, %dma_wait3A_22] : memref<10000x128xf32, #tpu.memory_space<hbm>> -> memref<10000x128xf32, #tpu.memory_space<hbm>>
    tpu.wait_indirect_dma semaphore(%arg16 : memref<!tpu.dma_semaphore, #tpu.memory_space<semaphore_mem>>) src(%dma_wait3A_23 : memref<10000x128xf32, #tpu.memory_space<hbm>>) dst(%arg12 : memref<80x128xf32, #tpu.memory_space<vmem>>)
    "tpu.region"() ({
      %run_scoped3A = tpu.sem_alloc : memref<!tpu.dma_semaphore, #tpu.memory_space<semaphore_mem>>
      %dma_start3A_29 = arith.constant 0 : i32
      %dma_start3A_30 = arith.constant 0 : i32
      %dma_start3A_31 = tpu.memref_slice %arg7[%dma_start3A_29, %dma_start3A_30] : memref<10240x128xf32, #tpu.memory_space<vmem_shared>> -> memref<10240x128xf32, #tpu.memory_space<vmem_shared>>
      tpu.enqueue_indirect_dma source(%arg12 : memref<80x128xf32, #tpu.memory_space<vmem>>) target(%dma_start3A_31 : memref<10240x128xf32, #tpu.memory_space<vmem_shared>>) offsets(%arg10 : memref<80xi32, #tpu.memory_space<vmem>>) semaphore(%run_scoped3A : memref<!tpu.dma_semaphore, #tpu.memory_space<semaphore_mem>>) {add = true}
      %dma_wait3A_32 = arith.constant 0 : i32
      %dma_wait3A_33 = arith.constant 0 : i32
      %dma_wait3A_34 = tpu.memref_slice %arg7[%dma_wait3A_32, %dma_wait3A_33] : memref<10240x128xf32, #tpu.memory_space<vmem_shared>> -> memref<10240x128xf32, #tpu.memory_space<vmem_shared>>
      tpu.wait_indirect_dma semaphore(%run_scoped3A : memref<!tpu.dma_semaphore, #tpu.memory_space<semaphore_mem>>) src(%arg12 : memref<80x128xf32, #tpu.memory_space<vmem>>) dst(%dma_wait3A_34 : memref<10240x128xf32, #tpu.memory_space<vmem_shared>>)
      tpu.yield
    }) : () -> ()
    %barrier3A_24 = arith.constant 0 : index
    tpu.barrier barrier_id(%barrier3A_24)
    %mul3A_25 = arith.constant 640 : i32
    %mul3A_26 = arith.muli %arg1, %mul3A_25 : i32
    %mul3A_27 = arith.constant 640 : i32
    %mul3A_28 = arith.muli %arg1, %mul3A_27 : i32
    "tpu.region"() ({
      %run_scoped3A = tpu.sem_alloc : memref<!tpu.dma_semaphore, #tpu.memory_space<semaphore_mem>>
      %dma_start3A_29 = arith.constant 0 : i32
      %dma_start3A_30 = tpu.memref_slice %arg6[%arg0, %mul3A_28, %dma_start3A_29] : memref<2x10240x128xf32, #tpu.memory_space<hbm>> -> memref<1x640x128xf32, #tpu.memory_space<hbm>>
      %dma_start3A_31 = tpu.memref_squeeze %dma_start3A_30 : memref<1x640x128xf32, #tpu.memory_space<hbm>> -> memref<640x128xf32, #tpu.memory_space<hbm>>
      %dma_start3A_32 = arith.constant 0 : i32
      %dma_start3A_33 = tpu.memref_slice %arg7[%mul3A_26, %dma_start3A_32] : memref<10240x128xf32, #tpu.memory_space<vmem_shared>> -> memref<640x128xf32, #tpu.memory_space<vmem_shared>>
      tpu.enqueue_dma source(%dma_start3A_33 : memref<640x128xf32, #tpu.memory_space<vmem_shared>>) target(%dma_start3A_31 : memref<640x128xf32, #tpu.memory_space<hbm>>) target_semaphore(%run_scoped3A : memref<!tpu.dma_semaphore, #tpu.memory_space<semaphore_mem>>)
      %dma_wait3A_34 = arith.constant 0 : i32
      %dma_wait3A_35 = tpu.memref_slice %arg6[%arg0, %mul3A_28, %dma_wait3A_34] : memref<2x10240x128xf32, #tpu.memory_space<hbm>> -> memref<1x640x128xf32, #tpu.memory_space<hbm>>
      %dma_wait3A_36 = tpu.memref_squeeze %dma_wait3A_35 : memref<1x640x128xf32, #tpu.memory_space<hbm>> -> memref<640x128xf32, #tpu.memory_space<hbm>>
      %dma_wait3A_37 = arith.constant 0 : i32
      %dma_wait3A_38 = tpu.memref_slice %arg7[%mul3A_26, %dma_wait3A_37] : memref<10240x128xf32, #tpu.memory_space<vmem_shared>> -> memref<640x128xf32, #tpu.memory_space<vmem_shared>>
      tpu.wait_dma2 semaphore(%run_scoped3A : memref<!tpu.dma_semaphore, #tpu.memory_space<semaphore_mem>>) src(%dma_wait3A_38 : memref<640x128xf32, #tpu.memory_space<vmem_shared>>) dst(%dma_wait3A_36 : memref<640x128xf32, #tpu.memory_space<hbm>>)
      tpu.yield
    }) : () -> ()
    return
  }
}

#map = affine_map<(d0, d1) -> (0, 0)>
#map1 = affine_map<(d0, d1) -> (0)>
#map2 = affine_map<(d0, d1) -> (0, 0, 0)>
module attributes {stable_mosaic.version = 14 : i64} {
  func.func @_scat_body(%arg0: i32, %arg1: i32, %arg2: memref<10000x128xf32, #tpu.memory_space<hbm>>, %arg3: memref<320000xi32, #tpu.memory_space<hbm>>, %arg4: memref<320000xi32, #tpu.memory_space<hbm>>, %arg5: memref<10240x128xf32, #tpu.memory_space<hbm>>, %arg6: memref<2x10240x128xf32, #tpu.memory_space<hbm>>, %arg7: memref<10240x128xf32, #tpu.memory_space<vmem_shared>>, %arg8: memref<80xi32, #tpu.memory_space<vmem>>, %arg9: memref<80xi32, #tpu.memory_space<vmem>>, %arg10: memref<80xi32, #tpu.memory_space<vmem>>, %arg11: memref<80xi32, #tpu.memory_space<vmem>>, %arg12: memref<80x128xf32, #tpu.memory_space<vmem>>, %arg13: memref<80x128xf32, #tpu.memory_space<vmem>>, %arg14: memref<!tpu.dma_semaphore, #tpu.memory_space<semaphore_mem>>, %arg15: memref<!tpu.dma_semaphore, #tpu.memory_space<semaphore_mem>>, %arg16: memref<!tpu.dma_semaphore, #tpu.memory_space<semaphore_mem>>, %arg17: memref<!tpu.dma_semaphore, #tpu.memory_space<semaphore_mem>>) attributes {dimension_semantics = [#tpu.dimension_semantics<core_parallel>, #tpu.dimension_semantics<subcore_parallel>], iteration_bounds = array<i64: 2, 16>, scalar_prefetch = 0 : i64, scratch_operands = 11 : i64, tpu.core_type = #tpu.core_type<sc_vector_subcore>, window_params = [{transform_indices = #map}, {transform_indices = #map1}, {transform_indices = #map1}, {transform_indices = #map}, {transform_indices = #map2}]} {
    %mul3A = arith.constant 2 : i32
    %mul3A_0 = arith.muli %arg1, %mul3A : i32
    %add3A = arith.addi %mul3A_0, %arg0 : i32
    %mul3A_1 = arith.constant 10000 : i32
    %mul3A_2 = arith.muli %add3A, %mul3A_1 : i32
    %mul3A_3 = arith.constant 640 : i32
    %mul3A_4 = arith.muli %arg1, %mul3A_3 : i32
    %mul3A_5 = arith.constant 640 : i32
    %mul3A_6 = arith.muli %arg1, %mul3A_5 : i32
    "tpu.region"() ({
      %run_scoped3A = tpu.sem_alloc : memref<!tpu.dma_semaphore, #tpu.memory_space<semaphore_mem>>
      %dma_start3A_29 = arith.constant 0 : i32
      %dma_start3A_30 = tpu.memref_slice %arg7[%mul3A_6, %dma_start3A_29] : memref<10240x128xf32, #tpu.memory_space<vmem_shared>> -> memref<640x128xf32, #tpu.memory_space<vmem_shared>>
      %dma_start3A_31 = arith.constant 0 : i32
      %dma_start3A_32 = tpu.memref_slice %arg5[%mul3A_4, %dma_start3A_31] : memref<10240x128xf32, #tpu.memory_space<hbm>> -> memref<640x128xf32, #tpu.memory_space<hbm>>
      tpu.enqueue_dma source(%dma_start3A_32 : memref<640x128xf32, #tpu.memory_space<hbm>>) target(%dma_start3A_30 : memref<640x128xf32, #tpu.memory_space<vmem_shared>>) target_semaphore(%run_scoped3A : memref<!tpu.dma_semaphore, #tpu.memory_space<semaphore_mem>>)
      %dma_wait3A_33 = arith.constant 0 : i32
      %dma_wait3A_34 = tpu.memref_slice %arg7[%mul3A_6, %dma_wait3A_33] : memref<10240x128xf32, #tpu.memory_space<vmem_shared>> -> memref<640x128xf32, #tpu.memory_space<vmem_shared>>
      %dma_wait3A_35 = arith.constant 0 : i32
      %dma_wait3A_36 = tpu.memref_slice %arg5[%mul3A_4, %dma_wait3A_35] : memref<10240x128xf32, #tpu.memory_space<hbm>> -> memref<640x128xf32, #tpu.memory_space<hbm>>
      tpu.wait_dma2 semaphore(%run_scoped3A : memref<!tpu.dma_semaphore, #tpu.memory_space<semaphore_mem>>) src(%dma_wait3A_36 : memref<640x128xf32, #tpu.memory_space<hbm>>) dst(%dma_wait3A_34 : memref<640x128xf32, #tpu.memory_space<vmem_shared>>)
      tpu.yield
    }) : () -> ()
    %barrier3A = arith.constant 0 : index
    tpu.barrier barrier_id(%barrier3A)
    "tpu.region"() ({
      %run_scoped3A = tpu.sem_alloc : memref<!tpu.dma_semaphore, #tpu.memory_space<semaphore_mem>>
      %dma_start3A_29 = tpu.memref_slice %arg3[%mul3A_2] : memref<320000xi32, #tpu.memory_space<hbm>> -> memref<80xi32, #tpu.memory_space<hbm>>
      %dma_start3A_30 = tpu.memref_slice %arg3[%mul3A_2] : memref<320000xi32, #tpu.memory_space<hbm>> -> memref<80xi32, #tpu.memory_space<hbm>>
      tpu.enqueue_dma source(%dma_start3A_30 : memref<80xi32, #tpu.memory_space<hbm>>) target(%arg8 : memref<80xi32, #tpu.memory_space<vmem>>) target_semaphore(%run_scoped3A : memref<!tpu.dma_semaphore, #tpu.memory_space<semaphore_mem>>)
      %dma_wait3A_31 = tpu.memref_slice %arg3[%mul3A_2] : memref<320000xi32, #tpu.memory_space<hbm>> -> memref<80xi32, #tpu.memory_space<hbm>>
      %dma_wait3A_32 = tpu.memref_slice %arg3[%mul3A_2] : memref<320000xi32, #tpu.memory_space<hbm>> -> memref<80xi32, #tpu.memory_space<hbm>>
      tpu.wait_dma2 semaphore(%run_scoped3A : memref<!tpu.dma_semaphore, #tpu.memory_space<semaphore_mem>>) src(%dma_wait3A_32 : memref<80xi32, #tpu.memory_space<hbm>>) dst(%arg8 : memref<80xi32, #tpu.memory_space<vmem>>)
      tpu.yield
    }) : () -> ()
    "tpu.region"() ({
      %run_scoped3A = tpu.sem_alloc : memref<!tpu.dma_semaphore, #tpu.memory_space<semaphore_mem>>
      %dma_start3A_29 = tpu.memref_slice %arg4[%mul3A_2] : memref<320000xi32, #tpu.memory_space<hbm>> -> memref<80xi32, #tpu.memory_space<hbm>>
      %dma_start3A_30 = tpu.memref_slice %arg4[%mul3A_2] : memref<320000xi32, #tpu.memory_space<hbm>> -> memref<80xi32, #tpu.memory_space<hbm>>
      tpu.enqueue_dma source(%dma_start3A_30 : memref<80xi32, #tpu.memory_space<hbm>>) target(%arg10 : memref<80xi32, #tpu.memory_space<vmem>>) target_semaphore(%run_scoped3A : memref<!tpu.dma_semaphore, #tpu.memory_space<semaphore_mem>>)
      %dma_wait3A_31 = tpu.memref_slice %arg4[%mul3A_2] : memref<320000xi32, #tpu.memory_space<hbm>> -> memref<80xi32, #tpu.memory_space<hbm>>
      %dma_wait3A_32 = tpu.memref_slice %arg4[%mul3A_2] : memref<320000xi32, #tpu.memory_space<hbm>> -> memref<80xi32, #tpu.memory_space<hbm>>
      tpu.wait_dma2 semaphore(%run_scoped3A : memref<!tpu.dma_semaphore, #tpu.memory_space<semaphore_mem>>) src(%dma_wait3A_32 : memref<80xi32, #tpu.memory_space<hbm>>) dst(%arg10 : memref<80xi32, #tpu.memory_space<vmem>>)
      tpu.yield
    }) : () -> ()
    %dma_start3A = arith.constant 0 : i32
    %dma_start3A_7 = arith.constant 0 : i32
    %dma_start3A_8 = tpu.memref_slice %arg2[%dma_start3A, %dma_start3A_7] : memref<10000x128xf32, #tpu.memory_space<hbm>> -> memref<10000x128xf32, #tpu.memory_space<hbm>>
    tpu.enqueue_indirect_dma source(%dma_start3A_8 : memref<10000x128xf32, #tpu.memory_space<hbm>>) target(%arg12 : memref<80x128xf32, #tpu.memory_space<vmem>>) offsets(%arg8 : memref<80xi32, #tpu.memory_space<vmem>>) semaphore(%arg16 : memref<!tpu.dma_semaphore, #tpu.memory_space<semaphore_mem>>)
    %add3A_9 = arith.constant 80 : i32
    %add3A_10 = arith.addi %mul3A_2, %add3A_9 : i32
    %dma_start3A_11 = tpu.memref_slice %arg3[%add3A_10] : memref<320000xi32, #tpu.memory_space<hbm>> -> memref<80xi32, #tpu.memory_space<hbm>>
    %dma_start3A_12 = tpu.memref_slice %arg3[%add3A_10] : memref<320000xi32, #tpu.memory_space<hbm>> -> memref<80xi32, #tpu.memory_space<hbm>>
    tpu.enqueue_dma source(%dma_start3A_12 : memref<80xi32, #tpu.memory_space<hbm>>) target(%arg9 : memref<80xi32, #tpu.memory_space<vmem>>) target_semaphore(%arg15 : memref<!tpu.dma_semaphore, #tpu.memory_space<semaphore_mem>>)
    %add3A_13 = arith.constant 80 : i32
    %add3A_14 = arith.addi %mul3A_2, %add3A_13 : i32
    %dma_start3A_15 = tpu.memref_slice %arg4[%add3A_14] : memref<320000xi32, #tpu.memory_space<hbm>> -> memref<80xi32, #tpu.memory_space<hbm>>
    %dma_start3A_16 = tpu.memref_slice %arg4[%add3A_14] : memref<320000xi32, #tpu.memory_space<hbm>> -> memref<80xi32, #tpu.memory_space<hbm>>
    tpu.enqueue_dma source(%dma_start3A_16 : memref<80xi32, #tpu.memory_space<hbm>>) target(%arg11 : memref<80xi32, #tpu.memory_space<vmem>>) target_semaphore(%arg15 : memref<!tpu.dma_semaphore, #tpu.memory_space<semaphore_mem>>)
    %scan3A = arith.constant 0 : i32
    %scan3A_17 = arith.constant 0 : i32
    %scan3A_18 = arith.constant 62 : i32
    %scan3A_19 = arith.addi %scan3A_17, %scan3A_18 : i32
    %scan3A_20 = arith.constant 1 : i32
    scf.for %scan3A_29 = %scan3A_17 to %scan3A_19 step %scan3A_20  : i32 {
      %mul3A_30 = arith.constant 2 : i32
      %mul3A_31 = arith.muli %mul3A_30, %scan3A_29 : i32
      %add3A_32 = arith.constant 1 : i32
      %add3A_33 = arith.addi %mul3A_31, %add3A_32 : i32
      %mul3A_34 = arith.constant 80 : i32
      %mul3A_35 = arith.muli %add3A_33, %mul3A_34 : i32
      %add3A_36 = arith.addi %mul3A_2, %mul3A_35 : i32
      %add3A_37 = arith.constant 2 : i32
      %add3A_38 = arith.addi %mul3A_31, %add3A_37 : i32
      %mul3A_39 = arith.constant 80 : i32
      %mul3A_40 = arith.muli %add3A_38, %mul3A_39 : i32
      %add3A_41 = arith.addi %mul3A_2, %mul3A_40 : i32
      %dma_wait3A_42 = tpu.memref_slice %arg3[%add3A_36] : memref<320000xi32, #tpu.memory_space<hbm>> -> memref<80xi32, #tpu.memory_space<hbm>>
      %dma_wait3A_43 = tpu.memref_slice %arg3[%add3A_36] : memref<320000xi32, #tpu.memory_space<hbm>> -> memref<80xi32, #tpu.memory_space<hbm>>
      tpu.wait_dma2 semaphore(%arg15 : memref<!tpu.dma_semaphore, #tpu.memory_space<semaphore_mem>>) src(%dma_wait3A_43 : memref<80xi32, #tpu.memory_space<hbm>>) dst(%arg9 : memref<80xi32, #tpu.memory_space<vmem>>)
      %dma_wait3A_44 = tpu.memref_slice %arg4[%add3A_36] : memref<320000xi32, #tpu.memory_space<hbm>> -> memref<80xi32, #tpu.memory_space<hbm>>
      %dma_wait3A_45 = tpu.memref_slice %arg4[%add3A_36] : memref<320000xi32, #tpu.memory_space<hbm>> -> memref<80xi32, #tpu.memory_space<hbm>>
      tpu.wait_dma2 semaphore(%arg15 : memref<!tpu.dma_semaphore, #tpu.memory_space<semaphore_mem>>) src(%dma_wait3A_45 : memref<80xi32, #tpu.memory_space<hbm>>) dst(%arg11 : memref<80xi32, #tpu.memory_space<vmem>>)
      %dma_start3A_46 = arith.constant 0 : i32
      %dma_start3A_47 = arith.constant 0 : i32
      %dma_start3A_48 = tpu.memref_slice %arg2[%dma_start3A_46, %dma_start3A_47] : memref<10000x128xf32, #tpu.memory_space<hbm>> -> memref<10000x128xf32, #tpu.memory_space<hbm>>
      tpu.enqueue_indirect_dma source(%dma_start3A_48 : memref<10000x128xf32, #tpu.memory_space<hbm>>) target(%arg13 : memref<80x128xf32, #tpu.memory_space<vmem>>) offsets(%arg9 : memref<80xi32, #tpu.memory_space<vmem>>) semaphore(%arg17 : memref<!tpu.dma_semaphore, #tpu.memory_space<semaphore_mem>>)
      %dma_wait3A_49 = arith.constant 0 : i32
      %dma_wait3A_50 = arith.constant 0 : i32
      %dma_wait3A_51 = tpu.memref_slice %arg2[%dma_wait3A_49, %dma_wait3A_50] : memref<10000x128xf32, #tpu.memory_space<hbm>> -> memref<10000x128xf32, #tpu.memory_space<hbm>>
      tpu.wait_indirect_dma semaphore(%arg16 : memref<!tpu.dma_semaphore, #tpu.memory_space<semaphore_mem>>) src(%dma_wait3A_51 : memref<10000x128xf32, #tpu.memory_space<hbm>>) dst(%arg12 : memref<80x128xf32, #tpu.memory_space<vmem>>)
      "tpu.region"() ({
        %run_scoped3A = tpu.sem_alloc : memref<!tpu.dma_semaphore, #tpu.memory_space<semaphore_mem>>
        %dma_start3A_70 = arith.constant 0 : i32
        %dma_start3A_71 = arith.constant 0 : i32
        %dma_start3A_72 = tpu.memref_slice %arg7[%dma_start3A_70, %dma_start3A_71] : memref<10240x128xf32, #tpu.memory_space<vmem_shared>> -> memref<10240x128xf32, #tpu.memory_space<vmem_shared>>
        tpu.enqueue_indirect_dma source(%arg12 : memref<80x128xf32, #tpu.memory_space<vmem>>) target(%dma_start3A_72 : memref<10240x128xf32, #tpu.memory_space<vmem_shared>>) offsets(%arg10 : memref<80xi32, #tpu.memory_space<vmem>>) semaphore(%run_scoped3A : memref<!tpu.dma_semaphore, #tpu.memory_space<semaphore_mem>>) {add = true}
        %dma_wait3A_73 = arith.constant 0 : i32
        %dma_wait3A_74 = arith.constant 0 : i32
        %dma_wait3A_75 = tpu.memref_slice %arg7[%dma_wait3A_73, %dma_wait3A_74] : memref<10240x128xf32, #tpu.memory_space<vmem_shared>> -> memref<10240x128xf32, #tpu.memory_space<vmem_shared>>
        tpu.wait_indirect_dma semaphore(%run_scoped3A : memref<!tpu.dma_semaphore, #tpu.memory_space<semaphore_mem>>) src(%arg12 : memref<80x128xf32, #tpu.memory_space<vmem>>) dst(%dma_wait3A_75 : memref<10240x128xf32, #tpu.memory_space<vmem_shared>>)
        tpu.yield
      }) : () -> ()
      %dma_start3A_52 = tpu.memref_slice %arg3[%add3A_41] : memref<320000xi32, #tpu.memory_space<hbm>> -> memref<80xi32, #tpu.memory_space<hbm>>
      %dma_start3A_53 = tpu.memref_slice %arg3[%add3A_41] : memref<320000xi32, #tpu.memory_space<hbm>> -> memref<80xi32, #tpu.memory_space<hbm>>
      tpu.enqueue_dma source(%dma_start3A_53 : memref<80xi32, #tpu.memory_space<hbm>>) target(%arg8 : memref<80xi32, #tpu.memory_space<vmem>>) target_semaphore(%arg14 : memref<!tpu.dma_semaphore, #tpu.memory_space<semaphore_mem>>)
      %dma_start3A_54 = tpu.memref_slice %arg4[%add3A_41] : memref<320000xi32, #tpu.memory_space<hbm>> -> memref<80xi32, #tpu.memory_space<hbm>>
      %dma_start3A_55 = tpu.memref_slice %arg4[%add3A_41] : memref<320000xi32, #tpu.memory_space<hbm>> -> memref<80xi32, #tpu.memory_space<hbm>>
      tpu.enqueue_dma source(%dma_start3A_55 : memref<80xi32, #tpu.memory_space<hbm>>) target(%arg10 : memref<80xi32, #tpu.memory_space<vmem>>) target_semaphore(%arg14 : memref<!tpu.dma_semaphore, #tpu.memory_space<semaphore_mem>>)
      %dma_wait3A_56 = tpu.memref_slice %arg3[%add3A_41] : memref<320000xi32, #tpu.memory_space<hbm>> -> memref<80xi32, #tpu.memory_space<hbm>>
      %dma_wait3A_57 = tpu.memref_slice %arg3[%add3A_41] : memref<320000xi32, #tpu.memory_space<hbm>> -> memref<80xi32, #tpu.memory_space<hbm>>
      tpu.wait_dma2 semaphore(%arg14 : memref<!tpu.dma_semaphore, #tpu.memory_space<semaphore_mem>>) src(%dma_wait3A_57 : memref<80xi32, #tpu.memory_space<hbm>>) dst(%arg8 : memref<80xi32, #tpu.memory_space<vmem>>)
      %dma_wait3A_58 = tpu.memref_slice %arg4[%add3A_41] : memref<320000xi32, #tpu.memory_space<hbm>> -> memref<80xi32, #tpu.memory_space<hbm>>
      %dma_wait3A_59 = tpu.memref_slice %arg4[%add3A_41] : memref<320000xi32, #tpu.memory_space<hbm>> -> memref<80xi32, #tpu.memory_space<hbm>>
      tpu.wait_dma2 semaphore(%arg14 : memref<!tpu.dma_semaphore, #tpu.memory_space<semaphore_mem>>) src(%dma_wait3A_59 : memref<80xi32, #tpu.memory_space<hbm>>) dst(%arg10 : memref<80xi32, #tpu.memory_space<vmem>>)
      %dma_start3A_60 = arith.constant 0 : i32
      %dma_start3A_61 = arith.constant 0 : i32
      %dma_start3A_62 = tpu.memref_slice %arg2[%dma_start3A_60, %dma_start3A_61] : memref<10000x128xf32, #tpu.memory_space<hbm>> -> memref<10000x128xf32, #tpu.memory_space<hbm>>
      tpu.enqueue_indirect_dma source(%dma_start3A_62 : memref<10000x128xf32, #tpu.memory_space<hbm>>) target(%arg12 : memref<80x128xf32, #tpu.memory_space<vmem>>) offsets(%arg8 : memref<80xi32, #tpu.memory_space<vmem>>) semaphore(%arg16 : memref<!tpu.dma_semaphore, #tpu.memory_space<semaphore_mem>>)
      %dma_wait3A_63 = arith.constant 0 : i32
      %dma_wait3A_64 = arith.constant 0 : i32
      %dma_wait3A_65 = tpu.memref_slice %arg2[%dma_wait3A_63, %dma_wait3A_64] : memref<10000x128xf32, #tpu.memory_space<hbm>> -> memref<10000x128xf32, #tpu.memory_space<hbm>>
      tpu.wait_indirect_dma semaphore(%arg17 : memref<!tpu.dma_semaphore, #tpu.memory_space<semaphore_mem>>) src(%dma_wait3A_65 : memref<10000x128xf32, #tpu.memory_space<hbm>>) dst(%arg13 : memref<80x128xf32, #tpu.memory_space<vmem>>)
      "tpu.region"() ({
        %run_scoped3A = tpu.sem_alloc : memref<!tpu.dma_semaphore, #tpu.memory_space<semaphore_mem>>
        %dma_start3A_70 = arith.constant 0 : i32
        %dma_start3A_71 = arith.constant 0 : i32
        %dma_start3A_72 = tpu.memref_slice %arg7[%dma_start3A_70, %dma_start3A_71] : memref<10240x128xf32, #tpu.memory_space<vmem_shared>> -> memref<10240x128xf32, #tpu.memory_space<vmem_shared>>
        tpu.enqueue_indirect_dma source(%arg13 : memref<80x128xf32, #tpu.memory_space<vmem>>) target(%dma_start3A_72 : memref<10240x128xf32, #tpu.memory_space<vmem_shared>>) offsets(%arg11 : memref<80xi32, #tpu.memory_space<vmem>>) semaphore(%run_scoped3A : memref<!tpu.dma_semaphore, #tpu.memory_space<semaphore_mem>>) {add = true}
        %dma_wait3A_73 = arith.constant 0 : i32
        %dma_wait3A_74 = arith.constant 0 : i32
        %dma_wait3A_75 = tpu.memref_slice %arg7[%dma_wait3A_73, %dma_wait3A_74] : memref<10240x128xf32, #tpu.memory_space<vmem_shared>> -> memref<10240x128xf32, #tpu.memory_space<vmem_shared>>
        tpu.wait_indirect_dma semaphore(%run_scoped3A : memref<!tpu.dma_semaphore, #tpu.memory_space<semaphore_mem>>) src(%arg13 : memref<80x128xf32, #tpu.memory_space<vmem>>) dst(%dma_wait3A_75 : memref<10240x128xf32, #tpu.memory_space<vmem_shared>>)
        tpu.yield
      }) : () -> ()
      %add3A_66 = arith.constant 3 : i32
      %add3A_67 = arith.addi %mul3A_31, %add3A_66 : i32
      %lt3A = arith.constant 125 : i32
      %lt3A_68 = arith.cmpi slt, %add3A_67, %lt3A : i32
      %convert_element_type3A = arith.extui %lt3A_68 : i1 to i32
      %cond3A = arith.constant 0 : i32
      %cond3A_69 = arith.cmpi ne, %convert_element_type3A, %cond3A : i32
      scf.if %cond3A_69 {
        %add3A_70 = arith.constant 3 : i32
        %add3A_71 = arith.addi %mul3A_31, %add3A_70 : i32
        %mul3A_72 = arith.constant 80 : i32
        %mul3A_73 = arith.muli %add3A_71, %mul3A_72 : i32
        %add3A_74 = arith.addi %mul3A_2, %mul3A_73 : i32
        %dma_start3A_75 = tpu.memref_slice %arg3[%add3A_74] : memref<320000xi32, #tpu.memory_space<hbm>> -> memref<80xi32, #tpu.memory_space<hbm>>
        %dma_start3A_76 = tpu.memref_slice %arg3[%add3A_74] : memref<320000xi32, #tpu.memory_space<hbm>> -> memref<80xi32, #tpu.memory_space<hbm>>
        tpu.enqueue_dma source(%dma_start3A_76 : memref<80xi32, #tpu.memory_space<hbm>>) target(%arg9 : memref<80xi32, #tpu.memory_space<vmem>>) target_semaphore(%arg15 : memref<!tpu.dma_semaphore, #tpu.memory_space<semaphore_mem>>)
        %dma_start3A_77 = tpu.memref_slice %arg4[%add3A_74] : memref<320000xi32, #tpu.memory_space<hbm>> -> memref<80xi32, #tpu.memory_space<hbm>>
        %dma_start3A_78 = tpu.memref_slice %arg4[%add3A_74] : memref<320000xi32, #tpu.memory_space<hbm>> -> memref<80xi32, #tpu.memory_space<hbm>>
        tpu.enqueue_dma source(%dma_start3A_78 : memref<80xi32, #tpu.memory_space<hbm>>) target(%arg11 : memref<80xi32, #tpu.memory_space<vmem>>) target_semaphore(%arg15 : memref<!tpu.dma_semaphore, #tpu.memory_space<semaphore_mem>>)
      } else {
      }
    }
    %scan3A_21 = arith.constant 62 : i32
    %dma_wait3A = arith.constant 0 : i32
    %dma_wait3A_22 = arith.constant 0 : i32
    %dma_wait3A_23 = tpu.memref_slice %arg2[%dma_wait3A, %dma_wait3A_22] : memref<10000x128xf32, #tpu.memory_space<hbm>> -> memref<10000x128xf32, #tpu.memory_space<hbm>>
    tpu.wait_indirect_dma semaphore(%arg16 : memref<!tpu.dma_semaphore, #tpu.memory_space<semaphore_mem>>) src(%dma_wait3A_23 : memref<10000x128xf32, #tpu.memory_space<hbm>>) dst(%arg12 : memref<80x128xf32, #tpu.memory_space<vmem>>)
    "tpu.region"() ({
      %run_scoped3A = tpu.sem_alloc : memref<!tpu.dma_semaphore, #tpu.memory_space<semaphore_mem>>
      %dma_start3A_29 = arith.constant 0 : i32
      %dma_start3A_30 = arith.constant 0 : i32
      %dma_start3A_31 = tpu.memref_slice %arg7[%dma_start3A_29, %dma_start3A_30] : memref<10240x128xf32, #tpu.memory_space<vmem_shared>> -> memref<10240x128xf32, #tpu.memory_space<vmem_shared>>
      tpu.enqueue_indirect_dma source(%arg12 : memref<80x128xf32, #tpu.memory_space<vmem>>) target(%dma_start3A_31 : memref<10240x128xf32, #tpu.memory_space<vmem_shared>>) offsets(%arg10 : memref<80xi32, #tpu.memory_space<vmem>>) semaphore(%run_scoped3A : memref<!tpu.dma_semaphore, #tpu.memory_space<semaphore_mem>>) {add = true}
      %dma_wait3A_32 = arith.constant 0 : i32
      %dma_wait3A_33 = arith.constant 0 : i32
      %dma_wait3A_34 = tpu.memref_slice %arg7[%dma_wait3A_32, %dma_wait3A_33] : memref<10240x128xf32, #tpu.memory_space<vmem_shared>> -> memref<10240x128xf32, #tpu.memory_space<vmem_shared>>
      tpu.wait_indirect_dma semaphore(%run_scoped3A : memref<!tpu.dma_semaphore, #tpu.memory_space<semaphore_mem>>) src(%arg12 : memref<80x128xf32, #tpu.memory_space<vmem>>) dst(%dma_wait3A_34 : memref<10240x128xf32, #tpu.memory_space<vmem_shared>>)
      tpu.yield
    }) : () -> ()
    %barrier3A_24 = arith.constant 0 : index
    tpu.barrier barrier_id(%barrier3A_24)
    %mul3A_25 = arith.constant 640 : i32
    %mul3A_26 = arith.muli %arg1, %mul3A_25 : i32
    %mul3A_27 = arith.constant 640 : i32
    %mul3A_28 = arith.muli %arg1, %mul3A_27 : i32
    "tpu.region"() ({
      %run_scoped3A = tpu.sem_alloc : memref<!tpu.dma_semaphore, #tpu.memory_space<semaphore_mem>>
      %dma_start3A_29 = arith.constant 0 : i32
      %dma_start3A_30 = tpu.memref_slice %arg6[%arg0, %mul3A_28, %dma_start3A_29] : memref<2x10240x128xf32, #tpu.memory_space<hbm>> -> memref<1x640x128xf32, #tpu.memory_space<hbm>>
      %dma_start3A_31 = tpu.memref_squeeze %dma_start3A_30 : memref<1x640x128xf32, #tpu.memory_space<hbm>> -> memref<640x128xf32, #tpu.memory_space<hbm>>
      %dma_start3A_32 = arith.constant 0 : i32
      %dma_start3A_33 = tpu.memref_slice %arg7[%mul3A_26, %dma_start3A_32] : memref<10240x128xf32, #tpu.memory_space<vmem_shared>> -> memref<640x128xf32, #tpu.memory_space<vmem_shared>>
      tpu.enqueue_dma source(%dma_start3A_33 : memref<640x128xf32, #tpu.memory_space<vmem_shared>>) target(%dma_start3A_31 : memref<640x128xf32, #tpu.memory_space<hbm>>) target_semaphore(%run_scoped3A : memref<!tpu.dma_semaphore, #tpu.memory_space<semaphore_mem>>)
      %dma_wait3A_34 = arith.constant 0 : i32
      %dma_wait3A_35 = tpu.memref_slice %arg6[%arg0, %mul3A_28, %dma_wait3A_34] : memref<2x10240x128xf32, #tpu.memory_space<hbm>> -> memref<1x640x128xf32, #tpu.memory_space<hbm>>
      %dma_wait3A_36 = tpu.memref_squeeze %dma_wait3A_35 : memref<1x640x128xf32, #tpu.memory_space<hbm>> -> memref<640x128xf32, #tpu.memory_space<hbm>>
      %dma_wait3A_37 = arith.constant 0 : i32
      %dma_wait3A_38 = tpu.memref_slice %arg7[%mul3A_26, %dma_wait3A_37] : memref<10240x128xf32, #tpu.memory_space<vmem_shared>> -> memref<640x128xf32, #tpu.memory_space<vmem_shared>>
      tpu.wait_dma2 semaphore(%run_scoped3A : memref<!tpu.dma_semaphore, #tpu.memory_space<semaphore_mem>>) src(%dma_wait3A_38 : memref<640x128xf32, #tpu.memory_space<vmem_shared>>) dst(%dma_wait3A_36 : memref<640x128xf32, #tpu.memory_space<hbm>>)
      tpu.yield
    }) : () -> ()
    return
  }
}

#map = affine_map<(d0, d1) -> (0, 0)>
#map1 = affine_map<(d0, d1) -> (0)>
#map2 = affine_map<(d0, d1) -> (0, 0, 0)>
module attributes {stable_mosaic.version = 14 : i64} {
  func.func @_scat_body(%arg0: i32, %arg1: i32, %arg2: memref<10000x128xf32, #tpu.memory_space<hbm>>, %arg3: memref<320000xi32, #tpu.memory_space<hbm>>, %arg4: memref<320000xi32, #tpu.memory_space<hbm>>, %arg5: memref<10240x128xf32, #tpu.memory_space<hbm>>, %arg6: memref<2x10240x128xf32, #tpu.memory_space<hbm>>, %arg7: memref<10240x128xf32, #tpu.memory_space<vmem_shared>>, %arg8: memref<80xi32, #tpu.memory_space<vmem>>, %arg9: memref<80xi32, #tpu.memory_space<vmem>>, %arg10: memref<80xi32, #tpu.memory_space<vmem>>, %arg11: memref<80xi32, #tpu.memory_space<vmem>>, %arg12: memref<80x128xf32, #tpu.memory_space<vmem>>, %arg13: memref<80x128xf32, #tpu.memory_space<vmem>>, %arg14: memref<!tpu.dma_semaphore, #tpu.memory_space<semaphore_mem>>, %arg15: memref<!tpu.dma_semaphore, #tpu.memory_space<semaphore_mem>>, %arg16: memref<!tpu.dma_semaphore, #tpu.memory_space<semaphore_mem>>, %arg17: memref<!tpu.dma_semaphore, #tpu.memory_space<semaphore_mem>>) attributes {dimension_semantics = [#tpu.dimension_semantics<core_parallel>, #tpu.dimension_semantics<subcore_parallel>], iteration_bounds = array<i64: 2, 16>, scalar_prefetch = 0 : i64, scratch_operands = 11 : i64, tpu.core_type = #tpu.core_type<sc_vector_subcore>, window_params = [{transform_indices = #map}, {transform_indices = #map1}, {transform_indices = #map1}, {transform_indices = #map}, {transform_indices = #map2}]} {
    %mul3A = arith.constant 2 : i32
    %mul3A_0 = arith.muli %arg1, %mul3A : i32
    %add3A = arith.addi %mul3A_0, %arg0 : i32
    %mul3A_1 = arith.constant 10000 : i32
    %mul3A_2 = arith.muli %add3A, %mul3A_1 : i32
    %mul3A_3 = arith.constant 640 : i32
    %mul3A_4 = arith.muli %arg1, %mul3A_3 : i32
    %mul3A_5 = arith.constant 640 : i32
    %mul3A_6 = arith.muli %arg1, %mul3A_5 : i32
    "tpu.region"() ({
      %run_scoped3A = tpu.sem_alloc : memref<!tpu.dma_semaphore, #tpu.memory_space<semaphore_mem>>
      %dma_start3A_29 = arith.constant 0 : i32
      %dma_start3A_30 = tpu.memref_slice %arg7[%mul3A_6, %dma_start3A_29] : memref<10240x128xf32, #tpu.memory_space<vmem_shared>> -> memref<640x128xf32, #tpu.memory_space<vmem_shared>>
      %dma_start3A_31 = arith.constant 0 : i32
      %dma_start3A_32 = tpu.memref_slice %arg5[%mul3A_4, %dma_start3A_31] : memref<10240x128xf32, #tpu.memory_space<hbm>> -> memref<640x128xf32, #tpu.memory_space<hbm>>
      tpu.enqueue_dma source(%dma_start3A_32 : memref<640x128xf32, #tpu.memory_space<hbm>>) target(%dma_start3A_30 : memref<640x128xf32, #tpu.memory_space<vmem_shared>>) target_semaphore(%run_scoped3A : memref<!tpu.dma_semaphore, #tpu.memory_space<semaphore_mem>>)
      %dma_wait3A_33 = arith.constant 0 : i32
      %dma_wait3A_34 = tpu.memref_slice %arg7[%mul3A_6, %dma_wait3A_33] : memref<10240x128xf32, #tpu.memory_space<vmem_shared>> -> memref<640x128xf32, #tpu.memory_space<vmem_shared>>
      %dma_wait3A_35 = arith.constant 0 : i32
      %dma_wait3A_36 = tpu.memref_slice %arg5[%mul3A_4, %dma_wait3A_35] : memref<10240x128xf32, #tpu.memory_space<hbm>> -> memref<640x128xf32, #tpu.memory_space<hbm>>
      tpu.wait_dma2 semaphore(%run_scoped3A : memref<!tpu.dma_semaphore, #tpu.memory_space<semaphore_mem>>) src(%dma_wait3A_36 : memref<640x128xf32, #tpu.memory_space<hbm>>) dst(%dma_wait3A_34 : memref<640x128xf32, #tpu.memory_space<vmem_shared>>)
      tpu.yield
    }) : () -> ()
    %barrier3A = arith.constant 0 : index
    tpu.barrier barrier_id(%barrier3A)
    "tpu.region"() ({
      %run_scoped3A = tpu.sem_alloc : memref<!tpu.dma_semaphore, #tpu.memory_space<semaphore_mem>>
      %dma_start3A_29 = tpu.memref_slice %arg3[%mul3A_2] : memref<320000xi32, #tpu.memory_space<hbm>> -> memref<80xi32, #tpu.memory_space<hbm>>
      %dma_start3A_30 = tpu.memref_slice %arg3[%mul3A_2] : memref<320000xi32, #tpu.memory_space<hbm>> -> memref<80xi32, #tpu.memory_space<hbm>>
      tpu.enqueue_dma source(%dma_start3A_30 : memref<80xi32, #tpu.memory_space<hbm>>) target(%arg8 : memref<80xi32, #tpu.memory_space<vmem>>) target_semaphore(%run_scoped3A : memref<!tpu.dma_semaphore, #tpu.memory_space<semaphore_mem>>)
      %dma_wait3A_31 = tpu.memref_slice %arg3[%mul3A_2] : memref<320000xi32, #tpu.memory_space<hbm>> -> memref<80xi32, #tpu.memory_space<hbm>>
      %dma_wait3A_32 = tpu.memref_slice %arg3[%mul3A_2] : memref<320000xi32, #tpu.memory_space<hbm>> -> memref<80xi32, #tpu.memory_space<hbm>>
      tpu.wait_dma2 semaphore(%run_scoped3A : memref<!tpu.dma_semaphore, #tpu.memory_space<semaphore_mem>>) src(%dma_wait3A_32 : memref<80xi32, #tpu.memory_space<hbm>>) dst(%arg8 : memref<80xi32, #tpu.memory_space<vmem>>)
      tpu.yield
    }) : () -> ()
    "tpu.region"() ({
      %run_scoped3A = tpu.sem_alloc : memref<!tpu.dma_semaphore, #tpu.memory_space<semaphore_mem>>
      %dma_start3A_29 = tpu.memref_slice %arg4[%mul3A_2] : memref<320000xi32, #tpu.memory_space<hbm>> -> memref<80xi32, #tpu.memory_space<hbm>>
      %dma_start3A_30 = tpu.memref_slice %arg4[%mul3A_2] : memref<320000xi32, #tpu.memory_space<hbm>> -> memref<80xi32, #tpu.memory_space<hbm>>
      tpu.enqueue_dma source(%dma_start3A_30 : memref<80xi32, #tpu.memory_space<hbm>>) target(%arg10 : memref<80xi32, #tpu.memory_space<vmem>>) target_semaphore(%run_scoped3A : memref<!tpu.dma_semaphore, #tpu.memory_space<semaphore_mem>>)
      %dma_wait3A_31 = tpu.memref_slice %arg4[%mul3A_2] : memref<320000xi32, #tpu.memory_space<hbm>> -> memref<80xi32, #tpu.memory_space<hbm>>
      %dma_wait3A_32 = tpu.memref_slice %arg4[%mul3A_2] : memref<320000xi32, #tpu.memory_space<hbm>> -> memref<80xi32, #tpu.memory_space<hbm>>
      tpu.wait_dma2 semaphore(%run_scoped3A : memref<!tpu.dma_semaphore, #tpu.memory_space<semaphore_mem>>) src(%dma_wait3A_32 : memref<80xi32, #tpu.memory_space<hbm>>) dst(%arg10 : memref<80xi32, #tpu.memory_space<vmem>>)
      tpu.yield
    }) : () -> ()
    %dma_start3A = arith.constant 0 : i32
    %dma_start3A_7 = arith.constant 0 : i32
    %dma_start3A_8 = tpu.memref_slice %arg2[%dma_start3A, %dma_start3A_7] : memref<10000x128xf32, #tpu.memory_space<hbm>> -> memref<10000x128xf32, #tpu.memory_space<hbm>>
    tpu.enqueue_indirect_dma source(%dma_start3A_8 : memref<10000x128xf32, #tpu.memory_space<hbm>>) target(%arg12 : memref<80x128xf32, #tpu.memory_space<vmem>>) offsets(%arg8 : memref<80xi32, #tpu.memory_space<vmem>>) semaphore(%arg16 : memref<!tpu.dma_semaphore, #tpu.memory_space<semaphore_mem>>)
    %add3A_9 = arith.constant 80 : i32
    %add3A_10 = arith.addi %mul3A_2, %add3A_9 : i32
    %dma_start3A_11 = tpu.memref_slice %arg3[%add3A_10] : memref<320000xi32, #tpu.memory_space<hbm>> -> memref<80xi32, #tpu.memory_space<hbm>>
    %dma_start3A_12 = tpu.memref_slice %arg3[%add3A_10] : memref<320000xi32, #tpu.memory_space<hbm>> -> memref<80xi32, #tpu.memory_space<hbm>>
    tpu.enqueue_dma source(%dma_start3A_12 : memref<80xi32, #tpu.memory_space<hbm>>) target(%arg9 : memref<80xi32, #tpu.memory_space<vmem>>) target_semaphore(%arg15 : memref<!tpu.dma_semaphore, #tpu.memory_space<semaphore_mem>>)
    %add3A_13 = arith.constant 80 : i32
    %add3A_14 = arith.addi %mul3A_2, %add3A_13 : i32
    %dma_start3A_15 = tpu.memref_slice %arg4[%add3A_14] : memref<320000xi32, #tpu.memory_space<hbm>> -> memref<80xi32, #tpu.memory_space<hbm>>
    %dma_start3A_16 = tpu.memref_slice %arg4[%add3A_14] : memref<320000xi32, #tpu.memory_space<hbm>> -> memref<80xi32, #tpu.memory_space<hbm>>
    tpu.enqueue_dma source(%dma_start3A_16 : memref<80xi32, #tpu.memory_space<hbm>>) target(%arg11 : memref<80xi32, #tpu.memory_space<vmem>>) target_semaphore(%arg15 : memref<!tpu.dma_semaphore, #tpu.memory_space<semaphore_mem>>)
    %scan3A = arith.constant 0 : i32
    %scan3A_17 = arith.constant 0 : i32
    %scan3A_18 = arith.constant 62 : i32
    %scan3A_19 = arith.addi %scan3A_17, %scan3A_18 : i32
    %scan3A_20 = arith.constant 1 : i32
    scf.for %scan3A_29 = %scan3A_17 to %scan3A_19 step %scan3A_20  : i32 {
      %mul3A_30 = arith.constant 2 : i32
      %mul3A_31 = arith.muli %mul3A_30, %scan3A_29 : i32
      %add3A_32 = arith.constant 1 : i32
      %add3A_33 = arith.addi %mul3A_31, %add3A_32 : i32
      %mul3A_34 = arith.constant 80 : i32
      %mul3A_35 = arith.muli %add3A_33, %mul3A_34 : i32
      %add3A_36 = arith.addi %mul3A_2, %mul3A_35 : i32
      %add3A_37 = arith.constant 2 : i32
      %add3A_38 = arith.addi %mul3A_31, %add3A_37 : i32
      %mul3A_39 = arith.constant 80 : i32
      %mul3A_40 = arith.muli %add3A_38, %mul3A_39 : i32
      %add3A_41 = arith.addi %mul3A_2, %mul3A_40 : i32
      %dma_wait3A_42 = tpu.memref_slice %arg3[%add3A_36] : memref<320000xi32, #tpu.memory_space<hbm>> -> memref<80xi32, #tpu.memory_space<hbm>>
      %dma_wait3A_43 = tpu.memref_slice %arg3[%add3A_36] : memref<320000xi32, #tpu.memory_space<hbm>> -> memref<80xi32, #tpu.memory_space<hbm>>
      tpu.wait_dma2 semaphore(%arg15 : memref<!tpu.dma_semaphore, #tpu.memory_space<semaphore_mem>>) src(%dma_wait3A_43 : memref<80xi32, #tpu.memory_space<hbm>>) dst(%arg9 : memref<80xi32, #tpu.memory_space<vmem>>)
      %dma_wait3A_44 = tpu.memref_slice %arg4[%add3A_36] : memref<320000xi32, #tpu.memory_space<hbm>> -> memref<80xi32, #tpu.memory_space<hbm>>
      %dma_wait3A_45 = tpu.memref_slice %arg4[%add3A_36] : memref<320000xi32, #tpu.memory_space<hbm>> -> memref<80xi32, #tpu.memory_space<hbm>>
      tpu.wait_dma2 semaphore(%arg15 : memref<!tpu.dma_semaphore, #tpu.memory_space<semaphore_mem>>) src(%dma_wait3A_45 : memref<80xi32, #tpu.memory_space<hbm>>) dst(%arg11 : memref<80xi32, #tpu.memory_space<vmem>>)
      %dma_start3A_46 = arith.constant 0 : i32
      %dma_start3A_47 = arith.constant 0 : i32
      %dma_start3A_48 = tpu.memref_slice %arg2[%dma_start3A_46, %dma_start3A_47] : memref<10000x128xf32, #tpu.memory_space<hbm>> -> memref<10000x128xf32, #tpu.memory_space<hbm>>
      tpu.enqueue_indirect_dma source(%dma_start3A_48 : memref<10000x128xf32, #tpu.memory_space<hbm>>) target(%arg13 : memref<80x128xf32, #tpu.memory_space<vmem>>) offsets(%arg9 : memref<80xi32, #tpu.memory_space<vmem>>) semaphore(%arg17 : memref<!tpu.dma_semaphore, #tpu.memory_space<semaphore_mem>>)
      %dma_wait3A_49 = arith.constant 0 : i32
      %dma_wait3A_50 = arith.constant 0 : i32
      %dma_wait3A_51 = tpu.memref_slice %arg2[%dma_wait3A_49, %dma_wait3A_50] : memref<10000x128xf32, #tpu.memory_space<hbm>> -> memref<10000x128xf32, #tpu.memory_space<hbm>>
      tpu.wait_indirect_dma semaphore(%arg16 : memref<!tpu.dma_semaphore, #tpu.memory_space<semaphore_mem>>) src(%dma_wait3A_51 : memref<10000x128xf32, #tpu.memory_space<hbm>>) dst(%arg12 : memref<80x128xf32, #tpu.memory_space<vmem>>)
      "tpu.region"() ({
        %run_scoped3A = tpu.sem_alloc : memref<!tpu.dma_semaphore, #tpu.memory_space<semaphore_mem>>
        %dma_start3A_70 = arith.constant 0 : i32
        %dma_start3A_71 = arith.constant 0 : i32
        %dma_start3A_72 = tpu.memref_slice %arg7[%dma_start3A_70, %dma_start3A_71] : memref<10240x128xf32, #tpu.memory_space<vmem_shared>> -> memref<10240x128xf32, #tpu.memory_space<vmem_shared>>
        tpu.enqueue_indirect_dma source(%arg12 : memref<80x128xf32, #tpu.memory_space<vmem>>) target(%dma_start3A_72 : memref<10240x128xf32, #tpu.memory_space<vmem_shared>>) offsets(%arg10 : memref<80xi32, #tpu.memory_space<vmem>>) semaphore(%run_scoped3A : memref<!tpu.dma_semaphore, #tpu.memory_space<semaphore_mem>>) {add = true}
        %dma_wait3A_73 = arith.constant 0 : i32
        %dma_wait3A_74 = arith.constant 0 : i32
        %dma_wait3A_75 = tpu.memref_slice %arg7[%dma_wait3A_73, %dma_wait3A_74] : memref<10240x128xf32, #tpu.memory_space<vmem_shared>> -> memref<10240x128xf32, #tpu.memory_space<vmem_shared>>
        tpu.wait_indirect_dma semaphore(%run_scoped3A : memref<!tpu.dma_semaphore, #tpu.memory_space<semaphore_mem>>) src(%arg12 : memref<80x128xf32, #tpu.memory_space<vmem>>) dst(%dma_wait3A_75 : memref<10240x128xf32, #tpu.memory_space<vmem_shared>>)
        tpu.yield
      }) : () -> ()
      %dma_start3A_52 = tpu.memref_slice %arg3[%add3A_41] : memref<320000xi32, #tpu.memory_space<hbm>> -> memref<80xi32, #tpu.memory_space<hbm>>
      %dma_start3A_53 = tpu.memref_slice %arg3[%add3A_41] : memref<320000xi32, #tpu.memory_space<hbm>> -> memref<80xi32, #tpu.memory_space<hbm>>
      tpu.enqueue_dma source(%dma_start3A_53 : memref<80xi32, #tpu.memory_space<hbm>>) target(%arg8 : memref<80xi32, #tpu.memory_space<vmem>>) target_semaphore(%arg14 : memref<!tpu.dma_semaphore, #tpu.memory_space<semaphore_mem>>)
      %dma_start3A_54 = tpu.memref_slice %arg4[%add3A_41] : memref<320000xi32, #tpu.memory_space<hbm>> -> memref<80xi32, #tpu.memory_space<hbm>>
      %dma_start3A_55 = tpu.memref_slice %arg4[%add3A_41] : memref<320000xi32, #tpu.memory_space<hbm>> -> memref<80xi32, #tpu.memory_space<hbm>>
      tpu.enqueue_dma source(%dma_start3A_55 : memref<80xi32, #tpu.memory_space<hbm>>) target(%arg10 : memref<80xi32, #tpu.memory_space<vmem>>) target_semaphore(%arg14 : memref<!tpu.dma_semaphore, #tpu.memory_space<semaphore_mem>>)
      %dma_wait3A_56 = tpu.memref_slice %arg3[%add3A_41] : memref<320000xi32, #tpu.memory_space<hbm>> -> memref<80xi32, #tpu.memory_space<hbm>>
      %dma_wait3A_57 = tpu.memref_slice %arg3[%add3A_41] : memref<320000xi32, #tpu.memory_space<hbm>> -> memref<80xi32, #tpu.memory_space<hbm>>
      tpu.wait_dma2 semaphore(%arg14 : memref<!tpu.dma_semaphore, #tpu.memory_space<semaphore_mem>>) src(%dma_wait3A_57 : memref<80xi32, #tpu.memory_space<hbm>>) dst(%arg8 : memref<80xi32, #tpu.memory_space<vmem>>)
      %dma_wait3A_58 = tpu.memref_slice %arg4[%add3A_41] : memref<320000xi32, #tpu.memory_space<hbm>> -> memref<80xi32, #tpu.memory_space<hbm>>
      %dma_wait3A_59 = tpu.memref_slice %arg4[%add3A_41] : memref<320000xi32, #tpu.memory_space<hbm>> -> memref<80xi32, #tpu.memory_space<hbm>>
      tpu.wait_dma2 semaphore(%arg14 : memref<!tpu.dma_semaphore, #tpu.memory_space<semaphore_mem>>) src(%dma_wait3A_59 : memref<80xi32, #tpu.memory_space<hbm>>) dst(%arg10 : memref<80xi32, #tpu.memory_space<vmem>>)
      %dma_start3A_60 = arith.constant 0 : i32
      %dma_start3A_61 = arith.constant 0 : i32
      %dma_start3A_62 = tpu.memref_slice %arg2[%dma_start3A_60, %dma_start3A_61] : memref<10000x128xf32, #tpu.memory_space<hbm>> -> memref<10000x128xf32, #tpu.memory_space<hbm>>
      tpu.enqueue_indirect_dma source(%dma_start3A_62 : memref<10000x128xf32, #tpu.memory_space<hbm>>) target(%arg12 : memref<80x128xf32, #tpu.memory_space<vmem>>) offsets(%arg8 : memref<80xi32, #tpu.memory_space<vmem>>) semaphore(%arg16 : memref<!tpu.dma_semaphore, #tpu.memory_space<semaphore_mem>>)
      %dma_wait3A_63 = arith.constant 0 : i32
      %dma_wait3A_64 = arith.constant 0 : i32
      %dma_wait3A_65 = tpu.memref_slice %arg2[%dma_wait3A_63, %dma_wait3A_64] : memref<10000x128xf32, #tpu.memory_space<hbm>> -> memref<10000x128xf32, #tpu.memory_space<hbm>>
      tpu.wait_indirect_dma semaphore(%arg17 : memref<!tpu.dma_semaphore, #tpu.memory_space<semaphore_mem>>) src(%dma_wait3A_65 : memref<10000x128xf32, #tpu.memory_space<hbm>>) dst(%arg13 : memref<80x128xf32, #tpu.memory_space<vmem>>)
      "tpu.region"() ({
        %run_scoped3A = tpu.sem_alloc : memref<!tpu.dma_semaphore, #tpu.memory_space<semaphore_mem>>
        %dma_start3A_70 = arith.constant 0 : i32
        %dma_start3A_71 = arith.constant 0 : i32
        %dma_start3A_72 = tpu.memref_slice %arg7[%dma_start3A_70, %dma_start3A_71] : memref<10240x128xf32, #tpu.memory_space<vmem_shared>> -> memref<10240x128xf32, #tpu.memory_space<vmem_shared>>
        tpu.enqueue_indirect_dma source(%arg13 : memref<80x128xf32, #tpu.memory_space<vmem>>) target(%dma_start3A_72 : memref<10240x128xf32, #tpu.memory_space<vmem_shared>>) offsets(%arg11 : memref<80xi32, #tpu.memory_space<vmem>>) semaphore(%run_scoped3A : memref<!tpu.dma_semaphore, #tpu.memory_space<semaphore_mem>>) {add = true}
        %dma_wait3A_73 = arith.constant 0 : i32
        %dma_wait3A_74 = arith.constant 0 : i32
        %dma_wait3A_75 = tpu.memref_slice %arg7[%dma_wait3A_73, %dma_wait3A_74] : memref<10240x128xf32, #tpu.memory_space<vmem_shared>> -> memref<10240x128xf32, #tpu.memory_space<vmem_shared>>
        tpu.wait_indirect_dma semaphore(%run_scoped3A : memref<!tpu.dma_semaphore, #tpu.memory_space<semaphore_mem>>) src(%arg13 : memref<80x128xf32, #tpu.memory_space<vmem>>) dst(%dma_wait3A_75 : memref<10240x128xf32, #tpu.memory_space<vmem_shared>>)
        tpu.yield
      }) : () -> ()
      %add3A_66 = arith.constant 3 : i32
      %add3A_67 = arith.addi %mul3A_31, %add3A_66 : i32
      %lt3A = arith.constant 125 : i32
      %lt3A_68 = arith.cmpi slt, %add3A_67, %lt3A : i32
      %convert_element_type3A = arith.extui %lt3A_68 : i1 to i32
      %cond3A = arith.constant 0 : i32
      %cond3A_69 = arith.cmpi ne, %convert_element_type3A, %cond3A : i32
      scf.if %cond3A_69 {
        %add3A_70 = arith.constant 3 : i32
        %add3A_71 = arith.addi %mul3A_31, %add3A_70 : i32
        %mul3A_72 = arith.constant 80 : i32
        %mul3A_73 = arith.muli %add3A_71, %mul3A_72 : i32
        %add3A_74 = arith.addi %mul3A_2, %mul3A_73 : i32
        %dma_start3A_75 = tpu.memref_slice %arg3[%add3A_74] : memref<320000xi32, #tpu.memory_space<hbm>> -> memref<80xi32, #tpu.memory_space<hbm>>
        %dma_start3A_76 = tpu.memref_slice %arg3[%add3A_74] : memref<320000xi32, #tpu.memory_space<hbm>> -> memref<80xi32, #tpu.memory_space<hbm>>
        tpu.enqueue_dma source(%dma_start3A_76 : memref<80xi32, #tpu.memory_space<hbm>>) target(%arg9 : memref<80xi32, #tpu.memory_space<vmem>>) target_semaphore(%arg15 : memref<!tpu.dma_semaphore, #tpu.memory_space<semaphore_mem>>)
        %dma_start3A_77 = tpu.memref_slice %arg4[%add3A_74] : memref<320000xi32, #tpu.memory_space<hbm>> -> memref<80xi32, #tpu.memory_space<hbm>>
        %dma_start3A_78 = tpu.memref_slice %arg4[%add3A_74] : memref<320000xi32, #tpu.memory_space<hbm>> -> memref<80xi32, #tpu.memory_space<hbm>>
        tpu.enqueue_dma source(%dma_start3A_78 : memref<80xi32, #tpu.memory_space<hbm>>) target(%arg11 : memref<80xi32, #tpu.memory_space<vmem>>) target_semaphore(%arg15 : memref<!tpu.dma_semaphore, #tpu.memory_space<semaphore_mem>>)
      } else {
      }
    }
    %scan3A_21 = arith.constant 62 : i32
    %dma_wait3A = arith.constant 0 : i32
    %dma_wait3A_22 = arith.constant 0 : i32
    %dma_wait3A_23 = tpu.memref_slice %arg2[%dma_wait3A, %dma_wait3A_22] : memref<10000x128xf32, #tpu.memory_space<hbm>> -> memref<10000x128xf32, #tpu.memory_space<hbm>>
    tpu.wait_indirect_dma semaphore(%arg16 : memref<!tpu.dma_semaphore, #tpu.memory_space<semaphore_mem>>) src(%dma_wait3A_23 : memref<10000x128xf32, #tpu.memory_space<hbm>>) dst(%arg12 : memref<80x128xf32, #tpu.memory_space<vmem>>)
    "tpu.region"() ({
      %run_scoped3A = tpu.sem_alloc : memref<!tpu.dma_semaphore, #tpu.memory_space<semaphore_mem>>
      %dma_start3A_29 = arith.constant 0 : i32
      %dma_start3A_30 = arith.constant 0 : i32
      %dma_start3A_31 = tpu.memref_slice %arg7[%dma_start3A_29, %dma_start3A_30] : memref<10240x128xf32, #tpu.memory_space<vmem_shared>> -> memref<10240x128xf32, #tpu.memory_space<vmem_shared>>
      tpu.enqueue_indirect_dma source(%arg12 : memref<80x128xf32, #tpu.memory_space<vmem>>) target(%dma_start3A_31 : memref<10240x128xf32, #tpu.memory_space<vmem_shared>>) offsets(%arg10 : memref<80xi32, #tpu.memory_space<vmem>>) semaphore(%run_scoped3A : memref<!tpu.dma_semaphore, #tpu.memory_space<semaphore_mem>>) {add = true}
      %dma_wait3A_32 = arith.constant 0 : i32
      %dma_wait3A_33 = arith.constant 0 : i32
      %dma_wait3A_34 = tpu.memref_slice %arg7[%dma_wait3A_32, %dma_wait3A_33] : memref<10240x128xf32, #tpu.memory_space<vmem_shared>> -> memref<10240x128xf32, #tpu.memory_space<vmem_shared>>
      tpu.wait_indirect_dma semaphore(%run_scoped3A : memref<!tpu.dma_semaphore, #tpu.memory_space<semaphore_mem>>) src(%arg12 : memref<80x128xf32, #tpu.memory_space<vmem>>) dst(%dma_wait3A_34 : memref<10240x128xf32, #tpu.memory_space<vmem_shared>>)
      tpu.yield
    }) : () -> ()
    %barrier3A_24 = arith.constant 0 : index
    tpu.barrier barrier_id(%barrier3A_24)
    %mul3A_25 = arith.constant 640 : i32
    %mul3A_26 = arith.muli %arg1, %mul3A_25 : i32
    %mul3A_27 = arith.constant 640 : i32
    %mul3A_28 = arith.muli %arg1, %mul3A_27 : i32
    "tpu.region"() ({
      %run_scoped3A = tpu.sem_alloc : memref<!tpu.dma_semaphore, #tpu.memory_space<semaphore_mem>>
      %dma_start3A_29 = arith.constant 0 : i32
      %dma_start3A_30 = tpu.memref_slice %arg6[%arg0, %mul3A_28, %dma_start3A_29] : memref<2x10240x128xf32, #tpu.memory_space<hbm>> -> memref<1x640x128xf32, #tpu.memory_space<hbm>>
      %dma_start3A_31 = tpu.memref_squeeze %dma_start3A_30 : memref<1x640x128xf32, #tpu.memory_space<hbm>> -> memref<640x128xf32, #tpu.memory_space<hbm>>
      %dma_start3A_32 = arith.constant 0 : i32
      %dma_start3A_33 = tpu.memref_slice %arg7[%mul3A_26, %dma_start3A_32] : memref<10240x128xf32, #tpu.memory_space<vmem_shared>> -> memref<640x128xf32, #tpu.memory_space<vmem_shared>>
      tpu.enqueue_dma source(%dma_start3A_33 : memref<640x128xf32, #tpu.memory_space<vmem_shared>>) target(%dma_start3A_31 : memref<640x128xf32, #tpu.memory_space<hbm>>) target_semaphore(%run_scoped3A : memref<!tpu.dma_semaphore, #tpu.memory_space<semaphore_mem>>)
      %dma_wait3A_34 = arith.constant 0 : i32
      %dma_wait3A_35 = tpu.memref_slice %arg6[%arg0, %mul3A_28, %dma_wait3A_34] : memref<2x10240x128xf32, #tpu.memory_space<hbm>> -> memref<1x640x128xf32, #tpu.memory_space<hbm>>
      %dma_wait3A_36 = tpu.memref_squeeze %dma_wait3A_35 : memref<1x640x128xf32, #tpu.memory_space<hbm>> -> memref<640x128xf32, #tpu.memory_space<hbm>>
      %dma_wait3A_37 = arith.constant 0 : i32
      %dma_wait3A_38 = tpu.memref_slice %arg7[%mul3A_26, %dma_wait3A_37] : memref<10240x128xf32, #tpu.memory_space<vmem_shared>> -> memref<640x128xf32, #tpu.memory_space<vmem_shared>>
      tpu.wait_dma2 semaphore(%run_scoped3A : memref<!tpu.dma_semaphore, #tpu.memory_space<semaphore_mem>>) src(%dma_wait3A_38 : memref<640x128xf32, #tpu.memory_space<vmem_shared>>) dst(%dma_wait3A_36 : memref<640x128xf32, #tpu.memory_space<hbm>>)
      tpu.yield
    }) : () -> ()
    return
  }
}

module attributes {stable_mosaic.version = 14 : i64} {
  func.func @_dinv_body(%arg0: memref<2x10240x128xf32, #tpu.memory_space<vmem>>, %arg1: memref<10000x128xf32, #tpu.memory_space<vmem>>) attributes {dimension_semantics = [], scalar_prefetch = 0 : i64, scratch_operands = 0 : i64, tpu.core_type = #tpu.core_type<tc>} {
    %get3A = arith.constant 0 : index
    %get3A_0 = arith.constant 0 : index
    %get3A_1 = arith.constant 0 : index
    %get3A_2 = vector.load %arg0[%get3A, %get3A_0, %get3A_1] : memref<2x10240x128xf32, #tpu.memory_space<vmem>>, vector<1x10000x1xf32>
    %get3A_3 = vector.shape_cast %get3A_2 : vector<1x10000x1xf32> to vector<10000x1xf32>
    %get3A_4 = arith.constant 1 : index
    %get3A_5 = arith.constant 0 : index
    %get3A_6 = arith.constant 0 : index
    %get3A_7 = vector.load %arg0[%get3A_4, %get3A_5, %get3A_6] : memref<2x10240x128xf32, #tpu.memory_space<vmem>>, vector<1x10000x1xf32>
    %get3A_8 = vector.shape_cast %get3A_7 : vector<1x10000x1xf32> to vector<10000x1xf32>
    %add3A = arith.addf %get3A_3, %get3A_8 : vector<10000x1xf32>
    %add3A_9 = arith.constant 1.000000e+00 : f32
    %add3A_10 = vector.broadcast %add3A_9 : f32 to vector<10000x1xf32>
    %add3A_11 = arith.addf %add3A, %add3A_10 : vector<10000x1xf32>
    %rsqrt3A = math.rsqrt %add3A_11 : vector<10000x1xf32>
    %broadcast_in_dim3A = vector.shape_cast %rsqrt3A : vector<10000x1xf32> to vector<10000x1xf32>
    %broadcast_in_dim3A_12 = vector.broadcast %broadcast_in_dim3A : vector<10000x1xf32> to vector<10000x128xf32>
    %swap3A = arith.constant 0 : index
    %swap3A_13 = arith.constant 0 : index
    %swap3A_14 = vector.load %arg1[%swap3A, %swap3A_13] : memref<10000x128xf32, #tpu.memory_space<vmem>>, vector<10000x128xf32>
    tpu.vector_store %arg1[%swap3A, %swap3A_13], %broadcast_in_dim3A_12 {strides = array<i32>} : memref<10000x128xf32, #tpu.memory_space<vmem>>, vector<10000x128xf32>,
    return
  }
}

module attributes {stable_mosaic.version = 14 : i64} {
  func.func @_bn_body(%arg0: memref<2x10240x128xf32, #tpu.memory_space<vmem>>, %arg1: memref<10000x128xf32, #tpu.memory_space<vmem>>, %arg2: memref<10000x128xf32, #tpu.memory_space<vmem>>, %arg3: memref<10000x128xf32, #tpu.memory_space<vmem>>, %arg4: memref<1x128xf32, #tpu.memory_space<vmem>>, %arg5: memref<1x128xf32, #tpu.memory_space<vmem>>, %arg6: memref<1x128xf32, #tpu.memory_space<vmem>>, %arg7: memref<10000x128xf32, #tpu.memory_space<vmem>>) attributes {dimension_semantics = [], scalar_prefetch = 0 : i64, scratch_operands = 0 : i64, tpu.core_type = #tpu.core_type<tc>} {
    %get3A = arith.constant 0 : index
    %get3A_0 = arith.constant 0 : index
    %get3A_1 = vector.load %arg3[%get3A, %get3A_0] : memref<10000x128xf32, #tpu.memory_space<vmem>>, vector<10000x128xf32>
    %get3A_2 = arith.constant 0 : index
    %get3A_3 = arith.constant 0 : index
    %get3A_4 = arith.constant 0 : index
    %get3A_5 = vector.load %arg0[%get3A_2, %get3A_3, %get3A_4] : memref<2x10240x128xf32, #tpu.memory_space<vmem>>, vector<1x10000x128xf32>
    %get3A_6 = vector.shape_cast %get3A_5 : vector<1x10000x128xf32> to vector<10000x128xf32>
    %get3A_7 = arith.constant 1 : index
    %get3A_8 = arith.constant 0 : index
    %get3A_9 = arith.constant 0 : index
    %get3A_10 = vector.load %arg0[%get3A_7, %get3A_8, %get3A_9] : memref<2x10240x128xf32, #tpu.memory_space<vmem>>, vector<1x10000x128xf32>
    %get3A_11 = vector.shape_cast %get3A_10 : vector<1x10000x128xf32> to vector<10000x128xf32>
    %add3A = arith.addf %get3A_6, %get3A_11 : vector<10000x128xf32>
    %get3A_12 = arith.constant 0 : index
    %get3A_13 = arith.constant 0 : index
    %get3A_14 = vector.load %arg1[%get3A_12, %get3A_13] : memref<10000x128xf32, #tpu.memory_space<vmem>>, vector<10000x128xf32>
    %add3A_15 = arith.addf %add3A, %get3A_14 : vector<10000x128xf32>
    %mul3A = arith.mulf %add3A_15, %get3A_1 : vector<10000x128xf32>
    %get3A_16 = arith.constant 0 : index
    %get3A_17 = arith.constant 0 : index
    %get3A_18 = vector.load %arg4[%get3A_16, %get3A_17] : memref<1x128xf32, #tpu.memory_space<vmem>>, vector<1x128xf32>
    %add3A_19 = vector.broadcast %get3A_18 : vector<1x128xf32> to vector<10000x128xf32>
    %add3A_20 = arith.addf %mul3A, %add3A_19 : vector<10000x128xf32>
    %reduce_sum3A = arith.constant dense<0.000000e+00> : vector<128xf32>
    %reduce_sum3A_21 = vector.multi_reduction <add>, %add3A_20, %reduce_sum3A [0] : vector<10000x128xf32> to vector<128xf32>
    %broadcast_in_dim3A = vector.shape_cast %reduce_sum3A_21 : vector<128xf32> to vector<1x128xf32>
    %div3A = arith.constant 1.000000e+04 : f32
    %div3A_22 = vector.broadcast %div3A : f32 to vector<1x128xf32>
    %div3A_23 = arith.divf %broadcast_in_dim3A, %div3A_22 : vector<1x128xf32>
    %sub3A = vector.broadcast %div3A_23 : vector<1x128xf32> to vector<10000x128xf32>
    %sub3A_24 = arith.subf %add3A_20, %sub3A : vector<10000x128xf32>
    %integer_pow3A = arith.mulf %sub3A_24, %sub3A_24 : vector<10000x128xf32>
    %reduce_sum3A_25 = arith.constant dense<0.000000e+00> : vector<128xf32>
    %reduce_sum3A_26 = vector.multi_reduction <add>, %integer_pow3A, %reduce_sum3A_25 [0] : vector<10000x128xf32> to vector<128xf32>
    %broadcast_in_dim3A_27 = vector.shape_cast %reduce_sum3A_26 : vector<128xf32> to vector<1x128xf32>
    %div3A_28 = arith.constant 1.000000e+04 : f32
    %div3A_29 = vector.broadcast %div3A_28 : f32 to vector<1x128xf32>
    %div3A_30 = arith.divf %broadcast_in_dim3A_27, %div3A_29 : vector<1x128xf32>
    %sub3A_31 = vector.broadcast %div3A_23 : vector<1x128xf32> to vector<10000x128xf32>
    %sub3A_32 = arith.subf %add3A_20, %sub3A_31 : vector<10000x128xf32>
    %add3A_33 = arith.constant 9.99999974E-6 : f32
    %add3A_34 = vector.broadcast %add3A_33 : f32 to vector<1x128xf32>
    %add3A_35 = arith.addf %div3A_30, %add3A_34 : vector<1x128xf32>
    %rsqrt3A = math.rsqrt %add3A_35 : vector<1x128xf32>
    %mul3A_36 = vector.broadcast %rsqrt3A : vector<1x128xf32> to vector<10000x128xf32>
    %mul3A_37 = arith.mulf %sub3A_32, %mul3A_36 : vector<10000x128xf32>
    %get3A_38 = arith.constant 0 : index
    %get3A_39 = arith.constant 0 : index
    %get3A_40 = vector.load %arg5[%get3A_38, %get3A_39] : memref<1x128xf32, #tpu.memory_space<vmem>>, vector<1x128xf32>
    %mul3A_41 = vector.broadcast %get3A_40 : vector<1x128xf32> to vector<10000x128xf32>
    %mul3A_42 = arith.mulf %mul3A_37, %mul3A_41 : vector<10000x128xf32>
    %get3A_43 = arith.constant 0 : index
    %get3A_44 = arith.constant 0 : index
    %get3A_45 = vector.load %arg6[%get3A_43, %get3A_44] : memref<1x128xf32, #tpu.memory_space<vmem>>, vector<1x128xf32>
    %add3A_46 = vector.broadcast %get3A_45 : vector<1x128xf32> to vector<10000x128xf32>
    %add3A_47 = arith.addf %mul3A_42, %add3A_46 : vector<10000x128xf32>
    %max3A = arith.constant 0.000000e+00 : f32
    %max3A_48 = vector.broadcast %max3A : f32 to vector<10000x128xf32>
    %max3A_49 = arith.maximumf %add3A_47, %max3A_48 : vector<10000x128xf32>
    %swap3A = arith.constant 0 : index
    %swap3A_50 = arith.constant 0 : index
    %swap3A_51 = vector.load %arg7[%swap3A, %swap3A_50] : memref<10000x128xf32, #tpu.memory_space<vmem>>, vector<10000x128xf32>
    tpu.vector_store %arg7[%swap3A, %swap3A_50], %max3A_49 {strides = array<i32>} : memref<10000x128xf32, #tpu.memory_space<vmem>>, vector<10000x128xf32>,
    return
  }
}

module attributes {stable_mosaic.version = 14 : i64} {
  func.func @_mm_body(%arg0: i32, %arg1: memref<2000x128xf32, #tpu.memory_space<vmem>>, %arg2: memref<128x128xf32, #tpu.memory_space<vmem>>, %arg3: memref<2000x128xf32, #tpu.memory_space<vmem>>, %arg4: memref<2000x128xf32, #tpu.memory_space<vmem>>) attributes {dimension_semantics = [#tpu.dimension_semantics<arbitrary>], iteration_bounds = array<i64: 5>, scalar_prefetch = 0 : i64, scratch_operands = 0 : i64, tpu.core_type = #tpu.core_type<tc>, window_params = [{transform_indices = @transform_0, window_bounds = array<i64: 2000, 128>}, {pipeline_mode = #tpu.pipeline_mode<synchronous>, transform_indices = @transform_1, window_bounds = array<i64: 128, 128>}, {transform_indices = @transform_2, window_bounds = array<i64: 2000, 128>}, {transform_indices = @transform_3, window_bounds = array<i64: 2000, 128>}]} {
    %get3A = arith.constant 0 : index
    %get3A_0 = arith.constant 0 : index
    %get3A_1 = vector.load %arg1[%get3A, %get3A_0] : memref<2000x128xf32, #tpu.memory_space<vmem>>, vector<2000x128xf32>
    %get3A_2 = arith.constant 0 : index
    %get3A_3 = arith.constant 0 : index
    %get3A_4 = vector.load %arg2[%get3A_2, %get3A_3] : memref<128x128xf32, #tpu.memory_space<vmem>>, vector<128x128xf32>
    %dot_general3A = arith.constant dense<0.000000e+00> : vector<2000x128xf32>
    %dot_general3A_5 = tpu.matmul %get3A_1, %get3A_4, %dot_general3A {dimension_numbers = #tpu.dot_dimension_numbers<[1], [0], [0], [1], [0, 0, 1, 1], [], []>, precision = #tpu.contract_precision<fp32>, transpose_lhs_hint = false} : vector<2000x128xf32>, vector<128x128xf32>, vector<2000x128xf32> -> vector<2000x128xf32>
    %get3A_6 = arith.constant 0 : index
    %get3A_7 = arith.constant 0 : index
    %get3A_8 = vector.load %arg3[%get3A_6, %get3A_7] : memref<2000x128xf32, #tpu.memory_space<vmem>>, vector<2000x128xf32>
    %mul3A = arith.mulf %dot_general3A_5, %get3A_8 : vector<2000x128xf32>
    %swap3A = arith.constant 0 : index
    %swap3A_9 = arith.constant 0 : index
    %swap3A_10 = vector.load %arg4[%swap3A, %swap3A_9] : memref<2000x128xf32, #tpu.memory_space<vmem>>, vector<2000x128xf32>
    tpu.vector_store %arg4[%swap3A, %swap3A_9], %mul3A {strides = array<i32>} : memref<2000x128xf32, #tpu.memory_space<vmem>>, vector<2000x128xf32>,
    return
  }
  func.func @transform_0(%arg0: i32) -> (i32, i32) {
    %c0_i32 = arith.constant 0 : i32
    %c0_i32_0 = arith.constant 0 : i32
    return %arg0, %c0_i32 : i32, i32
  }
  func.func @transform_1(%arg0: i32) -> (i32, i32) {
    %c0_i32 = arith.constant 0 : i32
    %c0_i32_0 = arith.constant 0 : i32
    %c0_i32_1 = arith.constant 0 : i32
    return %c0_i32, %c0_i32_0 : i32, i32
  }
  func.func @transform_2(%arg0: i32) -> (i32, i32) {
    %c0_i32 = arith.constant 0 : i32
    %c0_i32_0 = arith.constant 0 : i32
    return %arg0, %c0_i32 : i32, i32
  }
  func.func @transform_3(%arg0: i32) -> (i32, i32) {
    %c0_i32 = arith.constant 0 : i32
    %c0_i32_0 = arith.constant 0 : i32
    return %arg0, %c0_i32 : i32, i32
  }
}

module attributes {stable_mosaic.version = 14 : i64} {
  func.func @_bn_body(%arg0: memref<2x10240x128xf32, #tpu.memory_space<vmem>>, %arg1: memref<10000x128xf32, #tpu.memory_space<vmem>>, %arg2: memref<10000x128xf32, #tpu.memory_space<vmem>>, %arg3: memref<10000x128xf32, #tpu.memory_space<vmem>>, %arg4: memref<1x128xf32, #tpu.memory_space<vmem>>, %arg5: memref<1x128xf32, #tpu.memory_space<vmem>>, %arg6: memref<1x128xf32, #tpu.memory_space<vmem>>, %arg7: memref<10000x128xf32, #tpu.memory_space<vmem>>) attributes {dimension_semantics = [], scalar_prefetch = 0 : i64, scratch_operands = 0 : i64, tpu.core_type = #tpu.core_type<tc>} {
    %get3A = arith.constant 0 : index
    %get3A_0 = arith.constant 0 : index
    %get3A_1 = vector.load %arg3[%get3A, %get3A_0] : memref<10000x128xf32, #tpu.memory_space<vmem>>, vector<10000x128xf32>
    %get3A_2 = arith.constant 0 : index
    %get3A_3 = arith.constant 0 : index
    %get3A_4 = arith.constant 0 : index
    %get3A_5 = vector.load %arg0[%get3A_2, %get3A_3, %get3A_4] : memref<2x10240x128xf32, #tpu.memory_space<vmem>>, vector<1x10000x128xf32>
    %get3A_6 = vector.shape_cast %get3A_5 : vector<1x10000x128xf32> to vector<10000x128xf32>
    %get3A_7 = arith.constant 1 : index
    %get3A_8 = arith.constant 0 : index
    %get3A_9 = arith.constant 0 : index
    %get3A_10 = vector.load %arg0[%get3A_7, %get3A_8, %get3A_9] : memref<2x10240x128xf32, #tpu.memory_space<vmem>>, vector<1x10000x128xf32>
    %get3A_11 = vector.shape_cast %get3A_10 : vector<1x10000x128xf32> to vector<10000x128xf32>
    %add3A = arith.addf %get3A_6, %get3A_11 : vector<10000x128xf32>
    %get3A_12 = arith.constant 0 : index
    %get3A_13 = arith.constant 0 : index
    %get3A_14 = vector.load %arg1[%get3A_12, %get3A_13] : memref<10000x128xf32, #tpu.memory_space<vmem>>, vector<10000x128xf32>
    %add3A_15 = arith.addf %add3A, %get3A_14 : vector<10000x128xf32>
    %mul3A = arith.mulf %add3A_15, %get3A_1 : vector<10000x128xf32>
    %get3A_16 = arith.constant 0 : index
    %get3A_17 = arith.constant 0 : index
    %get3A_18 = vector.load %arg4[%get3A_16, %get3A_17] : memref<1x128xf32, #tpu.memory_space<vmem>>, vector<1x128xf32>
    %add3A_19 = vector.broadcast %get3A_18 : vector<1x128xf32> to vector<10000x128xf32>
    %add3A_20 = arith.addf %mul3A, %add3A_19 : vector<10000x128xf32>
    %reduce_sum3A = arith.constant dense<0.000000e+00> : vector<128xf32>
    %reduce_sum3A_21 = vector.multi_reduction <add>, %add3A_20, %reduce_sum3A [0] : vector<10000x128xf32> to vector<128xf32>
    %broadcast_in_dim3A = vector.shape_cast %reduce_sum3A_21 : vector<128xf32> to vector<1x128xf32>
    %div3A = arith.constant 1.000000e+04 : f32
    %div3A_22 = vector.broadcast %div3A : f32 to vector<1x128xf32>
    %div3A_23 = arith.divf %broadcast_in_dim3A, %div3A_22 : vector<1x128xf32>
    %sub3A = vector.broadcast %div3A_23 : vector<1x128xf32> to vector<10000x128xf32>
    %sub3A_24 = arith.subf %add3A_20, %sub3A : vector<10000x128xf32>
    %integer_pow3A = arith.mulf %sub3A_24, %sub3A_24 : vector<10000x128xf32>
    %reduce_sum3A_25 = arith.constant dense<0.000000e+00> : vector<128xf32>
    %reduce_sum3A_26 = vector.multi_reduction <add>, %integer_pow3A, %reduce_sum3A_25 [0] : vector<10000x128xf32> to vector<128xf32>
    %broadcast_in_dim3A_27 = vector.shape_cast %reduce_sum3A_26 : vector<128xf32> to vector<1x128xf32>
    %div3A_28 = arith.constant 1.000000e+04 : f32
    %div3A_29 = vector.broadcast %div3A_28 : f32 to vector<1x128xf32>
    %div3A_30 = arith.divf %broadcast_in_dim3A_27, %div3A_29 : vector<1x128xf32>
    %sub3A_31 = vector.broadcast %div3A_23 : vector<1x128xf32> to vector<10000x128xf32>
    %sub3A_32 = arith.subf %add3A_20, %sub3A_31 : vector<10000x128xf32>
    %add3A_33 = arith.constant 9.99999974E-6 : f32
    %add3A_34 = vector.broadcast %add3A_33 : f32 to vector<1x128xf32>
    %add3A_35 = arith.addf %div3A_30, %add3A_34 : vector<1x128xf32>
    %rsqrt3A = math.rsqrt %add3A_35 : vector<1x128xf32>
    %mul3A_36 = vector.broadcast %rsqrt3A : vector<1x128xf32> to vector<10000x128xf32>
    %mul3A_37 = arith.mulf %sub3A_32, %mul3A_36 : vector<10000x128xf32>
    %get3A_38 = arith.constant 0 : index
    %get3A_39 = arith.constant 0 : index
    %get3A_40 = vector.load %arg5[%get3A_38, %get3A_39] : memref<1x128xf32, #tpu.memory_space<vmem>>, vector<1x128xf32>
    %mul3A_41 = vector.broadcast %get3A_40 : vector<1x128xf32> to vector<10000x128xf32>
    %mul3A_42 = arith.mulf %mul3A_37, %mul3A_41 : vector<10000x128xf32>
    %get3A_43 = arith.constant 0 : index
    %get3A_44 = arith.constant 0 : index
    %get3A_45 = vector.load %arg6[%get3A_43, %get3A_44] : memref<1x128xf32, #tpu.memory_space<vmem>>, vector<1x128xf32>
    %add3A_46 = vector.broadcast %get3A_45 : vector<1x128xf32> to vector<10000x128xf32>
    %add3A_47 = arith.addf %mul3A_42, %add3A_46 : vector<10000x128xf32>
    %max3A = arith.constant 0.000000e+00 : f32
    %max3A_48 = vector.broadcast %max3A : f32 to vector<10000x128xf32>
    %max3A_49 = arith.maximumf %add3A_47, %max3A_48 : vector<10000x128xf32>
    %get3A_50 = arith.constant 0 : index
    %get3A_51 = arith.constant 0 : index
    %get3A_52 = vector.load %arg2[%get3A_50, %get3A_51] : memref<10000x128xf32, #tpu.memory_space<vmem>>, vector<10000x128xf32>
    %add3A_53 = arith.addf %max3A_49, %get3A_52 : vector<10000x128xf32>
    %swap3A = arith.constant 0 : index
    %swap3A_54 = arith.constant 0 : index
    %swap3A_55 = vector.load %arg7[%swap3A, %swap3A_54] : memref<10000x128xf32, #tpu.memory_space<vmem>>, vector<10000x128xf32>
    tpu.vector_store %arg7[%swap3A, %swap3A_54], %add3A_53 {strides = array<i32>} : memref<10000x128xf32, #tpu.memory_space<vmem>>, vector<10000x128xf32>,
    return
  }
}

module attributes {stable_mosaic.version = 14 : i64} {
  func.func @_last_body(%arg0: memref<2x10240x128xf32, #tpu.memory_space<vmem>>, %arg1: memref<10000x128xf32, #tpu.memory_space<vmem>>, %arg2: memref<10000x128xf32, #tpu.memory_space<vmem>>, %arg3: memref<10000x128xf32, #tpu.memory_space<vmem>>, %arg4: memref<1x128xf32, #tpu.memory_space<vmem>>, %arg5: memref<1x128xf32, #tpu.memory_space<vmem>>, %arg6: memref<1x128xf32, #tpu.memory_space<vmem>>, %arg7: memref<1x10000xi32, #tpu.memory_space<vmem>>, %arg8: memref<128x64xf32, #tpu.memory_space<vmem>>, %arg9: memref<64xf32, #tpu.memory_space<vmem>>, %arg10: memref<64x1xf32, #tpu.memory_space<vmem>>, %arg11: memref<1x1xf32, #tpu.memory_space<vmem>>, %arg12: memref<64x1xf32, #tpu.memory_space<vmem>>) attributes {dimension_semantics = [], scalar_prefetch = 0 : i64, scratch_operands = 0 : i64, tpu.core_type = #tpu.core_type<tc>} {
    %get3A = arith.constant 0 : index
    %get3A_0 = arith.constant 0 : index
    %get3A_1 = vector.load %arg3[%get3A, %get3A_0] : memref<10000x128xf32, #tpu.memory_space<vmem>>, vector<10000x128xf32>
    %get3A_2 = arith.constant 0 : index
    %get3A_3 = arith.constant 0 : index
    %get3A_4 = arith.constant 0 : index
    %get3A_5 = vector.load %arg0[%get3A_2, %get3A_3, %get3A_4] : memref<2x10240x128xf32, #tpu.memory_space<vmem>>, vector<1x10000x128xf32>
    %get3A_6 = vector.shape_cast %get3A_5 : vector<1x10000x128xf32> to vector<10000x128xf32>
    %get3A_7 = arith.constant 1 : index
    %get3A_8 = arith.constant 0 : index
    %get3A_9 = arith.constant 0 : index
    %get3A_10 = vector.load %arg0[%get3A_7, %get3A_8, %get3A_9] : memref<2x10240x128xf32, #tpu.memory_space<vmem>>, vector<1x10000x128xf32>
    %get3A_11 = vector.shape_cast %get3A_10 : vector<1x10000x128xf32> to vector<10000x128xf32>
    %add3A = arith.addf %get3A_6, %get3A_11 : vector<10000x128xf32>
    %get3A_12 = arith.constant 0 : index
    %get3A_13 = arith.constant 0 : index
    %get3A_14 = vector.load %arg1[%get3A_12, %get3A_13] : memref<10000x128xf32, #tpu.memory_space<vmem>>, vector<10000x128xf32>
    %add3A_15 = arith.addf %add3A, %get3A_14 : vector<10000x128xf32>
    %mul3A = arith.mulf %add3A_15, %get3A_1 : vector<10000x128xf32>
    %get3A_16 = arith.constant 0 : index
    %get3A_17 = arith.constant 0 : index
    %get3A_18 = vector.load %arg4[%get3A_16, %get3A_17] : memref<1x128xf32, #tpu.memory_space<vmem>>, vector<1x128xf32>
    %add3A_19 = vector.broadcast %get3A_18 : vector<1x128xf32> to vector<10000x128xf32>
    %add3A_20 = arith.addf %mul3A, %add3A_19 : vector<10000x128xf32>
    %reduce_sum3A = arith.constant dense<0.000000e+00> : vector<128xf32>
    %reduce_sum3A_21 = vector.multi_reduction <add>, %add3A_20, %reduce_sum3A [0] : vector<10000x128xf32> to vector<128xf32>
    %broadcast_in_dim3A = vector.shape_cast %reduce_sum3A_21 : vector<128xf32> to vector<1x128xf32>
    %div3A = arith.constant 1.000000e+04 : f32
    %div3A_22 = vector.broadcast %div3A : f32 to vector<1x128xf32>
    %div3A_23 = arith.divf %broadcast_in_dim3A, %div3A_22 : vector<1x128xf32>
    %sub3A = vector.broadcast %div3A_23 : vector<1x128xf32> to vector<10000x128xf32>
    %sub3A_24 = arith.subf %add3A_20, %sub3A : vector<10000x128xf32>
    %integer_pow3A = arith.mulf %sub3A_24, %sub3A_24 : vector<10000x128xf32>
    %reduce_sum3A_25 = arith.constant dense<0.000000e+00> : vector<128xf32>
    %reduce_sum3A_26 = vector.multi_reduction <add>, %integer_pow3A, %reduce_sum3A_25 [0] : vector<10000x128xf32> to vector<128xf32>
    %broadcast_in_dim3A_27 = vector.shape_cast %reduce_sum3A_26 : vector<128xf32> to vector<1x128xf32>
    %div3A_28 = arith.constant 1.000000e+04 : f32
    %div3A_29 = vector.broadcast %div3A_28 : f32 to vector<1x128xf32>
    %div3A_30 = arith.divf %broadcast_in_dim3A_27, %div3A_29 : vector<1x128xf32>
    %sub3A_31 = vector.broadcast %div3A_23 : vector<1x128xf32> to vector<10000x128xf32>
    %sub3A_32 = arith.subf %add3A_20, %sub3A_31 : vector<10000x128xf32>
    %add3A_33 = arith.constant 9.99999974E-6 : f32
    %add3A_34 = vector.broadcast %add3A_33 : f32 to vector<1x128xf32>
    %add3A_35 = arith.addf %div3A_30, %add3A_34 : vector<1x128xf32>
    %rsqrt3A = math.rsqrt %add3A_35 : vector<1x128xf32>
    %mul3A_36 = vector.broadcast %rsqrt3A : vector<1x128xf32> to vector<10000x128xf32>
    %mul3A_37 = arith.mulf %sub3A_32, %mul3A_36 : vector<10000x128xf32>
    %get3A_38 = arith.constant 0 : index
    %get3A_39 = arith.constant 0 : index
    %get3A_40 = vector.load %arg5[%get3A_38, %get3A_39] : memref<1x128xf32, #tpu.memory_space<vmem>>, vector<1x128xf32>
    %mul3A_41 = vector.broadcast %get3A_40 : vector<1x128xf32> to vector<10000x128xf32>
    %mul3A_42 = arith.mulf %mul3A_37, %mul3A_41 : vector<10000x128xf32>
    %get3A_43 = arith.constant 0 : index
    %get3A_44 = arith.constant 0 : index
    %get3A_45 = vector.load %arg6[%get3A_43, %get3A_44] : memref<1x128xf32, #tpu.memory_space<vmem>>, vector<1x128xf32>
    %add3A_46 = vector.broadcast %get3A_45 : vector<1x128xf32> to vector<10000x128xf32>
    %add3A_47 = arith.addf %mul3A_42, %add3A_46 : vector<10000x128xf32>
    %max3A = arith.constant 0.000000e+00 : f32
    %max3A_48 = vector.broadcast %max3A : f32 to vector<10000x128xf32>
    %max3A_49 = arith.maximumf %add3A_47, %max3A_48 : vector<10000x128xf32>
    %get3A_50 = arith.constant 0 : index
    %get3A_51 = arith.constant 0 : index
    %get3A_52 = vector.load %arg2[%get3A_50, %get3A_51] : memref<10000x128xf32, #tpu.memory_space<vmem>>, vector<10000x128xf32>
    %add3A_53 = arith.addf %max3A_49, %get3A_52 : vector<10000x128xf32>
    %iota3A = tpu.iota {dimensions = array<i32: 0>} : vector<64x10000xi32>
    %get3A_54 = arith.constant 0 : index
    %get3A_55 = arith.constant 0 : index
    %get3A_56 = vector.load %arg7[%get3A_54, %get3A_55] : memref<1x10000xi32, #tpu.memory_space<vmem>>, vector<1x10000xi32>
    %eq3A = vector.broadcast %get3A_56 : vector<1x10000xi32> to vector<64x10000xi32>
    %eq3A_57 = arith.cmpi eq, %eq3A, %iota3A : vector<64x10000xi32>
    %convert_element_type3A = arith.extui %eq3A_57 : vector<64x10000xi1> to vector<64x10000xi32>
    %convert_element_type3A_58 = arith.sitofp %convert_element_type3A : vector<64x10000xi32> to vector<64x10000xf32>
    %dot_general3A = arith.constant dense<0.000000e+00> : vector<64x128xf32>
    %dot_general3A_59 = tpu.matmul %convert_element_type3A_58, %add3A_53, %dot_general3A {dimension_numbers = #tpu.dot_dimension_numbers<[1], [0], [0], [1], [0, 0, 1, 1], [], []>, transpose_lhs_hint = false} : vector<64x10000xf32>, vector<10000x128xf32>, vector<64x128xf32> -> vector<64x128xf32>
    %reduce_sum3A_60 = arith.constant dense<0.000000e+00> : vector<64xf32>
    %reduce_sum3A_61 = vector.multi_reduction <add>, %convert_element_type3A_58, %reduce_sum3A_60 [1] : vector<64x10000xf32> to vector<64xf32>
    %broadcast_in_dim3A_62 = vector.shape_cast %reduce_sum3A_61 : vector<64xf32> to vector<64x1xf32>
    %max3A_63 = arith.constant 1.000000e+00 : f32
    %max3A_64 = vector.broadcast %max3A_63 : f32 to vector<64x1xf32>
    %max3A_65 = arith.maximumf %broadcast_in_dim3A_62, %max3A_64 : vector<64x1xf32>
    %div3A_66 = vector.broadcast %max3A_65 : vector<64x1xf32> to vector<64x128xf32>
    %div3A_67 = arith.divf %dot_general3A_59, %div3A_66 : vector<64x128xf32>
    %get3A_68 = arith.constant 0 : index
    %get3A_69 = arith.constant 0 : index
    %get3A_70 = vector.load %arg8[%get3A_68, %get3A_69] : memref<128x64xf32, #tpu.memory_space<vmem>>, vector<128x64xf32>
    %dot_general3A_71 = arith.constant dense<0.000000e+00> : vector<64x64xf32>
    %dot_general3A_72 = tpu.matmul %div3A_67, %get3A_70, %dot_general3A_71 {dimension_numbers = #tpu.dot_dimension_numbers<[1], [0], [0], [1], [0, 0, 1, 1], [], []>, transpose_lhs_hint = false} : vector<64x128xf32>, vector<128x64xf32>, vector<64x64xf32> -> vector<64x64xf32>
    %get3A_73 = arith.constant 0 : index
    %get3A_74 = vector.load %arg9[%get3A_73] : memref<64xf32, #tpu.memory_space<vmem>>, vector<64xf32>
    %broadcast_in_dim3A_75 = vector.shape_cast %get3A_74 : vector<64xf32> to vector<1x64xf32>
    %add3A_76 = vector.broadcast %broadcast_in_dim3A_75 : vector<1x64xf32> to vector<64x64xf32>
    %add3A_77 = arith.addf %dot_general3A_72, %add3A_76 : vector<64x64xf32>
    %max3A_78 = arith.constant 0.000000e+00 : f32
    %max3A_79 = vector.broadcast %max3A_78 : f32 to vector<64x64xf32>
    %max3A_80 = arith.maximumf %add3A_77, %max3A_79 : vector<64x64xf32>
    %get3A_81 = arith.constant 0 : index
    %get3A_82 = arith.constant 0 : index
    %get3A_83 = vector.load %arg10[%get3A_81, %get3A_82] : memref<64x1xf32, #tpu.memory_space<vmem>>, vector<64x1xf32>
    %dot_general3A_84 = arith.constant dense<0.000000e+00> : vector<64x1xf32>
    %dot_general3A_85 = tpu.matmul %max3A_80, %get3A_83, %dot_general3A_84 {dimension_numbers = #tpu.dot_dimension_numbers<[1], [0], [0], [1], [0, 0, 1, 1], [], []>, transpose_lhs_hint = false} : vector<64x64xf32>, vector<64x1xf32>, vector<64x1xf32> -> vector<64x1xf32>
    %get3A_86 = arith.constant 0 : index
    %get3A_87 = arith.constant 0 : index
    %get3A_88 = vector.load %arg11[%get3A_86, %get3A_87] : memref<1x1xf32, #tpu.memory_space<vmem>>, vector<1x1xf32>
    %add3A_89 = vector.broadcast %get3A_88 : vector<1x1xf32> to vector<64x1xf32>
    %add3A_90 = arith.addf %dot_general3A_85, %add3A_89 : vector<64x1xf32>
    %swap3A = arith.constant 0 : index
    %swap3A_91 = arith.constant 0 : index
    %swap3A_92 = vector.load %arg12[%swap3A, %swap3A_91] : memref<64x1xf32, #tpu.memory_space<vmem>>, vector<64x1xf32>
    tpu.vector_store %arg12[%swap3A, %swap3A_91], %add3A_90 {strides = array<i32>} : memref<64x1xf32, #tpu.memory_space<vmem>>, vector<64x1xf32>,
    return
  }
}

</mosaic_0001>

<sc_bundles>
// kernel: kernel.19.cloned.1.call-start
scs
__scs_entry_jumppad:
0x0: {  	(pc) =	sbr.rel $0x88, $3  }
0x1: {  	(tag) =	ssettag $0x0;
	lr =	simm.s32 $0x1  }
0x2: {  	[smem:$0x3F86] =	sst lr;
	_ =	strace $0xD0000000  }
0x3: {  	_ = 	snop  }
0x4: {  	_ = 	snop  }
0x5: {  	_ = 	snop  }
0x6: {  	_ = 	snop  }
0x7: {  	_ = 	snop  }
__scs_overlays_trampoline_lowered:
0x8: {  	[smem:$0x3F95] =	sst s0  }
0x9: {  	[smem:$0x3F96] =	sst s1  }
0xa: {  	[smem:$0x3F97] =	sst s2  }
0xb: {  	[smem:$0x3F98] =	sst s3  }
0xc: {  	[smem:$0x3F99] =	sst s4  }
0xd: {  	[smem:$0x3F9A] =	sst s5  }
0xe: {  	[smem:$0x3F9B] =	sst s6  }
0xf: {  	[smem:$0x3F9C] =	sst s7  }
0x10: {  	[smem:$0x3F9D] =	sst s8  }
0x11: {  	[smem:$0x3F9E] =	sst s9;
	s0 =	simm.s32 @!p0 $0x0  }
0x12: {  	s1 =	sld [smem:$0x3F84];
	s0 =	simm.s32 @p0 $0x1  }
0x13: {  	[smem:$0x3F9F] =	sst s0;
	s0 =	simm.s32 @!p1 $0x0  }
0x14: {  	s2 =	sld [smem:$0x3F83];
	s0 =	simm.s32 @p1 $0x1  }
0x15: {  	[smem:$0x3FA0] =	sst s0;
	s0 =	simm.s32 @!p2 $0x0  }
0x16: {  	s3 =	sld [smem:$0x3FDB];
	s0 =	simm.s32 @p2 $0x1  }
0x17: {  	s4 =	simm.s32 $0x1BF5;
	[smem:$0x3FA2] =	sst s0  }
0x18: {  	s0 =	sld [smem:$0x3F85];
	_ =	swait.ge [sflag:s4], $0x0  }
0x19: {  	s7 =	sld [smem:$0x3F86]  }
0x1a: {  	s8 =	sadd.s32 $0xFFFFE003, lr  }
0x1b: {  	s9 =	sadd.s32 $0xFFFFFEF7, lr;
	s5 =	simm.s32 $0xFFFFFFFF;
	p2 =	slt.u32 s8, $0xFFFFF086  }
0x1c: {  	p1 =	slt.u32 s9, $0xF7A;
	s5 =	simm.s32 @!p2 $0x0  }
0x1d: {  	s5 =	simm.s32 @p1 $0x1;
	p0 =	seq.s32 s7, s2  }
0x1e: {  	s7 =	smul.u32 @!p0 $0xF7A, s2;
	p2 =	seq.s32 @!p0 s5, $0x0  }
0x1f: {  	s9 =	smul.u32 $0xF7A, s1;
	s8 =	simm.s32 @!p0 $0x1BF5;
	p2 =	por !p2, p0  }
0x20: {  	[sflag:s8] =	ssyncset.s32 @!p0 $0xFFFFF086;
	s6 =	sadd.s32 @!p0 s3, s7;
	s7 =	simm.s32 @!p0 $0x108  }
0x21: {  	s3 =	sadd.s32 s3, s9;
	s6 =	sadd.s32 @!p0 $0x88, s6;
	s7 =	simm.s32 @p2 $0x1082  }
0x22: {  	[simem:s7], [sflag:s8] =	dma.local @!p0 [hbm:s6], $0xF7A  }
0x23: {  	s9 =	sor.u32 $0xD0000000, s2;
	s6 =	simm.s32 $0x108;
	_ =	swait.ge @!p0 [sflag:s8], $0x0  }
0x24: {  	s3 =	sadd.s32 $0x88, s3;
	s6 =	simm.s32 @!p1 $0x1082;
	[sflag:s4] =	ssyncset.s32 $0xFFFFF086  }
0x25: {  	[simem:s6], [sflag:s4] =	dma.local [hbm:s3], $0xF7A  }
0x26: {  	[smem:$0x3F86] =	sst s1;
	(tag) =	ssettag s2;
	_ =	strace s9  }
0x27: {  	s1 =	sld [smem:$0x3F96]  }
0x28: {  	s2 =	sld [smem:$0x3F97]  }
0x29: {  	s4 =	sld [smem:$0x3F99]  }
0x2a: {  	p0 =	seq.s32 s5, $0x0;
	s5 =	sld [smem:$0x3F9A]  }
0x2b: {  	s6 =	sld [smem:$0x3F9B]  }
0x2c: {  	s7 =	sld [smem:$0x3F9C]  }
0x2d: {  	s3 =	simm.s32 $0x108;
	s8 =	sld [smem:$0x3F9D]  }
0x2e: {  	s3 =	simm.s32 @!p0 $0x1082;
	s9 =	sld [smem:$0x3F9E]  }
0x2f: {  	lr =	sadd.s32 s0, s3;
	s0 =	sld [smem:$0x3F95]  }
0x30: {  	s3 =	sld [smem:$0x3F98]  }
0x31: {  	[smem:$0x3FA1] =	sst s10  }
0x32: {  	s10 =	sld [smem:$0x3F9F];
	_ =	sdelay $0x3  }
0x33: {  	p0 =	seq.s32 s10, $0x1;
	s10 =	sld [smem:$0x3FA1];
	_ =	sdelay $0x3  }
0x34: {  	[smem:$0x3FA1] =	sst s10  }
0x35: {  	s10 =	sld [smem:$0x3FA0];
	_ =	sdelay $0x3  }
0x36: {  	p1 =	seq.s32 s10, $0x1;
	s10 =	sld [smem:$0x3FA1];
	_ =	sdelay $0x3  }
0x37: {  	[smem:$0x3FA1] =	sst s10  }
0x38: {  	s10 =	sld [smem:$0x3FA2]  }
0x39: {  	_ = 	snop;
	(pc) =	sbr.ind lr, $3  }
0x3a: {  	_ = 	snop  }
0x3b: {  	_ = 	snop  }
0x3c: {  	p2 =	seq.s32 s10, $0x1;
	s10 =	sld [smem:$0x3FA1]  }
0x3d: {  	_ =	shalt  }
0x3e: {  	_ =	shalt  }
0x3f: {  	_ =	shalt  }
0x40: {  	_ =	shalt  }
0x41: {  	_ =	shalt  }
0x42: {  	_ =	shalt  }
0x43: {  	_ =	shalt  }
0x44: {  	_ =	shalt  }
0x45: {  	_ =	shalt  }
0x46: {  	_ =	shalt  }
0x47: {  	_ =	shalt  }
0x48: {  	_ =	shalt  }
0x49: {  	_ =	shalt  }
0x4a: {  	_ =	shalt  }
0x4b: {  	_ =	shalt  }
0x4c: {  	_ =	shalt  }
0x4d: {  	_ =	shalt  }
0x4e: {  	_ =	shalt  }
0x4f: {  	_ =	shalt  }
0x50: {  	_ =	shalt  }
0x51: {  	_ =	shalt  }
0x52: {  	_ =	shalt  }
0x53: {  	_ =	shalt  }
0x54: {  	_ =	shalt  }
0x55: {  	_ =	shalt  }
0x56: {  	_ =	shalt  }
0x57: {  	_ =	shalt  }
0x58: {  	_ =	shalt  }
0x59: {  	_ =	shalt  }
0x5a: {  	_ =	shalt  }
0x5b: {  	_ =	shalt  }
0x5c: {  	_ =	shalt  }
0x5d: {  	_ =	shalt  }
0x5e: {  	_ =	shalt  }
0x5f: {  	_ =	shalt  }
0x60: {  	_ =	shalt  }
0x61: {  	_ =	shalt  }
0x62: {  	_ =	shalt  }
0x63: {  	_ =	shalt  }
0x64: {  	_ =	shalt  }
0x65: {  	_ =	shalt  }
0x66: {  	_ =	shalt  }
0x67: {  	_ =	shalt  }
0x68: {  	_ =	shalt  }
0x69: {  	_ =	shalt  }
0x6a: {  	_ =	shalt  }
0x6b: {  	_ =	shalt  }
0x6c: {  	_ =	shalt  }
0x6d: {  	_ =	shalt  }
0x6e: {  	_ =	shalt  }
0x6f: {  	_ =	shalt  }
0x70: {  	_ =	shalt  }
0x71: {  	_ =	shalt  }
0x72: {  	_ =	shalt  }
0x73: {  	_ =	shalt  }
0x74: {  	_ =	shalt  }
0x75: {  	_ =	shalt  }
0x76: {  	_ =	shalt  }
0x77: {  	_ =	shalt  }
0x78: {  	_ =	shalt  }
0x79: {  	_ =	shalt  }
0x7a: {  	_ =	shalt  }
0x7b: {  	_ =	shalt  }
0x7c: {  	_ =	shalt  }
0x7d: {  	_ =	shalt  }
0x7e: {  	_ =	shalt  }
0x7f: {  	_ =	shalt  }
0x80: {  	_ =	shalt  }
0x81: {  	_ =	shalt  }
0x82: {  	_ =	shalt  }
0x83: {  	_ =	shalt  }
0x84: {  	_ =	shalt  }
0x85: {  	_ =	shalt  }
0x86: {  	_ =	shalt  }
0x87: {  	_ =	shalt  }
.Lfunc_end0:
.L_simem_size_0:
called_computation_lowered:
.L_overlay_start_0:
0x88: {  	s2 =	sld [smem:$0x3FD9]  }
0x89: {  	s3 =	sld [smem:$0x3FFE];
	_ =	sdelay $0x1  }
0x8a: {  	s1 =	srdreg.scid  }
0x8b: {  	s0 =	sand.u32 $0x1, s1  }
0x8c: {  	s16 =	sshll.u32 s0, $0xA;
	s2 =	sadd.s32 s3, s2  }
0x8d: {  	s2 =	sadd.s32 s2, s16  }
0x8e: {  	[smem:$0x3FAD] =	sst s2  }
0x8f: {  	_ = 	snop  }
0x90: {  	(tm) =	ssettm $0x1  }
0x91: {  	s17 =	sld [smem:$0x3FFB];
	_ =	sdelay $0x3  }
0x92: {  	_ =	strace s17  }
0x93: {  	s2 =	sld [smem:$0x3FFC];
	_ =	sdelay $0x3  }
0x94: {  	_ =	strace s2  }
0x95: {  	s2 =	sld [smem:$0x3FFD];
	_ =	sdelay $0x3  }
0x96: {  	_ =	strace s2  }
0x97: {  	_ =	strace $0x8FFFFFFF  }
0x98: {  	s18 =	sld [smem:$0x3FDB];
	_ =	sdelay $0x1  }
0x99: {  	s19 =	simm.s32 $_scs_section_size  }
0x9a: {  	s4 =	simm.s32 $_size__tile_overlayer_lowered;
	s5 =	simm.s32 $_tile_overlayer_lowered  }
0x9b: {  	s22 =	simm.s32 $0x1BFF;
	s21 =	sshll.u32 s5, $0x1;
	s2 =	sadd.s32 s19, s18  }
0x9c: {  	s6 =	simm.s32 $0x0;
	s20 =	sshll.u32 s4, $0x1;
	s4 =	sadd.s32 s21, s2  }
0x9d: {  	[timem:s6], [sflag:s22] =	dma.local [hbm:s4], s20  }
0x9e: {  	_ =	swait.ge [sflag:s22], s20  }
0x9f: {  	s3 =	ssub.s32 $0x0, s20;
	[sflag:s22] =	ssyncset.done $0x0  }
0xa0: {  	[sflag:s22] =	ssyncadd.s32 s3;
	_ =	sdelay $0x1  }
0xa1: {  	s23 =	simm.s32 $0x1B8B  }
0xa2: {  	_ =	swait.ge [sflag:s23], $0x1  }
0xa3: {  	[sflag:s23] =	ssyncset.done $0x0  }
0xa4: {  	s25 =	simm.s32 $0x1B8E;
	s24 =	sld [smem:$0x3FFE];
	[sflag:s23] =	ssyncadd.s32 $0xFFFFFFFF  }
0xa5: {  	s26 =	simm.s32 $execute0_lowered;
	[smem:$0x3FD2] =	sst s25  }
0xa6: {  	s4 =	sshll.u32 s26, $0x1;
	_ =	strace $0x80000046;
	[dreg:$0x1] =	wrdreg $0xFFFFFFFF  }
0xa7: {  	s28 =	simm.s32 $_size_execute0_lowered;
	s2 =	sadd.s32 s2, s4;
	[dreg:$0x0] =	wrdreg $0x0  }
0xa8: {  	s4 =	sshll.u32 s28, $0x1;
	[dreg:$0x2] =	wrdreg s2  }
0xa9: {  	[dreg:$0x3] =	wrdreg s4  }
0xaa: {  	[dreg:$0x4] =	wrdreg $0xC0  }
0xab: {  	_ =	task [dreg:s6], $0x5FFFF  }
0xac: {  	[dreg:$0x1] =	wrdreg $0xFFFFFFFF  }
0xad: {  	[dreg:$0x0] =	wrdreg $0x60  }
0xae: {  	[dreg:$0x2] =	wrdreg s24  }
0xaf: {  	[dreg:$0x3] =	wrdreg $0x0  }
0xb0: {  	[dreg:$0x4] =	wrdreg $0x9  }
0xb1: {  	_ =	task.clear_ibuf [dreg:s6], $0x5FFFF;
	_ =	strace $0x90000046  }
0xb2: {  	s29 =	simm.s32 $0x9;
	_ =	strace $0x80000048  }
0xb3: {  	_ =	swait.ge [sflag:s29], $0x1  }
0xb4: {  	[sflag:s29] =	ssyncadd.s32 $0xFFFFFFFF  }
0xb5: {  	_ =	strace $0x90000048  }
0xb6: {  	_ =	sfence  }
0xb7: {  	s30 =	sld [smem:$0x0];
	_ =	sdelay $0x2  }
0xb8: {  	s31 =	sshll.u32 s1, $0xD;
	s1 =	sshrl.u32 s1, $0x2  }
0xb9: {  	s3 =	sand.u32 $0x4000, s31;
	s1 =	sadd.s32 s1, s30  }
0xba: {  	s0 =	sor.u32 s3, s0;
	s1 =	sshll.u32 s1, $0x11  }
0xbb: {  	s0 =	sor.u32 s1, s0  }
0xbc: {  	s0 =	sadd.s32 $0x8F2B, s0  }
0xbd: {  	[sflag:s0] =	ssyncadd.remote.s32 $0x1  }
0xbe: {  	_ =	sfence.sel $0xFFFF  }
0xbf: {  	[dreg:$0x0] =	wrdreg $0xFFFFFFFF;
	(pc) =	sbr.abs _section_cstart, $3  }
0xc0: {  	[dreg:$0x1] =	wrdreg $0xFFFFFFFF  }
0xc1: {  	_ =	task.clear_ibuf [dreg:s6], $0x2FFFF;
	_ =	strace $0x9FFFFFFF  }
0xc2: {  	(tm) =	ssettm $0x7FFFFFFF  }
0xc3: {  	_ =	shalt  }
tec
execute0_lowered:
.L_overlay_start_1:
0x0: {  	(tag) =	ssettag $0x1  }
0x1: {  	s0 =	rddreg [dreg:$0x0]  }
0x2: {  	s2 =	rddreg [dreg:$0x1];
	s12 =	stileid.u32  }
0x3: {  	s1 =	srdreg.scid;
	s3 =	simm.s32 $0x0;
	s28 =	simm.s32 $0x14180  }
0x4: {  	s29 =	simm.s32 $0x2;
	s30 =	simm.s32 $0x16A00;
	s31 =	simm.s32 $0x3  }
0x5: {  	s7 =	smul.u32 $0x14000, s12;
	s1 =	sand.u32 $0x1, s1;
	[smem:$0x7FF] =	sst s3  }
0x6: {  	s4 =	sadd.s32 $0x42200, s0;
	s5 =	sadd.s32 $0x10400, s0;
	s17 =	smul.u32 $0x50000, s12  }
0x7: {  	s6 =	sadd.s32 $0x6600, s0;
	s10 =	sshll.u32 s12, $0x1;
	s20 =	smul.u32 $0x4E20, s12  }
0x8: {  	s19 =	sshll.u32 s12, $0x6;
	s8 =	smul.u32 $0x140000, s1;
	_ =	strace $0x80000047  }
0x9: {  	s18 =	ssub.s32 $0x2, s1;
	s10 =	sor.u32 s1, s10;
	s1 =	smul.u32 $0x2710, s1  }
0xa: {  	s9 =	sshrl.u32 s7, $0x3;
	s11 =	sshrl.u32 s18, $0x1;
	s10 =	smul.u32 $0x2710, s10  }
0xb: {  	s7 =	sadd.s32 s7, s8;
	s16 =	sadd.s32 s9, s0;
	s9 =	sshrl.u32 s17, $0x2  }
0xc: {  	s1 =	sadd.s32 s1, s20;
	s7 =	sshrl.u32 s7, $0x3;
	s9 =	sadd.s32 s9, s2  }
0xd: {  	s8 =	sadd.s32 $0x1A200, s16;
	s10 =	sshrl.u32 s10, $0x3;
	s25 =	sadd.s32 $0xF0, s1  }
0xe: {  	s0 =	sadd.s32 s7, s0;
	s7 =	ssub.s32 s18, s11;
	[dreg:$0x3] =	wrdreg s8  }
0xf: {  	s8 =	sor.u32 $0x1C05, s19;
	s21 =	sadd.s32 s5, s10;
	s22 =	sadd.s32 s6, s10  }
0x10: {  	s23 =	sadd.s32 $0xA, s10;
	s24 =	sadd.s32 $0x4D8, s10;
	s26 =	sshrl.u32 s25, $0x3  }
0x11: {  	s19 =	sadd.s32 $0xA0, s1;
	s20 =	sshrl.u32 s9, $0x3;
	[dreg:$0x4] =	wrdreg s21  }
0x12: {  	s25 =	simm.s32 $0x14200;
	s1 =	simm.s32 $0x4;
	[dreg:$0x5] =	wrdreg s22  }
0x13: {  	s13 =	sadd.s32 s5, s23;
	s12 =	sadd.s32 s6, s23;
	s0 =	sadd.s32 $0x69400, s0  }
0x14: {  	s14 =	smax.u32 s7, $0x1;
	s15 =	sadd.s32 s5, s24;
	s16 =	sadd.s32 s6, s24  }
0x15: {  	s17 =	sadd.s32 s26, s6;
	s18 =	sadd.s32 s26, s5;
	s21 =	simm.s32 $0x5  }
0x16: {  	s22 =	simm.s32 $0x14000;
	s23 =	simm.s32 $0x14100;
	[dreg:$0x6] =	wrdreg s13  }
0x17: {  	s24 =	simm.s32 $0x50;
	s26 =	simm.s32 $0x14080;
	[dreg:$0x7] =	wrdreg s12  }
0x18: {  	s7 =	simm.s32 $0x0;
	[dreg:$0x8] =	wrdreg s0;
	s0 =	simm.s32 $0x1  }
.LBB2_1:
0x19: {  	s9 =	rddreg [dreg:$0x3]  }
0x1a: {  	[spmem:s20], [sflag:s8] =	dma.local [hbm:s9], $0x2800  }
0x1b: {  	_ =	swait.ge [sflag:s21], $0x2800  }
0x1c: {  	[sflag:s21] =	ssyncset.done $0x0  }
0x1d: {  	[sflag:s21] =	ssyncadd.s32 $0xFFFFD800  }
0x1e: {  	[bflag:$0x0] =	sbarrier.arrive $0xFFFF  }
0x1f: {  	s12 =	rddreg [dreg:$0x4]  }
0x20: {  	[tilespmem:s22], [sflag:$0x5] =	stream.linear.gather [hbm4b:s12+s3], $0x50, $0x38;
	[tilespmem:$0x19200] =	vst v63  }
0x21: {  	_ =	swait.ge [sflag:s21], $0x50  }
0x22: {  	[sflag:s21] =	ssyncset.done $0x0  }
0x23: {  	s13 =	rddreg [dreg:$0x5];
	[sflag:s21] =	ssyncadd.s32 $0xFFFFFFB0  }
0x24: {  	[tilespmem:s23], [sflag:$0x5] =	stream.linear.gather [hbm4b:s13+s3], $0x50, $0x38;
	[tilespmem:$0x19200] =	vst v63  }
0x25: {  	_ =	swait.ge [sflag:s21], $0x50  }
0x26: {  	[sflag:s21] =	ssyncset.done $0x0  }
0x27: {  	[sflag:s21] =	ssyncadd.s32 $0xFFFFFFB0  }
0x28: {  	[tilespmem:s25], [sflag:$0x3] =	stream.indirect.gather [hbm4b:s4+s24], $0x80, s22, s24, $0xb8;
	[tilespmem:$0x19200] =	vst v63  }
0x29: {  	s10 =	rddreg [dreg:$0x6]  }
0x2a: {  	[tilespmem:s26], [sflag:$0x2] =	stream.linear.gather [hbm4b:s10+s3], $0x50, $0x38;
	[tilespmem:$0x19200] =	vst v63  }
0x2b: {  	s11 =	rddreg [dreg:$0x7]  }
0x2c: {  	[tilespmem:s28], [sflag:$0x2] =	stream.linear.gather [hbm4b:s11+s3], $0x50, $0x38;
	[tilespmem:$0x19200] =	vst v63  }
0x2d: {  	_ =	swait.ge [sflag:s29], $0x50  }
0x2e: {  	[sflag:s29] =	ssyncset.done $0x0  }
0x2f: {  	[sflag:s29] =	ssyncadd.s32 $0xFFFFFFB0  }
0x30: {  	_ =	swait.ge [sflag:s29], $0x50  }
0x31: {  	[sflag:s29] =	ssyncset.done $0x0  }
0x32: {  	[sflag:s29] =	ssyncadd.s32 $0xFFFFFFB0  }
0x33: {  	[tilespmem:s30], [sflag:$0x4] =	stream.indirect.gather [hbm4b:s4+s24], $0x80, s26, s24, $0xb8;
	[tilespmem:$0x19200] =	vst v63  }
0x34: {  	_ =	swait.ge [sflag:s31], $0x2800  }
0x35: {  	[sflag:s31] =	ssyncset.done $0x0  }
0x36: {  	[sflag:s31] =	ssyncadd.s32 $0xFFFFD800  }
0x37: {  	[spmem:s2] =	stream.indirect.scatter.add.f32 [tilespmem:s25], [sflag:$0x5], $0x80, s23, s24, $0xb8;
	[tilespmem:$0x19200] =	vst v63  }
0x38: {  	_ =	swait.ge [sflag:s21], $0x2800  }
0x39: {  	s12 =	sshrl.u32 s19, $0x3;
	[sflag:s21] =	ssyncset.done $0x0  }
0x3a: {  	s10 =	sadd.s32 s5, s12;
	[sflag:s21] =	ssyncadd.s32 $0xFFFFD800  }
0x3b: {  	[tilespmem:s22], [sflag:$0x1] =	stream.linear.gather [hbm4b:s10+s3], $0x50, $0x38;
	[tilespmem:$0x19200] =	vst v63  }
0x3c: {  	s9 =	sadd.s32 s6, s12  }
0x3d: {  	[tilespmem:s23], [sflag:$0x1] =	stream.linear.gather [hbm4b:s9+s3], $0x50, $0x38;
	[tilespmem:$0x19200] =	vst v63  }
0x3e: {  	_ =	swait.ge [sflag:s0], $0x50  }
0x3f: {  	[sflag:s0] =	ssyncset.done $0x0  }
0x40: {  	[sflag:s0] =	ssyncadd.s32 $0xFFFFFFB0  }
0x41: {  	_ =	swait.ge [sflag:s0], $0x50  }
0x42: {  	[sflag:s0] =	ssyncset.done $0x0  }
0x43: {  	[sflag:s0] =	ssyncadd.s32 $0xFFFFFFB0  }
0x44: {  	[tilespmem:s25], [sflag:$0x3] =	stream.indirect.gather [hbm4b:s4+s24], $0x80, s22, s24, $0xb8;
	[tilespmem:$0x19200] =	vst v63  }
0x45: {  	_ =	swait.ge [sflag:s1], $0x2800  }
0x46: {  	[sflag:s1] =	ssyncset.done $0x0  }
0x47: {  	[sflag:s1] =	ssyncadd.s32 $0xFFFFD800  }
0x48: {  	[spmem:s2] =	stream.indirect.scatter.add.f32 [tilespmem:s30], [sflag:$0x5], $0x80, s28, s24, $0xb8;
	[tilespmem:$0x19200] =	vst v63  }
0x49: {  	_ =	swait.ge [sflag:s21], $0x2800  }
0x4a: {  	s13 =	sadd.s32 $0x0, s18;
	s11 =	sadd.s32 $0x0, s17;
	[sflag:s21] =	ssyncset.done $0x0  }
0x4b: {  	s10 =	sadd.s32 $0xA0, s19;
	s9 =	simm.s32 $0x14;
	[sflag:s21] =	ssyncadd.s32 $0xFFFFD800  }
0x4c: {  	[tilespmem:s26], [sflag:$0x2] =	stream.linear.gather [hbm4b:s13+s3], $0x50, $0x38;
	[tilespmem:$0x19200] =	vst v63  }
.LBB2_2:
0x4d: {  	[tilespmem:s28], [sflag:$0x2] =	stream.linear.gather [hbm4b:s11+s3], $0x50, $0x38;
	[tilespmem:$0x19200] =	vst v63  }
0x4e: {  	s11 =	smov.u32 s9  }
0x4f: {  	p0 =	sne.s32 s9, $0x4B0;
	s9 =	sadd.s32 $0x14, s9;
	_ =	swait.ge [sflag:s29], $0x50  }
0x50: {  	[sflag:s29] =	ssyncset.done $0x0  }
0x51: {  	[sflag:s29] =	ssyncadd.s32 $0xFFFFFFB0  }
0x52: {  	_ =	swait.ge [sflag:s29], $0x50  }
0x53: {  	[sflag:s29] =	ssyncset.done $0x0  }
0x54: {  	[sflag:s29] =	ssyncadd.s32 $0xFFFFFFB0  }
0x55: {  	[tilespmem:s30], [sflag:$0x4] =	stream.indirect.gather [hbm4b:s4+s24], $0x80, s26, s24, $0xb8;
	[tilespmem:$0x19200] =	vst v63  }
0x56: {  	_ =	swait.ge [sflag:s31], $0x2800  }
0x57: {  	[sflag:s31] =	ssyncset.done $0x0  }
0x58: {  	[sflag:s31] =	ssyncadd.s32 $0xFFFFD800  }
0x59: {  	[spmem:s2] =	stream.indirect.scatter.add.f32 [tilespmem:s25], [sflag:$0x5], $0x80, s23, s24, $0xb8;
	[tilespmem:$0x19200] =	vst v63  }
0x5a: {  	_ =	swait.ge [sflag:s21], $0x2800  }
0x5b: {  	s12 =	sshrl.u32 s10, $0x3;
	[sflag:s21] =	ssyncset.done $0x0  }
0x5c: {  	s13 =	sadd.s32 s5, s12;
	[sflag:s21] =	ssyncadd.s32 $0xFFFFD800  }
0x5d: {  	[tilespmem:s22], [sflag:$0x1] =	stream.linear.gather [hbm4b:s13+s3], $0x50, $0x38;
	[tilespmem:$0x19200] =	vst v63  }
0x5e: {  	s12 =	sadd.s32 s6, s12  }
0x5f: {  	[tilespmem:s23], [sflag:$0x1] =	stream.linear.gather [hbm4b:s12+s3], $0x50, $0x38;
	[tilespmem:$0x19200] =	vst v63  }
0x60: {  	_ =	swait.ge [sflag:s0], $0x50  }
0x61: {  	[sflag:s0] =	ssyncset.done $0x0  }
0x62: {  	[sflag:s0] =	ssyncadd.s32 $0xFFFFFFB0  }
0x63: {  	_ =	swait.ge [sflag:s0], $0x50  }
0x64: {  	[sflag:s0] =	ssyncset.done $0x0  }
0x65: {  	[sflag:s0] =	ssyncadd.s32 $0xFFFFFFB0  }
0x66: {  	[tilespmem:s25], [sflag:$0x3] =	stream.indirect.gather [hbm4b:s4+s24], $0x80, s22, s24, $0xb8;
	[tilespmem:$0x19200] =	vst v63  }
0x67: {  	_ =	swait.ge [sflag:s1], $0x2800  }
0x68: {  	[sflag:s1] =	ssyncset.done $0x0  }
0x69: {  	[sflag:s1] =	ssyncadd.s32 $0xFFFFD800  }
0x6a: {  	[spmem:s2] =	stream.indirect.scatter.add.f32 [tilespmem:s30], [sflag:$0x5], $0x80, s28, s24, $0xb8;
	[tilespmem:$0x19200] =	vst v63  }
.Ltmp0:
0x6b: {  	_ =	swait.ge [sflag:s21], $0x2800;
	(pc) =	sbr.rel @p0 .LBB2_2-.Ltmp0, $4  }
0x6c: {  	[sflag:s21] =	ssyncset.done $0x0  }
0x6d: {  	s12 =	sadd.s32 s11, s18;
	[sflag:s21] =	ssyncadd.s32 $0xFFFFD800  }
0x6e: {  	[tilespmem:s26], [sflag:$0x2] =	stream.linear.gather [hbm4b:s12+s3], $0x50, $0x38;
	[tilespmem:$0x19200] =	vst v63  }
0x6f: {  	s10 =	sadd.s32 $0xA0, s10;
	s11 =	sadd.s32 s11, s17  }
0x70: {  	[tilespmem:s28], [sflag:$0x2] =	stream.linear.gather [hbm4b:s11+s3], $0x50, $0x38;
	[tilespmem:$0x19200] =	vst v63  }
0x71: {  	_ =	swait.ge [sflag:s29], $0x50  }
0x72: {  	[sflag:s29] =	ssyncset.done $0x0  }
0x73: {  	[sflag:s29] =	ssyncadd.s32 $0xFFFFFFB0  }
0x74: {  	_ =	swait.ge [sflag:s29], $0x50  }
0x75: {  	[sflag:s29] =	ssyncset.done $0x0  }
0x76: {  	[sflag:s29] =	ssyncadd.s32 $0xFFFFFFB0  }
0x77: {  	[tilespmem:s30], [sflag:$0x4] =	stream.indirect.gather [hbm4b:s4+s24], $0x80, s26, s24, $0xb8;
	[tilespmem:$0x19200] =	vst v63  }
0x78: {  	_ =	swait.ge [sflag:s31], $0x2800  }
0x79: {  	[sflag:s31] =	ssyncset.done $0x0  }
0x7a: {  	[sflag:s31] =	ssyncadd.s32 $0xFFFFD800  }
0x7b: {  	[spmem:s2] =	stream.indirect.scatter.add.f32 [tilespmem:s25], [sflag:$0x5], $0x80, s23, s24, $0xb8;
	[tilespmem:$0x19200] =	vst v63  }
0x7c: {  	_ =	swait.ge [sflag:s21], $0x2800  }
0x7d: {  	[sflag:s21] =	ssyncset.done $0x0  }
0x7e: {  	[sflag:s21] =	ssyncadd.s32 $0xFFFFD800  }
0x7f: {  	[tilespmem:s22], [sflag:$0x1] =	stream.linear.gather [hbm4b:s15+s3], $0x50, $0x38;
	[tilespmem:$0x19200] =	vst v63  }
0x80: {  	_ = 	snop  }
0x81: {  	[tilespmem:s23], [sflag:$0x1] =	stream.linear.gather [hbm4b:s16+s3], $0x50, $0x38;
	[tilespmem:$0x19200] =	vst v63  }
0x82: {  	_ =	swait.ge [sflag:s0], $0x50  }
0x83: {  	[sflag:s0] =	ssyncset.done $0x0  }
0x84: {  	[sflag:s0] =	ssyncadd.s32 $0xFFFFFFB0  }
0x85: {  	_ =	swait.ge [sflag:s0], $0x50  }
0x86: {  	[sflag:s0] =	ssyncset.done $0x0  }
0x87: {  	[sflag:s0] =	ssyncadd.s32 $0xFFFFFFB0  }
0x88: {  	[tilespmem:s25], [sflag:$0x3] =	stream.indirect.gather [hbm4b:s4+s24], $0x80, s22, s24, $0xb8;
	[tilespmem:$0x19200] =	vst v63  }
0x89: {  	_ =	swait.ge [sflag:s1], $0x2800  }
0x8a: {  	[sflag:s1] =	ssyncset.done $0x0  }
0x8b: {  	[sflag:s1] =	ssyncadd.s32 $0xFFFFD800  }
0x8c: {  	[spmem:s2] =	stream.indirect.scatter.add.f32 [tilespmem:s30], [sflag:$0x5], $0x80, s28, s24, $0xb8;
	[tilespmem:$0x19200] =	vst v63  }
0x8d: {  	_ =	swait.ge [sflag:s21], $0x2800  }
0x8e: {  	[sflag:s21] =	ssyncset.done $0x0  }
0x8f: {  	[sflag:s21] =	ssyncadd.s32 $0xFFFFD800  }
0x90: {  	_ =	swait.ge [sflag:s31], $0x2800  }
0x91: {  	[sflag:s31] =	ssyncset.done $0x0  }
0x92: {  	[sflag:s31] =	ssyncadd.s32 $0xFFFFD800  }
0x93: {  	[spmem:s2] =	stream.indirect.scatter.add.f32 [tilespmem:s25], [sflag:$0x5], $0x80, s23, s24, $0xb8;
	[tilespmem:$0x19200] =	vst v63  }
0x94: {  	_ =	swait.ge [sflag:s21], $0x2800  }
0x95: {  	[sflag:s21] =	ssyncset.done $0x0  }
0x96: {  	s7 =	sadd.s32 $0x1, s7;
	[sflag:s21] =	ssyncadd.s32 $0xFFFFD800  }
0x97: {  	p0 =	sne.s32 s7, s14;
	[bflag:$0x0] =	sbarrier.arrive $0xFFFF  }
.Ltmp1:
0x98: {  	s9 =	rddreg [dreg:$0x8];
	(pc) =	sbr.rel @p0 .LBB2_1-.Ltmp1, $4  }
0x99: {  	[hbm:s9], [sflag:s8] =	dma.local [spmem:s20], $0x2800  }
0x9a: {  	_ =	swait.ge [sflag:s21], $0x2800  }
0x9b: {  	[sflag:s21] =	ssyncset.done $0x0  }
0x9c: {  	[sflag:s21] =	ssyncadd.s32 $0xFFFFD800  }
0x9d: {  	_ =	sfence.sel $0x180000  }
0x9e: {  	[bflag:$0x0] =	sbarrier.arrive $0xFFFF  }
0x9f: {  	_ =	strace $0x90000047  }
0xa0: {  	s0 =	stileid.u32;
	[bflag:$0x2] =	sbarrier.arrive $0xFFFF  }
0xa1: {  	p0 =	sne.s32 s0, $0x0;
	s0 =	rddreg [dreg:$0x2]  }
0xa2: {  	s0 =	sadd.s32 @!p0 $0x100000, s0  }
0xa3: {  	[sflag:s0] =	ssyncadd.tile.s32 @!p0 $0x1;
	_ =	shalt  }
.Lfunc_end2:
_tile_overlayer_lowered:
.L_overlay_start_2:
0xa4: {  	(tag) =	ssettag $0x2  }
0xa5: {  	s0 =	rddreg [dreg:$0x0];
	s2 =	stileid.u32  }
0xa6: {  	s1 =	rddreg [dreg:$0x1];
	p0 =	sne.s32 s2, $0x0  }
0xa7: {  	s3 =	rddreg [dreg:$0x2];
	[bflag:$0x3] =	sbarrier.arrive $0xFFFF;
	s2 =	simm.s32 @!p0 $0x1C05  }
0xa8: {  	[timem:s3], [sflag:s2] =	dma.local @!p0 [hbm:s0], s1  }
0xa9: {  	s0 =	simm.s32 @!p0 $0x5  }
0xaa: {  	_ =	swait.ge @!p0 [sflag:s0], s1  }
0xab: {  	s1 =	ssub.s32 @!p0 $0x0, s1;
	[sflag:s0] =	ssyncset.done @!p0 $0x0  }
0xac: {  	[sflag:s0] =	ssyncadd.s32 @!p0 s1  }
0xad: {  	[bflag:$0x3] =	sbarrier.arrive $0xFFFF  }
0xae: {  	_ =	shalt  }

// kernel: kernel.22.cloned.1.call-start
scs
__scs_entry_jumppad:
0x0: {  	(pc) =	sbr.rel $0x88, $3  }
0x1: {  	(tag) =	ssettag $0x0;
	lr =	simm.s32 $0x1  }
0x2: {  	[smem:$0x3F86] =	sst lr;
	_ =	strace $0xD0000000  }
0x3: {  	_ = 	snop  }
0x4: {  	_ = 	snop  }
0x5: {  	_ = 	snop  }
0x6: {  	_ = 	snop  }
0x7: {  	_ = 	snop  }
__scs_overlays_trampoline_lowered:
0x8: {  	[smem:$0x3F95] =	sst s0  }
0x9: {  	[smem:$0x3F96] =	sst s1  }
0xa: {  	[smem:$0x3F97] =	sst s2  }
0xb: {  	[smem:$0x3F98] =	sst s3  }
0xc: {  	[smem:$0x3F99] =	sst s4  }
0xd: {  	[smem:$0x3F9A] =	sst s5  }
0xe: {  	[smem:$0x3F9B] =	sst s6  }
0xf: {  	[smem:$0x3F9C] =	sst s7  }
0x10: {  	[smem:$0x3F9D] =	sst s8  }
0x11: {  	[smem:$0x3F9E] =	sst s9;
	s0 =	simm.s32 @!p0 $0x0  }
0x12: {  	s1 =	sld [smem:$0x3F84];
	s0 =	simm.s32 @p0 $0x1  }
0x13: {  	[smem:$0x3F9F] =	sst s0;
	s0 =	simm.s32 @!p1 $0x0  }
0x14: {  	s2 =	sld [smem:$0x3F83];
	s0 =	simm.s32 @p1 $0x1  }
0x15: {  	[smem:$0x3FA0] =	sst s0;
	s0 =	simm.s32 @!p2 $0x0  }
0x16: {  	s3 =	sld [smem:$0x3FDB];
	s0 =	simm.s32 @p2 $0x1  }
0x17: {  	s4 =	simm.s32 $0x1BF5;
	[smem:$0x3FA2] =	sst s0  }
0x18: {  	s0 =	sld [smem:$0x3F85];
	_ =	swait.ge [sflag:s4], $0x0  }
0x19: {  	s7 =	sld [smem:$0x3F86]  }
0x1a: {  	s8 =	sadd.s32 $0xFFFFE003, lr  }
0x1b: {  	s9 =	sadd.s32 $0xFFFFFEF7, lr;
	s5 =	simm.s32 $0xFFFFFFFF;
	p2 =	slt.u32 s8, $0xFFFFF086  }
0x1c: {  	p1 =	slt.u32 s9, $0xF7A;
	s5 =	simm.s32 @!p2 $0x0  }
0x1d: {  	s5 =	simm.s32 @p1 $0x1;
	p0 =	seq.s32 s7, s2  }
0x1e: {  	s7 =	smul.u32 @!p0 $0xF7A, s2;
	p2 =	seq.s32 @!p0 s5, $0x0  }
0x1f: {  	s9 =	smul.u32 $0xF7A, s1;
	s8 =	simm.s32 @!p0 $0x1BF5;
	p2 =	por !p2, p0  }
0x20: {  	[sflag:s8] =	ssyncset.s32 @!p0 $0xFFFFF086;
	s6 =	sadd.s32 @!p0 s3, s7;
	s7 =	simm.s32 @!p0 $0x108  }
0x21: {  	s3 =	sadd.s32 s3, s9;
	s6 =	sadd.s32 @!p0 $0x88, s6;
	s7 =	simm.s32 @p2 $0x1082  }
0x22: {  	[simem:s7], [sflag:s8] =	dma.local @!p0 [hbm:s6], $0xF7A  }
0x23: {  	s9 =	sor.u32 $0xD0000000, s2;
	s6 =	simm.s32 $0x108;
	_ =	swait.ge @!p0 [sflag:s8], $0x0  }
0x24: {  	s3 =	sadd.s32 $0x88, s3;
	s6 =	simm.s32 @!p1 $0x1082;
	[sflag:s4] =	ssyncset.s32 $0xFFFFF086  }
0x25: {  	[simem:s6], [sflag:s4] =	dma.local [hbm:s3], $0xF7A  }
0x26: {  	[smem:$0x3F86] =	sst s1;
	(tag) =	ssettag s2;
	_ =	strace s9  }
0x27: {  	s1 =	sld [smem:$0x3F96]  }
0x28: {  	s2 =	sld [smem:$0x3F97]  }
0x29: {  	s4 =	sld [smem:$0x3F99]  }
0x2a: {  	p0 =	seq.s32 s5, $0x0;
	s5 =	sld [smem:$0x3F9A]  }
0x2b: {  	s6 =	sld [smem:$0x3F9B]  }
0x2c: {  	s7 =	sld [smem:$0x3F9C]  }
0x2d: {  	s3 =	simm.s32 $0x108;
	s8 =	sld [smem:$0x3F9D]  }
0x2e: {  	s3 =	simm.s32 @!p0 $0x1082;
	s9 =	sld [smem:$0x3F9E]  }
0x2f: {  	lr =	sadd.s32 s0, s3;
	s0 =	sld [smem:$0x3F95]  }
0x30: {  	s3 =	sld [smem:$0x3F98]  }
0x31: {  	[smem:$0x3FA1] =	sst s10  }
0x32: {  	s10 =	sld [smem:$0x3F9F];
	_ =	sdelay $0x3  }
0x33: {  	p0 =	seq.s32 s10, $0x1;
	s10 =	sld [smem:$0x3FA1];
	_ =	sdelay $0x3  }
0x34: {  	[smem:$0x3FA1] =	sst s10  }
0x35: {  	s10 =	sld [smem:$0x3FA0];
	_ =	sdelay $0x3  }
0x36: {  	p1 =	seq.s32 s10, $0x1;
	s10 =	sld [smem:$0x3FA1];
	_ =	sdelay $0x3  }
0x37: {  	[smem:$0x3FA1] =	sst s10  }
0x38: {  	s10 =	sld [smem:$0x3FA2]  }
0x39: {  	_ = 	snop;
	(pc) =	sbr.ind lr, $3  }
0x3a: {  	_ = 	snop  }
0x3b: {  	_ = 	snop  }
0x3c: {  	p2 =	seq.s32 s10, $0x1;
	s10 =	sld [smem:$0x3FA1]  }
0x3d: {  	_ =	shalt  }
0x3e: {  	_ =	shalt  }
0x3f: {  	_ =	shalt  }
0x40: {  	_ =	shalt  }
0x41: {  	_ =	shalt  }
0x42: {  	_ =	shalt  }
0x43: {  	_ =	shalt  }
0x44: {  	_ =	shalt  }
0x45: {  	_ =	shalt  }
0x46: {  	_ =	shalt  }
0x47: {  	_ =	shalt  }
0x48: {  	_ =	shalt  }
0x49: {  	_ =	shalt  }
0x4a: {  	_ =	shalt  }
0x4b: {  	_ =	shalt  }
0x4c: {  	_ =	shalt  }
0x4d: {  	_ =	shalt  }
0x4e: {  	_ =	shalt  }
0x4f: {  	_ =	shalt  }
0x50: {  	_ =	shalt  }
0x51: {  	_ =	shalt  }
0x52: {  	_ =	shalt  }
0x53: {  	_ =	shalt  }
0x54: {  	_ =	shalt  }
0x55: {  	_ =	shalt  }
0x56: {  	_ =	shalt  }
0x57: {  	_ =	shalt  }
0x58: {  	_ =	shalt  }
0x59: {  	_ =	shalt  }
0x5a: {  	_ =	shalt  }
0x5b: {  	_ =	shalt  }
0x5c: {  	_ =	shalt  }
0x5d: {  	_ =	shalt  }
0x5e: {  	_ =	shalt  }
0x5f: {  	_ =	shalt  }
0x60: {  	_ =	shalt  }
0x61: {  	_ =	shalt  }
0x62: {  	_ =	shalt  }
0x63: {  	_ =	shalt  }
0x64: {  	_ =	shalt  }
0x65: {  	_ =	shalt  }
0x66: {  	_ =	shalt  }
0x67: {  	_ =	shalt  }
0x68: {  	_ =	shalt  }
0x69: {  	_ =	shalt  }
0x6a: {  	_ =	shalt  }
0x6b: {  	_ =	shalt  }
0x6c: {  	_ =	shalt  }
0x6d: {  	_ =	shalt  }
0x6e: {  	_ =	shalt  }
0x6f: {  	_ =	shalt  }
0x70: {  	_ =	shalt  }
0x71: {  	_ =	shalt  }
0x72: {  	_ =	shalt  }
0x73: {  	_ =	shalt  }
0x74: {  	_ =	shalt  }
0x75: {  	_ =	shalt  }
0x76: {  	_ =	shalt  }
0x77: {  	_ =	shalt  }
0x78: {  	_ =	shalt  }
0x79: {  	_ =	shalt  }
0x7a: {  	_ =	shalt  }
0x7b: {  	_ =	shalt  }
0x7c: {  	_ =	shalt  }
0x7d: {  	_ =	shalt  }
0x7e: {  	_ =	shalt  }
0x7f: {  	_ =	shalt  }
0x80: {  	_ =	shalt  }
0x81: {  	_ =	shalt  }
0x82: {  	_ =	shalt  }
0x83: {  	_ =	shalt  }
0x84: {  	_ =	shalt  }
0x85: {  	_ =	shalt  }
0x86: {  	_ =	shalt  }
0x87: {  	_ =	shalt  }
.Lfunc_end0:
.L_simem_size_0:
called_computation.1_lowered:
.L_overlay_start_0:
0x88: {  	s2 =	sld [smem:$0x3FD9]  }
0x89: {  	s3 =	sld [smem:$0x3FFE];
	_ =	sdelay $0x1  }
0x8a: {  	s1 =	srdreg.scid  }
0x8b: {  	s0 =	sand.u32 $0x1, s1  }
0x8c: {  	s16 =	sshll.u32 s0, $0xA;
	s2 =	sadd.s32 s3, s2  }
0x8d: {  	s2 =	sadd.s32 s2, s16  }
0x8e: {  	[smem:$0x3FAD] =	sst s2  }
0x8f: {  	_ = 	snop  }
0x90: {  	(tm) =	ssettm $0x1  }
0x91: {  	s17 =	sld [smem:$0x3FFB];
	_ =	sdelay $0x3  }
0x92: {  	_ =	strace s17  }
0x93: {  	s2 =	sld [smem:$0x3FFC];
	_ =	sdelay $0x3  }
0x94: {  	_ =	strace s2  }
0x95: {  	s2 =	sld [smem:$0x3FFD];
	_ =	sdelay $0x3  }
0x96: {  	_ =	strace s2  }
0x97: {  	_ =	strace $0x8FFFFFFF  }
0x98: {  	s18 =	sld [smem:$0x3FDB];
	_ =	sdelay $0x1  }
0x99: {  	s19 =	simm.s32 $_scs_section_size  }
0x9a: {  	s4 =	simm.s32 $_size__tile_overlayer_lowered;
	s5 =	simm.s32 $_tile_overlayer_lowered  }
0x9b: {  	s22 =	simm.s32 $0x1BFF;
	s21 =	sshll.u32 s5, $0x1;
	s2 =	sadd.s32 s19, s18  }
0x9c: {  	s6 =	simm.s32 $0x0;
	s20 =	sshll.u32 s4, $0x1;
	s4 =	sadd.s32 s21, s2  }
0x9d: {  	[timem:s6], [sflag:s22] =	dma.local [hbm:s4], s20  }
0x9e: {  	_ =	swait.ge [sflag:s22], s20  }
0x9f: {  	s3 =	ssub.s32 $0x0, s20;
	[sflag:s22] =	ssyncset.done $0x0  }
0xa0: {  	[sflag:s22] =	ssyncadd.s32 s3;
	_ =	sdelay $0x1  }
0xa1: {  	s23 =	simm.s32 $0x1B8B  }
0xa2: {  	_ =	swait.ge [sflag:s23], $0x1  }
0xa3: {  	[sflag:s23] =	ssyncset.done $0x0  }
0xa4: {  	s25 =	simm.s32 $0x1B8E;
	s24 =	sld [smem:$0x3FFE];
	[sflag:s23] =	ssyncadd.s32 $0xFFFFFFFF  }
0xa5: {  	s26 =	simm.s32 $execute0_lowered;
	[smem:$0x3FD2] =	sst s25  }
0xa6: {  	s4 =	sshll.u32 s26, $0x1;
	_ =	strace $0x80000049;
	[dreg:$0x1] =	wrdreg $0xFFFFFFFF  }
0xa7: {  	s28 =	simm.s32 $_size_execute0_lowered;
	s2 =	sadd.s32 s2, s4;
	[dreg:$0x0] =	wrdreg $0x0  }
0xa8: {  	s4 =	sshll.u32 s28, $0x1;
	[dreg:$0x2] =	wrdreg s2  }
0xa9: {  	[dreg:$0x3] =	wrdreg s4  }
0xaa: {  	[dreg:$0x4] =	wrdreg $0xC0  }
0xab: {  	_ =	task [dreg:s6], $0x5FFFF  }
0xac: {  	[dreg:$0x1] =	wrdreg $0xFFFFFFFF  }
0xad: {  	[dreg:$0x0] =	wrdreg $0x60  }
0xae: {  	[dreg:$0x2] =	wrdreg s24  }
0xaf: {  	[dreg:$0x3] =	wrdreg $0x0  }
0xb0: {  	[dreg:$0x4] =	wrdreg $0x9  }
0xb1: {  	_ =	task.clear_ibuf [dreg:s6], $0x5FFFF;
	_ =	strace $0x90000049  }
0xb2: {  	s29 =	simm.s32 $0x9;
	_ =	strace $0x8000004B  }
0xb3: {  	_ =	swait.ge [sflag:s29], $0x1  }
0xb4: {  	[sflag:s29] =	ssyncadd.s32 $0xFFFFFFFF  }
0xb5: {  	_ =	strace $0x9000004B  }
0xb6: {  	_ =	sfence  }
0xb7: {  	s30 =	sld [smem:$0x0];
	_ =	sdelay $0x2  }
0xb8: {  	s31 =	sshll.u32 s1, $0xD;
	s1 =	sshrl.u32 s1, $0x2  }
0xb9: {  	s3 =	sand.u32 $0x4000, s31;
	s1 =	sadd.s32 s1, s30  }
0xba: {  	s0 =	sor.u32 s3, s0;
	s1 =	sshll.u32 s1, $0x11  }
0xbb: {  	s0 =	sor.u32 s1, s0  }
0xbc: {  	s0 =	sadd.s32 $0x8F2B, s0  }
0xbd: {  	[sflag:s0] =	ssyncadd.remote.s32 $0x1  }
0xbe: {  	_ =	sfence.sel $0xFFFF  }
0xbf: {  	[dreg:$0x0] =	wrdreg $0xFFFFFFFF;
	(pc) =	sbr.abs _section_cstart, $3  }
0xc0: {  	[dreg:$0x1] =	wrdreg $0xFFFFFFFF  }
0xc1: {  	_ =	task.clear_ibuf [dreg:s6], $0x2FFFF;
	_ =	strace $0x9FFFFFFF  }
0xc2: {  	(tm) =	ssettm $0x7FFFFFFF  }
0xc3: {  	_ =	shalt  }
tec
execute0_lowered:
.L_overlay_start_1:
0x0: {  	(tag) =	ssettag $0x1  }
0x1: {  	s0 =	rddreg [dreg:$0x0]  }
0x2: {  	s2 =	rddreg [dreg:$0x1];
	s12 =	stileid.u32  }
0x3: {  	s1 =	srdreg.scid;
	s3 =	simm.s32 $0x0;
	s28 =	simm.s32 $0x14180  }
0x4: {  	s29 =	simm.s32 $0x2;
	s30 =	simm.s32 $0x16A00;
	s31 =	simm.s32 $0x3  }
0x5: {  	s7 =	smul.u32 $0x14000, s12;
	s1 =	sand.u32 $0x1, s1;
	[smem:$0x7FF] =	sst s3  }
0x6: {  	s4 =	sadd.s32 $0x42200, s0;
	s5 =	sadd.s32 $0x10400, s0;
	s17 =	smul.u32 $0x50000, s12  }
0x7: {  	s6 =	sadd.s32 $0x6600, s0;
	s10 =	sshll.u32 s12, $0x1;
	s20 =	smul.u32 $0x4E20, s12  }
0x8: {  	s19 =	sshll.u32 s12, $0x6;
	s8 =	smul.u32 $0x140000, s1;
	_ =	strace $0x8000004A  }
0x9: {  	s18 =	ssub.s32 $0x2, s1;
	s10 =	sor.u32 s1, s10;
	s1 =	smul.u32 $0x2710, s1  }
0xa: {  	s9 =	sshrl.u32 s7, $0x3;
	s11 =	sshrl.u32 s18, $0x1;
	s10 =	smul.u32 $0x2710, s10  }
0xb: {  	s7 =	sadd.s32 s7, s8;
	s16 =	sadd.s32 s9, s0;
	s9 =	sshrl.u32 s17, $0x2  }
0xc: {  	s1 =	sadd.s32 s1, s20;
	s7 =	sshrl.u32 s7, $0x3;
	s9 =	sadd.s32 s9, s2  }
0xd: {  	s8 =	sadd.s32 $0x1A200, s16;
	s10 =	sshrl.u32 s10, $0x3;
	s25 =	sadd.s32 $0xF0, s1  }
0xe: {  	s0 =	sadd.s32 s7, s0;
	s7 =	ssub.s32 s18, s11;
	[dreg:$0x3] =	wrdreg s8  }
0xf: {  	s8 =	sor.u32 $0x1C05, s19;
	s21 =	sadd.s32 s5, s10;
	s22 =	sadd.s32 s6, s10  }
0x10: {  	s23 =	sadd.s32 $0xA, s10;
	s24 =	sadd.s32 $0x4D8, s10;
	s26 =	sshrl.u32 s25, $0x3  }
0x11: {  	s19 =	sadd.s32 $0xA0, s1;
	s20 =	sshrl.u32 s9, $0x3;
	[dreg:$0x4] =	wrdreg s21  }
0x12: {  	s25 =	simm.s32 $0x14200;
	s1 =	simm.s32 $0x4;
	[dreg:$0x5] =	wrdreg s22  }
0x13: {  	s13 =	sadd.s32 s5, s23;
	s12 =	sadd.s32 s6, s23;
	s0 =	sadd.s32 $0x69400, s0  }
0x14: {  	s14 =	smax.u32 s7, $0x1;
	s15 =	sadd.s32 s5, s24;
	s16 =	sadd.s32 s6, s24  }
0x15: {  	s17 =	sadd.s32 s26, s6;
	s18 =	sadd.s32 s26, s5;
	s21 =	simm.s32 $0x5  }
0x16: {  	s22 =	simm.s32 $0x14000;
	s23 =	simm.s32 $0x14100;
	[dreg:$0x6] =	wrdreg s13  }
0x17: {  	s24 =	simm.s32 $0x50;
	s26 =	simm.s32 $0x14080;
	[dreg:$0x7] =	wrdreg s12  }
0x18: {  	s7 =	simm.s32 $0x0;
	[dreg:$0x8] =	wrdreg s0;
	s0 =	simm.s32 $0x1  }
.LBB2_1:
0x19: {  	s9 =	rddreg [dreg:$0x3]  }
0x1a: {  	[spmem:s20], [sflag:s8] =	dma.local [hbm:s9], $0x2800  }
0x1b: {  	_ =	swait.ge [sflag:s21], $0x2800  }
0x1c: {  	[sflag:s21] =	ssyncset.done $0x0  }
0x1d: {  	[sflag:s21] =	ssyncadd.s32 $0xFFFFD800  }
0x1e: {  	[bflag:$0x0] =	sbarrier.arrive $0xFFFF  }
0x1f: {  	s12 =	rddreg [dreg:$0x4]  }
0x20: {  	[tilespmem:s22], [sflag:$0x5] =	stream.linear.gather [hbm4b:s12+s3], $0x50, $0x38;
	[tilespmem:$0x19200] =	vst v63  }
0x21: {  	_ =	swait.ge [sflag:s21], $0x50  }
0x22: {  	[sflag:s21] =	ssyncset.done $0x0  }
0x23: {  	s13 =	rddreg [dreg:$0x5];
	[sflag:s21] =	ssyncadd.s32 $0xFFFFFFB0  }
0x24: {  	[tilespmem:s23], [sflag:$0x5] =	stream.linear.gather [hbm4b:s13+s3], $0x50, $0x38;
	[tilespmem:$0x19200] =	vst v63  }
0x25: {  	_ =	swait.ge [sflag:s21], $0x50  }
0x26: {  	[sflag:s21] =	ssyncset.done $0x0  }
0x27: {  	[sflag:s21] =	ssyncadd.s32 $0xFFFFFFB0  }
0x28: {  	[tilespmem:s25], [sflag:$0x3] =	stream.indirect.gather [hbm4b:s4+s24], $0x80, s22, s24, $0xb8;
	[tilespmem:$0x19200] =	vst v63  }
0x29: {  	s10 =	rddreg [dreg:$0x6]  }
0x2a: {  	[tilespmem:s26], [sflag:$0x2] =	stream.linear.gather [hbm4b:s10+s3], $0x50, $0x38;
	[tilespmem:$0x19200] =	vst v63  }
0x2b: {  	s11 =	rddreg [dreg:$0x7]  }
0x2c: {  	[tilespmem:s28], [sflag:$0x2] =	stream.linear.gather [hbm4b:s11+s3], $0x50, $0x38;
	[tilespmem:$0x19200] =	vst v63  }
0x2d: {  	_ =	swait.ge [sflag:s29], $0x50  }
0x2e: {  	[sflag:s29] =	ssyncset.done $0x0  }
0x2f: {  	[sflag:s29] =	ssyncadd.s32 $0xFFFFFFB0  }
0x30: {  	_ =	swait.ge [sflag:s29], $0x50  }
0x31: {  	[sflag:s29] =	ssyncset.done $0x0  }
0x32: {  	[sflag:s29] =	ssyncadd.s32 $0xFFFFFFB0  }
0x33: {  	[tilespmem:s30], [sflag:$0x4] =	stream.indirect.gather [hbm4b:s4+s24], $0x80, s26, s24, $0xb8;
	[tilespmem:$0x19200] =	vst v63  }
0x34: {  	_ =	swait.ge [sflag:s31], $0x2800  }
0x35: {  	[sflag:s31] =	ssyncset.done $0x0  }
0x36: {  	[sflag:s31] =	ssyncadd.s32 $0xFFFFD800  }
0x37: {  	[spmem:s2] =	stream.indirect.scatter.add.f32 [tilespmem:s25], [sflag:$0x5], $0x80, s23, s24, $0xb8;
	[tilespmem:$0x19200] =	vst v63  }
0x38: {  	_ =	swait.ge [sflag:s21], $0x2800  }
0x39: {  	s12 =	sshrl.u32 s19, $0x3;
	[sflag:s21] =	ssyncset.done $0x0  }
0x3a: {  	s10 =	sadd.s32 s5, s12;
	[sflag:s21] =	ssyncadd.s32 $0xFFFFD800  }
0x3b: {  	[tilespmem:s22], [sflag:$0x1] =	stream.linear.gather [hbm4b:s10+s3], $0x50, $0x38;
	[tilespmem:$0x19200] =	vst v63  }
0x3c: {  	s9 =	sadd.s32 s6, s12  }
0x3d: {  	[tilespmem:s23], [sflag:$0x1] =	stream.linear.gather [hbm4b:s9+s3], $0x50, $0x38;
	[tilespmem:$0x19200] =	vst v63  }
0x3e: {  	_ =	swait.ge [sflag:s0], $0x50  }
0x3f: {  	[sflag:s0] =	ssyncset.done $0x0  }
0x40: {  	[sflag:s0] =	ssyncadd.s32 $0xFFFFFFB0  }
0x41: {  	_ =	swait.ge [sflag:s0], $0x50  }
0x42: {  	[sflag:s0] =	ssyncset.done $0x0  }
0x43: {  	[sflag:s0] =	ssyncadd.s32 $0xFFFFFFB0  }
0x44: {  	[tilespmem:s25], [sflag:$0x3] =	stream.indirect.gather [hbm4b:s4+s24], $0x80, s22, s24, $0xb8;
	[tilespmem:$0x19200] =	vst v63  }
0x45: {  	_ =	swait.ge [sflag:s1], $0x2800  }
0x46: {  	[sflag:s1] =	ssyncset.done $0x0  }
0x47: {  	[sflag:s1] =	ssyncadd.s32 $0xFFFFD800  }
0x48: {  	[spmem:s2] =	stream.indirect.scatter.add.f32 [tilespmem:s30], [sflag:$0x5], $0x80, s28, s24, $0xb8;
	[tilespmem:$0x19200] =	vst v63  }
0x49: {  	_ =	swait.ge [sflag:s21], $0x2800  }
0x4a: {  	s13 =	sadd.s32 $0x0, s18;
	s11 =	sadd.s32 $0x0, s17;
	[sflag:s21] =	ssyncset.done $0x0  }
0x4b: {  	s10 =	sadd.s32 $0xA0, s19;
	s9 =	simm.s32 $0x14;
	[sflag:s21] =	ssyncadd.s32 $0xFFFFD800  }
0x4c: {  	[tilespmem:s26], [sflag:$0x2] =	stream.linear.gather [hbm4b:s13+s3], $0x50, $0x38;
	[tilespmem:$0x19200] =	vst v63  }
.LBB2_2:
0x4d: {  	[tilespmem:s28], [sflag:$0x2] =	stream.linear.gather [hbm4b:s11+s3], $0x50, $0x38;
	[tilespmem:$0x19200] =	vst v63  }
0x4e: {  	s11 =	smov.u32 s9  }
0x4f: {  	p0 =	sne.s32 s9, $0x4B0;
	s9 =	sadd.s32 $0x14, s9;
	_ =	swait.ge [sflag:s29], $0x50  }
0x50: {  	[sflag:s29] =	ssyncset.done $0x0  }
0x51: {  	[sflag:s29] =	ssyncadd.s32 $0xFFFFFFB0  }
0x52: {  	_ =	swait.ge [sflag:s29], $0x50  }
0x53: {  	[sflag:s29] =	ssyncset.done $0x0  }
0x54: {  	[sflag:s29] =	ssyncadd.s32 $0xFFFFFFB0  }
0x55: {  	[tilespmem:s30], [sflag:$0x4] =	stream.indirect.gather [hbm4b:s4+s24], $0x80, s26, s24, $0xb8;
	[tilespmem:$0x19200] =	vst v63  }
0x56: {  	_ =	swait.ge [sflag:s31], $0x2800  }
0x57: {  	[sflag:s31] =	ssyncset.done $0x0  }
0x58: {  	[sflag:s31] =	ssyncadd.s32 $0xFFFFD800  }
0x59: {  	[spmem:s2] =	stream.indirect.scatter.add.f32 [tilespmem:s25], [sflag:$0x5], $0x80, s23, s24, $0xb8;
	[tilespmem:$0x19200] =	vst v63  }
0x5a: {  	_ =	swait.ge [sflag:s21], $0x2800  }
0x5b: {  	s12 =	sshrl.u32 s10, $0x3;
	[sflag:s21] =	ssyncset.done $0x0  }
0x5c: {  	s13 =	sadd.s32 s5, s12;
	[sflag:s21] =	ssyncadd.s32 $0xFFFFD800  }
0x5d: {  	[tilespmem:s22], [sflag:$0x1] =	stream.linear.gather [hbm4b:s13+s3], $0x50, $0x38;
	[tilespmem:$0x19200] =	vst v63  }
0x5e: {  	s12 =	sadd.s32 s6, s12  }
0x5f: {  	[tilespmem:s23], [sflag:$0x1] =	stream.linear.gather [hbm4b:s12+s3], $0x50, $0x38;
	[tilespmem:$0x19200] =	vst v63  }
0x60: {  	_ =	swait.ge [sflag:s0], $0x50  }
0x61: {  	[sflag:s0] =	ssyncset.done $0x0  }
0x62: {  	[sflag:s0] =	ssyncadd.s32 $0xFFFFFFB0  }
0x63: {  	_ =	swait.ge [sflag:s0], $0x50  }
0x64: {  	[sflag:s0] =	ssyncset.done $0x0  }
0x65: {  	[sflag:s0] =	ssyncadd.s32 $0xFFFFFFB0  }
0x66: {  	[tilespmem:s25], [sflag:$0x3] =	stream.indirect.gather [hbm4b:s4+s24], $0x80, s22, s24, $0xb8;
	[tilespmem:$0x19200] =	vst v63  }
0x67: {  	_ =	swait.ge [sflag:s1], $0x2800  }
0x68: {  	[sflag:s1] =	ssyncset.done $0x0  }
0x69: {  	[sflag:s1] =	ssyncadd.s32 $0xFFFFD800  }
0x6a: {  	[spmem:s2] =	stream.indirect.scatter.add.f32 [tilespmem:s30], [sflag:$0x5], $0x80, s28, s24, $0xb8;
	[tilespmem:$0x19200] =	vst v63  }
.Ltmp0:
0x6b: {  	_ =	swait.ge [sflag:s21], $0x2800;
	(pc) =	sbr.rel @p0 .LBB2_2-.Ltmp0, $4  }
0x6c: {  	[sflag:s21] =	ssyncset.done $0x0  }
0x6d: {  	s12 =	sadd.s32 s11, s18;
	[sflag:s21] =	ssyncadd.s32 $0xFFFFD800  }
0x6e: {  	[tilespmem:s26], [sflag:$0x2] =	stream.linear.gather [hbm4b:s12+s3], $0x50, $0x38;
	[tilespmem:$0x19200] =	vst v63  }
0x6f: {  	s10 =	sadd.s32 $0xA0, s10;
	s11 =	sadd.s32 s11, s17  }
0x70: {  	[tilespmem:s28], [sflag:$0x2] =	stream.linear.gather [hbm4b:s11+s3], $0x50, $0x38;
	[tilespmem:$0x19200] =	vst v63  }
0x71: {  	_ =	swait.ge [sflag:s29], $0x50  }
0x72: {  	[sflag:s29] =	ssyncset.done $0x0  }
0x73: {  	[sflag:s29] =	ssyncadd.s32 $0xFFFFFFB0  }
0x74: {  	_ =	swait.ge [sflag:s29], $0x50  }
0x75: {  	[sflag:s29] =	ssyncset.done $0x0  }
0x76: {  	[sflag:s29] =	ssyncadd.s32 $0xFFFFFFB0  }
0x77: {  	[tilespmem:s30], [sflag:$0x4] =	stream.indirect.gather [hbm4b:s4+s24], $0x80, s26, s24, $0xb8;
	[tilespmem:$0x19200] =	vst v63  }
0x78: {  	_ =	swait.ge [sflag:s31], $0x2800  }
0x79: {  	[sflag:s31] =	ssyncset.done $0x0  }
0x7a: {  	[sflag:s31] =	ssyncadd.s32 $0xFFFFD800  }
0x7b: {  	[spmem:s2] =	stream.indirect.scatter.add.f32 [tilespmem:s25], [sflag:$0x5], $0x80, s23, s24, $0xb8;
	[tilespmem:$0x19200] =	vst v63  }
0x7c: {  	_ =	swait.ge [sflag:s21], $0x2800  }
0x7d: {  	[sflag:s21] =	ssyncset.done $0x0  }
0x7e: {  	[sflag:s21] =	ssyncadd.s32 $0xFFFFD800  }
0x7f: {  	[tilespmem:s22], [sflag:$0x1] =	stream.linear.gather [hbm4b:s15+s3], $0x50, $0x38;
	[tilespmem:$0x19200] =	vst v63  }
0x80: {  	_ = 	snop  }
0x81: {  	[tilespmem:s23], [sflag:$0x1] =	stream.linear.gather [hbm4b:s16+s3], $0x50, $0x38;
	[tilespmem:$0x19200] =	vst v63  }
0x82: {  	_ =	swait.ge [sflag:s0], $0x50  }
0x83: {  	[sflag:s0] =	ssyncset.done $0x0  }
0x84: {  	[sflag:s0] =	ssyncadd.s32 $0xFFFFFFB0  }
0x85: {  	_ =	swait.ge [sflag:s0], $0x50  }
0x86: {  	[sflag:s0] =	ssyncset.done $0x0  }
0x87: {  	[sflag:s0] =	ssyncadd.s32 $0xFFFFFFB0  }
0x88: {  	[tilespmem:s25], [sflag:$0x3] =	stream.indirect.gather [hbm4b:s4+s24], $0x80, s22, s24, $0xb8;
	[tilespmem:$0x19200] =	vst v63  }
0x89: {  	_ =	swait.ge [sflag:s1], $0x2800  }
0x8a: {  	[sflag:s1] =	ssyncset.done $0x0  }
0x8b: {  	[sflag:s1] =	ssyncadd.s32 $0xFFFFD800  }
0x8c: {  	[spmem:s2] =	stream.indirect.scatter.add.f32 [tilespmem:s30], [sflag:$0x5], $0x80, s28, s24, $0xb8;
	[tilespmem:$0x19200] =	vst v63  }
0x8d: {  	_ =	swait.ge [sflag:s21], $0x2800  }
0x8e: {  	[sflag:s21] =	ssyncset.done $0x0  }
0x8f: {  	[sflag:s21] =	ssyncadd.s32 $0xFFFFD800  }
0x90: {  	_ =	swait.ge [sflag:s31], $0x2800  }
0x91: {  	[sflag:s31] =	ssyncset.done $0x0  }
0x92: {  	[sflag:s31] =	ssyncadd.s32 $0xFFFFD800  }
0x93: {  	[spmem:s2] =	stream.indirect.scatter.add.f32 [tilespmem:s25], [sflag:$0x5], $0x80, s23, s24, $0xb8;
	[tilespmem:$0x19200] =	vst v63  }
0x94: {  	_ =	swait.ge [sflag:s21], $0x2800  }
0x95: {  	[sflag:s21] =	ssyncset.done $0x0  }
0x96: {  	s7 =	sadd.s32 $0x1, s7;
	[sflag:s21] =	ssyncadd.s32 $0xFFFFD800  }
0x97: {  	p0 =	sne.s32 s7, s14;
	[bflag:$0x0] =	sbarrier.arrive $0xFFFF  }
.Ltmp1:
0x98: {  	s9 =	rddreg [dreg:$0x8];
	(pc) =	sbr.rel @p0 .LBB2_1-.Ltmp1, $4  }
0x99: {  	[hbm:s9], [sflag:s8] =	dma.local [spmem:s20], $0x2800  }
0x9a: {  	_ =	swait.ge [sflag:s21], $0x2800  }
0x9b: {  	[sflag:s21] =	ssyncset.done $0x0  }
0x9c: {  	[sflag:s21] =	ssyncadd.s32 $0xFFFFD800  }
0x9d: {  	_ =	sfence.sel $0x180000  }
0x9e: {  	[bflag:$0x0] =	sbarrier.arrive $0xFFFF  }
0x9f: {  	_ =	strace $0x9000004A  }
0xa0: {  	s0 =	stileid.u32;
	[bflag:$0x2] =	sbarrier.arrive $0xFFFF  }
0xa1: {  	p0 =	sne.s32 s0, $0x0;
	s0 =	rddreg [dreg:$0x2]  }
0xa2: {  	s0 =	sadd.s32 @!p0 $0x100000, s0  }
0xa3: {  	[sflag:s0] =	ssyncadd.tile.s32 @!p0 $0x1;
	_ =	shalt  }
.Lfunc_end2:
_tile_overlayer_lowered:
.L_overlay_start_2:
0xa4: {  	(tag) =	ssettag $0x2  }
0xa5: {  	s0 =	rddreg [dreg:$0x0];
	s2 =	stileid.u32  }
0xa6: {  	s1 =	rddreg [dreg:$0x1];
	p0 =	sne.s32 s2, $0x0  }
0xa7: {  	s3 =	rddreg [dreg:$0x2];
	[bflag:$0x3] =	sbarrier.arrive $0xFFFF;
	s2 =	simm.s32 @!p0 $0x1C05  }
0xa8: {  	[timem:s3], [sflag:s2] =	dma.local @!p0 [hbm:s0], s1  }
0xa9: {  	s0 =	simm.s32 @!p0 $0x5  }
0xaa: {  	_ =	swait.ge @!p0 [sflag:s0], s1  }
0xab: {  	s1 =	ssub.s32 @!p0 $0x0, s1;
	[sflag:s0] =	ssyncset.done @!p0 $0x0  }
0xac: {  	[sflag:s0] =	ssyncadd.s32 @!p0 s1  }
0xad: {  	[bflag:$0x3] =	sbarrier.arrive $0xFFFF  }
0xae: {  	_ =	shalt  }

// kernel: kernel.25.cloned.1.call-start
scs
__scs_entry_jumppad:
0x0: {  	(pc) =	sbr.rel $0x88, $3  }
0x1: {  	(tag) =	ssettag $0x0;
	lr =	simm.s32 $0x1  }
0x2: {  	[smem:$0x3F86] =	sst lr;
	_ =	strace $0xD0000000  }
0x3: {  	_ = 	snop  }
0x4: {  	_ = 	snop  }
0x5: {  	_ = 	snop  }
0x6: {  	_ = 	snop  }
0x7: {  	_ = 	snop  }
__scs_overlays_trampoline_lowered:
0x8: {  	[smem:$0x3F95] =	sst s0  }
0x9: {  	[smem:$0x3F96] =	sst s1  }
0xa: {  	[smem:$0x3F97] =	sst s2  }
0xb: {  	[smem:$0x3F98] =	sst s3  }
0xc: {  	[smem:$0x3F99] =	sst s4  }
0xd: {  	[smem:$0x3F9A] =	sst s5  }
0xe: {  	[smem:$0x3F9B] =	sst s6  }
0xf: {  	[smem:$0x3F9C] =	sst s7  }
0x10: {  	[smem:$0x3F9D] =	sst s8  }
0x11: {  	[smem:$0x3F9E] =	sst s9;
	s0 =	simm.s32 @!p0 $0x0  }
0x12: {  	s1 =	sld [smem:$0x3F84];
	s0 =	simm.s32 @p0 $0x1  }
0x13: {  	[smem:$0x3F9F] =	sst s0;
	s0 =	simm.s32 @!p1 $0x0  }
0x14: {  	s2 =	sld [smem:$0x3F83];
	s0 =	simm.s32 @p1 $0x1  }
0x15: {  	[smem:$0x3FA0] =	sst s0;
	s0 =	simm.s32 @!p2 $0x0  }
0x16: {  	s3 =	sld [smem:$0x3FDB];
	s0 =	simm.s32 @p2 $0x1  }
0x17: {  	s4 =	simm.s32 $0x1BF5;
	[smem:$0x3FA2] =	sst s0  }
0x18: {  	s0 =	sld [smem:$0x3F85];
	_ =	swait.ge [sflag:s4], $0x0  }
0x19: {  	s7 =	sld [smem:$0x3F86]  }
0x1a: {  	s8 =	sadd.s32 $0xFFFFE003, lr  }
0x1b: {  	s9 =	sadd.s32 $0xFFFFFEF7, lr;
	s5 =	simm.s32 $0xFFFFFFFF;
	p2 =	slt.u32 s8, $0xFFFFF086  }
0x1c: {  	p1 =	slt.u32 s9, $0xF7A;
	s5 =	simm.s32 @!p2 $0x0  }
0x1d: {  	s5 =	simm.s32 @p1 $0x1;
	p0 =	seq.s32 s7, s2  }
0x1e: {  	s7 =	smul.u32 @!p0 $0xF7A, s2;
	p2 =	seq.s32 @!p0 s5, $0x0  }
0x1f: {  	s9 =	smul.u32 $0xF7A, s1;
	s8 =	simm.s32 @!p0 $0x1BF5;
	p2 =	por !p2, p0  }
0x20: {  	[sflag:s8] =	ssyncset.s32 @!p0 $0xFFFFF086;
	s6 =	sadd.s32 @!p0 s3, s7;
	s7 =	simm.s32 @!p0 $0x108  }
0x21: {  	s3 =	sadd.s32 s3, s9;
	s6 =	sadd.s32 @!p0 $0x88, s6;
	s7 =	simm.s32 @p2 $0x1082  }
0x22: {  	[simem:s7], [sflag:s8] =	dma.local @!p0 [hbm:s6], $0xF7A  }
0x23: {  	s9 =	sor.u32 $0xD0000000, s2;
	s6 =	simm.s32 $0x108;
	_ =	swait.ge @!p0 [sflag:s8], $0x0  }
0x24: {  	s3 =	sadd.s32 $0x88, s3;
	s6 =	simm.s32 @!p1 $0x1082;
	[sflag:s4] =	ssyncset.s32 $0xFFFFF086  }
0x25: {  	[simem:s6], [sflag:s4] =	dma.local [hbm:s3], $0xF7A  }
0x26: {  	[smem:$0x3F86] =	sst s1;
	(tag) =	ssettag s2;
	_ =	strace s9  }
0x27: {  	s1 =	sld [smem:$0x3F96]  }
0x28: {  	s2 =	sld [smem:$0x3F97]  }
0x29: {  	s4 =	sld [smem:$0x3F99]  }
0x2a: {  	p0 =	seq.s32 s5, $0x0;
	s5 =	sld [smem:$0x3F9A]  }
0x2b: {  	s6 =	sld [smem:$0x3F9B]  }
0x2c: {  	s7 =	sld [smem:$0x3F9C]  }
0x2d: {  	s3 =	simm.s32 $0x108;
	s8 =	sld [smem:$0x3F9D]  }
0x2e: {  	s3 =	simm.s32 @!p0 $0x1082;
	s9 =	sld [smem:$0x3F9E]  }
0x2f: {  	lr =	sadd.s32 s0, s3;
	s0 =	sld [smem:$0x3F95]  }
0x30: {  	s3 =	sld [smem:$0x3F98]  }
0x31: {  	[smem:$0x3FA1] =	sst s10  }
0x32: {  	s10 =	sld [smem:$0x3F9F];
	_ =	sdelay $0x3  }
0x33: {  	p0 =	seq.s32 s10, $0x1;
	s10 =	sld [smem:$0x3FA1];
	_ =	sdelay $0x3  }
0x34: {  	[smem:$0x3FA1] =	sst s10  }
0x35: {  	s10 =	sld [smem:$0x3FA0];
	_ =	sdelay $0x3  }
0x36: {  	p1 =	seq.s32 s10, $0x1;
	s10 =	sld [smem:$0x3FA1];
	_ =	sdelay $0x3  }
0x37: {  	[smem:$0x3FA1] =	sst s10  }
0x38: {  	s10 =	sld [smem:$0x3FA2]  }
0x39: {  	_ = 	snop;
	(pc) =	sbr.ind lr, $3  }
0x3a: {  	_ = 	snop  }
0x3b: {  	_ = 	snop  }
0x3c: {  	p2 =	seq.s32 s10, $0x1;
	s10 =	sld [smem:$0x3FA1]  }
0x3d: {  	_ =	shalt  }
0x3e: {  	_ =	shalt  }
0x3f: {  	_ =	shalt  }
0x40: {  	_ =	shalt  }
0x41: {  	_ =	shalt  }
0x42: {  	_ =	shalt  }
0x43: {  	_ =	shalt  }
0x44: {  	_ =	shalt  }
0x45: {  	_ =	shalt  }
0x46: {  	_ =	shalt  }
0x47: {  	_ =	shalt  }
0x48: {  	_ =	shalt  }
0x49: {  	_ =	shalt  }
0x4a: {  	_ =	shalt  }
0x4b: {  	_ =	shalt  }
0x4c: {  	_ =	shalt  }
0x4d: {  	_ =	shalt  }
0x4e: {  	_ =	shalt  }
0x4f: {  	_ =	shalt  }
0x50: {  	_ =	shalt  }
0x51: {  	_ =	shalt  }
0x52: {  	_ =	shalt  }
0x53: {  	_ =	shalt  }
0x54: {  	_ =	shalt  }
0x55: {  	_ =	shalt  }
0x56: {  	_ =	shalt  }
0x57: {  	_ =	shalt  }
0x58: {  	_ =	shalt  }
0x59: {  	_ =	shalt  }
0x5a: {  	_ =	shalt  }
0x5b: {  	_ =	shalt  }
0x5c: {  	_ =	shalt  }
0x5d: {  	_ =	shalt  }
0x5e: {  	_ =	shalt  }
0x5f: {  	_ =	shalt  }
0x60: {  	_ =	shalt  }
0x61: {  	_ =	shalt  }
0x62: {  	_ =	shalt  }
0x63: {  	_ =	shalt  }
0x64: {  	_ =	shalt  }
0x65: {  	_ =	shalt  }
0x66: {  	_ =	shalt  }
0x67: {  	_ =	shalt  }
0x68: {  	_ =	shalt  }
0x69: {  	_ =	shalt  }
0x6a: {  	_ =	shalt  }
0x6b: {  	_ =	shalt  }
0x6c: {  	_ =	shalt  }
0x6d: {  	_ =	shalt  }
0x6e: {  	_ =	shalt  }
0x6f: {  	_ =	shalt  }
0x70: {  	_ =	shalt  }
0x71: {  	_ =	shalt  }
0x72: {  	_ =	shalt  }
0x73: {  	_ =	shalt  }
0x74: {  	_ =	shalt  }
0x75: {  	_ =	shalt  }
0x76: {  	_ =	shalt  }
0x77: {  	_ =	shalt  }
0x78: {  	_ =	shalt  }
0x79: {  	_ =	shalt  }
0x7a: {  	_ =	shalt  }
0x7b: {  	_ =	shalt  }
0x7c: {  	_ =	shalt  }
0x7d: {  	_ =	shalt  }
0x7e: {  	_ =	shalt  }
0x7f: {  	_ =	shalt  }
0x80: {  	_ =	shalt  }
0x81: {  	_ =	shalt  }
0x82: {  	_ =	shalt  }
0x83: {  	_ =	shalt  }
0x84: {  	_ =	shalt  }
0x85: {  	_ =	shalt  }
0x86: {  	_ =	shalt  }
0x87: {  	_ =	shalt  }
.Lfunc_end0:
.L_simem_size_0:
called_computation.2_lowered:
.L_overlay_start_0:
0x88: {  	s2 =	sld [smem:$0x3FD9]  }
0x89: {  	s3 =	sld [smem:$0x3FFE];
	_ =	sdelay $0x1  }
0x8a: {  	s1 =	srdreg.scid  }
0x8b: {  	s0 =	sand.u32 $0x1, s1  }
0x8c: {  	s16 =	sshll.u32 s0, $0xA;
	s2 =	sadd.s32 s3, s2  }
0x8d: {  	s2 =	sadd.s32 s2, s16  }
0x8e: {  	[smem:$0x3FAD] =	sst s2  }
0x8f: {  	_ = 	snop  }
0x90: {  	(tm) =	ssettm $0x1  }
0x91: {  	s17 =	sld [smem:$0x3FFB];
	_ =	sdelay $0x3  }
0x92: {  	_ =	strace s17  }
0x93: {  	s2 =	sld [smem:$0x3FFC];
	_ =	sdelay $0x3  }
0x94: {  	_ =	strace s2  }
0x95: {  	s2 =	sld [smem:$0x3FFD];
	_ =	sdelay $0x3  }
0x96: {  	_ =	strace s2  }
0x97: {  	_ =	strace $0x8FFFFFFF  }
0x98: {  	s18 =	sld [smem:$0x3FDB];
	_ =	sdelay $0x1  }
0x99: {  	s19 =	simm.s32 $_scs_section_size  }
0x9a: {  	s4 =	simm.s32 $_size__tile_overlayer_lowered;
	s5 =	simm.s32 $_tile_overlayer_lowered  }
0x9b: {  	s22 =	simm.s32 $0x1BFF;
	s21 =	sshll.u32 s5, $0x1;
	s2 =	sadd.s32 s19, s18  }
0x9c: {  	s6 =	simm.s32 $0x0;
	s20 =	sshll.u32 s4, $0x1;
	s4 =	sadd.s32 s21, s2  }
0x9d: {  	[timem:s6], [sflag:s22] =	dma.local [hbm:s4], s20  }
0x9e: {  	_ =	swait.ge [sflag:s22], s20  }
0x9f: {  	s3 =	ssub.s32 $0x0, s20;
	[sflag:s22] =	ssyncset.done $0x0  }
0xa0: {  	[sflag:s22] =	ssyncadd.s32 s3;
	_ =	sdelay $0x1  }
0xa1: {  	s23 =	simm.s32 $0x1B8B  }
0xa2: {  	_ =	swait.ge [sflag:s23], $0x1  }
0xa3: {  	[sflag:s23] =	ssyncset.done $0x0  }
0xa4: {  	s25 =	simm.s32 $0x1B8E;
	s24 =	sld [smem:$0x3FFE];
	[sflag:s23] =	ssyncadd.s32 $0xFFFFFFFF  }
0xa5: {  	s26 =	simm.s32 $execute0_lowered;
	[smem:$0x3FD2] =	sst s25  }
0xa6: {  	s4 =	sshll.u32 s26, $0x1;
	_ =	strace $0x8000004C;
	[dreg:$0x1] =	wrdreg $0xFFFFFFFF  }
0xa7: {  	s28 =	simm.s32 $_size_execute0_lowered;
	s2 =	sadd.s32 s2, s4;
	[dreg:$0x0] =	wrdreg $0x0  }
0xa8: {  	s4 =	sshll.u32 s28, $0x1;
	[dreg:$0x2] =	wrdreg s2  }
0xa9: {  	[dreg:$0x3] =	wrdreg s4  }
0xaa: {  	[dreg:$0x4] =	wrdreg $0xC0  }
0xab: {  	_ =	task [dreg:s6], $0x5FFFF  }
0xac: {  	[dreg:$0x1] =	wrdreg $0xFFFFFFFF  }
0xad: {  	[dreg:$0x0] =	wrdreg $0x60  }
0xae: {  	[dreg:$0x2] =	wrdreg s24  }
0xaf: {  	[dreg:$0x3] =	wrdreg $0x0  }
0xb0: {  	[dreg:$0x4] =	wrdreg $0x9  }
0xb1: {  	_ =	task.clear_ibuf [dreg:s6], $0x5FFFF;
	_ =	strace $0x9000004C  }
0xb2: {  	s29 =	simm.s32 $0x9;
	_ =	strace $0x8000004E  }
0xb3: {  	_ =	swait.ge [sflag:s29], $0x1  }
0xb4: {  	[sflag:s29] =	ssyncadd.s32 $0xFFFFFFFF  }
0xb5: {  	_ =	strace $0x9000004E  }
0xb6: {  	_ =	sfence  }
0xb7: {  	s30 =	sld [smem:$0x0];
	_ =	sdelay $0x2  }
0xb8: {  	s31 =	sshll.u32 s1, $0xD;
	s1 =	sshrl.u32 s1, $0x2  }
0xb9: {  	s3 =	sand.u32 $0x4000, s31;
	s1 =	sadd.s32 s1, s30  }
0xba: {  	s0 =	sor.u32 s3, s0;
	s1 =	sshll.u32 s1, $0x11  }
0xbb: {  	s0 =	sor.u32 s1, s0  }
0xbc: {  	s0 =	sadd.s32 $0x8F2B, s0  }
0xbd: {  	[sflag:s0] =	ssyncadd.remote.s32 $0x1  }
0xbe: {  	_ =	sfence.sel $0xFFFF  }
0xbf: {  	[dreg:$0x0] =	wrdreg $0xFFFFFFFF;
	(pc) =	sbr.abs _section_cstart, $3  }
0xc0: {  	[dreg:$0x1] =	wrdreg $0xFFFFFFFF  }
0xc1: {  	_ =	task.clear_ibuf [dreg:s6], $0x2FFFF;
	_ =	strace $0x9FFFFFFF  }
0xc2: {  	(tm) =	ssettm $0x7FFFFFFF  }
0xc3: {  	_ =	shalt  }
tec
execute0_lowered:
.L_overlay_start_1:
0x0: {  	(tag) =	ssettag $0x1  }
0x1: {  	s0 =	rddreg [dreg:$0x0]  }
0x2: {  	s2 =	rddreg [dreg:$0x1];
	s12 =	stileid.u32  }
0x3: {  	s1 =	srdreg.scid;
	s3 =	simm.s32 $0x0;
	s28 =	simm.s32 $0x14180  }
0x4: {  	s29 =	simm.s32 $0x2;
	s30 =	simm.s32 $0x16A00;
	s31 =	simm.s32 $0x3  }
0x5: {  	s7 =	smul.u32 $0x14000, s12;
	s1 =	sand.u32 $0x1, s1;
	[smem:$0x7FF] =	sst s3  }
0x6: {  	s4 =	sadd.s32 $0x42200, s0;
	s5 =	sadd.s32 $0x10400, s0;
	s17 =	smul.u32 $0x50000, s12  }
0x7: {  	s6 =	sadd.s32 $0x6600, s0;
	s10 =	sshll.u32 s12, $0x1;
	s20 =	smul.u32 $0x4E20, s12  }
0x8: {  	s19 =	sshll.u32 s12, $0x6;
	s8 =	smul.u32 $0x140000, s1;
	_ =	strace $0x8000004D  }
0x9: {  	s18 =	ssub.s32 $0x2, s1;
	s10 =	sor.u32 s1, s10;
	s1 =	smul.u32 $0x2710, s1  }
0xa: {  	s9 =	sshrl.u32 s7, $0x3;
	s11 =	sshrl.u32 s18, $0x1;
	s10 =	smul.u32 $0x2710, s10  }
0xb: {  	s7 =	sadd.s32 s7, s8;
	s16 =	sadd.s32 s9, s0;
	s9 =	sshrl.u32 s17, $0x2  }
0xc: {  	s1 =	sadd.s32 s1, s20;
	s7 =	sshrl.u32 s7, $0x3;
	s9 =	sadd.s32 s9, s2  }
0xd: {  	s8 =	sadd.s32 $0x1A200, s16;
	s10 =	sshrl.u32 s10, $0x3;
	s25 =	sadd.s32 $0xF0, s1  }
0xe: {  	s0 =	sadd.s32 s7, s0;
	s7 =	ssub.s32 s18, s11;
	[dreg:$0x3] =	wrdreg s8  }
0xf: {  	s8 =	sor.u32 $0x1C05, s19;
	s21 =	sadd.s32 s5, s10;
	s22 =	sadd.s32 s6, s10  }
0x10: {  	s23 =	sadd.s32 $0xA, s10;
	s24 =	sadd.s32 $0x4D8, s10;
	s26 =	sshrl.u32 s25, $0x3  }
0x11: {  	s19 =	sadd.s32 $0xA0, s1;
	s20 =	sshrl.u32 s9, $0x3;
	[dreg:$0x4] =	wrdreg s21  }
0x12: {  	s25 =	simm.s32 $0x14200;
	s1 =	simm.s32 $0x4;
	[dreg:$0x5] =	wrdreg s22  }
0x13: {  	s13 =	sadd.s32 s5, s23;
	s12 =	sadd.s32 s6, s23;
	s0 =	sadd.s32 $0x69400, s0  }
0x14: {  	s14 =	smax.u32 s7, $0x1;
	s15 =	sadd.s32 s5, s24;
	s16 =	sadd.s32 s6, s24  }
0x15: {  	s17 =	sadd.s32 s26, s6;
	s18 =	sadd.s32 s26, s5;
	s21 =	simm.s32 $0x5  }
0x16: {  	s22 =	simm.s32 $0x14000;
	s23 =	simm.s32 $0x14100;
	[dreg:$0x6] =	wrdreg s13  }
0x17: {  	s24 =	simm.s32 $0x50;
	s26 =	simm.s32 $0x14080;
	[dreg:$0x7] =	wrdreg s12  }
0x18: {  	s7 =	simm.s32 $0x0;
	[dreg:$0x8] =	wrdreg s0;
	s0 =	simm.s32 $0x1  }
.LBB2_1:
0x19: {  	s9 =	rddreg [dreg:$0x3]  }
0x1a: {  	[spmem:s20], [sflag:s8] =	dma.local [hbm:s9], $0x2800  }
0x1b: {  	_ =	swait.ge [sflag:s21], $0x2800  }
0x1c: {  	[sflag:s21] =	ssyncset.done $0x0  }
0x1d: {  	[sflag:s21] =	ssyncadd.s32 $0xFFFFD800  }
0x1e: {  	[bflag:$0x0] =	sbarrier.arrive $0xFFFF  }
0x1f: {  	s12 =	rddreg [dreg:$0x4]  }
0x20: {  	[tilespmem:s22], [sflag:$0x5] =	stream.linear.gather [hbm4b:s12+s3], $0x50, $0x38;
	[tilespmem:$0x19200] =	vst v63  }
0x21: {  	_ =	swait.ge [sflag:s21], $0x50  }
0x22: {  	[sflag:s21] =	ssyncset.done $0x0  }
0x23: {  	s13 =	rddreg [dreg:$0x5];
	[sflag:s21] =	ssyncadd.s32 $0xFFFFFFB0  }
0x24: {  	[tilespmem:s23], [sflag:$0x5] =	stream.linear.gather [hbm4b:s13+s3], $0x50, $0x38;
	[tilespmem:$0x19200] =	vst v63  }
0x25: {  	_ =	swait.ge [sflag:s21], $0x50  }
0x26: {  	[sflag:s21] =	ssyncset.done $0x0  }
0x27: {  	[sflag:s21] =	ssyncadd.s32 $0xFFFFFFB0  }
0x28: {  	[tilespmem:s25], [sflag:$0x3] =	stream.indirect.gather [hbm4b:s4+s24], $0x80, s22, s24, $0xb8;
	[tilespmem:$0x19200] =	vst v63  }
0x29: {  	s10 =	rddreg [dreg:$0x6]  }
0x2a: {  	[tilespmem:s26], [sflag:$0x2] =	stream.linear.gather [hbm4b:s10+s3], $0x50, $0x38;
	[tilespmem:$0x19200] =	vst v63  }
0x2b: {  	s11 =	rddreg [dreg:$0x7]  }
0x2c: {  	[tilespmem:s28], [sflag:$0x2] =	stream.linear.gather [hbm4b:s11+s3], $0x50, $0x38;
	[tilespmem:$0x19200] =	vst v63  }
0x2d: {  	_ =	swait.ge [sflag:s29], $0x50  }
0x2e: {  	[sflag:s29] =	ssyncset.done $0x0  }
0x2f: {  	[sflag:s29] =	ssyncadd.s32 $0xFFFFFFB0  }
0x30: {  	_ =	swait.ge [sflag:s29], $0x50  }
0x31: {  	[sflag:s29] =	ssyncset.done $0x0  }
0x32: {  	[sflag:s29] =	ssyncadd.s32 $0xFFFFFFB0  }
0x33: {  	[tilespmem:s30], [sflag:$0x4] =	stream.indirect.gather [hbm4b:s4+s24], $0x80, s26, s24, $0xb8;
	[tilespmem:$0x19200] =	vst v63  }
0x34: {  	_ =	swait.ge [sflag:s31], $0x2800  }
0x35: {  	[sflag:s31] =	ssyncset.done $0x0  }
0x36: {  	[sflag:s31] =	ssyncadd.s32 $0xFFFFD800  }
0x37: {  	[spmem:s2] =	stream.indirect.scatter.add.f32 [tilespmem:s25], [sflag:$0x5], $0x80, s23, s24, $0xb8;
	[tilespmem:$0x19200] =	vst v63  }
0x38: {  	_ =	swait.ge [sflag:s21], $0x2800  }
0x39: {  	s12 =	sshrl.u32 s19, $0x3;
	[sflag:s21] =	ssyncset.done $0x0  }
0x3a: {  	s10 =	sadd.s32 s5, s12;
	[sflag:s21] =	ssyncadd.s32 $0xFFFFD800  }
0x3b: {  	[tilespmem:s22], [sflag:$0x1] =	stream.linear.gather [hbm4b:s10+s3], $0x50, $0x38;
	[tilespmem:$0x19200] =	vst v63  }
0x3c: {  	s9 =	sadd.s32 s6, s12  }
0x3d: {  	[tilespmem:s23], [sflag:$0x1] =	stream.linear.gather [hbm4b:s9+s3], $0x50, $0x38;
	[tilespmem:$0x19200] =	vst v63  }
0x3e: {  	_ =	swait.ge [sflag:s0], $0x50  }
0x3f: {  	[sflag:s0] =	ssyncset.done $0x0  }
0x40: {  	[sflag:s0] =	ssyncadd.s32 $0xFFFFFFB0  }
0x41: {  	_ =	swait.ge [sflag:s0], $0x50  }
0x42: {  	[sflag:s0] =	ssyncset.done $0x0  }
0x43: {  	[sflag:s0] =	ssyncadd.s32 $0xFFFFFFB0  }
0x44: {  	[tilespmem:s25], [sflag:$0x3] =	stream.indirect.gather [hbm4b:s4+s24], $0x80, s22, s24, $0xb8;
	[tilespmem:$0x19200] =	vst v63  }
0x45: {  	_ =	swait.ge [sflag:s1], $0x2800  }
0x46: {  	[sflag:s1] =	ssyncset.done $0x0  }
0x47: {  	[sflag:s1] =	ssyncadd.s32 $0xFFFFD800  }
0x48: {  	[spmem:s2] =	stream.indirect.scatter.add.f32 [tilespmem:s30], [sflag:$0x5], $0x80, s28, s24, $0xb8;
	[tilespmem:$0x19200] =	vst v63  }
0x49: {  	_ =	swait.ge [sflag:s21], $0x2800  }
0x4a: {  	s13 =	sadd.s32 $0x0, s18;
	s11 =	sadd.s32 $0x0, s17;
	[sflag:s21] =	ssyncset.done $0x0  }
0x4b: {  	s10 =	sadd.s32 $0xA0, s19;
	s9 =	simm.s32 $0x14;
	[sflag:s21] =	ssyncadd.s32 $0xFFFFD800  }
0x4c: {  	[tilespmem:s26], [sflag:$0x2] =	stream.linear.gather [hbm4b:s13+s3], $0x50, $0x38;
	[tilespmem:$0x19200] =	vst v63  }
.LBB2_2:
0x4d: {  	[tilespmem:s28], [sflag:$0x2] =	stream.linear.gather [hbm4b:s11+s3], $0x50, $0x38;
	[tilespmem:$0x19200] =	vst v63  }
0x4e: {  	s11 =	smov.u32 s9  }
0x4f: {  	p0 =	sne.s32 s9, $0x4B0;
	s9 =	sadd.s32 $0x14, s9;
	_ =	swait.ge [sflag:s29], $0x50  }
0x50: {  	[sflag:s29] =	ssyncset.done $0x0  }
0x51: {  	[sflag:s29] =	ssyncadd.s32 $0xFFFFFFB0  }
0x52: {  	_ =	swait.ge [sflag:s29], $0x50  }
0x53: {  	[sflag:s29] =	ssyncset.done $0x0  }
0x54: {  	[sflag:s29] =	ssyncadd.s32 $0xFFFFFFB0  }
0x55: {  	[tilespmem:s30], [sflag:$0x4] =	stream.indirect.gather [hbm4b:s4+s24], $0x80, s26, s24, $0xb8;
	[tilespmem:$0x19200] =	vst v63  }
0x56: {  	_ =	swait.ge [sflag:s31], $0x2800  }
0x57: {  	[sflag:s31] =	ssyncset.done $0x0  }
0x58: {  	[sflag:s31] =	ssyncadd.s32 $0xFFFFD800  }
0x59: {  	[spmem:s2] =	stream.indirect.scatter.add.f32 [tilespmem:s25], [sflag:$0x5], $0x80, s23, s24, $0xb8;
	[tilespmem:$0x19200] =	vst v63  }
0x5a: {  	_ =	swait.ge [sflag:s21], $0x2800  }
0x5b: {  	s12 =	sshrl.u32 s10, $0x3;
	[sflag:s21] =	ssyncset.done $0x0  }
0x5c: {  	s13 =	sadd.s32 s5, s12;
	[sflag:s21] =	ssyncadd.s32 $0xFFFFD800  }
0x5d: {  	[tilespmem:s22], [sflag:$0x1] =	stream.linear.gather [hbm4b:s13+s3], $0x50, $0x38;
	[tilespmem:$0x19200] =	vst v63  }
0x5e: {  	s12 =	sadd.s32 s6, s12  }
0x5f: {  	[tilespmem:s23], [sflag:$0x1] =	stream.linear.gather [hbm4b:s12+s3], $0x50, $0x38;
	[tilespmem:$0x19200] =	vst v63  }
0x60: {  	_ =	swait.ge [sflag:s0], $0x50  }
0x61: {  	[sflag:s0] =	ssyncset.done $0x0  }
0x62: {  	[sflag:s0] =	ssyncadd.s32 $0xFFFFFFB0  }
0x63: {  	_ =	swait.ge [sflag:s0], $0x50  }
0x64: {  	[sflag:s0] =	ssyncset.done $0x0  }
0x65: {  	[sflag:s0] =	ssyncadd.s32 $0xFFFFFFB0  }
0x66: {  	[tilespmem:s25], [sflag:$0x3] =	stream.indirect.gather [hbm4b:s4+s24], $0x80, s22, s24, $0xb8;
	[tilespmem:$0x19200] =	vst v63  }
0x67: {  	_ =	swait.ge [sflag:s1], $0x2800  }
0x68: {  	[sflag:s1] =	ssyncset.done $0x0  }
0x69: {  	[sflag:s1] =	ssyncadd.s32 $0xFFFFD800  }
0x6a: {  	[spmem:s2] =	stream.indirect.scatter.add.f32 [tilespmem:s30], [sflag:$0x5], $0x80, s28, s24, $0xb8;
	[tilespmem:$0x19200] =	vst v63  }
.Ltmp0:
0x6b: {  	_ =	swait.ge [sflag:s21], $0x2800;
	(pc) =	sbr.rel @p0 .LBB2_2-.Ltmp0, $4  }
0x6c: {  	[sflag:s21] =	ssyncset.done $0x0  }
0x6d: {  	s12 =	sadd.s32 s11, s18;
	[sflag:s21] =	ssyncadd.s32 $0xFFFFD800  }
0x6e: {  	[tilespmem:s26], [sflag:$0x2] =	stream.linear.gather [hbm4b:s12+s3], $0x50, $0x38;
	[tilespmem:$0x19200] =	vst v63  }
0x6f: {  	s10 =	sadd.s32 $0xA0, s10;
	s11 =	sadd.s32 s11, s17  }
0x70: {  	[tilespmem:s28], [sflag:$0x2] =	stream.linear.gather [hbm4b:s11+s3], $0x50, $0x38;
	[tilespmem:$0x19200] =	vst v63  }
0x71: {  	_ =	swait.ge [sflag:s29], $0x50  }
0x72: {  	[sflag:s29] =	ssyncset.done $0x0  }
0x73: {  	[sflag:s29] =	ssyncadd.s32 $0xFFFFFFB0  }
0x74: {  	_ =	swait.ge [sflag:s29], $0x50  }
0x75: {  	[sflag:s29] =	ssyncset.done $0x0  }
0x76: {  	[sflag:s29] =	ssyncadd.s32 $0xFFFFFFB0  }
0x77: {  	[tilespmem:s30], [sflag:$0x4] =	stream.indirect.gather [hbm4b:s4+s24], $0x80, s26, s24, $0xb8;
	[tilespmem:$0x19200] =	vst v63  }
0x78: {  	_ =	swait.ge [sflag:s31], $0x2800  }
0x79: {  	[sflag:s31] =	ssyncset.done $0x0  }
0x7a: {  	[sflag:s31] =	ssyncadd.s32 $0xFFFFD800  }
0x7b: {  	[spmem:s2] =	stream.indirect.scatter.add.f32 [tilespmem:s25], [sflag:$0x5], $0x80, s23, s24, $0xb8;
	[tilespmem:$0x19200] =	vst v63  }
0x7c: {  	_ =	swait.ge [sflag:s21], $0x2800  }
0x7d: {  	[sflag:s21] =	ssyncset.done $0x0  }
0x7e: {  	[sflag:s21] =	ssyncadd.s32 $0xFFFFD800  }
0x7f: {  	[tilespmem:s22], [sflag:$0x1] =	stream.linear.gather [hbm4b:s15+s3], $0x50, $0x38;
	[tilespmem:$0x19200] =	vst v63  }
0x80: {  	_ = 	snop  }
0x81: {  	[tilespmem:s23], [sflag:$0x1] =	stream.linear.gather [hbm4b:s16+s3], $0x50, $0x38;
	[tilespmem:$0x19200] =	vst v63  }
0x82: {  	_ =	swait.ge [sflag:s0], $0x50  }
0x83: {  	[sflag:s0] =	ssyncset.done $0x0  }
0x84: {  	[sflag:s0] =	ssyncadd.s32 $0xFFFFFFB0  }
0x85: {  	_ =	swait.ge [sflag:s0], $0x50  }
0x86: {  	[sflag:s0] =	ssyncset.done $0x0  }
0x87: {  	[sflag:s0] =	ssyncadd.s32 $0xFFFFFFB0  }
0x88: {  	[tilespmem:s25], [sflag:$0x3] =	stream.indirect.gather [hbm4b:s4+s24], $0x80, s22, s24, $0xb8;
	[tilespmem:$0x19200] =	vst v63  }
0x89: {  	_ =	swait.ge [sflag:s1], $0x2800  }
0x8a: {  	[sflag:s1] =	ssyncset.done $0x0  }
0x8b: {  	[sflag:s1] =	ssyncadd.s32 $0xFFFFD800  }
0x8c: {  	[spmem:s2] =	stream.indirect.scatter.add.f32 [tilespmem:s30], [sflag:$0x5], $0x80, s28, s24, $0xb8;
	[tilespmem:$0x19200] =	vst v63  }
0x8d: {  	_ =	swait.ge [sflag:s21], $0x2800  }
0x8e: {  	[sflag:s21] =	ssyncset.done $0x0  }
0x8f: {  	[sflag:s21] =	ssyncadd.s32 $0xFFFFD800  }
0x90: {  	_ =	swait.ge [sflag:s31], $0x2800  }
0x91: {  	[sflag:s31] =	ssyncset.done $0x0  }
0x92: {  	[sflag:s31] =	ssyncadd.s32 $0xFFFFD800  }
0x93: {  	[spmem:s2] =	stream.indirect.scatter.add.f32 [tilespmem:s25], [sflag:$0x5], $0x80, s23, s24, $0xb8;
	[tilespmem:$0x19200] =	vst v63  }
0x94: {  	_ =	swait.ge [sflag:s21], $0x2800  }
0x95: {  	[sflag:s21] =	ssyncset.done $0x0  }
0x96: {  	s7 =	sadd.s32 $0x1, s7;
	[sflag:s21] =	ssyncadd.s32 $0xFFFFD800  }
0x97: {  	p0 =	sne.s32 s7, s14;
	[bflag:$0x0] =	sbarrier.arrive $0xFFFF  }
.Ltmp1:
0x98: {  	s9 =	rddreg [dreg:$0x8];
	(pc) =	sbr.rel @p0 .LBB2_1-.Ltmp1, $4  }
0x99: {  	[hbm:s9], [sflag:s8] =	dma.local [spmem:s20], $0x2800  }
0x9a: {  	_ =	swait.ge [sflag:s21], $0x2800  }
0x9b: {  	[sflag:s21] =	ssyncset.done $0x0  }
0x9c: {  	[sflag:s21] =	ssyncadd.s32 $0xFFFFD800  }
0x9d: {  	_ =	sfence.sel $0x180000  }
0x9e: {  	[bflag:$0x0] =	sbarrier.arrive $0xFFFF  }
0x9f: {  	_ =	strace $0x9000004D  }
0xa0: {  	s0 =	stileid.u32;
	[bflag:$0x2] =	sbarrier.arrive $0xFFFF  }
0xa1: {  	p0 =	sne.s32 s0, $0x0;
	s0 =	rddreg [dreg:$0x2]  }
0xa2: {  	s0 =	sadd.s32 @!p0 $0x100000, s0  }
0xa3: {  	[sflag:s0] =	ssyncadd.tile.s32 @!p0 $0x1;
	_ =	shalt  }
.Lfunc_end2:
_tile_overlayer_lowered:
.L_overlay_start_2:
0xa4: {  	(tag) =	ssettag $0x2  }
0xa5: {  	s0 =	rddreg [dreg:$0x0];
	s2 =	stileid.u32  }
0xa6: {  	s1 =	rddreg [dreg:$0x1];
	p0 =	sne.s32 s2, $0x0  }
0xa7: {  	s3 =	rddreg [dreg:$0x2];
	[bflag:$0x3] =	sbarrier.arrive $0xFFFF;
	s2 =	simm.s32 @!p0 $0x1C05  }
0xa8: {  	[timem:s3], [sflag:s2] =	dma.local @!p0 [hbm:s0], s1  }
0xa9: {  	s0 =	simm.s32 @!p0 $0x5  }
0xaa: {  	_ =	swait.ge @!p0 [sflag:s0], s1  }
0xab: {  	s1 =	ssub.s32 @!p0 $0x0, s1;
	[sflag:s0] =	ssyncset.done @!p0 $0x0  }
0xac: {  	[sflag:s0] =	ssyncadd.s32 @!p0 s1  }
0xad: {  	[bflag:$0x3] =	sbarrier.arrive $0xFFFF  }
0xae: {  	_ =	shalt  }

// kernel: kernel.28.cloned.1.call-start
scs
__scs_entry_jumppad:
0x0: {  	(pc) =	sbr.rel $0x88, $3  }
0x1: {  	(tag) =	ssettag $0x0;
	lr =	simm.s32 $0x1  }
0x2: {  	[smem:$0x3F86] =	sst lr;
	_ =	strace $0xD0000000  }
0x3: {  	_ = 	snop  }
0x4: {  	_ = 	snop  }
0x5: {  	_ = 	snop  }
0x6: {  	_ = 	snop  }
0x7: {  	_ = 	snop  }
__scs_overlays_trampoline_lowered:
0x8: {  	[smem:$0x3F95] =	sst s0  }
0x9: {  	[smem:$0x3F96] =	sst s1  }
0xa: {  	[smem:$0x3F97] =	sst s2  }
0xb: {  	[smem:$0x3F98] =	sst s3  }
0xc: {  	[smem:$0x3F99] =	sst s4  }
0xd: {  	[smem:$0x3F9A] =	sst s5  }
0xe: {  	[smem:$0x3F9B] =	sst s6  }
0xf: {  	[smem:$0x3F9C] =	sst s7  }
0x10: {  	[smem:$0x3F9D] =	sst s8  }
0x11: {  	[smem:$0x3F9E] =	sst s9;
	s0 =	simm.s32 @!p0 $0x0  }
0x12: {  	s1 =	sld [smem:$0x3F84];
	s0 =	simm.s32 @p0 $0x1  }
0x13: {  	[smem:$0x3F9F] =	sst s0;
	s0 =	simm.s32 @!p1 $0x0  }
0x14: {  	s2 =	sld [smem:$0x3F83];
	s0 =	simm.s32 @p1 $0x1  }
0x15: {  	[smem:$0x3FA0] =	sst s0;
	s0 =	simm.s32 @!p2 $0x0  }
0x16: {  	s3 =	sld [smem:$0x3FDB];
	s0 =	simm.s32 @p2 $0x1  }
0x17: {  	s4 =	simm.s32 $0x1BF5;
	[smem:$0x3FA2] =	sst s0  }
0x18: {  	s0 =	sld [smem:$0x3F85];
	_ =	swait.ge [sflag:s4], $0x0  }
0x19: {  	s7 =	sld [smem:$0x3F86]  }
0x1a: {  	s8 =	sadd.s32 $0xFFFFE003, lr  }
0x1b: {  	s9 =	sadd.s32 $0xFFFFFEF7, lr;
	s5 =	simm.s32 $0xFFFFFFFF;
	p2 =	slt.u32 s8, $0xFFFFF086  }
0x1c: {  	p1 =	slt.u32 s9, $0xF7A;
	s5 =	simm.s32 @!p2 $0x0  }
0x1d: {  	s5 =	simm.s32 @p1 $0x1;
	p0 =	seq.s32 s7, s2  }
0x1e: {  	s7 =	smul.u32 @!p0 $0xF7A, s2;
	p2 =	seq.s32 @!p0 s5, $0x0  }
0x1f: {  	s9 =	smul.u32 $0xF7A, s1;
	s8 =	simm.s32 @!p0 $0x1BF5;
	p2 =	por !p2, p0  }
0x20: {  	[sflag:s8] =	ssyncset.s32 @!p0 $0xFFFFF086;
	s6 =	sadd.s32 @!p0 s3, s7;
	s7 =	simm.s32 @!p0 $0x108  }
0x21: {  	s3 =	sadd.s32 s3, s9;
	s6 =	sadd.s32 @!p0 $0x88, s6;
	s7 =	simm.s32 @p2 $0x1082  }
0x22: {  	[simem:s7], [sflag:s8] =	dma.local @!p0 [hbm:s6], $0xF7A  }
0x23: {  	s9 =	sor.u32 $0xD0000000, s2;
	s6 =	simm.s32 $0x108;
	_ =	swait.ge @!p0 [sflag:s8], $0x0  }
0x24: {  	s3 =	sadd.s32 $0x88, s3;
	s6 =	simm.s32 @!p1 $0x1082;
	[sflag:s4] =	ssyncset.s32 $0xFFFFF086  }
0x25: {  	[simem:s6], [sflag:s4] =	dma.local [hbm:s3], $0xF7A  }
0x26: {  	[smem:$0x3F86] =	sst s1;
	(tag) =	ssettag s2;
	_ =	strace s9  }
0x27: {  	s1 =	sld [smem:$0x3F96]  }
0x28: {  	s2 =	sld [smem:$0x3F97]  }
0x29: {  	s4 =	sld [smem:$0x3F99]  }
0x2a: {  	p0 =	seq.s32 s5, $0x0;
	s5 =	sld [smem:$0x3F9A]  }
0x2b: {  	s6 =	sld [smem:$0x3F9B]  }
0x2c: {  	s7 =	sld [smem:$0x3F9C]  }
0x2d: {  	s3 =	simm.s32 $0x108;
	s8 =	sld [smem:$0x3F9D]  }
0x2e: {  	s3 =	simm.s32 @!p0 $0x1082;
	s9 =	sld [smem:$0x3F9E]  }
0x2f: {  	lr =	sadd.s32 s0, s3;
	s0 =	sld [smem:$0x3F95]  }
0x30: {  	s3 =	sld [smem:$0x3F98]  }
0x31: {  	[smem:$0x3FA1] =	sst s10  }
0x32: {  	s10 =	sld [smem:$0x3F9F];
	_ =	sdelay $0x3  }
0x33: {  	p0 =	seq.s32 s10, $0x1;
	s10 =	sld [smem:$0x3FA1];
	_ =	sdelay $0x3  }
0x34: {  	[smem:$0x3FA1] =	sst s10  }
0x35: {  	s10 =	sld [smem:$0x3FA0];
	_ =	sdelay $0x3  }
0x36: {  	p1 =	seq.s32 s10, $0x1;
	s10 =	sld [smem:$0x3FA1];
	_ =	sdelay $0x3  }
0x37: {  	[smem:$0x3FA1] =	sst s10  }
0x38: {  	s10 =	sld [smem:$0x3FA2]  }
0x39: {  	_ = 	snop;
	(pc) =	sbr.ind lr, $3  }
0x3a: {  	_ = 	snop  }
0x3b: {  	_ = 	snop  }
0x3c: {  	p2 =	seq.s32 s10, $0x1;
	s10 =	sld [smem:$0x3FA1]  }
0x3d: {  	_ =	shalt  }
0x3e: {  	_ =	shalt  }
0x3f: {  	_ =	shalt  }
0x40: {  	_ =	shalt  }
0x41: {  	_ =	shalt  }
0x42: {  	_ =	shalt  }
0x43: {  	_ =	shalt  }
0x44: {  	_ =	shalt  }
0x45: {  	_ =	shalt  }
0x46: {  	_ =	shalt  }
0x47: {  	_ =	shalt  }
0x48: {  	_ =	shalt  }
0x49: {  	_ =	shalt  }
0x4a: {  	_ =	shalt  }
0x4b: {  	_ =	shalt  }
0x4c: {  	_ =	shalt  }
0x4d: {  	_ =	shalt  }
0x4e: {  	_ =	shalt  }
0x4f: {  	_ =	shalt  }
0x50: {  	_ =	shalt  }
0x51: {  	_ =	shalt  }
0x52: {  	_ =	shalt  }
0x53: {  	_ =	shalt  }
0x54: {  	_ =	shalt  }
0x55: {  	_ =	shalt  }
0x56: {  	_ =	shalt  }
0x57: {  	_ =	shalt  }
0x58: {  	_ =	shalt  }
0x59: {  	_ =	shalt  }
0x5a: {  	_ =	shalt  }
0x5b: {  	_ =	shalt  }
0x5c: {  	_ =	shalt  }
0x5d: {  	_ =	shalt  }
0x5e: {  	_ =	shalt  }
0x5f: {  	_ =	shalt  }
0x60: {  	_ =	shalt  }
0x61: {  	_ =	shalt  }
0x62: {  	_ =	shalt  }
0x63: {  	_ =	shalt  }
0x64: {  	_ =	shalt  }
0x65: {  	_ =	shalt  }
0x66: {  	_ =	shalt  }
0x67: {  	_ =	shalt  }
0x68: {  	_ =	shalt  }
0x69: {  	_ =	shalt  }
0x6a: {  	_ =	shalt  }
0x6b: {  	_ =	shalt  }
0x6c: {  	_ =	shalt  }
0x6d: {  	_ =	shalt  }
0x6e: {  	_ =	shalt  }
0x6f: {  	_ =	shalt  }
0x70: {  	_ =	shalt  }
0x71: {  	_ =	shalt  }
0x72: {  	_ =	shalt  }
0x73: {  	_ =	shalt  }
0x74: {  	_ =	shalt  }
0x75: {  	_ =	shalt  }
0x76: {  	_ =	shalt  }
0x77: {  	_ =	shalt  }
0x78: {  	_ =	shalt  }
0x79: {  	_ =	shalt  }
0x7a: {  	_ =	shalt  }
0x7b: {  	_ =	shalt  }
0x7c: {  	_ =	shalt  }
0x7d: {  	_ =	shalt  }
0x7e: {  	_ =	shalt  }
0x7f: {  	_ =	shalt  }
0x80: {  	_ =	shalt  }
0x81: {  	_ =	shalt  }
0x82: {  	_ =	shalt  }
0x83: {  	_ =	shalt  }
0x84: {  	_ =	shalt  }
0x85: {  	_ =	shalt  }
0x86: {  	_ =	shalt  }
0x87: {  	_ =	shalt  }
.Lfunc_end0:
.L_simem_size_0:
called_computation.3_lowered:
.L_overlay_start_0:
0x88: {  	s2 =	sld [smem:$0x3FD9]  }
0x89: {  	s3 =	sld [smem:$0x3FFE];
	_ =	sdelay $0x1  }
0x8a: {  	s1 =	srdreg.scid  }
0x8b: {  	s0 =	sand.u32 $0x1, s1  }
0x8c: {  	s16 =	sshll.u32 s0, $0xA;
	s2 =	sadd.s32 s3, s2  }
0x8d: {  	s2 =	sadd.s32 s2, s16  }
0x8e: {  	[smem:$0x3FAD] =	sst s2  }
0x8f: {  	_ = 	snop  }
0x90: {  	(tm) =	ssettm $0x1  }
0x91: {  	s17 =	sld [smem:$0x3FFB];
	_ =	sdelay $0x3  }
0x92: {  	_ =	strace s17  }
0x93: {  	s2 =	sld [smem:$0x3FFC];
	_ =	sdelay $0x3  }
0x94: {  	_ =	strace s2  }
0x95: {  	s2 =	sld [smem:$0x3FFD];
	_ =	sdelay $0x3  }
0x96: {  	_ =	strace s2  }
0x97: {  	_ =	strace $0x8FFFFFFF  }
0x98: {  	s18 =	sld [smem:$0x3FDB];
	_ =	sdelay $0x1  }
0x99: {  	s19 =	simm.s32 $_scs_section_size  }
0x9a: {  	s4 =	simm.s32 $_size__tile_overlayer_lowered;
	s5 =	simm.s32 $_tile_overlayer_lowered  }
0x9b: {  	s22 =	simm.s32 $0x1BFF;
	s21 =	sshll.u32 s5, $0x1;
	s2 =	sadd.s32 s19, s18  }
0x9c: {  	s6 =	simm.s32 $0x0;
	s20 =	sshll.u32 s4, $0x1;
	s4 =	sadd.s32 s21, s2  }
0x9d: {  	[timem:s6], [sflag:s22] =	dma.local [hbm:s4], s20  }
0x9e: {  	_ =	swait.ge [sflag:s22], s20  }
0x9f: {  	s3 =	ssub.s32 $0x0, s20;
	[sflag:s22] =	ssyncset.done $0x0  }
0xa0: {  	[sflag:s22] =	ssyncadd.s32 s3;
	_ =	sdelay $0x1  }
0xa1: {  	s23 =	simm.s32 $0x1B8B  }
0xa2: {  	_ =	swait.ge [sflag:s23], $0x1  }
0xa3: {  	[sflag:s23] =	ssyncset.done $0x0  }
0xa4: {  	s25 =	simm.s32 $0x1B8E;
	s24 =	sld [smem:$0x3FFE];
	[sflag:s23] =	ssyncadd.s32 $0xFFFFFFFF  }
0xa5: {  	s26 =	simm.s32 $execute0_lowered;
	[smem:$0x3FD2] =	sst s25  }
0xa6: {  	s4 =	sshll.u32 s26, $0x1;
	_ =	strace $0x8000004F;
	[dreg:$0x1] =	wrdreg $0xFFFFFFFF  }
0xa7: {  	s28 =	simm.s32 $_size_execute0_lowered;
	s2 =	sadd.s32 s2, s4;
	[dreg:$0x0] =	wrdreg $0x0  }
0xa8: {  	s4 =	sshll.u32 s28, $0x1;
	[dreg:$0x2] =	wrdreg s2  }
0xa9: {  	[dreg:$0x3] =	wrdreg s4  }
0xaa: {  	[dreg:$0x4] =	wrdreg $0xC0  }
0xab: {  	_ =	task [dreg:s6], $0x5FFFF  }
0xac: {  	[dreg:$0x1] =	wrdreg $0xFFFFFFFF  }
0xad: {  	[dreg:$0x0] =	wrdreg $0x60  }
0xae: {  	[dreg:$0x2] =	wrdreg s24  }
0xaf: {  	[dreg:$0x3] =	wrdreg $0x0  }
0xb0: {  	[dreg:$0x4] =	wrdreg $0x9  }
0xb1: {  	_ =	task.clear_ibuf [dreg:s6], $0x5FFFF;
	_ =	strace $0x9000004F  }
0xb2: {  	s29 =	simm.s32 $0x9;
	_ =	strace $0x80000051  }
0xb3: {  	_ =	swait.ge [sflag:s29], $0x1  }
0xb4: {  	[sflag:s29] =	ssyncadd.s32 $0xFFFFFFFF  }
0xb5: {  	_ =	strace $0x90000051  }
0xb6: {  	_ =	sfence  }
0xb7: {  	s30 =	sld [smem:$0x0];
	_ =	sdelay $0x2  }
0xb8: {  	s31 =	sshll.u32 s1, $0xD;
	s1 =	sshrl.u32 s1, $0x2  }
0xb9: {  	s3 =	sand.u32 $0x4000, s31;
	s1 =	sadd.s32 s1, s30  }
0xba: {  	s0 =	sor.u32 s3, s0;
	s1 =	sshll.u32 s1, $0x11  }
0xbb: {  	s0 =	sor.u32 s1, s0  }
0xbc: {  	s0 =	sadd.s32 $0x8F2B, s0  }
0xbd: {  	[sflag:s0] =	ssyncadd.remote.s32 $0x1  }
0xbe: {  	_ =	sfence.sel $0xFFFF  }
0xbf: {  	[dreg:$0x0] =	wrdreg $0xFFFFFFFF;
	(pc) =	sbr.abs _section_cstart, $3  }
0xc0: {  	[dreg:$0x1] =	wrdreg $0xFFFFFFFF  }
0xc1: {  	_ =	task.clear_ibuf [dreg:s6], $0x2FFFF;
	_ =	strace $0x9FFFFFFF  }
0xc2: {  	(tm) =	ssettm $0x7FFFFFFF  }
0xc3: {  	_ =	shalt  }
tec
execute0_lowered:
.L_overlay_start_1:
0x0: {  	(tag) =	ssettag $0x1  }
0x1: {  	s0 =	rddreg [dreg:$0x0]  }
0x2: {  	s2 =	rddreg [dreg:$0x1];
	s12 =	stileid.u32  }
0x3: {  	s1 =	srdreg.scid;
	s3 =	simm.s32 $0x0;
	s28 =	simm.s32 $0x14180  }
0x4: {  	s29 =	simm.s32 $0x2;
	s30 =	simm.s32 $0x16A00;
	s31 =	simm.s32 $0x3  }
0x5: {  	s7 =	smul.u32 $0x14000, s12;
	s1 =	sand.u32 $0x1, s1;
	[smem:$0x7FF] =	sst s3  }
0x6: {  	s4 =	sadd.s32 $0x42200, s0;
	s5 =	sadd.s32 $0x10400, s0;
	s17 =	smul.u32 $0x50000, s12  }
0x7: {  	s6 =	sadd.s32 $0x6600, s0;
	s10 =	sshll.u32 s12, $0x1;
	s20 =	smul.u32 $0x4E20, s12  }
0x8: {  	s19 =	sshll.u32 s12, $0x6;
	s8 =	smul.u32 $0x140000, s1;
	_ =	strace $0x80000050  }
0x9: {  	s18 =	ssub.s32 $0x2, s1;
	s10 =	sor.u32 s1, s10;
	s1 =	smul.u32 $0x2710, s1  }
0xa: {  	s9 =	sshrl.u32 s7, $0x3;
	s11 =	sshrl.u32 s18, $0x1;
	s10 =	smul.u32 $0x2710, s10  }
0xb: {  	s7 =	sadd.s32 s7, s8;
	s16 =	sadd.s32 s9, s0;
	s9 =	sshrl.u32 s17, $0x2  }
0xc: {  	s1 =	sadd.s32 s1, s20;
	s7 =	sshrl.u32 s7, $0x3;
	s9 =	sadd.s32 s9, s2  }
0xd: {  	s8 =	sadd.s32 $0x1A200, s16;
	s10 =	sshrl.u32 s10, $0x3;
	s25 =	sadd.s32 $0xF0, s1  }
0xe: {  	s0 =	sadd.s32 s7, s0;
	s7 =	ssub.s32 s18, s11;
	[dreg:$0x3] =	wrdreg s8  }
0xf: {  	s8 =	sor.u32 $0x1C05, s19;
	s21 =	sadd.s32 s5, s10;
	s22 =	sadd.s32 s6, s10  }
0x10: {  	s23 =	sadd.s32 $0xA, s10;
	s24 =	sadd.s32 $0x4D8, s10;
	s26 =	sshrl.u32 s25, $0x3  }
0x11: {  	s19 =	sadd.s32 $0xA0, s1;
	s20 =	sshrl.u32 s9, $0x3;
	[dreg:$0x4] =	wrdreg s21  }
0x12: {  	s25 =	simm.s32 $0x14200;
	s1 =	simm.s32 $0x4;
	[dreg:$0x5] =	wrdreg s22  }
0x13: {  	s13 =	sadd.s32 s5, s23;
	s12 =	sadd.s32 s6, s23;
	s0 =	sadd.s32 $0x69400, s0  }
0x14: {  	s14 =	smax.u32 s7, $0x1;
	s15 =	sadd.s32 s5, s24;
	s16 =	sadd.s32 s6, s24  }
0x15: {  	s17 =	sadd.s32 s26, s6;
	s18 =	sadd.s32 s26, s5;
	s21 =	simm.s32 $0x5  }
0x16: {  	s22 =	simm.s32 $0x14000;
	s23 =	simm.s32 $0x14100;
	[dreg:$0x6] =	wrdreg s13  }
0x17: {  	s24 =	simm.s32 $0x50;
	s26 =	simm.s32 $0x14080;
	[dreg:$0x7] =	wrdreg s12  }
0x18: {  	s7 =	simm.s32 $0x0;
	[dreg:$0x8] =	wrdreg s0;
	s0 =	simm.s32 $0x1  }
.LBB2_1:
0x19: {  	s9 =	rddreg [dreg:$0x3]  }
0x1a: {  	[spmem:s20], [sflag:s8] =	dma.local [hbm:s9], $0x2800  }
0x1b: {  	_ =	swait.ge [sflag:s21], $0x2800  }
0x1c: {  	[sflag:s21] =	ssyncset.done $0x0  }
0x1d: {  	[sflag:s21] =	ssyncadd.s32 $0xFFFFD800  }
0x1e: {  	[bflag:$0x0] =	sbarrier.arrive $0xFFFF  }
0x1f: {  	s12 =	rddreg [dreg:$0x4]  }
0x20: {  	[tilespmem:s22], [sflag:$0x5] =	stream.linear.gather [hbm4b:s12+s3], $0x50, $0x38;
	[tilespmem:$0x19200] =	vst v63  }
0x21: {  	_ =	swait.ge [sflag:s21], $0x50  }
0x22: {  	[sflag:s21] =	ssyncset.done $0x0  }
0x23: {  	s13 =	rddreg [dreg:$0x5];
	[sflag:s21] =	ssyncadd.s32 $0xFFFFFFB0  }
0x24: {  	[tilespmem:s23], [sflag:$0x5] =	stream.linear.gather [hbm4b:s13+s3], $0x50, $0x38;
	[tilespmem:$0x19200] =	vst v63  }
0x25: {  	_ =	swait.ge [sflag:s21], $0x50  }
0x26: {  	[sflag:s21] =	ssyncset.done $0x0  }
0x27: {  	[sflag:s21] =	ssyncadd.s32 $0xFFFFFFB0  }
0x28: {  	[tilespmem:s25], [sflag:$0x3] =	stream.indirect.gather [hbm4b:s4+s24], $0x80, s22, s24, $0xb8;
	[tilespmem:$0x19200] =	vst v63  }
0x29: {  	s10 =	rddreg [dreg:$0x6]  }
0x2a: {  	[tilespmem:s26], [sflag:$0x2] =	stream.linear.gather [hbm4b:s10+s3], $0x50, $0x38;
	[tilespmem:$0x19200] =	vst v63  }
0x2b: {  	s11 =	rddreg [dreg:$0x7]  }
0x2c: {  	[tilespmem:s28], [sflag:$0x2] =	stream.linear.gather [hbm4b:s11+s3], $0x50, $0x38;
	[tilespmem:$0x19200] =	vst v63  }
0x2d: {  	_ =	swait.ge [sflag:s29], $0x50  }
0x2e: {  	[sflag:s29] =	ssyncset.done $0x0  }
0x2f: {  	[sflag:s29] =	ssyncadd.s32 $0xFFFFFFB0  }
0x30: {  	_ =	swait.ge [sflag:s29], $0x50  }
0x31: {  	[sflag:s29] =	ssyncset.done $0x0  }
0x32: {  	[sflag:s29] =	ssyncadd.s32 $0xFFFFFFB0  }
0x33: {  	[tilespmem:s30], [sflag:$0x4] =	stream.indirect.gather [hbm4b:s4+s24], $0x80, s26, s24, $0xb8;
	[tilespmem:$0x19200] =	vst v63  }
0x34: {  	_ =	swait.ge [sflag:s31], $0x2800  }
0x35: {  	[sflag:s31] =	ssyncset.done $0x0  }
0x36: {  	[sflag:s31] =	ssyncadd.s32 $0xFFFFD800  }
0x37: {  	[spmem:s2] =	stream.indirect.scatter.add.f32 [tilespmem:s25], [sflag:$0x5], $0x80, s23, s24, $0xb8;
	[tilespmem:$0x19200] =	vst v63  }
0x38: {  	_ =	swait.ge [sflag:s21], $0x2800  }
0x39: {  	s12 =	sshrl.u32 s19, $0x3;
	[sflag:s21] =	ssyncset.done $0x0  }
0x3a: {  	s10 =	sadd.s32 s5, s12;
	[sflag:s21] =	ssyncadd.s32 $0xFFFFD800  }
0x3b: {  	[tilespmem:s22], [sflag:$0x1] =	stream.linear.gather [hbm4b:s10+s3], $0x50, $0x38;
	[tilespmem:$0x19200] =	vst v63  }
0x3c: {  	s9 =	sadd.s32 s6, s12  }
0x3d: {  	[tilespmem:s23], [sflag:$0x1] =	stream.linear.gather [hbm4b:s9+s3], $0x50, $0x38;
	[tilespmem:$0x19200] =	vst v63  }
0x3e: {  	_ =	swait.ge [sflag:s0], $0x50  }
0x3f: {  	[sflag:s0] =	ssyncset.done $0x0  }
0x40: {  	[sflag:s0] =	ssyncadd.s32 $0xFFFFFFB0  }
0x41: {  	_ =	swait.ge [sflag:s0], $0x50  }
0x42: {  	[sflag:s0] =	ssyncset.done $0x0  }
0x43: {  	[sflag:s0] =	ssyncadd.s32 $0xFFFFFFB0  }
0x44: {  	[tilespmem:s25], [sflag:$0x3] =	stream.indirect.gather [hbm4b:s4+s24], $0x80, s22, s24, $0xb8;
	[tilespmem:$0x19200] =	vst v63  }
0x45: {  	_ =	swait.ge [sflag:s1], $0x2800  }
0x46: {  	[sflag:s1] =	ssyncset.done $0x0  }
0x47: {  	[sflag:s1] =	ssyncadd.s32 $0xFFFFD800  }
0x48: {  	[spmem:s2] =	stream.indirect.scatter.add.f32 [tilespmem:s30], [sflag:$0x5], $0x80, s28, s24, $0xb8;
	[tilespmem:$0x19200] =	vst v63  }
0x49: {  	_ =	swait.ge [sflag:s21], $0x2800  }
0x4a: {  	s13 =	sadd.s32 $0x0, s18;
	s11 =	sadd.s32 $0x0, s17;
	[sflag:s21] =	ssyncset.done $0x0  }
0x4b: {  	s10 =	sadd.s32 $0xA0, s19;
	s9 =	simm.s32 $0x14;
	[sflag:s21] =	ssyncadd.s32 $0xFFFFD800  }
0x4c: {  	[tilespmem:s26], [sflag:$0x2] =	stream.linear.gather [hbm4b:s13+s3], $0x50, $0x38;
	[tilespmem:$0x19200] =	vst v63  }
.LBB2_2:
0x4d: {  	[tilespmem:s28], [sflag:$0x2] =	stream.linear.gather [hbm4b:s11+s3], $0x50, $0x38;
	[tilespmem:$0x19200] =	vst v63  }
0x4e: {  	s11 =	smov.u32 s9  }
0x4f: {  	p0 =	sne.s32 s9, $0x4B0;
	s9 =	sadd.s32 $0x14, s9;
	_ =	swait.ge [sflag:s29], $0x50  }
0x50: {  	[sflag:s29] =	ssyncset.done $0x0  }
0x51: {  	[sflag:s29] =	ssyncadd.s32 $0xFFFFFFB0  }
0x52: {  	_ =	swait.ge [sflag:s29], $0x50  }
0x53: {  	[sflag:s29] =	ssyncset.done $0x0  }
0x54: {  	[sflag:s29] =	ssyncadd.s32 $0xFFFFFFB0  }
0x55: {  	[tilespmem:s30], [sflag:$0x4] =	stream.indirect.gather [hbm4b:s4+s24], $0x80, s26, s24, $0xb8;
	[tilespmem:$0x19200] =	vst v63  }
0x56: {  	_ =	swait.ge [sflag:s31], $0x2800  }
0x57: {  	[sflag:s31] =	ssyncset.done $0x0  }
0x58: {  	[sflag:s31] =	ssyncadd.s32 $0xFFFFD800  }
0x59: {  	[spmem:s2] =	stream.indirect.scatter.add.f32 [tilespmem:s25], [sflag:$0x5], $0x80, s23, s24, $0xb8;
	[tilespmem:$0x19200] =	vst v63  }
0x5a: {  	_ =	swait.ge [sflag:s21], $0x2800  }
0x5b: {  	s12 =	sshrl.u32 s10, $0x3;
	[sflag:s21] =	ssyncset.done $0x0  }
0x5c: {  	s13 =	sadd.s32 s5, s12;
	[sflag:s21] =	ssyncadd.s32 $0xFFFFD800  }
0x5d: {  	[tilespmem:s22], [sflag:$0x1] =	stream.linear.gather [hbm4b:s13+s3], $0x50, $0x38;
	[tilespmem:$0x19200] =	vst v63  }
0x5e: {  	s12 =	sadd.s32 s6, s12  }
0x5f: {  	[tilespmem:s23], [sflag:$0x1] =	stream.linear.gather [hbm4b:s12+s3], $0x50, $0x38;
	[tilespmem:$0x19200] =	vst v63  }
0x60: {  	_ =	swait.ge [sflag:s0], $0x50  }
0x61: {  	[sflag:s0] =	ssyncset.done $0x0  }
0x62: {  	[sflag:s0] =	ssyncadd.s32 $0xFFFFFFB0  }
0x63: {  	_ =	swait.ge [sflag:s0], $0x50  }
0x64: {  	[sflag:s0] =	ssyncset.done $0x0  }
0x65: {  	[sflag:s0] =	ssyncadd.s32 $0xFFFFFFB0  }
0x66: {  	[tilespmem:s25], [sflag:$0x3] =	stream.indirect.gather [hbm4b:s4+s24], $0x80, s22, s24, $0xb8;
	[tilespmem:$0x19200] =	vst v63  }
0x67: {  	_ =	swait.ge [sflag:s1], $0x2800  }
0x68: {  	[sflag:s1] =	ssyncset.done $0x0  }
0x69: {  	[sflag:s1] =	ssyncadd.s32 $0xFFFFD800  }
0x6a: {  	[spmem:s2] =	stream.indirect.scatter.add.f32 [tilespmem:s30], [sflag:$0x5], $0x80, s28, s24, $0xb8;
	[tilespmem:$0x19200] =	vst v63  }
.Ltmp0:
0x6b: {  	_ =	swait.ge [sflag:s21], $0x2800;
	(pc) =	sbr.rel @p0 .LBB2_2-.Ltmp0, $4  }
0x6c: {  	[sflag:s21] =	ssyncset.done $0x0  }
0x6d: {  	s12 =	sadd.s32 s11, s18;
	[sflag:s21] =	ssyncadd.s32 $0xFFFFD800  }
0x6e: {  	[tilespmem:s26], [sflag:$0x2] =	stream.linear.gather [hbm4b:s12+s3], $0x50, $0x38;
	[tilespmem:$0x19200] =	vst v63  }
0x6f: {  	s10 =	sadd.s32 $0xA0, s10;
	s11 =	sadd.s32 s11, s17  }
0x70: {  	[tilespmem:s28], [sflag:$0x2] =	stream.linear.gather [hbm4b:s11+s3], $0x50, $0x38;
	[tilespmem:$0x19200] =	vst v63  }
0x71: {  	_ =	swait.ge [sflag:s29], $0x50  }
0x72: {  	[sflag:s29] =	ssyncset.done $0x0  }
0x73: {  	[sflag:s29] =	ssyncadd.s32 $0xFFFFFFB0  }
0x74: {  	_ =	swait.ge [sflag:s29], $0x50  }
0x75: {  	[sflag:s29] =	ssyncset.done $0x0  }
0x76: {  	[sflag:s29] =	ssyncadd.s32 $0xFFFFFFB0  }
0x77: {  	[tilespmem:s30], [sflag:$0x4] =	stream.indirect.gather [hbm4b:s4+s24], $0x80, s26, s24, $0xb8;
	[tilespmem:$0x19200] =	vst v63  }
0x78: {  	_ =	swait.ge [sflag:s31], $0x2800  }
0x79: {  	[sflag:s31] =	ssyncset.done $0x0  }
0x7a: {  	[sflag:s31] =	ssyncadd.s32 $0xFFFFD800  }
0x7b: {  	[spmem:s2] =	stream.indirect.scatter.add.f32 [tilespmem:s25], [sflag:$0x5], $0x80, s23, s24, $0xb8;
	[tilespmem:$0x19200] =	vst v63  }
0x7c: {  	_ =	swait.ge [sflag:s21], $0x2800  }
0x7d: {  	[sflag:s21] =	ssyncset.done $0x0  }
0x7e: {  	[sflag:s21] =	ssyncadd.s32 $0xFFFFD800  }
0x7f: {  	[tilespmem:s22], [sflag:$0x1] =	stream.linear.gather [hbm4b:s15+s3], $0x50, $0x38;
	[tilespmem:$0x19200] =	vst v63  }
0x80: {  	_ = 	snop  }
0x81: {  	[tilespmem:s23], [sflag:$0x1] =	stream.linear.gather [hbm4b:s16+s3], $0x50, $0x38;
	[tilespmem:$0x19200] =	vst v63  }
0x82: {  	_ =	swait.ge [sflag:s0], $0x50  }
0x83: {  	[sflag:s0] =	ssyncset.done $0x0  }
0x84: {  	[sflag:s0] =	ssyncadd.s32 $0xFFFFFFB0  }
0x85: {  	_ =	swait.ge [sflag:s0], $0x50  }
0x86: {  	[sflag:s0] =	ssyncset.done $0x0  }
0x87: {  	[sflag:s0] =	ssyncadd.s32 $0xFFFFFFB0  }
0x88: {  	[tilespmem:s25], [sflag:$0x3] =	stream.indirect.gather [hbm4b:s4+s24], $0x80, s22, s24, $0xb8;
	[tilespmem:$0x19200] =	vst v63  }
0x89: {  	_ =	swait.ge [sflag:s1], $0x2800  }
0x8a: {  	[sflag:s1] =	ssyncset.done $0x0  }
0x8b: {  	[sflag:s1] =	ssyncadd.s32 $0xFFFFD800  }
0x8c: {  	[spmem:s2] =	stream.indirect.scatter.add.f32 [tilespmem:s30], [sflag:$0x5], $0x80, s28, s24, $0xb8;
	[tilespmem:$0x19200] =	vst v63  }
0x8d: {  	_ =	swait.ge [sflag:s21], $0x2800  }
0x8e: {  	[sflag:s21] =	ssyncset.done $0x0  }
0x8f: {  	[sflag:s21] =	ssyncadd.s32 $0xFFFFD800  }
0x90: {  	_ =	swait.ge [sflag:s31], $0x2800  }
0x91: {  	[sflag:s31] =	ssyncset.done $0x0  }
0x92: {  	[sflag:s31] =	ssyncadd.s32 $0xFFFFD800  }
0x93: {  	[spmem:s2] =	stream.indirect.scatter.add.f32 [tilespmem:s25], [sflag:$0x5], $0x80, s23, s24, $0xb8;
	[tilespmem:$0x19200] =	vst v63  }
0x94: {  	_ =	swait.ge [sflag:s21], $0x2800  }
0x95: {  	[sflag:s21] =	ssyncset.done $0x0  }
0x96: {  	s7 =	sadd.s32 $0x1, s7;
	[sflag:s21] =	ssyncadd.s32 $0xFFFFD800  }
0x97: {  	p0 =	sne.s32 s7, s14;
	[bflag:$0x0] =	sbarrier.arrive $0xFFFF  }
.Ltmp1:
0x98: {  	s9 =	rddreg [dreg:$0x8];
	(pc) =	sbr.rel @p0 .LBB2_1-.Ltmp1, $4  }
0x99: {  	[hbm:s9], [sflag:s8] =	dma.local [spmem:s20], $0x2800  }
0x9a: {  	_ =	swait.ge [sflag:s21], $0x2800  }
0x9b: {  	[sflag:s21] =	ssyncset.done $0x0  }
0x9c: {  	[sflag:s21] =	ssyncadd.s32 $0xFFFFD800  }
0x9d: {  	_ =	sfence.sel $0x180000  }
0x9e: {  	[bflag:$0x0] =	sbarrier.arrive $0xFFFF  }
0x9f: {  	_ =	strace $0x90000050  }
0xa0: {  	s0 =	stileid.u32;
	[bflag:$0x2] =	sbarrier.arrive $0xFFFF  }
0xa1: {  	p0 =	sne.s32 s0, $0x0;
	s0 =	rddreg [dreg:$0x2]  }
0xa2: {  	s0 =	sadd.s32 @!p0 $0x100000, s0  }
0xa3: {  	[sflag:s0] =	ssyncadd.tile.s32 @!p0 $0x1;
	_ =	shalt  }
.Lfunc_end2:
_tile_overlayer_lowered:
.L_overlay_start_2:
0xa4: {  	(tag) =	ssettag $0x2  }
0xa5: {  	s0 =	rddreg [dreg:$0x0];
	s2 =	stileid.u32  }
0xa6: {  	s1 =	rddreg [dreg:$0x1];
	p0 =	sne.s32 s2, $0x0  }
0xa7: {  	s3 =	rddreg [dreg:$0x2];
	[bflag:$0x3] =	sbarrier.arrive $0xFFFF;
	s2 =	simm.s32 @!p0 $0x1C05  }
0xa8: {  	[timem:s3], [sflag:s2] =	dma.local @!p0 [hbm:s0], s1  }
0xa9: {  	s0 =	simm.s32 @!p0 $0x5  }
0xaa: {  	_ =	swait.ge @!p0 [sflag:s0], s1  }
0xab: {  	s1 =	ssub.s32 @!p0 $0x0, s1;
	[sflag:s0] =	ssyncset.done @!p0 $0x0  }
0xac: {  	[sflag:s0] =	ssyncadd.s32 @!p0 s1  }
0xad: {  	[bflag:$0x3] =	sbarrier.arrive $0xFFFF  }
0xae: {  	_ =	shalt  }

// kernel: kernel.31.cloned.1.call-start
scs
__scs_entry_jumppad:
0x0: {  	(pc) =	sbr.rel $0x88, $3  }
0x1: {  	(tag) =	ssettag $0x0;
	lr =	simm.s32 $0x1  }
0x2: {  	[smem:$0x3F86] =	sst lr;
	_ =	strace $0xD0000000  }
0x3: {  	_ = 	snop  }
0x4: {  	_ = 	snop  }
0x5: {  	_ = 	snop  }
0x6: {  	_ = 	snop  }
0x7: {  	_ = 	snop  }
__scs_overlays_trampoline_lowered:
0x8: {  	[smem:$0x3F95] =	sst s0  }
0x9: {  	[smem:$0x3F96] =	sst s1  }
0xa: {  	[smem:$0x3F97] =	sst s2  }
0xb: {  	[smem:$0x3F98] =	sst s3  }
0xc: {  	[smem:$0x3F99] =	sst s4  }
0xd: {  	[smem:$0x3F9A] =	sst s5  }
0xe: {  	[smem:$0x3F9B] =	sst s6  }
0xf: {  	[smem:$0x3F9C] =	sst s7  }
0x10: {  	[smem:$0x3F9D] =	sst s8  }
0x11: {  	[smem:$0x3F9E] =	sst s9;
	s0 =	simm.s32 @!p0 $0x0  }
0x12: {  	s1 =	sld [smem:$0x3F84];
	s0 =	simm.s32 @p0 $0x1  }
0x13: {  	[smem:$0x3F9F] =	sst s0;
	s0 =	simm.s32 @!p1 $0x0  }
0x14: {  	s2 =	sld [smem:$0x3F83];
	s0 =	simm.s32 @p1 $0x1  }
0x15: {  	[smem:$0x3FA0] =	sst s0;
	s0 =	simm.s32 @!p2 $0x0  }
0x16: {  	s3 =	sld [smem:$0x3FDB];
	s0 =	simm.s32 @p2 $0x1  }
0x17: {  	s4 =	simm.s32 $0x1BF5;
	[smem:$0x3FA2] =	sst s0  }
0x18: {  	s0 =	sld [smem:$0x3F85];
	_ =	swait.ge [sflag:s4], $0x0  }
0x19: {  	s7 =	sld [smem:$0x3F86]  }
0x1a: {  	s8 =	sadd.s32 $0xFFFFE003, lr  }
0x1b: {  	s9 =	sadd.s32 $0xFFFFFEF7, lr;
	s5 =	simm.s32 $0xFFFFFFFF;
	p2 =	slt.u32 s8, $0xFFFFF086  }
0x1c: {  	p1 =	slt.u32 s9, $0xF7A;
	s5 =	simm.s32 @!p2 $0x0  }
0x1d: {  	s5 =	simm.s32 @p1 $0x1;
	p0 =	seq.s32 s7, s2  }
0x1e: {  	s7 =	smul.u32 @!p0 $0xF7A, s2;
	p2 =	seq.s32 @!p0 s5, $0x0  }
0x1f: {  	s9 =	smul.u32 $0xF7A, s1;
	s8 =	simm.s32 @!p0 $0x1BF5;
	p2 =	por !p2, p0  }
0x20: {  	[sflag:s8] =	ssyncset.s32 @!p0 $0xFFFFF086;
	s6 =	sadd.s32 @!p0 s3, s7;
	s7 =	simm.s32 @!p0 $0x108  }
0x21: {  	s3 =	sadd.s32 s3, s9;
	s6 =	sadd.s32 @!p0 $0x88, s6;
	s7 =	simm.s32 @p2 $0x1082  }
0x22: {  	[simem:s7], [sflag:s8] =	dma.local @!p0 [hbm:s6], $0xF7A  }
0x23: {  	s9 =	sor.u32 $0xD0000000, s2;
	s6 =	simm.s32 $0x108;
	_ =	swait.ge @!p0 [sflag:s8], $0x0  }
0x24: {  	s3 =	sadd.s32 $0x88, s3;
	s6 =	simm.s32 @!p1 $0x1082;
	[sflag:s4] =	ssyncset.s32 $0xFFFFF086  }
0x25: {  	[simem:s6], [sflag:s4] =	dma.local [hbm:s3], $0xF7A  }
0x26: {  	[smem:$0x3F86] =	sst s1;
	(tag) =	ssettag s2;
	_ =	strace s9  }
0x27: {  	s1 =	sld [smem:$0x3F96]  }
0x28: {  	s2 =	sld [smem:$0x3F97]  }
0x29: {  	s4 =	sld [smem:$0x3F99]  }
0x2a: {  	p0 =	seq.s32 s5, $0x0;
	s5 =	sld [smem:$0x3F9A]  }
0x2b: {  	s6 =	sld [smem:$0x3F9B]  }
0x2c: {  	s7 =	sld [smem:$0x3F9C]  }
0x2d: {  	s3 =	simm.s32 $0x108;
	s8 =	sld [smem:$0x3F9D]  }
0x2e: {  	s3 =	simm.s32 @!p0 $0x1082;
	s9 =	sld [smem:$0x3F9E]  }
0x2f: {  	lr =	sadd.s32 s0, s3;
	s0 =	sld [smem:$0x3F95]  }
0x30: {  	s3 =	sld [smem:$0x3F98]  }
0x31: {  	[smem:$0x3FA1] =	sst s10  }
0x32: {  	s10 =	sld [smem:$0x3F9F];
	_ =	sdelay $0x3  }
0x33: {  	p0 =	seq.s32 s10, $0x1;
	s10 =	sld [smem:$0x3FA1];
	_ =	sdelay $0x3  }
0x34: {  	[smem:$0x3FA1] =	sst s10  }
0x35: {  	s10 =	sld [smem:$0x3FA0];
	_ =	sdelay $0x3  }
0x36: {  	p1 =	seq.s32 s10, $0x1;
	s10 =	sld [smem:$0x3FA1];
	_ =	sdelay $0x3  }
0x37: {  	[smem:$0x3FA1] =	sst s10  }
0x38: {  	s10 =	sld [smem:$0x3FA2]  }
0x39: {  	_ = 	snop;
	(pc) =	sbr.ind lr, $3  }
0x3a: {  	_ = 	snop  }
0x3b: {  	_ = 	snop  }
0x3c: {  	p2 =	seq.s32 s10, $0x1;
	s10 =	sld [smem:$0x3FA1]  }
0x3d: {  	_ =	shalt  }
0x3e: {  	_ =	shalt  }
0x3f: {  	_ =	shalt  }
0x40: {  	_ =	shalt  }
0x41: {  	_ =	shalt  }
0x42: {  	_ =	shalt  }
0x43: {  	_ =	shalt  }
0x44: {  	_ =	shalt  }
0x45: {  	_ =	shalt  }
0x46: {  	_ =	shalt  }
0x47: {  	_ =	shalt  }
0x48: {  	_ =	shalt  }
0x49: {  	_ =	shalt  }
0x4a: {  	_ =	shalt  }
0x4b: {  	_ =	shalt  }
0x4c: {  	_ =	shalt  }
0x4d: {  	_ =	shalt  }
0x4e: {  	_ =	shalt  }
0x4f: {  	_ =	shalt  }
0x50: {  	_ =	shalt  }
0x51: {  	_ =	shalt  }
0x52: {  	_ =	shalt  }
0x53: {  	_ =	shalt  }
0x54: {  	_ =	shalt  }
0x55: {  	_ =	shalt  }
0x56: {  	_ =	shalt  }
0x57: {  	_ =	shalt  }
0x58: {  	_ =	shalt  }
0x59: {  	_ =	shalt  }
0x5a: {  	_ =	shalt  }
0x5b: {  	_ =	shalt  }
0x5c: {  	_ =	shalt  }
0x5d: {  	_ =	shalt  }
0x5e: {  	_ =	shalt  }
0x5f: {  	_ =	shalt  }
0x60: {  	_ =	shalt  }
0x61: {  	_ =	shalt  }
0x62: {  	_ =	shalt  }
0x63: {  	_ =	shalt  }
0x64: {  	_ =	shalt  }
0x65: {  	_ =	shalt  }
0x66: {  	_ =	shalt  }
0x67: {  	_ =	shalt  }
0x68: {  	_ =	shalt  }
0x69: {  	_ =	shalt  }
0x6a: {  	_ =	shalt  }
0x6b: {  	_ =	shalt  }
0x6c: {  	_ =	shalt  }
0x6d: {  	_ =	shalt  }
0x6e: {  	_ =	shalt  }
0x6f: {  	_ =	shalt  }
0x70: {  	_ =	shalt  }
0x71: {  	_ =	shalt  }
0x72: {  	_ =	shalt  }
0x73: {  	_ =	shalt  }
0x74: {  	_ =	shalt  }
0x75: {  	_ =	shalt  }
0x76: {  	_ =	shalt  }
0x77: {  	_ =	shalt  }
0x78: {  	_ =	shalt  }
0x79: {  	_ =	shalt  }
0x7a: {  	_ =	shalt  }
0x7b: {  	_ =	shalt  }
0x7c: {  	_ =	shalt  }
0x7d: {  	_ =	shalt  }
0x7e: {  	_ =	shalt  }
0x7f: {  	_ =	shalt  }
0x80: {  	_ =	shalt  }
0x81: {  	_ =	shalt  }
0x82: {  	_ =	shalt  }
0x83: {  	_ =	shalt  }
0x84: {  	_ =	shalt  }
0x85: {  	_ =	shalt  }
0x86: {  	_ =	shalt  }
0x87: {  	_ =	shalt  }
.Lfunc_end0:
.L_simem_size_0:
called_computation.4_lowered:
.L_overlay_start_0:
0x88: {  	s2 =	sld [smem:$0x3FD9]  }
0x89: {  	s3 =	sld [smem:$0x3FFE];
	_ =	sdelay $0x1  }
0x8a: {  	s1 =	srdreg.scid  }
0x8b: {  	s0 =	sand.u32 $0x1, s1  }
0x8c: {  	s16 =	sshll.u32 s0, $0xA;
	s2 =	sadd.s32 s3, s2  }
0x8d: {  	s2 =	sadd.s32 s2, s16  }
0x8e: {  	[smem:$0x3FAD] =	sst s2  }
0x8f: {  	_ = 	snop  }
0x90: {  	(tm) =	ssettm $0x1  }
0x91: {  	s17 =	sld [smem:$0x3FFB];
	_ =	sdelay $0x3  }
0x92: {  	_ =	strace s17  }
0x93: {  	s2 =	sld [smem:$0x3FFC];
	_ =	sdelay $0x3  }
0x94: {  	_ =	strace s2  }
0x95: {  	s2 =	sld [smem:$0x3FFD];
	_ =	sdelay $0x3  }
0x96: {  	_ =	strace s2  }
0x97: {  	_ =	strace $0x8FFFFFFF  }
0x98: {  	s18 =	sld [smem:$0x3FDB];
	_ =	sdelay $0x1  }
0x99: {  	s19 =	simm.s32 $_scs_section_size  }
0x9a: {  	s4 =	simm.s32 $_size__tile_overlayer_lowered;
	s5 =	simm.s32 $_tile_overlayer_lowered  }
0x9b: {  	s22 =	simm.s32 $0x1BFF;
	s21 =	sshll.u32 s5, $0x1;
	s2 =	sadd.s32 s19, s18  }
0x9c: {  	s6 =	simm.s32 $0x0;
	s20 =	sshll.u32 s4, $0x1;
	s4 =	sadd.s32 s21, s2  }
0x9d: {  	[timem:s6], [sflag:s22] =	dma.local [hbm:s4], s20  }
0x9e: {  	_ =	swait.ge [sflag:s22], s20  }
0x9f: {  	s3 =	ssub.s32 $0x0, s20;
	[sflag:s22] =	ssyncset.done $0x0  }
0xa0: {  	[sflag:s22] =	ssyncadd.s32 s3;
	_ =	sdelay $0x1  }
0xa1: {  	s23 =	simm.s32 $0x1B8B  }
0xa2: {  	_ =	swait.ge [sflag:s23], $0x1  }
0xa3: {  	[sflag:s23] =	ssyncset.done $0x0  }
0xa4: {  	s25 =	simm.s32 $0x1B8E;
	s24 =	sld [smem:$0x3FFE];
	[sflag:s23] =	ssyncadd.s32 $0xFFFFFFFF  }
0xa5: {  	s26 =	simm.s32 $execute0_lowered;
	[smem:$0x3FD2] =	sst s25  }
0xa6: {  	s4 =	sshll.u32 s26, $0x1;
	_ =	strace $0x80000052;
	[dreg:$0x1] =	wrdreg $0xFFFFFFFF  }
0xa7: {  	s28 =	simm.s32 $_size_execute0_lowered;
	s2 =	sadd.s32 s2, s4;
	[dreg:$0x0] =	wrdreg $0x0  }
0xa8: {  	s4 =	sshll.u32 s28, $0x1;
	[dreg:$0x2] =	wrdreg s2  }
0xa9: {  	[dreg:$0x3] =	wrdreg s4  }
0xaa: {  	[dreg:$0x4] =	wrdreg $0xC0  }
0xab: {  	_ =	task [dreg:s6], $0x5FFFF  }
0xac: {  	[dreg:$0x1] =	wrdreg $0xFFFFFFFF  }
0xad: {  	[dreg:$0x0] =	wrdreg $0x60  }
0xae: {  	[dreg:$0x2] =	wrdreg s24  }
0xaf: {  	[dreg:$0x3] =	wrdreg $0x0  }
0xb0: {  	[dreg:$0x4] =	wrdreg $0x9  }
0xb1: {  	_ =	task.clear_ibuf [dreg:s6], $0x5FFFF;
	_ =	strace $0x90000052  }
0xb2: {  	s29 =	simm.s32 $0x9;
	_ =	strace $0x80000054  }
0xb3: {  	_ =	swait.ge [sflag:s29], $0x1  }
0xb4: {  	[sflag:s29] =	ssyncadd.s32 $0xFFFFFFFF  }
0xb5: {  	_ =	strace $0x90000054  }
0xb6: {  	_ =	sfence  }
0xb7: {  	s30 =	sld [smem:$0x0];
	_ =	sdelay $0x2  }
0xb8: {  	s31 =	sshll.u32 s1, $0xD;
	s1 =	sshrl.u32 s1, $0x2  }
0xb9: {  	s3 =	sand.u32 $0x4000, s31;
	s1 =	sadd.s32 s1, s30  }
0xba: {  	s0 =	sor.u32 s3, s0;
	s1 =	sshll.u32 s1, $0x11  }
0xbb: {  	s0 =	sor.u32 s1, s0  }
0xbc: {  	s0 =	sadd.s32 $0x8F2B, s0  }
0xbd: {  	[sflag:s0] =	ssyncadd.remote.s32 $0x1  }
0xbe: {  	_ =	sfence.sel $0xFFFF  }
0xbf: {  	[dreg:$0x0] =	wrdreg $0xFFFFFFFF;
	(pc) =	sbr.abs _section_cstart, $3  }
0xc0: {  	[dreg:$0x1] =	wrdreg $0xFFFFFFFF  }
0xc1: {  	_ =	task.clear_ibuf [dreg:s6], $0x2FFFF;
	_ =	strace $0x9FFFFFFF  }
0xc2: {  	(tm) =	ssettm $0x7FFFFFFF  }
0xc3: {  	_ =	shalt  }
tec
execute0_lowered:
.L_overlay_start_1:
0x0: {  	(tag) =	ssettag $0x1  }
0x1: {  	s0 =	rddreg [dreg:$0x0]  }
0x2: {  	s2 =	rddreg [dreg:$0x1];
	s12 =	stileid.u32  }
0x3: {  	s1 =	srdreg.scid;
	s3 =	simm.s32 $0x0;
	s28 =	simm.s32 $0x14180  }
0x4: {  	s29 =	simm.s32 $0x2;
	s30 =	simm.s32 $0x16A00;
	s31 =	simm.s32 $0x3  }
0x5: {  	s7 =	smul.u32 $0x14000, s12;
	s1 =	sand.u32 $0x1, s1;
	[smem:$0x7FF] =	sst s3  }
0x6: {  	s4 =	sadd.s32 $0x42200, s0;
	s5 =	sadd.s32 $0x10400, s0;
	s17 =	smul.u32 $0x50000, s12  }
0x7: {  	s6 =	sadd.s32 $0x6600, s0;
	s10 =	sshll.u32 s12, $0x1;
	s20 =	smul.u32 $0x4E20, s12  }
0x8: {  	s19 =	sshll.u32 s12, $0x6;
	s8 =	smul.u32 $0x140000, s1;
	_ =	strace $0x80000053  }
0x9: {  	s18 =	ssub.s32 $0x2, s1;
	s10 =	sor.u32 s1, s10;
	s1 =	smul.u32 $0x2710, s1  }
0xa: {  	s9 =	sshrl.u32 s7, $0x3;
	s11 =	sshrl.u32 s18, $0x1;
	s10 =	smul.u32 $0x2710, s10  }
0xb: {  	s7 =	sadd.s32 s7, s8;
	s16 =	sadd.s32 s9, s0;
	s9 =	sshrl.u32 s17, $0x2  }
0xc: {  	s1 =	sadd.s32 s1, s20;
	s7 =	sshrl.u32 s7, $0x3;
	s9 =	sadd.s32 s9, s2  }
0xd: {  	s8 =	sadd.s32 $0x1A200, s16;
	s10 =	sshrl.u32 s10, $0x3;
	s25 =	sadd.s32 $0xF0, s1  }
0xe: {  	s0 =	sadd.s32 s7, s0;
	s7 =	ssub.s32 s18, s11;
	[dreg:$0x3] =	wrdreg s8  }
0xf: {  	s8 =	sor.u32 $0x1C05, s19;
	s21 =	sadd.s32 s5, s10;
	s22 =	sadd.s32 s6, s10  }
0x10: {  	s23 =	sadd.s32 $0xA, s10;
	s24 =	sadd.s32 $0x4D8, s10;
	s26 =	sshrl.u32 s25, $0x3  }
0x11: {  	s19 =	sadd.s32 $0xA0, s1;
	s20 =	sshrl.u32 s9, $0x3;
	[dreg:$0x4] =	wrdreg s21  }
0x12: {  	s25 =	simm.s32 $0x14200;
	s1 =	simm.s32 $0x4;
	[dreg:$0x5] =	wrdreg s22  }
0x13: {  	s13 =	sadd.s32 s5, s23;
	s12 =	sadd.s32 s6, s23;
	s0 =	sadd.s32 $0x69400, s0  }
0x14: {  	s14 =	smax.u32 s7, $0x1;
	s15 =	sadd.s32 s5, s24;
	s16 =	sadd.s32 s6, s24  }
0x15: {  	s17 =	sadd.s32 s26, s6;
	s18 =	sadd.s32 s26, s5;
	s21 =	simm.s32 $0x5  }
0x16: {  	s22 =	simm.s32 $0x14000;
	s23 =	simm.s32 $0x14100;
	[dreg:$0x6] =	wrdreg s13  }
0x17: {  	s24 =	simm.s32 $0x50;
	s26 =	simm.s32 $0x14080;
	[dreg:$0x7] =	wrdreg s12  }
0x18: {  	s7 =	simm.s32 $0x0;
	[dreg:$0x8] =	wrdreg s0;
	s0 =	simm.s32 $0x1  }
.LBB2_1:
0x19: {  	s9 =	rddreg [dreg:$0x3]  }
0x1a: {  	[spmem:s20], [sflag:s8] =	dma.local [hbm:s9], $0x2800  }
0x1b: {  	_ =	swait.ge [sflag:s21], $0x2800  }
0x1c: {  	[sflag:s21] =	ssyncset.done $0x0  }
0x1d: {  	[sflag:s21] =	ssyncadd.s32 $0xFFFFD800  }
0x1e: {  	[bflag:$0x0] =	sbarrier.arrive $0xFFFF  }
0x1f: {  	s12 =	rddreg [dreg:$0x4]  }
0x20: {  	[tilespmem:s22], [sflag:$0x5] =	stream.linear.gather [hbm4b:s12+s3], $0x50, $0x38;
	[tilespmem:$0x19200] =	vst v63  }
0x21: {  	_ =	swait.ge [sflag:s21], $0x50  }
0x22: {  	[sflag:s21] =	ssyncset.done $0x0  }
0x23: {  	s13 =	rddreg [dreg:$0x5];
	[sflag:s21] =	ssyncadd.s32 $0xFFFFFFB0  }
0x24: {  	[tilespmem:s23], [sflag:$0x5] =	stream.linear.gather [hbm4b:s13+s3], $0x50, $0x38;
	[tilespmem:$0x19200] =	vst v63  }
0x25: {  	_ =	swait.ge [sflag:s21], $0x50  }
0x26: {  	[sflag:s21] =	ssyncset.done $0x0  }
0x27: {  	[sflag:s21] =	ssyncadd.s32 $0xFFFFFFB0  }
0x28: {  	[tilespmem:s25], [sflag:$0x3] =	stream.indirect.gather [hbm4b:s4+s24], $0x80, s22, s24, $0xb8;
	[tilespmem:$0x19200] =	vst v63  }
0x29: {  	s10 =	rddreg [dreg:$0x6]  }
0x2a: {  	[tilespmem:s26], [sflag:$0x2] =	stream.linear.gather [hbm4b:s10+s3], $0x50, $0x38;
	[tilespmem:$0x19200] =	vst v63  }
0x2b: {  	s11 =	rddreg [dreg:$0x7]  }
0x2c: {  	[tilespmem:s28], [sflag:$0x2] =	stream.linear.gather [hbm4b:s11+s3], $0x50, $0x38;
	[tilespmem:$0x19200] =	vst v63  }
0x2d: {  	_ =	swait.ge [sflag:s29], $0x50  }
0x2e: {  	[sflag:s29] =	ssyncset.done $0x0  }
0x2f: {  	[sflag:s29] =	ssyncadd.s32 $0xFFFFFFB0  }
0x30: {  	_ =	swait.ge [sflag:s29], $0x50  }
0x31: {  	[sflag:s29] =	ssyncset.done $0x0  }
0x32: {  	[sflag:s29] =	ssyncadd.s32 $0xFFFFFFB0  }
0x33: {  	[tilespmem:s30], [sflag:$0x4] =	stream.indirect.gather [hbm4b:s4+s24], $0x80, s26, s24, $0xb8;
	[tilespmem:$0x19200] =	vst v63  }
0x34: {  	_ =	swait.ge [sflag:s31], $0x2800  }
0x35: {  	[sflag:s31] =	ssyncset.done $0x0  }
0x36: {  	[sflag:s31] =	ssyncadd.s32 $0xFFFFD800  }
0x37: {  	[spmem:s2] =	stream.indirect.scatter.add.f32 [tilespmem:s25], [sflag:$0x5], $0x80, s23, s24, $0xb8;
	[tilespmem:$0x19200] =	vst v63  }
0x38: {  	_ =	swait.ge [sflag:s21], $0x2800  }
0x39: {  	s12 =	sshrl.u32 s19, $0x3;
	[sflag:s21] =	ssyncset.done $0x0  }
0x3a: {  	s10 =	sadd.s32 s5, s12;
	[sflag:s21] =	ssyncadd.s32 $0xFFFFD800  }
0x3b: {  	[tilespmem:s22], [sflag:$0x1] =	stream.linear.gather [hbm4b:s10+s3], $0x50, $0x38;
	[tilespmem:$0x19200] =	vst v63  }
0x3c: {  	s9 =	sadd.s32 s6, s12  }
0x3d: {  	[tilespmem:s23], [sflag:$0x1] =	stream.linear.gather [hbm4b:s9+s3], $0x50, $0x38;
	[tilespmem:$0x19200] =	vst v63  }
0x3e: {  	_ =	swait.ge [sflag:s0], $0x50  }
0x3f: {  	[sflag:s0] =	ssyncset.done $0x0  }
0x40: {  	[sflag:s0] =	ssyncadd.s32 $0xFFFFFFB0  }
0x41: {  	_ =	swait.ge [sflag:s0], $0x50  }
0x42: {  	[sflag:s0] =	ssyncset.done $0x0  }
0x43: {  	[sflag:s0] =	ssyncadd.s32 $0xFFFFFFB0  }
0x44: {  	[tilespmem:s25], [sflag:$0x3] =	stream.indirect.gather [hbm4b:s4+s24], $0x80, s22, s24, $0xb8;
	[tilespmem:$0x19200] =	vst v63  }
0x45: {  	_ =	swait.ge [sflag:s1], $0x2800  }
0x46: {  	[sflag:s1] =	ssyncset.done $0x0  }
0x47: {  	[sflag:s1] =	ssyncadd.s32 $0xFFFFD800  }
0x48: {  	[spmem:s2] =	stream.indirect.scatter.add.f32 [tilespmem:s30], [sflag:$0x5], $0x80, s28, s24, $0xb8;
	[tilespmem:$0x19200] =	vst v63  }
0x49: {  	_ =	swait.ge [sflag:s21], $0x2800  }
0x4a: {  	s13 =	sadd.s32 $0x0, s18;
	s11 =	sadd.s32 $0x0, s17;
	[sflag:s21] =	ssyncset.done $0x0  }
0x4b: {  	s10 =	sadd.s32 $0xA0, s19;
	s9 =	simm.s32 $0x14;
	[sflag:s21] =	ssyncadd.s32 $0xFFFFD800  }
0x4c: {  	[tilespmem:s26], [sflag:$0x2] =	stream.linear.gather [hbm4b:s13+s3], $0x50, $0x38;
	[tilespmem:$0x19200] =	vst v63  }
.LBB2_2:
0x4d: {  	[tilespmem:s28], [sflag:$0x2] =	stream.linear.gather [hbm4b:s11+s3], $0x50, $0x38;
	[tilespmem:$0x19200] =	vst v63  }
0x4e: {  	s11 =	smov.u32 s9  }
0x4f: {  	p0 =	sne.s32 s9, $0x4B0;
	s9 =	sadd.s32 $0x14, s9;
	_ =	swait.ge [sflag:s29], $0x50  }
0x50: {  	[sflag:s29] =	ssyncset.done $0x0  }
0x51: {  	[sflag:s29] =	ssyncadd.s32 $0xFFFFFFB0  }
0x52: {  	_ =	swait.ge [sflag:s29], $0x50  }
0x53: {  	[sflag:s29] =	ssyncset.done $0x0  }
0x54: {  	[sflag:s29] =	ssyncadd.s32 $0xFFFFFFB0  }
0x55: {  	[tilespmem:s30], [sflag:$0x4] =	stream.indirect.gather [hbm4b:s4+s24], $0x80, s26, s24, $0xb8;
	[tilespmem:$0x19200] =	vst v63  }
0x56: {  	_ =	swait.ge [sflag:s31], $0x2800  }
0x57: {  	[sflag:s31] =	ssyncset.done $0x0  }
0x58: {  	[sflag:s31] =	ssyncadd.s32 $0xFFFFD800  }
0x59: {  	[spmem:s2] =	stream.indirect.scatter.add.f32 [tilespmem:s25], [sflag:$0x5], $0x80, s23, s24, $0xb8;
	[tilespmem:$0x19200] =	vst v63  }
0x5a: {  	_ =	swait.ge [sflag:s21], $0x2800  }
0x5b: {  	s12 =	sshrl.u32 s10, $0x3;
	[sflag:s21] =	ssyncset.done $0x0  }
0x5c: {  	s13 =	sadd.s32 s5, s12;
	[sflag:s21] =	ssyncadd.s32 $0xFFFFD800  }
0x5d: {  	[tilespmem:s22], [sflag:$0x1] =	stream.linear.gather [hbm4b:s13+s3], $0x50, $0x38;
	[tilespmem:$0x19200] =	vst v63  }
0x5e: {  	s12 =	sadd.s32 s6, s12  }
0x5f: {  	[tilespmem:s23], [sflag:$0x1] =	stream.linear.gather [hbm4b:s12+s3], $0x50, $0x38;
	[tilespmem:$0x19200] =	vst v63  }
0x60: {  	_ =	swait.ge [sflag:s0], $0x50  }
0x61: {  	[sflag:s0] =	ssyncset.done $0x0  }
0x62: {  	[sflag:s0] =	ssyncadd.s32 $0xFFFFFFB0  }
0x63: {  	_ =	swait.ge [sflag:s0], $0x50  }
0x64: {  	[sflag:s0] =	ssyncset.done $0x0  }
0x65: {  	[sflag:s0] =	ssyncadd.s32 $0xFFFFFFB0  }
0x66: {  	[tilespmem:s25], [sflag:$0x3] =	stream.indirect.gather [hbm4b:s4+s24], $0x80, s22, s24, $0xb8;
	[tilespmem:$0x19200] =	vst v63  }
0x67: {  	_ =	swait.ge [sflag:s1], $0x2800  }
0x68: {  	[sflag:s1] =	ssyncset.done $0x0  }
0x69: {  	[sflag:s1] =	ssyncadd.s32 $0xFFFFD800  }
0x6a: {  	[spmem:s2] =	stream.indirect.scatter.add.f32 [tilespmem:s30], [sflag:$0x5], $0x80, s28, s24, $0xb8;
	[tilespmem:$0x19200] =	vst v63  }
.Ltmp0:
0x6b: {  	_ =	swait.ge [sflag:s21], $0x2800;
	(pc) =	sbr.rel @p0 .LBB2_2-.Ltmp0, $4  }
0x6c: {  	[sflag:s21] =	ssyncset.done $0x0  }
0x6d: {  	s12 =	sadd.s32 s11, s18;
	[sflag:s21] =	ssyncadd.s32 $0xFFFFD800  }
0x6e: {  	[tilespmem:s26], [sflag:$0x2] =	stream.linear.gather [hbm4b:s12+s3], $0x50, $0x38;
	[tilespmem:$0x19200] =	vst v63  }
0x6f: {  	s10 =	sadd.s32 $0xA0, s10;
	s11 =	sadd.s32 s11, s17  }
0x70: {  	[tilespmem:s28], [sflag:$0x2] =	stream.linear.gather [hbm4b:s11+s3], $0x50, $0x38;
	[tilespmem:$0x19200] =	vst v63  }
0x71: {  	_ =	swait.ge [sflag:s29], $0x50  }
0x72: {  	[sflag:s29] =	ssyncset.done $0x0  }
0x73: {  	[sflag:s29] =	ssyncadd.s32 $0xFFFFFFB0  }
0x74: {  	_ =	swait.ge [sflag:s29], $0x50  }
0x75: {  	[sflag:s29] =	ssyncset.done $0x0  }
0x76: {  	[sflag:s29] =	ssyncadd.s32 $0xFFFFFFB0  }
0x77: {  	[tilespmem:s30], [sflag:$0x4] =	stream.indirect.gather [hbm4b:s4+s24], $0x80, s26, s24, $0xb8;
	[tilespmem:$0x19200] =	vst v63  }
0x78: {  	_ =	swait.ge [sflag:s31], $0x2800  }
0x79: {  	[sflag:s31] =	ssyncset.done $0x0  }
0x7a: {  	[sflag:s31] =	ssyncadd.s32 $0xFFFFD800  }
0x7b: {  	[spmem:s2] =	stream.indirect.scatter.add.f32 [tilespmem:s25], [sflag:$0x5], $0x80, s23, s24, $0xb8;
	[tilespmem:$0x19200] =	vst v63  }
0x7c: {  	_ =	swait.ge [sflag:s21], $0x2800  }
0x7d: {  	[sflag:s21] =	ssyncset.done $0x0  }
0x7e: {  	[sflag:s21] =	ssyncadd.s32 $0xFFFFD800  }
0x7f: {  	[tilespmem:s22], [sflag:$0x1] =	stream.linear.gather [hbm4b:s15+s3], $0x50, $0x38;
	[tilespmem:$0x19200] =	vst v63  }
0x80: {  	_ = 	snop  }
0x81: {  	[tilespmem:s23], [sflag:$0x1] =	stream.linear.gather [hbm4b:s16+s3], $0x50, $0x38;
	[tilespmem:$0x19200] =	vst v63  }
0x82: {  	_ =	swait.ge [sflag:s0], $0x50  }
0x83: {  	[sflag:s0] =	ssyncset.done $0x0  }
0x84: {  	[sflag:s0] =	ssyncadd.s32 $0xFFFFFFB0  }
0x85: {  	_ =	swait.ge [sflag:s0], $0x50  }
0x86: {  	[sflag:s0] =	ssyncset.done $0x0  }
0x87: {  	[sflag:s0] =	ssyncadd.s32 $0xFFFFFFB0  }
0x88: {  	[tilespmem:s25], [sflag:$0x3] =	stream.indirect.gather [hbm4b:s4+s24], $0x80, s22, s24, $0xb8;
	[tilespmem:$0x19200] =	vst v63  }
0x89: {  	_ =	swait.ge [sflag:s1], $0x2800  }
0x8a: {  	[sflag:s1] =	ssyncset.done $0x0  }
0x8b: {  	[sflag:s1] =	ssyncadd.s32 $0xFFFFD800  }
0x8c: {  	[spmem:s2] =	stream.indirect.scatter.add.f32 [tilespmem:s30], [sflag:$0x5], $0x80, s28, s24, $0xb8;
	[tilespmem:$0x19200] =	vst v63  }
0x8d: {  	_ =	swait.ge [sflag:s21], $0x2800  }
0x8e: {  	[sflag:s21] =	ssyncset.done $0x0  }
0x8f: {  	[sflag:s21] =	ssyncadd.s32 $0xFFFFD800  }
0x90: {  	_ =	swait.ge [sflag:s31], $0x2800  }
0x91: {  	[sflag:s31] =	ssyncset.done $0x0  }
0x92: {  	[sflag:s31] =	ssyncadd.s32 $0xFFFFD800  }
0x93: {  	[spmem:s2] =	stream.indirect.scatter.add.f32 [tilespmem:s25], [sflag:$0x5], $0x80, s23, s24, $0xb8;
	[tilespmem:$0x19200] =	vst v63  }
0x94: {  	_ =	swait.ge [sflag:s21], $0x2800  }
0x95: {  	[sflag:s21] =	ssyncset.done $0x0  }
0x96: {  	s7 =	sadd.s32 $0x1, s7;
	[sflag:s21] =	ssyncadd.s32 $0xFFFFD800  }
0x97: {  	p0 =	sne.s32 s7, s14;
	[bflag:$0x0] =	sbarrier.arrive $0xFFFF  }
.Ltmp1:
0x98: {  	s9 =	rddreg [dreg:$0x8];
	(pc) =	sbr.rel @p0 .LBB2_1-.Ltmp1, $4  }
0x99: {  	[hbm:s9], [sflag:s8] =	dma.local [spmem:s20], $0x2800  }
0x9a: {  	_ =	swait.ge [sflag:s21], $0x2800  }
0x9b: {  	[sflag:s21] =	ssyncset.done $0x0  }
0x9c: {  	[sflag:s21] =	ssyncadd.s32 $0xFFFFD800  }
0x9d: {  	_ =	sfence.sel $0x180000  }
0x9e: {  	[bflag:$0x0] =	sbarrier.arrive $0xFFFF  }
0x9f: {  	_ =	strace $0x90000053  }
0xa0: {  	s0 =	stileid.u32;
	[bflag:$0x2] =	sbarrier.arrive $0xFFFF  }
0xa1: {  	p0 =	sne.s32 s0, $0x0;
	s0 =	rddreg [dreg:$0x2]  }
0xa2: {  	s0 =	sadd.s32 @!p0 $0x100000, s0  }
0xa3: {  	[sflag:s0] =	ssyncadd.tile.s32 @!p0 $0x1;
	_ =	shalt  }
.Lfunc_end2:
_tile_overlayer_lowered:
.L_overlay_start_2:
0xa4: {  	(tag) =	ssettag $0x2  }
0xa5: {  	s0 =	rddreg [dreg:$0x0];
	s2 =	stileid.u32  }
0xa6: {  	s1 =	rddreg [dreg:$0x1];
	p0 =	sne.s32 s2, $0x0  }
0xa7: {  	s3 =	rddreg [dreg:$0x2];
	[bflag:$0x3] =	sbarrier.arrive $0xFFFF;
	s2 =	simm.s32 @!p0 $0x1C05  }
0xa8: {  	[timem:s3], [sflag:s2] =	dma.local @!p0 [hbm:s0], s1  }
0xa9: {  	s0 =	simm.s32 @!p0 $0x5  }
0xaa: {  	_ =	swait.ge @!p0 [sflag:s0], s1  }
0xab: {  	s1 =	ssub.s32 @!p0 $0x0, s1;
	[sflag:s0] =	ssyncset.done @!p0 $0x0  }
0xac: {  	[sflag:s0] =	ssyncadd.s32 @!p0 s1  }
0xad: {  	[bflag:$0x3] =	sbarrier.arrive $0xFFFF  }
0xae: {  	_ =	shalt  }

// kernel: kernel.34.cloned.1.call-start
scs
__scs_entry_jumppad:
0x0: {  	(pc) =	sbr.rel $0x88, $3  }
0x1: {  	(tag) =	ssettag $0x0;
	lr =	simm.s32 $0x1  }
0x2: {  	[smem:$0x3F86] =	sst lr;
	_ =	strace $0xD0000000  }
0x3: {  	_ = 	snop  }
0x4: {  	_ = 	snop  }
0x5: {  	_ = 	snop  }
0x6: {  	_ = 	snop  }
0x7: {  	_ = 	snop  }
__scs_overlays_trampoline_lowered:
0x8: {  	[smem:$0x3F95] =	sst s0  }
0x9: {  	[smem:$0x3F96] =	sst s1  }
0xa: {  	[smem:$0x3F97] =	sst s2  }
0xb: {  	[smem:$0x3F98] =	sst s3  }
0xc: {  	[smem:$0x3F99] =	sst s4  }
0xd: {  	[smem:$0x3F9A] =	sst s5  }
0xe: {  	[smem:$0x3F9B] =	sst s6  }
0xf: {  	[smem:$0x3F9C] =	sst s7  }
0x10: {  	[smem:$0x3F9D] =	sst s8  }
0x11: {  	[smem:$0x3F9E] =	sst s9;
	s0 =	simm.s32 @!p0 $0x0  }
0x12: {  	s1 =	sld [smem:$0x3F84];
	s0 =	simm.s32 @p0 $0x1  }
0x13: {  	[smem:$0x3F9F] =	sst s0;
	s0 =	simm.s32 @!p1 $0x0  }
0x14: {  	s2 =	sld [smem:$0x3F83];
	s0 =	simm.s32 @p1 $0x1  }
0x15: {  	[smem:$0x3FA0] =	sst s0;
	s0 =	simm.s32 @!p2 $0x0  }
0x16: {  	s3 =	sld [smem:$0x3FDB];
	s0 =	simm.s32 @p2 $0x1  }
0x17: {  	s4 =	simm.s32 $0x1BF5;
	[smem:$0x3FA2] =	sst s0  }
0x18: {  	s0 =	sld [smem:$0x3F85];
	_ =	swait.ge [sflag:s4], $0x0  }
0x19: {  	s7 =	sld [smem:$0x3F86]  }
0x1a: {  	s8 =	sadd.s32 $0xFFFFE003, lr  }
0x1b: {  	s9 =	sadd.s32 $0xFFFFFEF7, lr;
	s5 =	simm.s32 $0xFFFFFFFF;
	p2 =	slt.u32 s8, $0xFFFFF086  }
0x1c: {  	p1 =	slt.u32 s9, $0xF7A;
	s5 =	simm.s32 @!p2 $0x0  }
0x1d: {  	s5 =	simm.s32 @p1 $0x1;
	p0 =	seq.s32 s7, s2  }
0x1e: {  	s7 =	smul.u32 @!p0 $0xF7A, s2;
	p2 =	seq.s32 @!p0 s5, $0x0  }
0x1f: {  	s9 =	smul.u32 $0xF7A, s1;
	s8 =	simm.s32 @!p0 $0x1BF5;
	p2 =	por !p2, p0  }
0x20: {  	[sflag:s8] =	ssyncset.s32 @!p0 $0xFFFFF086;
	s6 =	sadd.s32 @!p0 s3, s7;
	s7 =	simm.s32 @!p0 $0x108  }
0x21: {  	s3 =	sadd.s32 s3, s9;
	s6 =	sadd.s32 @!p0 $0x88, s6;
	s7 =	simm.s32 @p2 $0x1082  }
0x22: {  	[simem:s7], [sflag:s8] =	dma.local @!p0 [hbm:s6], $0xF7A  }
0x23: {  	s9 =	sor.u32 $0xD0000000, s2;
	s6 =	simm.s32 $0x108;
	_ =	swait.ge @!p0 [sflag:s8], $0x0  }
0x24: {  	s3 =	sadd.s32 $0x88, s3;
	s6 =	simm.s32 @!p1 $0x1082;
	[sflag:s4] =	ssyncset.s32 $0xFFFFF086  }
0x25: {  	[simem:s6], [sflag:s4] =	dma.local [hbm:s3], $0xF7A  }
0x26: {  	[smem:$0x3F86] =	sst s1;
	(tag) =	ssettag s2;
	_ =	strace s9  }
0x27: {  	s1 =	sld [smem:$0x3F96]  }
0x28: {  	s2 =	sld [smem:$0x3F97]  }
0x29: {  	s4 =	sld [smem:$0x3F99]  }
0x2a: {  	p0 =	seq.s32 s5, $0x0;
	s5 =	sld [smem:$0x3F9A]  }
0x2b: {  	s6 =	sld [smem:$0x3F9B]  }
0x2c: {  	s7 =	sld [smem:$0x3F9C]  }
0x2d: {  	s3 =	simm.s32 $0x108;
	s8 =	sld [smem:$0x3F9D]  }
0x2e: {  	s3 =	simm.s32 @!p0 $0x1082;
	s9 =	sld [smem:$0x3F9E]  }
0x2f: {  	lr =	sadd.s32 s0, s3;
	s0 =	sld [smem:$0x3F95]  }
0x30: {  	s3 =	sld [smem:$0x3F98]  }
0x31: {  	[smem:$0x3FA1] =	sst s10  }
0x32: {  	s10 =	sld [smem:$0x3F9F];
	_ =	sdelay $0x3  }
0x33: {  	p0 =	seq.s32 s10, $0x1;
	s10 =	sld [smem:$0x3FA1];
	_ =	sdelay $0x3  }
0x34: {  	[smem:$0x3FA1] =	sst s10  }
0x35: {  	s10 =	sld [smem:$0x3FA0];
	_ =	sdelay $0x3  }
0x36: {  	p1 =	seq.s32 s10, $0x1;
	s10 =	sld [smem:$0x3FA1];
	_ =	sdelay $0x3  }
0x37: {  	[smem:$0x3FA1] =	sst s10  }
0x38: {  	s10 =	sld [smem:$0x3FA2]  }
0x39: {  	_ = 	snop;
	(pc) =	sbr.ind lr, $3  }
0x3a: {  	_ = 	snop  }
0x3b: {  	_ = 	snop  }
0x3c: {  	p2 =	seq.s32 s10, $0x1;
	s10 =	sld [smem:$0x3FA1]  }
0x3d: {  	_ =	shalt  }
0x3e: {  	_ =	shalt  }
0x3f: {  	_ =	shalt  }
0x40: {  	_ =	shalt  }
0x41: {  	_ =	shalt  }
0x42: {  	_ =	shalt  }
0x43: {  	_ =	shalt  }
0x44: {  	_ =	shalt  }
0x45: {  	_ =	shalt  }
0x46: {  	_ =	shalt  }
0x47: {  	_ =	shalt  }
0x48: {  	_ =	shalt  }
0x49: {  	_ =	shalt  }
0x4a: {  	_ =	shalt  }
0x4b: {  	_ =	shalt  }
0x4c: {  	_ =	shalt  }
0x4d: {  	_ =	shalt  }
0x4e: {  	_ =	shalt  }
0x4f: {  	_ =	shalt  }
0x50: {  	_ =	shalt  }
0x51: {  	_ =	shalt  }
0x52: {  	_ =	shalt  }
0x53: {  	_ =	shalt  }
0x54: {  	_ =	shalt  }
0x55: {  	_ =	shalt  }
0x56: {  	_ =	shalt  }
0x57: {  	_ =	shalt  }
0x58: {  	_ =	shalt  }
0x59: {  	_ =	shalt  }
0x5a: {  	_ =	shalt  }
0x5b: {  	_ =	shalt  }
0x5c: {  	_ =	shalt  }
0x5d: {  	_ =	shalt  }
0x5e: {  	_ =	shalt  }
0x5f: {  	_ =	shalt  }
0x60: {  	_ =	shalt  }
0x61: {  	_ =	shalt  }
0x62: {  	_ =	shalt  }
0x63: {  	_ =	shalt  }
0x64: {  	_ =	shalt  }
0x65: {  	_ =	shalt  }
0x66: {  	_ =	shalt  }
0x67: {  	_ =	shalt  }
0x68: {  	_ =	shalt  }
0x69: {  	_ =	shalt  }
0x6a: {  	_ =	shalt  }
0x6b: {  	_ =	shalt  }
0x6c: {  	_ =	shalt  }
0x6d: {  	_ =	shalt  }
0x6e: {  	_ =	shalt  }
0x6f: {  	_ =	shalt  }
0x70: {  	_ =	shalt  }
0x71: {  	_ =	shalt  }
0x72: {  	_ =	shalt  }
0x73: {  	_ =	shalt  }
0x74: {  	_ =	shalt  }
0x75: {  	_ =	shalt  }
0x76: {  	_ =	shalt  }
0x77: {  	_ =	shalt  }
0x78: {  	_ =	shalt  }
0x79: {  	_ =	shalt  }
0x7a: {  	_ =	shalt  }
0x7b: {  	_ =	shalt  }
0x7c: {  	_ =	shalt  }
0x7d: {  	_ =	shalt  }
0x7e: {  	_ =	shalt  }
0x7f: {  	_ =	shalt  }
0x80: {  	_ =	shalt  }
0x81: {  	_ =	shalt  }
0x82: {  	_ =	shalt  }
0x83: {  	_ =	shalt  }
0x84: {  	_ =	shalt  }
0x85: {  	_ =	shalt  }
0x86: {  	_ =	shalt  }
0x87: {  	_ =	shalt  }
.Lfunc_end0:
.L_simem_size_0:
called_computation.5_lowered:
.L_overlay_start_0:
0x88: {  	s2 =	sld [smem:$0x3FD9]  }
0x89: {  	s3 =	sld [smem:$0x3FFE];
	_ =	sdelay $0x1  }
0x8a: {  	s1 =	srdreg.scid  }
0x8b: {  	s0 =	sand.u32 $0x1, s1  }
0x8c: {  	s16 =	sshll.u32 s0, $0xA;
	s2 =	sadd.s32 s3, s2  }
0x8d: {  	s2 =	sadd.s32 s2, s16  }
0x8e: {  	[smem:$0x3FAD] =	sst s2  }
0x8f: {  	_ = 	snop  }
0x90: {  	(tm) =	ssettm $0x1  }
0x91: {  	s17 =	sld [smem:$0x3FFB];
	_ =	sdelay $0x3  }
0x92: {  	_ =	strace s17  }
0x93: {  	s2 =	sld [smem:$0x3FFC];
	_ =	sdelay $0x3  }
0x94: {  	_ =	strace s2  }
0x95: {  	s2 =	sld [smem:$0x3FFD];
	_ =	sdelay $0x3  }
0x96: {  	_ =	strace s2  }
0x97: {  	_ =	strace $0x8FFFFFFF  }
0x98: {  	s18 =	sld [smem:$0x3FDB];
	_ =	sdelay $0x1  }
0x99: {  	s19 =	simm.s32 $_scs_section_size  }
0x9a: {  	s4 =	simm.s32 $_size__tile_overlayer_lowered;
	s5 =	simm.s32 $_tile_overlayer_lowered  }
0x9b: {  	s22 =	simm.s32 $0x1BFF;
	s21 =	sshll.u32 s5, $0x1;
	s2 =	sadd.s32 s19, s18  }
0x9c: {  	s6 =	simm.s32 $0x0;
	s20 =	sshll.u32 s4, $0x1;
	s4 =	sadd.s32 s21, s2  }
0x9d: {  	[timem:s6], [sflag:s22] =	dma.local [hbm:s4], s20  }
0x9e: {  	_ =	swait.ge [sflag:s22], s20  }
0x9f: {  	s3 =	ssub.s32 $0x0, s20;
	[sflag:s22] =	ssyncset.done $0x0  }
0xa0: {  	[sflag:s22] =	ssyncadd.s32 s3;
	_ =	sdelay $0x1  }
0xa1: {  	s23 =	simm.s32 $0x1B8B  }
0xa2: {  	_ =	swait.ge [sflag:s23], $0x1  }
0xa3: {  	[sflag:s23] =	ssyncset.done $0x0  }
0xa4: {  	s25 =	simm.s32 $0x1B8E;
	s24 =	sld [smem:$0x3FFE];
	[sflag:s23] =	ssyncadd.s32 $0xFFFFFFFF  }
0xa5: {  	s26 =	simm.s32 $execute0_lowered;
	[smem:$0x3FD2] =	sst s25  }
0xa6: {  	s4 =	sshll.u32 s26, $0x1;
	_ =	strace $0x80000055;
	[dreg:$0x1] =	wrdreg $0xFFFFFFFF  }
0xa7: {  	s28 =	simm.s32 $_size_execute0_lowered;
	s2 =	sadd.s32 s2, s4;
	[dreg:$0x0] =	wrdreg $0x0  }
0xa8: {  	s4 =	sshll.u32 s28, $0x1;
	[dreg:$0x2] =	wrdreg s2  }
0xa9: {  	[dreg:$0x3] =	wrdreg s4  }
0xaa: {  	[dreg:$0x4] =	wrdreg $0xC0  }
0xab: {  	_ =	task [dreg:s6], $0x5FFFF  }
0xac: {  	[dreg:$0x1] =	wrdreg $0xFFFFFFFF  }
0xad: {  	[dreg:$0x0] =	wrdreg $0x60  }
0xae: {  	[dreg:$0x2] =	wrdreg s24  }
0xaf: {  	[dreg:$0x3] =	wrdreg $0x0  }
0xb0: {  	[dreg:$0x4] =	wrdreg $0x9  }
0xb1: {  	_ =	task.clear_ibuf [dreg:s6], $0x5FFFF;
	_ =	strace $0x90000055  }
0xb2: {  	s29 =	simm.s32 $0x9;
	_ =	strace $0x80000057  }
0xb3: {  	_ =	swait.ge [sflag:s29], $0x1  }
0xb4: {  	[sflag:s29] =	ssyncadd.s32 $0xFFFFFFFF  }
0xb5: {  	_ =	strace $0x90000057  }
0xb6: {  	_ =	sfence  }
0xb7: {  	s30 =	sld [smem:$0x0];
	_ =	sdelay $0x2  }
0xb8: {  	s31 =	sshll.u32 s1, $0xD;
	s1 =	sshrl.u32 s1, $0x2  }
0xb9: {  	s3 =	sand.u32 $0x4000, s31;
	s1 =	sadd.s32 s1, s30  }
0xba: {  	s0 =	sor.u32 s3, s0;
	s1 =	sshll.u32 s1, $0x11  }
0xbb: {  	s0 =	sor.u32 s1, s0  }
0xbc: {  	s0 =	sadd.s32 $0x8F2B, s0  }
0xbd: {  	[sflag:s0] =	ssyncadd.remote.s32 $0x1  }
0xbe: {  	_ =	sfence.sel $0xFFFF  }
0xbf: {  	[dreg:$0x0] =	wrdreg $0xFFFFFFFF;
	(pc) =	sbr.abs _section_cstart, $3  }
0xc0: {  	[dreg:$0x1] =	wrdreg $0xFFFFFFFF  }
0xc1: {  	_ =	task.clear_ibuf [dreg:s6], $0x2FFFF;
	_ =	strace $0x9FFFFFFF  }
0xc2: {  	(tm) =	ssettm $0x7FFFFFFF  }
0xc3: {  	_ =	shalt  }
tec
execute0_lowered:
.L_overlay_start_1:
0x0: {  	(tag) =	ssettag $0x1  }
0x1: {  	s0 =	rddreg [dreg:$0x0]  }
0x2: {  	s2 =	rddreg [dreg:$0x1];
	s12 =	stileid.u32  }
0x3: {  	s1 =	srdreg.scid;
	s3 =	simm.s32 $0x0;
	s28 =	simm.s32 $0x14180  }
0x4: {  	s29 =	simm.s32 $0x2;
	s30 =	simm.s32 $0x16A00;
	s31 =	simm.s32 $0x3  }
0x5: {  	s7 =	smul.u32 $0x14000, s12;
	s1 =	sand.u32 $0x1, s1;
	[smem:$0x7FF] =	sst s3  }
0x6: {  	s4 =	sadd.s32 $0x42200, s0;
	s5 =	sadd.s32 $0x10400, s0;
	s17 =	smul.u32 $0x50000, s12  }
0x7: {  	s6 =	sadd.s32 $0x6600, s0;
	s10 =	sshll.u32 s12, $0x1;
	s20 =	smul.u32 $0x4E20, s12  }
0x8: {  	s19 =	sshll.u32 s12, $0x6;
	s8 =	smul.u32 $0x140000, s1;
	_ =	strace $0x80000056  }
0x9: {  	s18 =	ssub.s32 $0x2, s1;
	s10 =	sor.u32 s1, s10;
	s1 =	smul.u32 $0x2710, s1  }
0xa: {  	s9 =	sshrl.u32 s7, $0x3;
	s11 =	sshrl.u32 s18, $0x1;
	s10 =	smul.u32 $0x2710, s10  }
0xb: {  	s7 =	sadd.s32 s7, s8;
	s16 =	sadd.s32 s9, s0;
	s9 =	sshrl.u32 s17, $0x2  }
0xc: {  	s1 =	sadd.s32 s1, s20;
	s7 =	sshrl.u32 s7, $0x3;
	s9 =	sadd.s32 s9, s2  }
0xd: {  	s8 =	sadd.s32 $0x1A200, s16;
	s10 =	sshrl.u32 s10, $0x3;
	s25 =	sadd.s32 $0xF0, s1  }
0xe: {  	s0 =	sadd.s32 s7, s0;
	s7 =	ssub.s32 s18, s11;
	[dreg:$0x3] =	wrdreg s8  }
0xf: {  	s8 =	sor.u32 $0x1C05, s19;
	s21 =	sadd.s32 s5, s10;
	s22 =	sadd.s32 s6, s10  }
0x10: {  	s23 =	sadd.s32 $0xA, s10;
	s24 =	sadd.s32 $0x4D8, s10;
	s26 =	sshrl.u32 s25, $0x3  }
0x11: {  	s19 =	sadd.s32 $0xA0, s1;
	s20 =	sshrl.u32 s9, $0x3;
	[dreg:$0x4] =	wrdreg s21  }
0x12: {  	s25 =	simm.s32 $0x14200;
	s1 =	simm.s32 $0x4;
	[dreg:$0x5] =	wrdreg s22  }
0x13: {  	s13 =	sadd.s32 s5, s23;
	s12 =	sadd.s32 s6, s23;
	s0 =	sadd.s32 $0x69400, s0  }
0x14: {  	s14 =	smax.u32 s7, $0x1;
	s15 =	sadd.s32 s5, s24;
	s16 =	sadd.s32 s6, s24  }
0x15: {  	s17 =	sadd.s32 s26, s6;
	s18 =	sadd.s32 s26, s5;
	s21 =	simm.s32 $0x5  }
0x16: {  	s22 =	simm.s32 $0x14000;
	s23 =	simm.s32 $0x14100;
	[dreg:$0x6] =	wrdreg s13  }
0x17: {  	s24 =	simm.s32 $0x50;
	s26 =	simm.s32 $0x14080;
	[dreg:$0x7] =	wrdreg s12  }
0x18: {  	s7 =	simm.s32 $0x0;
	[dreg:$0x8] =	wrdreg s0;
	s0 =	simm.s32 $0x1  }
.LBB2_1:
0x19: {  	s9 =	rddreg [dreg:$0x3]  }
0x1a: {  	[spmem:s20], [sflag:s8] =	dma.local [hbm:s9], $0x2800  }
0x1b: {  	_ =	swait.ge [sflag:s21], $0x2800  }
0x1c: {  	[sflag:s21] =	ssyncset.done $0x0  }
0x1d: {  	[sflag:s21] =	ssyncadd.s32 $0xFFFFD800  }
0x1e: {  	[bflag:$0x0] =	sbarrier.arrive $0xFFFF  }
0x1f: {  	s12 =	rddreg [dreg:$0x4]  }
0x20: {  	[tilespmem:s22], [sflag:$0x5] =	stream.linear.gather [hbm4b:s12+s3], $0x50, $0x38;
	[tilespmem:$0x19200] =	vst v63  }
0x21: {  	_ =	swait.ge [sflag:s21], $0x50  }
0x22: {  	[sflag:s21] =	ssyncset.done $0x0  }
0x23: {  	s13 =	rddreg [dreg:$0x5];
	[sflag:s21] =	ssyncadd.s32 $0xFFFFFFB0  }
0x24: {  	[tilespmem:s23], [sflag:$0x5] =	stream.linear.gather [hbm4b:s13+s3], $0x50, $0x38;
	[tilespmem:$0x19200] =	vst v63  }
0x25: {  	_ =	swait.ge [sflag:s21], $0x50  }
0x26: {  	[sflag:s21] =	ssyncset.done $0x0  }
0x27: {  	[sflag:s21] =	ssyncadd.s32 $0xFFFFFFB0  }
0x28: {  	[tilespmem:s25], [sflag:$0x3] =	stream.indirect.gather [hbm4b:s4+s24], $0x80, s22, s24, $0xb8;
	[tilespmem:$0x19200] =	vst v63  }
0x29: {  	s10 =	rddreg [dreg:$0x6]  }
0x2a: {  	[tilespmem:s26], [sflag:$0x2] =	stream.linear.gather [hbm4b:s10+s3], $0x50, $0x38;
	[tilespmem:$0x19200] =	vst v63  }
0x2b: {  	s11 =	rddreg [dreg:$0x7]  }
0x2c: {  	[tilespmem:s28], [sflag:$0x2] =	stream.linear.gather [hbm4b:s11+s3], $0x50, $0x38;
	[tilespmem:$0x19200] =	vst v63  }
0x2d: {  	_ =	swait.ge [sflag:s29], $0x50  }
0x2e: {  	[sflag:s29] =	ssyncset.done $0x0  }
0x2f: {  	[sflag:s29] =	ssyncadd.s32 $0xFFFFFFB0  }
0x30: {  	_ =	swait.ge [sflag:s29], $0x50  }
0x31: {  	[sflag:s29] =	ssyncset.done $0x0  }
0x32: {  	[sflag:s29] =	ssyncadd.s32 $0xFFFFFFB0  }
0x33: {  	[tilespmem:s30], [sflag:$0x4] =	stream.indirect.gather [hbm4b:s4+s24], $0x80, s26, s24, $0xb8;
	[tilespmem:$0x19200] =	vst v63  }
0x34: {  	_ =	swait.ge [sflag:s31], $0x2800  }
0x35: {  	[sflag:s31] =	ssyncset.done $0x0  }
0x36: {  	[sflag:s31] =	ssyncadd.s32 $0xFFFFD800  }
0x37: {  	[spmem:s2] =	stream.indirect.scatter.add.f32 [tilespmem:s25], [sflag:$0x5], $0x80, s23, s24, $0xb8;
	[tilespmem:$0x19200] =	vst v63  }
0x38: {  	_ =	swait.ge [sflag:s21], $0x2800  }
0x39: {  	s12 =	sshrl.u32 s19, $0x3;
	[sflag:s21] =	ssyncset.done $0x0  }
0x3a: {  	s10 =	sadd.s32 s5, s12;
	[sflag:s21] =	ssyncadd.s32 $0xFFFFD800  }
0x3b: {  	[tilespmem:s22], [sflag:$0x1] =	stream.linear.gather [hbm4b:s10+s3], $0x50, $0x38;
	[tilespmem:$0x19200] =	vst v63  }
0x3c: {  	s9 =	sadd.s32 s6, s12  }
0x3d: {  	[tilespmem:s23], [sflag:$0x1] =	stream.linear.gather [hbm4b:s9+s3], $0x50, $0x38;
	[tilespmem:$0x19200] =	vst v63  }
0x3e: {  	_ =	swait.ge [sflag:s0], $0x50  }
0x3f: {  	[sflag:s0] =	ssyncset.done $0x0  }
0x40: {  	[sflag:s0] =	ssyncadd.s32 $0xFFFFFFB0  }
0x41: {  	_ =	swait.ge [sflag:s0], $0x50  }
0x42: {  	[sflag:s0] =	ssyncset.done $0x0  }
0x43: {  	[sflag:s0] =	ssyncadd.s32 $0xFFFFFFB0  }
0x44: {  	[tilespmem:s25], [sflag:$0x3] =	stream.indirect.gather [hbm4b:s4+s24], $0x80, s22, s24, $0xb8;
	[tilespmem:$0x19200] =	vst v63  }
0x45: {  	_ =	swait.ge [sflag:s1], $0x2800  }
0x46: {  	[sflag:s1] =	ssyncset.done $0x0  }
0x47: {  	[sflag:s1] =	ssyncadd.s32 $0xFFFFD800  }
0x48: {  	[spmem:s2] =	stream.indirect.scatter.add.f32 [tilespmem:s30], [sflag:$0x5], $0x80, s28, s24, $0xb8;
	[tilespmem:$0x19200] =	vst v63  }
0x49: {  	_ =	swait.ge [sflag:s21], $0x2800  }
0x4a: {  	s13 =	sadd.s32 $0x0, s18;
	s11 =	sadd.s32 $0x0, s17;
	[sflag:s21] =	ssyncset.done $0x0  }
0x4b: {  	s10 =	sadd.s32 $0xA0, s19;
	s9 =	simm.s32 $0x14;
	[sflag:s21] =	ssyncadd.s32 $0xFFFFD800  }
0x4c: {  	[tilespmem:s26], [sflag:$0x2] =	stream.linear.gather [hbm4b:s13+s3], $0x50, $0x38;
	[tilespmem:$0x19200] =	vst v63  }
.LBB2_2:
0x4d: {  	[tilespmem:s28], [sflag:$0x2] =	stream.linear.gather [hbm4b:s11+s3], $0x50, $0x38;
	[tilespmem:$0x19200] =	vst v63  }
0x4e: {  	s11 =	smov.u32 s9  }
0x4f: {  	p0 =	sne.s32 s9, $0x4B0;
	s9 =	sadd.s32 $0x14, s9;
	_ =	swait.ge [sflag:s29], $0x50  }
0x50: {  	[sflag:s29] =	ssyncset.done $0x0  }
0x51: {  	[sflag:s29] =	ssyncadd.s32 $0xFFFFFFB0  }
0x52: {  	_ =	swait.ge [sflag:s29], $0x50  }
0x53: {  	[sflag:s29] =	ssyncset.done $0x0  }
0x54: {  	[sflag:s29] =	ssyncadd.s32 $0xFFFFFFB0  }
0x55: {  	[tilespmem:s30], [sflag:$0x4] =	stream.indirect.gather [hbm4b:s4+s24], $0x80, s26, s24, $0xb8;
	[tilespmem:$0x19200] =	vst v63  }
0x56: {  	_ =	swait.ge [sflag:s31], $0x2800  }
0x57: {  	[sflag:s31] =	ssyncset.done $0x0  }
0x58: {  	[sflag:s31] =	ssyncadd.s32 $0xFFFFD800  }
0x59: {  	[spmem:s2] =	stream.indirect.scatter.add.f32 [tilespmem:s25], [sflag:$0x5], $0x80, s23, s24, $0xb8;
	[tilespmem:$0x19200] =	vst v63  }
0x5a: {  	_ =	swait.ge [sflag:s21], $0x2800  }
0x5b: {  	s12 =	sshrl.u32 s10, $0x3;
	[sflag:s21] =	ssyncset.done $0x0  }
0x5c: {  	s13 =	sadd.s32 s5, s12;
	[sflag:s21] =	ssyncadd.s32 $0xFFFFD800  }
0x5d: {  	[tilespmem:s22], [sflag:$0x1] =	stream.linear.gather [hbm4b:s13+s3], $0x50, $0x38;
	[tilespmem:$0x19200] =	vst v63  }
0x5e: {  	s12 =	sadd.s32 s6, s12  }
0x5f: {  	[tilespmem:s23], [sflag:$0x1] =	stream.linear.gather [hbm4b:s12+s3], $0x50, $0x38;
	[tilespmem:$0x19200] =	vst v63  }
0x60: {  	_ =	swait.ge [sflag:s0], $0x50  }
0x61: {  	[sflag:s0] =	ssyncset.done $0x0  }
0x62: {  	[sflag:s0] =	ssyncadd.s32 $0xFFFFFFB0  }
0x63: {  	_ =	swait.ge [sflag:s0], $0x50  }
0x64: {  	[sflag:s0] =	ssyncset.done $0x0  }
0x65: {  	[sflag:s0] =	ssyncadd.s32 $0xFFFFFFB0  }
0x66: {  	[tilespmem:s25], [sflag:$0x3] =	stream.indirect.gather [hbm4b:s4+s24], $0x80, s22, s24, $0xb8;
	[tilespmem:$0x19200] =	vst v63  }
0x67: {  	_ =	swait.ge [sflag:s1], $0x2800  }
0x68: {  	[sflag:s1] =	ssyncset.done $0x0  }
0x69: {  	[sflag:s1] =	ssyncadd.s32 $0xFFFFD800  }
0x6a: {  	[spmem:s2] =	stream.indirect.scatter.add.f32 [tilespmem:s30], [sflag:$0x5], $0x80, s28, s24, $0xb8;
	[tilespmem:$0x19200] =	vst v63  }
.Ltmp0:
0x6b: {  	_ =	swait.ge [sflag:s21], $0x2800;
	(pc) =	sbr.rel @p0 .LBB2_2-.Ltmp0, $4  }
0x6c: {  	[sflag:s21] =	ssyncset.done $0x0  }
0x6d: {  	s12 =	sadd.s32 s11, s18;
	[sflag:s21] =	ssyncadd.s32 $0xFFFFD800  }
0x6e: {  	[tilespmem:s26], [sflag:$0x2] =	stream.linear.gather [hbm4b:s12+s3], $0x50, $0x38;
	[tilespmem:$0x19200] =	vst v63  }
0x6f: {  	s10 =	sadd.s32 $0xA0, s10;
	s11 =	sadd.s32 s11, s17  }
0x70: {  	[tilespmem:s28], [sflag:$0x2] =	stream.linear.gather [hbm4b:s11+s3], $0x50, $0x38;
	[tilespmem:$0x19200] =	vst v63  }
0x71: {  	_ =	swait.ge [sflag:s29], $0x50  }
0x72: {  	[sflag:s29] =	ssyncset.done $0x0  }
0x73: {  	[sflag:s29] =	ssyncadd.s32 $0xFFFFFFB0  }
0x74: {  	_ =	swait.ge [sflag:s29], $0x50  }
0x75: {  	[sflag:s29] =	ssyncset.done $0x0  }
0x76: {  	[sflag:s29] =	ssyncadd.s32 $0xFFFFFFB0  }
0x77: {  	[tilespmem:s30], [sflag:$0x4] =	stream.indirect.gather [hbm4b:s4+s24], $0x80, s26, s24, $0xb8;
	[tilespmem:$0x19200] =	vst v63  }
0x78: {  	_ =	swait.ge [sflag:s31], $0x2800  }
0x79: {  	[sflag:s31] =	ssyncset.done $0x0  }
0x7a: {  	[sflag:s31] =	ssyncadd.s32 $0xFFFFD800  }
0x7b: {  	[spmem:s2] =	stream.indirect.scatter.add.f32 [tilespmem:s25], [sflag:$0x5], $0x80, s23, s24, $0xb8;
	[tilespmem:$0x19200] =	vst v63  }
0x7c: {  	_ =	swait.ge [sflag:s21], $0x2800  }
0x7d: {  	[sflag:s21] =	ssyncset.done $0x0  }
0x7e: {  	[sflag:s21] =	ssyncadd.s32 $0xFFFFD800  }
0x7f: {  	[tilespmem:s22], [sflag:$0x1] =	stream.linear.gather [hbm4b:s15+s3], $0x50, $0x38;
	[tilespmem:$0x19200] =	vst v63  }
0x80: {  	_ = 	snop  }
0x81: {  	[tilespmem:s23], [sflag:$0x1] =	stream.linear.gather [hbm4b:s16+s3], $0x50, $0x38;
	[tilespmem:$0x19200] =	vst v63  }
0x82: {  	_ =	swait.ge [sflag:s0], $0x50  }
0x83: {  	[sflag:s0] =	ssyncset.done $0x0  }
0x84: {  	[sflag:s0] =	ssyncadd.s32 $0xFFFFFFB0  }
0x85: {  	_ =	swait.ge [sflag:s0], $0x50  }
0x86: {  	[sflag:s0] =	ssyncset.done $0x0  }
0x87: {  	[sflag:s0] =	ssyncadd.s32 $0xFFFFFFB0  }
0x88: {  	[tilespmem:s25], [sflag:$0x3] =	stream.indirect.gather [hbm4b:s4+s24], $0x80, s22, s24, $0xb8;
	[tilespmem:$0x19200] =	vst v63  }
0x89: {  	_ =	swait.ge [sflag:s1], $0x2800  }
0x8a: {  	[sflag:s1] =	ssyncset.done $0x0  }
0x8b: {  	[sflag:s1] =	ssyncadd.s32 $0xFFFFD800  }
0x8c: {  	[spmem:s2] =	stream.indirect.scatter.add.f32 [tilespmem:s30], [sflag:$0x5], $0x80, s28, s24, $0xb8;
	[tilespmem:$0x19200] =	vst v63  }
0x8d: {  	_ =	swait.ge [sflag:s21], $0x2800  }
0x8e: {  	[sflag:s21] =	ssyncset.done $0x0  }
0x8f: {  	[sflag:s21] =	ssyncadd.s32 $0xFFFFD800  }
0x90: {  	_ =	swait.ge [sflag:s31], $0x2800  }
0x91: {  	[sflag:s31] =	ssyncset.done $0x0  }
0x92: {  	[sflag:s31] =	ssyncadd.s32 $0xFFFFD800  }
0x93: {  	[spmem:s2] =	stream.indirect.scatter.add.f32 [tilespmem:s25], [sflag:$0x5], $0x80, s23, s24, $0xb8;
	[tilespmem:$0x19200] =	vst v63  }
0x94: {  	_ =	swait.ge [sflag:s21], $0x2800  }
0x95: {  	[sflag:s21] =	ssyncset.done $0x0  }
0x96: {  	s7 =	sadd.s32 $0x1, s7;
	[sflag:s21] =	ssyncadd.s32 $0xFFFFD800  }
0x97: {  	p0 =	sne.s32 s7, s14;
	[bflag:$0x0] =	sbarrier.arrive $0xFFFF  }
.Ltmp1:
0x98: {  	s9 =	rddreg [dreg:$0x8];
	(pc) =	sbr.rel @p0 .LBB2_1-.Ltmp1, $4  }
0x99: {  	[hbm:s9], [sflag:s8] =	dma.local [spmem:s20], $0x2800  }
0x9a: {  	_ =	swait.ge [sflag:s21], $0x2800  }
0x9b: {  	[sflag:s21] =	ssyncset.done $0x0  }
0x9c: {  	[sflag:s21] =	ssyncadd.s32 $0xFFFFD800  }
0x9d: {  	_ =	sfence.sel $0x180000  }
0x9e: {  	[bflag:$0x0] =	sbarrier.arrive $0xFFFF  }
0x9f: {  	_ =	strace $0x90000056  }
0xa0: {  	s0 =	stileid.u32;
	[bflag:$0x2] =	sbarrier.arrive $0xFFFF  }
0xa1: {  	p0 =	sne.s32 s0, $0x0;
	s0 =	rddreg [dreg:$0x2]  }
0xa2: {  	s0 =	sadd.s32 @!p0 $0x100000, s0  }
0xa3: {  	[sflag:s0] =	ssyncadd.tile.s32 @!p0 $0x1;
	_ =	shalt  }
.Lfunc_end2:
_tile_overlayer_lowered:
.L_overlay_start_2:
0xa4: {  	(tag) =	ssettag $0x2  }
0xa5: {  	s0 =	rddreg [dreg:$0x0];
	s2 =	stileid.u32  }
0xa6: {  	s1 =	rddreg [dreg:$0x1];
	p0 =	sne.s32 s2, $0x0  }
0xa7: {  	s3 =	rddreg [dreg:$0x2];
	[bflag:$0x3] =	sbarrier.arrive $0xFFFF;
	s2 =	simm.s32 @!p0 $0x1C05  }
0xa8: {  	[timem:s3], [sflag:s2] =	dma.local @!p0 [hbm:s0], s1  }
0xa9: {  	s0 =	simm.s32 @!p0 $0x5  }
0xaa: {  	_ =	swait.ge @!p0 [sflag:s0], s1  }
0xab: {  	s1 =	ssub.s32 @!p0 $0x0, s1;
	[sflag:s0] =	ssyncset.done @!p0 $0x0  }
0xac: {  	[sflag:s0] =	ssyncadd.s32 @!p0 s1  }
0xad: {  	[bflag:$0x3] =	sbarrier.arrive $0xFFFF  }
0xae: {  	_ =	shalt  }

</sc_bundles>
